<compile_context>
chip_gen: v7x
topology: tpu7x:2x2x1
jax: 0.10.2.dev20260603
libtpu: 0.0.44.dev20260713+nightly
codegen_flags: <defaults>
</compile_context>

<pallas_src>
import dataclasses
import functools

import jax
import jax.numpy as jnp
from jax import lax
from jax.experimental import pallas as pl
from jax.experimental.pallas import tpu as pltpu
from jax.experimental.pallas import tpu_sc as plsc

DIM = 32
N_CHUNKS = 4
NUM_CORES = 2
NUM_SUBCORES = 16
NUM_WORKERS = NUM_CORES * NUM_SUBCORES
LANES = 16

VOCAB = 1000000

BATCH = 16384
BPW = BATCH // NUM_WORKERS
TOK_CHUNK = 128
N_TOK_CHUNKS = BPW // TOK_CHUNK


def _sc_body(x_hbm, table_hbm, w_hbm, h_hbm, out_hbm,
             x_v, idx_v, hcol_v, wcol_v, vecs_v, out_v,
             sem_x, sem_hw, sem_tab, sem_out):
    wid = lax.axis_index("s") * NUM_CORES + lax.axis_index("c")
    base = wid * BPW
    x_cps = [
        pltpu.async_copy(
            x_hbm.at[pl.ds(base + j * TOK_CHUNK, TOK_CHUNK)],
            x_v.at[j], sem_x)
        for j in range(N_TOK_CHUNKS)
    ]
    for cp in x_cps:
        cp.wait()

    for j in range(N_TOK_CHUNKS):
        @pl.loop(0, TOK_CHUNK // LANES)
        def _(t, j=j):
            s = pl.ds(t * LANES, LANES)
            xv = x_v[j, s]
            for c in range(N_CHUNKS):
                idx_v[j * N_CHUNKS + c, s] = xv

    def fire_hw(j):
        cps = []
        for c in range(N_CHUNKS):
            r = j * N_CHUNKS + c
            cps.append(pltpu.async_copy(
                h_hbm.at[c].at[idx_v.at[r]], hcol_v.at[r], sem_hw.at[j]))
            cps.append(pltpu.async_copy(
                w_hbm.at[c].at[idx_v.at[r]], wcol_v.at[r], sem_hw.at[j]))
        return cps

    def fire_tab(j):
        p = j % 2
        cps = []
        for c in range(N_CHUNKS):
            cps.append(pltpu.async_copy(
                table_hbm.at[hcol_v.at[j * N_CHUNKS + c]],
                vecs_v.at[pl.ds((p * N_CHUNKS + c) * TOK_CHUNK, TOK_CHUNK)],
                sem_tab.at[p]))
        return cps

    def compute(j):
        p = j % 2
        row0 = p * N_CHUNKS * TOK_CHUNK
        wrow0 = j * N_CHUNKS

        @pl.loop(0, TOK_CHUNK)
        def _(b):
            brow = jnp.full((LANES,), b, jnp.int32)
            wv = plsc.load_gather(
                wcol_v, [jnp.full((LANES,), wrow0, jnp.int32), brow])
            acc_lo = wv * vecs_v[row0 + b, pl.ds(0, LANES)]
            acc_hi = wv * vecs_v[row0 + b, pl.ds(LANES, LANES)]
            for c in range(1, N_CHUNKS):
                wv = plsc.load_gather(
                    wcol_v, [jnp.full((LANES,), wrow0 + c, jnp.int32), brow])
                r = row0 + c * TOK_CHUNK + b
                acc_lo = acc_lo + wv * vecs_v[r, pl.ds(0, LANES)]
                acc_hi = acc_hi + wv * vecs_v[r, pl.ds(LANES, LANES)]
            out_v[p * TOK_CHUNK + b, pl.ds(0, LANES)] = acc_lo
            out_v[p * TOK_CHUNK + b, pl.ds(LANES, LANES)] = acc_hi

    def fire_out(j):
        p = j % 2
        return pltpu.async_copy(
            out_v.at[pl.ds(p * TOK_CHUNK, TOK_CHUNK)],
            out_hbm.at[pl.ds(base + j * TOK_CHUNK, TOK_CHUNK)],
            sem_out.at[p])

    hw_cps = {0: fire_hw(0), 1: fire_hw(1)}
    for cp in hw_cps[0]:
        cp.wait()
    tab_cps = {0: fire_tab(0)}
    out_cps = {}
    for j in range(N_TOK_CHUNKS):
        if j + 2 < N_TOK_CHUNKS:
            hw_cps[j + 2] = fire_hw(j + 2)
        for cp in tab_cps[j]:
            cp.wait()
        if j + 1 < N_TOK_CHUNKS:
            for cp in hw_cps[j + 1]:
                cp.wait()
            tab_cps[j + 1] = fire_tab(j + 1)
        if j - 2 >= 0:
            out_cps[j - 2].wait()
        compute(j)
        out_cps[j] = fire_out(j)
    out_cps[N_TOK_CHUNKS - 2].wait()
    out_cps[N_TOK_CHUNKS - 1].wait()


@functools.lru_cache(maxsize=1)
def _build_kernel():
    mesh = plsc.VectorSubcoreMesh(core_axis_name="c", subcore_axis_name="s")
    cp = pltpu.CompilerParams()
    fields = pltpu.CompilerParams.__dataclass_fields__
    if "needs_layout_passes" in fields:
        cp = dataclasses.replace(cp, needs_layout_passes=False)
    if "use_tc_tiling_on_sc" in fields:
        cp = dataclasses.replace(cp, use_tc_tiling_on_sc=False)
    n_idx = N_TOK_CHUNKS * N_CHUNKS
    return pl.kernel(
        _sc_body,
        out_type=jax.ShapeDtypeStruct((BATCH, DIM), jnp.float32),
        mesh=mesh,
        compiler_params=cp,
        scratch_types=[
            pltpu.VMEM((N_TOK_CHUNKS, TOK_CHUNK), jnp.int32),
            pltpu.VMEM((n_idx, TOK_CHUNK), jnp.int32),
            pltpu.VMEM((n_idx, TOK_CHUNK), jnp.int32),
            pltpu.VMEM((n_idx, TOK_CHUNK), jnp.float32),
            pltpu.VMEM((2 * N_CHUNKS * TOK_CHUNK, DIM), jnp.float32),
            pltpu.VMEM((2 * TOK_CHUNK, DIM), jnp.float32),
            pltpu.SemaphoreType.DMA,
            pltpu.SemaphoreType.DMA((N_TOK_CHUNKS,)),
            pltpu.SemaphoreType.DMA((2,)),
            pltpu.SemaphoreType.DMA((2,)),
        ],
    )


def kernel(x, table, weights, h):
    x = x.astype(jnp.int32)
    hflat = jnp.swapaxes(h.astype(jnp.int32), 0, 1)
    wflat = jnp.swapaxes(weights, 0, 1)
    return _build_kernel()(x, table, wflat, hflat)

# --- scband reference (transcript-rebuilt; emitter-appended) ---
"""Pipeline reference for scband-sparse-coding-embedding-87136296501498 (READ-ONLY COPY).

The authoritative reference and input builder live on the scoring server;
editing this copy changes nothing except your own understanding.
"""

import jax, jax.numpy as jnp
import numpy as np

VOCAB = 1000000
DIM = 32
ROWS = 2097152 // DIM  # 65536
N_CHUNKS = 4
BATCH = 16384


def setup_inputs(seed: int = 0) -> dict:
    key = jax.random.key(seed)
    k1, k2, k3, k4 = jax.random.split(key, 4)
    # learned dense table: uniform(-dim**-0.5, dim**-0.5) per reset_parameters
    bound = DIM ** (-0.5)
    table = jax.random.uniform(k1, (ROWS, DIM), dtype=jnp.float32, minval=-bound, maxval=bound)
    # per-vocab mixing weights: uniform(-1/5, 1/5), requires_grad=False in torch
    weights = jax.random.uniform(k2, (VOCAB, N_CHUNKS), dtype=jnp.float32, minval=-0.2, maxval=0.2)
    # hash indices into the compressed table
    h = jax.random.randint(k3, (VOCAB, N_CHUNKS), 0, ROWS)
    # forward arg: token ids
    x = jax.random.randint(k4, (BATCH,), 0, VOCAB)
    return {"x": x, "table": table, "weights": weights, "h": h}


def reference(x, table, weights, h):
    # vecs = self.table[self.h[x]] -> [B, n_chunks, dim]
    idx = jnp.take(h, x, axis=0)                 # [B, n_chunks]
    vecs = jnp.take(table, idx, axis=0)          # [B, n_chunks, dim]
    # weights = self.weights[x].unsqueeze(1) -> [B, 1, n_chunks]
    w = jnp.take(weights, x, axis=0)[:, None, :]
    # (weights @ vecs).squeeze(1) -> [B, dim]
    out = jnp.matmul(w, vecs)                    # [B, 1, dim]
    return jnp.squeeze(out, axis=1)

if __name__ == "__main__":
    import jax
    _d = setup_inputs()
    print(jax.jit(kernel)(*tuple(_d.values())))

</pallas_src>

<mosaic_0001>
#map = affine_map<(d0, d1) -> (0)>
#map1 = affine_map<(d0, d1) -> (0, 0)>
module attributes {stable_mosaic.version = 14 : i64} {
  func.func @_sc_body(%arg0: i32, %arg1: i32, %arg2: memref<16384xi32, #tpu.memory_space<hbm>>, %arg3: memref<65536x32xf32, #tpu.memory_space<hbm>>, %arg4: memref<4x1000000xf32, #tpu.memory_space<hbm>>, %arg5: memref<4x1000000xi32, #tpu.memory_space<hbm>>, %arg6: memref<16384x32xf32, #tpu.memory_space<hbm>>, %arg7: memref<4x128xi32, #tpu.memory_space<vmem>>, %arg8: memref<16x128xi32, #tpu.memory_space<vmem>>, %arg9: memref<16x128xi32, #tpu.memory_space<vmem>>, %arg10: memref<16x128xf32, #tpu.memory_space<vmem>>, %arg11: memref<1024x32xf32, #tpu.memory_space<vmem>>, %arg12: memref<256x32xf32, #tpu.memory_space<vmem>>, %arg13: memref<!tpu.dma_semaphore, #tpu.memory_space<semaphore_mem>>, %arg14: memref<4x!tpu.dma_semaphore, #tpu.memory_space<semaphore_mem>>, %arg15: memref<2x!tpu.dma_semaphore, #tpu.memory_space<semaphore_mem>>, %arg16: memref<2x!tpu.dma_semaphore, #tpu.memory_space<semaphore_mem>>) attributes {dimension_semantics = [#tpu.dimension_semantics<core_parallel>, #tpu.dimension_semantics<subcore_parallel>], iteration_bounds = array<i64: 2, 16>, scalar_prefetch = 0 : i64, scratch_operands = 10 : i64, tpu.core_type = #tpu.core_type<sc_vector_subcore>, window_params = [{transform_indices = #map}, {transform_indices = #map1}, {transform_indices = #map1}, {transform_indices = #map1}, {transform_indices = #map1}]} {
    %mul3A = arith.constant 2 : i32
    %mul3A_0 = arith.muli %arg1, %mul3A : i32
    %add3A = arith.addi %mul3A_0, %arg0 : i32
    %mul3A_1 = arith.constant 512 : i32
    %mul3A_2 = arith.muli %add3A, %mul3A_1 : i32
    %add3A_3 = arith.constant 0 : i32
    %add3A_4 = arith.addi %mul3A_2, %add3A_3 : i32
    %dma_start3A = arith.constant 0 : i32
    %dma_start3A_5 = arith.constant 0 : i32
    %dma_start3A_6 = tpu.memref_slice %arg7[%dma_start3A, %dma_start3A_5] : memref<4x128xi32, #tpu.memory_space<vmem>> -> memref<1x128xi32, #tpu.memory_space<vmem>>
    %dma_start3A_7 = tpu.memref_squeeze %dma_start3A_6 : memref<1x128xi32, #tpu.memory_space<vmem>> -> memref<128xi32, #tpu.memory_space<vmem>>
    %dma_start3A_8 = tpu.memref_slice %arg2[%add3A_4] : memref<16384xi32, #tpu.memory_space<hbm>> -> memref<128xi32, #tpu.memory_space<hbm>>
    %dma_start3A_9 = arith.constant 0 : i32
    %dma_start3A_10 = tpu.memref_slice %arg7[%dma_start3A, %dma_start3A_9] : memref<4x128xi32, #tpu.memory_space<vmem>> -> memref<1x128xi32, #tpu.memory_space<vmem>>
    %dma_start3A_11 = tpu.memref_squeeze %dma_start3A_10 : memref<1x128xi32, #tpu.memory_space<vmem>> -> memref<128xi32, #tpu.memory_space<vmem>>
    %dma_start3A_12 = tpu.memref_slice %arg2[%add3A_4] : memref<16384xi32, #tpu.memory_space<hbm>> -> memref<128xi32, #tpu.memory_space<hbm>>
    tpu.enqueue_dma source(%dma_start3A_12 : memref<128xi32, #tpu.memory_space<hbm>>) target(%dma_start3A_11 : memref<128xi32, #tpu.memory_space<vmem>>) target_semaphore(%arg13 : memref<!tpu.dma_semaphore, #tpu.memory_space<semaphore_mem>>)
    %add3A_13 = arith.constant 128 : i32
    %add3A_14 = arith.addi %mul3A_2, %add3A_13 : i32
    %dma_start3A_15 = arith.constant 1 : i32
    %dma_start3A_16 = arith.constant 0 : i32
    %dma_start3A_17 = tpu.memref_slice %arg7[%dma_start3A_15, %dma_start3A_16] : memref<4x128xi32, #tpu.memory_space<vmem>> -> memref<1x128xi32, #tpu.memory_space<vmem>>
    %dma_start3A_18 = tpu.memref_squeeze %dma_start3A_17 : memref<1x128xi32, #tpu.memory_space<vmem>> -> memref<128xi32, #tpu.memory_space<vmem>>
    %dma_start3A_19 = tpu.memref_slice %arg2[%add3A_14] : memref<16384xi32, #tpu.memory_space<hbm>> -> memref<128xi32, #tpu.memory_space<hbm>>
    %dma_start3A_20 = arith.constant 0 : i32
    %dma_start3A_21 = tpu.memref_slice %arg7[%dma_start3A_15, %dma_start3A_20] : memref<4x128xi32, #tpu.memory_space<vmem>> -> memref<1x128xi32, #tpu.memory_space<vmem>>
    %dma_start3A_22 = tpu.memref_squeeze %dma_start3A_21 : memref<1x128xi32, #tpu.memory_space<vmem>> -> memref<128xi32, #tpu.memory_space<vmem>>
    %dma_start3A_23 = tpu.memref_slice %arg2[%add3A_14] : memref<16384xi32, #tpu.memory_space<hbm>> -> memref<128xi32, #tpu.memory_space<hbm>>
    tpu.enqueue_dma source(%dma_start3A_23 : memref<128xi32, #tpu.memory_space<hbm>>) target(%dma_start3A_22 : memref<128xi32, #tpu.memory_space<vmem>>) target_semaphore(%arg13 : memref<!tpu.dma_semaphore, #tpu.memory_space<semaphore_mem>>)
    %add3A_24 = arith.constant 256 : i32
    %add3A_25 = arith.addi %mul3A_2, %add3A_24 : i32
    %dma_start3A_26 = arith.constant 2 : i32
    %dma_start3A_27 = arith.constant 0 : i32
    %dma_start3A_28 = tpu.memref_slice %arg7[%dma_start3A_26, %dma_start3A_27] : memref<4x128xi32, #tpu.memory_space<vmem>> -> memref<1x128xi32, #tpu.memory_space<vmem>>
    %dma_start3A_29 = tpu.memref_squeeze %dma_start3A_28 : memref<1x128xi32, #tpu.memory_space<vmem>> -> memref<128xi32, #tpu.memory_space<vmem>>
    %dma_start3A_30 = tpu.memref_slice %arg2[%add3A_25] : memref<16384xi32, #tpu.memory_space<hbm>> -> memref<128xi32, #tpu.memory_space<hbm>>
    %dma_start3A_31 = arith.constant 0 : i32
    %dma_start3A_32 = tpu.memref_slice %arg7[%dma_start3A_26, %dma_start3A_31] : memref<4x128xi32, #tpu.memory_space<vmem>> -> memref<1x128xi32, #tpu.memory_space<vmem>>
    %dma_start3A_33 = tpu.memref_squeeze %dma_start3A_32 : memref<1x128xi32, #tpu.memory_space<vmem>> -> memref<128xi32, #tpu.memory_space<vmem>>
    %dma_start3A_34 = tpu.memref_slice %arg2[%add3A_25] : memref<16384xi32, #tpu.memory_space<hbm>> -> memref<128xi32, #tpu.memory_space<hbm>>
    tpu.enqueue_dma source(%dma_start3A_34 : memref<128xi32, #tpu.memory_space<hbm>>) target(%dma_start3A_33 : memref<128xi32, #tpu.memory_space<vmem>>) target_semaphore(%arg13 : memref<!tpu.dma_semaphore, #tpu.memory_space<semaphore_mem>>)
    %add3A_35 = arith.constant 384 : i32
    %add3A_36 = arith.addi %mul3A_2, %add3A_35 : i32
    %dma_start3A_37 = arith.constant 3 : i32
    %dma_start3A_38 = arith.constant 0 : i32
    %dma_start3A_39 = tpu.memref_slice %arg7[%dma_start3A_37, %dma_start3A_38] : memref<4x128xi32, #tpu.memory_space<vmem>> -> memref<1x128xi32, #tpu.memory_space<vmem>>
    %dma_start3A_40 = tpu.memref_squeeze %dma_start3A_39 : memref<1x128xi32, #tpu.memory_space<vmem>> -> memref<128xi32, #tpu.memory_space<vmem>>
    %dma_start3A_41 = tpu.memref_slice %arg2[%add3A_36] : memref<16384xi32, #tpu.memory_space<hbm>> -> memref<128xi32, #tpu.memory_space<hbm>>
    %dma_start3A_42 = arith.constant 0 : i32
    %dma_start3A_43 = tpu.memref_slice %arg7[%dma_start3A_37, %dma_start3A_42] : memref<4x128xi32, #tpu.memory_space<vmem>> -> memref<1x128xi32, #tpu.memory_space<vmem>>
    %dma_start3A_44 = tpu.memref_squeeze %dma_start3A_43 : memref<1x128xi32, #tpu.memory_space<vmem>> -> memref<128xi32, #tpu.memory_space<vmem>>
    %dma_start3A_45 = tpu.memref_slice %arg2[%add3A_36] : memref<16384xi32, #tpu.memory_space<hbm>> -> memref<128xi32, #tpu.memory_space<hbm>>
    tpu.enqueue_dma source(%dma_start3A_45 : memref<128xi32, #tpu.memory_space<hbm>>) target(%dma_start3A_44 : memref<128xi32, #tpu.memory_space<vmem>>) target_semaphore(%arg13 : memref<!tpu.dma_semaphore, #tpu.memory_space<semaphore_mem>>)
    %dma_wait3A = arith.constant 0 : i32
    %dma_wait3A_46 = arith.constant 0 : i32
    %dma_wait3A_47 = tpu.memref_slice %arg7[%dma_wait3A, %dma_wait3A_46] : memref<4x128xi32, #tpu.memory_space<vmem>> -> memref<1x128xi32, #tpu.memory_space<vmem>>
    %dma_wait3A_48 = tpu.memref_squeeze %dma_wait3A_47 : memref<1x128xi32, #tpu.memory_space<vmem>> -> memref<128xi32, #tpu.memory_space<vmem>>
    %dma_wait3A_49 = tpu.memref_slice %arg2[%add3A_4] : memref<16384xi32, #tpu.memory_space<hbm>> -> memref<128xi32, #tpu.memory_space<hbm>>
    %dma_wait3A_50 = arith.constant 0 : i32
    %dma_wait3A_51 = tpu.memref_slice %arg7[%dma_wait3A, %dma_wait3A_50] : memref<4x128xi32, #tpu.memory_space<vmem>> -> memref<1x128xi32, #tpu.memory_space<vmem>>
    %dma_wait3A_52 = tpu.memref_squeeze %dma_wait3A_51 : memref<1x128xi32, #tpu.memory_space<vmem>> -> memref<128xi32, #tpu.memory_space<vmem>>
    %dma_wait3A_53 = tpu.memref_slice %arg2[%add3A_4] : memref<16384xi32, #tpu.memory_space<hbm>> -> memref<128xi32, #tpu.memory_space<hbm>>
    tpu.wait_dma2 semaphore(%arg13 : memref<!tpu.dma_semaphore, #tpu.memory_space<semaphore_mem>>) src(%dma_wait3A_53 : memref<128xi32, #tpu.memory_space<hbm>>) dst(%dma_wait3A_52 : memref<128xi32, #tpu.memory_space<vmem>>)
    %dma_wait3A_54 = arith.constant 1 : i32
    %dma_wait3A_55 = arith.constant 0 : i32
    %dma_wait3A_56 = tpu.memref_slice %arg7[%dma_wait3A_54, %dma_wait3A_55] : memref<4x128xi32, #tpu.memory_space<vmem>> -> memref<1x128xi32, #tpu.memory_space<vmem>>
    %dma_wait3A_57 = tpu.memref_squeeze %dma_wait3A_56 : memref<1x128xi32, #tpu.memory_space<vmem>> -> memref<128xi32, #tpu.memory_space<vmem>>
    %dma_wait3A_58 = tpu.memref_slice %arg2[%add3A_14] : memref<16384xi32, #tpu.memory_space<hbm>> -> memref<128xi32, #tpu.memory_space<hbm>>
    %dma_wait3A_59 = arith.constant 0 : i32
    %dma_wait3A_60 = tpu.memref_slice %arg7[%dma_wait3A_54, %dma_wait3A_59] : memref<4x128xi32, #tpu.memory_space<vmem>> -> memref<1x128xi32, #tpu.memory_space<vmem>>
    %dma_wait3A_61 = tpu.memref_squeeze %dma_wait3A_60 : memref<1x128xi32, #tpu.memory_space<vmem>> -> memref<128xi32, #tpu.memory_space<vmem>>
    %dma_wait3A_62 = tpu.memref_slice %arg2[%add3A_14] : memref<16384xi32, #tpu.memory_space<hbm>> -> memref<128xi32, #tpu.memory_space<hbm>>
    tpu.wait_dma2 semaphore(%arg13 : memref<!tpu.dma_semaphore, #tpu.memory_space<semaphore_mem>>) src(%dma_wait3A_62 : memref<128xi32, #tpu.memory_space<hbm>>) dst(%dma_wait3A_61 : memref<128xi32, #tpu.memory_space<vmem>>)
    %dma_wait3A_63 = arith.constant 2 : i32
    %dma_wait3A_64 = arith.constant 0 : i32
    %dma_wait3A_65 = tpu.memref_slice %arg7[%dma_wait3A_63, %dma_wait3A_64] : memref<4x128xi32, #tpu.memory_space<vmem>> -> memref<1x128xi32, #tpu.memory_space<vmem>>
    %dma_wait3A_66 = tpu.memref_squeeze %dma_wait3A_65 : memref<1x128xi32, #tpu.memory_space<vmem>> -> memref<128xi32, #tpu.memory_space<vmem>>
    %dma_wait3A_67 = tpu.memref_slice %arg2[%add3A_25] : memref<16384xi32, #tpu.memory_space<hbm>> -> memref<128xi32, #tpu.memory_space<hbm>>
    %dma_wait3A_68 = arith.constant 0 : i32
    %dma_wait3A_69 = tpu.memref_slice %arg7[%dma_wait3A_63, %dma_wait3A_68] : memref<4x128xi32, #tpu.memory_space<vmem>> -> memref<1x128xi32, #tpu.memory_space<vmem>>
    %dma_wait3A_70 = tpu.memref_squeeze %dma_wait3A_69 : memref<1x128xi32, #tpu.memory_space<vmem>> -> memref<128xi32, #tpu.memory_space<vmem>>
    %dma_wait3A_71 = tpu.memref_slice %arg2[%add3A_25] : memref<16384xi32, #tpu.memory_space<hbm>> -> memref<128xi32, #tpu.memory_space<hbm>>
    tpu.wait_dma2 semaphore(%arg13 : memref<!tpu.dma_semaphore, #tpu.memory_space<semaphore_mem>>) src(%dma_wait3A_71 : memref<128xi32, #tpu.memory_space<hbm>>) dst(%dma_wait3A_70 : memref<128xi32, #tpu.memory_space<vmem>>)
    %dma_wait3A_72 = arith.constant 3 : i32
    %dma_wait3A_73 = arith.constant 0 : i32
    %dma_wait3A_74 = tpu.memref_slice %arg7[%dma_wait3A_72, %dma_wait3A_73] : memref<4x128xi32, #tpu.memory_space<vmem>> -> memref<1x128xi32, #tpu.memory_space<vmem>>
    %dma_wait3A_75 = tpu.memref_squeeze %dma_wait3A_74 : memref<1x128xi32, #tpu.memory_space<vmem>> -> memref<128xi32, #tpu.memory_space<vmem>>
    %dma_wait3A_76 = tpu.memref_slice %arg2[%add3A_36] : memref<16384xi32, #tpu.memory_space<hbm>> -> memref<128xi32, #tpu.memory_space<hbm>>
    %dma_wait3A_77 = arith.constant 0 : i32
    %dma_wait3A_78 = tpu.memref_slice %arg7[%dma_wait3A_72, %dma_wait3A_77] : memref<4x128xi32, #tpu.memory_space<vmem>> -> memref<1x128xi32, #tpu.memory_space<vmem>>
    %dma_wait3A_79 = tpu.memref_squeeze %dma_wait3A_78 : memref<1x128xi32, #tpu.memory_space<vmem>> -> memref<128xi32, #tpu.memory_space<vmem>>
    %dma_wait3A_80 = tpu.memref_slice %arg2[%add3A_36] : memref<16384xi32, #tpu.memory_space<hbm>> -> memref<128xi32, #tpu.memory_space<hbm>>
    tpu.wait_dma2 semaphore(%arg13 : memref<!tpu.dma_semaphore, #tpu.memory_space<semaphore_mem>>) src(%dma_wait3A_80 : memref<128xi32, #tpu.memory_space<hbm>>) dst(%dma_wait3A_79 : memref<128xi32, #tpu.memory_space<vmem>>)
    %scan3A = arith.constant 0 : i32
    %scan3A_81 = arith.constant 8 : i32
    %scan3A_82 = arith.addi %scan3A, %scan3A_81 : i32
    %scan3A_83 = arith.constant 1 : i32
    scf.for %scan3A_1736 = %scan3A to %scan3A_82 step %scan3A_83  : i32 {
      %mul3A_1737 = arith.constant 1 : i32
      %mul3A_1738 = arith.muli %scan3A_1736, %mul3A_1737 : i32
      %add3A_1739 = arith.constant 0 : i32
      %add3A_1740 = arith.addi %add3A_1739, %mul3A_1738 : i32
      %mul3A_1741 = arith.constant 16 : i32
      %mul3A_1742 = arith.muli %add3A_1740, %mul3A_1741 : i32
      %get3A = arith.constant 0 : i32
      %get3A_1743 = arith.index_cast %get3A : i32 to index
      %get3A_1744 = arith.index_cast %mul3A_1742 : i32 to index
      %get3A_1745 = tpu.vector_load %arg7[%get3A_1743, %get3A_1744] {strides = array<i32>} : memref<4x128xi32, #tpu.memory_space<vmem>>, vector<16xi32>,
      %swap3A = arith.constant 0 : i32
      %swap3A_1746 = arith.index_cast %swap3A : i32 to index
      %swap3A_1747 = arith.index_cast %mul3A_1742 : i32 to index
      %swap3A_1748 = tpu.vector_load %arg8[%swap3A_1746, %swap3A_1747] {strides = array<i32>} : memref<16x128xi32, #tpu.memory_space<vmem>>, vector<16xi32>,
      tpu.vector_store %arg8[%swap3A_1746, %swap3A_1747], %get3A_1745 {strides = array<i32>} : memref<16x128xi32, #tpu.memory_space<vmem>>, vector<16xi32>,
      %swap3A_1749 = arith.constant 1 : i32
      %swap3A_1750 = arith.index_cast %swap3A_1749 : i32 to index
      %swap3A_1751 = arith.index_cast %mul3A_1742 : i32 to index
      %swap3A_1752 = tpu.vector_load %arg8[%swap3A_1750, %swap3A_1751] {strides = array<i32>} : memref<16x128xi32, #tpu.memory_space<vmem>>, vector<16xi32>,
      tpu.vector_store %arg8[%swap3A_1750, %swap3A_1751], %get3A_1745 {strides = array<i32>} : memref<16x128xi32, #tpu.memory_space<vmem>>, vector<16xi32>,
      %swap3A_1753 = arith.constant 2 : i32
      %swap3A_1754 = arith.index_cast %swap3A_1753 : i32 to index
      %swap3A_1755 = arith.index_cast %mul3A_1742 : i32 to index
      %swap3A_1756 = tpu.vector_load %arg8[%swap3A_1754, %swap3A_1755] {strides = array<i32>} : memref<16x128xi32, #tpu.memory_space<vmem>>, vector<16xi32>,
      tpu.vector_store %arg8[%swap3A_1754, %swap3A_1755], %get3A_1745 {strides = array<i32>} : memref<16x128xi32, #tpu.memory_space<vmem>>, vector<16xi32>,
      %swap3A_1757 = arith.constant 3 : i32
      %swap3A_1758 = arith.index_cast %swap3A_1757 : i32 to index
      %swap3A_1759 = arith.index_cast %mul3A_1742 : i32 to index
      %swap3A_1760 = tpu.vector_load %arg8[%swap3A_1758, %swap3A_1759] {strides = array<i32>} : memref<16x128xi32, #tpu.memory_space<vmem>>, vector<16xi32>,
      tpu.vector_store %arg8[%swap3A_1758, %swap3A_1759], %get3A_1745 {strides = array<i32>} : memref<16x128xi32, #tpu.memory_space<vmem>>, vector<16xi32>,
    }
    %scan3A_84 = arith.constant 8 : i32
    %scan3A_85 = arith.constant 0 : i32
    %scan3A_86 = arith.constant 8 : i32
    %scan3A_87 = arith.addi %scan3A_85, %scan3A_86 : i32
    %scan3A_88 = arith.constant 1 : i32
    scf.for %scan3A_1736 = %scan3A_85 to %scan3A_87 step %scan3A_88  : i32 {
      %mul3A_1737 = arith.constant 1 : i32
      %mul3A_1738 = arith.muli %scan3A_1736, %mul3A_1737 : i32
      %add3A_1739 = arith.constant 0 : i32
      %add3A_1740 = arith.addi %add3A_1739, %mul3A_1738 : i32
      %mul3A_1741 = arith.constant 16 : i32
      %mul3A_1742 = arith.muli %add3A_1740, %mul3A_1741 : i32
      %get3A = arith.constant 1 : i32
      %get3A_1743 = arith.index_cast %get3A : i32 to index
      %get3A_1744 = arith.index_cast %mul3A_1742 : i32 to index
      %get3A_1745 = tpu.vector_load %arg7[%get3A_1743, %get3A_1744] {strides = array<i32>} : memref<4x128xi32, #tpu.memory_space<vmem>>, vector<16xi32>,
      %swap3A = arith.constant 4 : i32
      %swap3A_1746 = arith.index_cast %swap3A : i32 to index
      %swap3A_1747 = arith.index_cast %mul3A_1742 : i32 to index
      %swap3A_1748 = tpu.vector_load %arg8[%swap3A_1746, %swap3A_1747] {strides = array<i32>} : memref<16x128xi32, #tpu.memory_space<vmem>>, vector<16xi32>,
      tpu.vector_store %arg8[%swap3A_1746, %swap3A_1747], %get3A_1745 {strides = array<i32>} : memref<16x128xi32, #tpu.memory_space<vmem>>, vector<16xi32>,
      %swap3A_1749 = arith.constant 5 : i32
      %swap3A_1750 = arith.index_cast %swap3A_1749 : i32 to index
      %swap3A_1751 = arith.index_cast %mul3A_1742 : i32 to index
      %swap3A_1752 = tpu.vector_load %arg8[%swap3A_1750, %swap3A_1751] {strides = array<i32>} : memref<16x128xi32, #tpu.memory_space<vmem>>, vector<16xi32>,
      tpu.vector_store %arg8[%swap3A_1750, %swap3A_1751], %get3A_1745 {strides = array<i32>} : memref<16x128xi32, #tpu.memory_space<vmem>>, vector<16xi32>,
      %swap3A_1753 = arith.constant 6 : i32
      %swap3A_1754 = arith.index_cast %swap3A_1753 : i32 to index
      %swap3A_1755 = arith.index_cast %mul3A_1742 : i32 to index
      %swap3A_1756 = tpu.vector_load %arg8[%swap3A_1754, %swap3A_1755] {strides = array<i32>} : memref<16x128xi32, #tpu.memory_space<vmem>>, vector<16xi32>,
      tpu.vector_store %arg8[%swap3A_1754, %swap3A_1755], %get3A_1745 {strides = array<i32>} : memref<16x128xi32, #tpu.memory_space<vmem>>, vector<16xi32>,
      %swap3A_1757 = arith.constant 7 : i32
      %swap3A_1758 = arith.index_cast %swap3A_1757 : i32 to index
      %swap3A_1759 = arith.index_cast %mul3A_1742 : i32 to index
      %swap3A_1760 = tpu.vector_load %arg8[%swap3A_1758, %swap3A_1759] {strides = array<i32>} : memref<16x128xi32, #tpu.memory_space<vmem>>, vector<16xi32>,
      tpu.vector_store %arg8[%swap3A_1758, %swap3A_1759], %get3A_1745 {strides = array<i32>} : memref<16x128xi32, #tpu.memory_space<vmem>>, vector<16xi32>,
    }
    %scan3A_89 = arith.constant 8 : i32
    %scan3A_90 = arith.constant 0 : i32
    %scan3A_91 = arith.constant 8 : i32
    %scan3A_92 = arith.addi %scan3A_90, %scan3A_91 : i32
    %scan3A_93 = arith.constant 1 : i32
    scf.for %scan3A_1736 = %scan3A_90 to %scan3A_92 step %scan3A_93  : i32 {
      %mul3A_1737 = arith.constant 1 : i32
      %mul3A_1738 = arith.muli %scan3A_1736, %mul3A_1737 : i32
      %add3A_1739 = arith.constant 0 : i32
      %add3A_1740 = arith.addi %add3A_1739, %mul3A_1738 : i32
      %mul3A_1741 = arith.constant 16 : i32
      %mul3A_1742 = arith.muli %add3A_1740, %mul3A_1741 : i32
      %get3A = arith.constant 2 : i32
      %get3A_1743 = arith.index_cast %get3A : i32 to index
      %get3A_1744 = arith.index_cast %mul3A_1742 : i32 to index
      %get3A_1745 = tpu.vector_load %arg7[%get3A_1743, %get3A_1744] {strides = array<i32>} : memref<4x128xi32, #tpu.memory_space<vmem>>, vector<16xi32>,
      %swap3A = arith.constant 8 : i32
      %swap3A_1746 = arith.index_cast %swap3A : i32 to index
      %swap3A_1747 = arith.index_cast %mul3A_1742 : i32 to index
      %swap3A_1748 = tpu.vector_load %arg8[%swap3A_1746, %swap3A_1747] {strides = array<i32>} : memref<16x128xi32, #tpu.memory_space<vmem>>, vector<16xi32>,
      tpu.vector_store %arg8[%swap3A_1746, %swap3A_1747], %get3A_1745 {strides = array<i32>} : memref<16x128xi32, #tpu.memory_space<vmem>>, vector<16xi32>,
      %swap3A_1749 = arith.constant 9 : i32
      %swap3A_1750 = arith.index_cast %swap3A_1749 : i32 to index
      %swap3A_1751 = arith.index_cast %mul3A_1742 : i32 to index
      %swap3A_1752 = tpu.vector_load %arg8[%swap3A_1750, %swap3A_1751] {strides = array<i32>} : memref<16x128xi32, #tpu.memory_space<vmem>>, vector<16xi32>,
      tpu.vector_store %arg8[%swap3A_1750, %swap3A_1751], %get3A_1745 {strides = array<i32>} : memref<16x128xi32, #tpu.memory_space<vmem>>, vector<16xi32>,
      %swap3A_1753 = arith.constant 10 : i32
      %swap3A_1754 = arith.index_cast %swap3A_1753 : i32 to index
      %swap3A_1755 = arith.index_cast %mul3A_1742 : i32 to index
      %swap3A_1756 = tpu.vector_load %arg8[%swap3A_1754, %swap3A_1755] {strides = array<i32>} : memref<16x128xi32, #tpu.memory_space<vmem>>, vector<16xi32>,
      tpu.vector_store %arg8[%swap3A_1754, %swap3A_1755], %get3A_1745 {strides = array<i32>} : memref<16x128xi32, #tpu.memory_space<vmem>>, vector<16xi32>,
      %swap3A_1757 = arith.constant 11 : i32
      %swap3A_1758 = arith.index_cast %swap3A_1757 : i32 to index
      %swap3A_1759 = arith.index_cast %mul3A_1742 : i32 to index
      %swap3A_1760 = tpu.vector_load %arg8[%swap3A_1758, %swap3A_1759] {strides = array<i32>} : memref<16x128xi32, #tpu.memory_space<vmem>>, vector<16xi32>,
      tpu.vector_store %arg8[%swap3A_1758, %swap3A_1759], %get3A_1745 {strides = array<i32>} : memref<16x128xi32, #tpu.memory_space<vmem>>, vector<16xi32>,
    }
    %scan3A_94 = arith.constant 8 : i32
    %scan3A_95 = arith.constant 0 : i32
    %scan3A_96 = arith.constant 8 : i32
    %scan3A_97 = arith.addi %scan3A_95, %scan3A_96 : i32
    %scan3A_98 = arith.constant 1 : i32
    scf.for %scan3A_1736 = %scan3A_95 to %scan3A_97 step %scan3A_98  : i32 {
      %mul3A_1737 = arith.constant 1 : i32
      %mul3A_1738 = arith.muli %scan3A_1736, %mul3A_1737 : i32
      %add3A_1739 = arith.constant 0 : i32
      %add3A_1740 = arith.addi %add3A_1739, %mul3A_1738 : i32
      %mul3A_1741 = arith.constant 16 : i32
      %mul3A_1742 = arith.muli %add3A_1740, %mul3A_1741 : i32
      %get3A = arith.constant 3 : i32
      %get3A_1743 = arith.index_cast %get3A : i32 to index
      %get3A_1744 = arith.index_cast %mul3A_1742 : i32 to index
      %get3A_1745 = tpu.vector_load %arg7[%get3A_1743, %get3A_1744] {strides = array<i32>} : memref<4x128xi32, #tpu.memory_space<vmem>>, vector<16xi32>,
      %swap3A = arith.constant 12 : i32
      %swap3A_1746 = arith.index_cast %swap3A : i32 to index
      %swap3A_1747 = arith.index_cast %mul3A_1742 : i32 to index
      %swap3A_1748 = tpu.vector_load %arg8[%swap3A_1746, %swap3A_1747] {strides = array<i32>} : memref<16x128xi32, #tpu.memory_space<vmem>>, vector<16xi32>,
      tpu.vector_store %arg8[%swap3A_1746, %swap3A_1747], %get3A_1745 {strides = array<i32>} : memref<16x128xi32, #tpu.memory_space<vmem>>, vector<16xi32>,
      %swap3A_1749 = arith.constant 13 : i32
      %swap3A_1750 = arith.index_cast %swap3A_1749 : i32 to index
      %swap3A_1751 = arith.index_cast %mul3A_1742 : i32 to index
      %swap3A_1752 = tpu.vector_load %arg8[%swap3A_1750, %swap3A_1751] {strides = array<i32>} : memref<16x128xi32, #tpu.memory_space<vmem>>, vector<16xi32>,
      tpu.vector_store %arg8[%swap3A_1750, %swap3A_1751], %get3A_1745 {strides = array<i32>} : memref<16x128xi32, #tpu.memory_space<vmem>>, vector<16xi32>,
      %swap3A_1753 = arith.constant 14 : i32
      %swap3A_1754 = arith.index_cast %swap3A_1753 : i32 to index
      %swap3A_1755 = arith.index_cast %mul3A_1742 : i32 to index
      %swap3A_1756 = tpu.vector_load %arg8[%swap3A_1754, %swap3A_1755] {strides = array<i32>} : memref<16x128xi32, #tpu.memory_space<vmem>>, vector<16xi32>,
      tpu.vector_store %arg8[%swap3A_1754, %swap3A_1755], %get3A_1745 {strides = array<i32>} : memref<16x128xi32, #tpu.memory_space<vmem>>, vector<16xi32>,
      %swap3A_1757 = arith.constant 15 : i32
      %swap3A_1758 = arith.index_cast %swap3A_1757 : i32 to index
      %swap3A_1759 = arith.index_cast %mul3A_1742 : i32 to index
      %swap3A_1760 = tpu.vector_load %arg8[%swap3A_1758, %swap3A_1759] {strides = array<i32>} : memref<16x128xi32, #tpu.memory_space<vmem>>, vector<16xi32>,
      tpu.vector_store %arg8[%swap3A_1758, %swap3A_1759], %get3A_1745 {strides = array<i32>} : memref<16x128xi32, #tpu.memory_space<vmem>>, vector<16xi32>,
    }
    %scan3A_99 = arith.constant 8 : i32
    %dma_start3A_100 = arith.constant 0 : i32
    %dma_start3A_101 = arith.constant 0 : i32
    %dma_start3A_102 = arith.constant 0 : i32
    %dma_start3A_103 = arith.constant 0 : i32
    %dma_start3A_104 = arith.constant 0 : i32
    %dma_start3A_105 = tpu.memref_slice %arg9[%dma_start3A_102, %dma_start3A_104] : memref<16x128xi32, #tpu.memory_space<vmem>> -> memref<1x128xi32, #tpu.memory_space<vmem>>
    %dma_start3A_106 = tpu.memref_squeeze %dma_start3A_105 : memref<1x128xi32, #tpu.memory_space<vmem>> -> memref<128xi32, #tpu.memory_space<vmem>>
    %dma_start3A_107 = arith.constant 0 : i32
    %dma_start3A_108 = tpu.memref_slice %arg8[%dma_start3A_101, %dma_start3A_107] : memref<16x128xi32, #tpu.memory_space<vmem>> -> memref<1x128xi32, #tpu.memory_space<vmem>>
    %dma_start3A_109 = tpu.memref_squeeze %dma_start3A_108 : memref<1x128xi32, #tpu.memory_space<vmem>> -> memref<128xi32, #tpu.memory_space<vmem>>
    %dma_start3A_110 = arith.constant 0 : i32
    %dma_start3A_111 = tpu.memref_slice %arg5[%dma_start3A_100, %dma_start3A_110] : memref<4x1000000xi32, #tpu.memory_space<hbm>> -> memref<1x1000000xi32, #tpu.memory_space<hbm>>
    %dma_start3A_112 = tpu.memref_squeeze %dma_start3A_111 : memref<1x1000000xi32, #tpu.memory_space<hbm>> -> memref<1000000xi32, #tpu.memory_space<hbm>>
    %dma_start3A_113 = arith.constant 0 : i32
    %dma_start3A_114 = tpu.memref_slice %dma_start3A_112[%dma_start3A_113] : memref<1000000xi32, #tpu.memory_space<hbm>> -> memref<1000000xi32, #tpu.memory_space<hbm>>
    %dma_start3A_115 = tpu.memref_slice %arg14[%dma_start3A_103] : memref<4x!tpu.dma_semaphore, #tpu.memory_space<semaphore_mem>> -> memref<1x!tpu.dma_semaphore, #tpu.memory_space<semaphore_mem>>
    %dma_start3A_116 = tpu.memref_squeeze %dma_start3A_115 : memref<1x!tpu.dma_semaphore, #tpu.memory_space<semaphore_mem>> -> memref<!tpu.dma_semaphore, #tpu.memory_space<semaphore_mem>>
    tpu.enqueue_indirect_dma source(%dma_start3A_114 : memref<1000000xi32, #tpu.memory_space<hbm>>) target(%dma_start3A_106 : memref<128xi32, #tpu.memory_space<vmem>>) offsets(%dma_start3A_109 : memref<128xi32, #tpu.memory_space<vmem>>) semaphore(%dma_start3A_116 : memref<!tpu.dma_semaphore, #tpu.memory_space<semaphore_mem>>)
    %dma_start3A_117 = arith.constant 0 : i32
    %dma_start3A_118 = arith.constant 0 : i32
    %dma_start3A_119 = arith.constant 0 : i32
    %dma_start3A_120 = arith.constant 0 : i32
    %dma_start3A_121 = arith.constant 0 : i32
    %dma_start3A_122 = tpu.memref_slice %arg10[%dma_start3A_119, %dma_start3A_121] : memref<16x128xf32, #tpu.memory_space<vmem>> -> memref<1x128xf32, #tpu.memory_space<vmem>>
    %dma_start3A_123 = tpu.memref_squeeze %dma_start3A_122 : memref<1x128xf32, #tpu.memory_space<vmem>> -> memref<128xf32, #tpu.memory_space<vmem>>
    %dma_start3A_124 = arith.constant 0 : i32
    %dma_start3A_125 = tpu.memref_slice %arg8[%dma_start3A_118, %dma_start3A_124] : memref<16x128xi32, #tpu.memory_space<vmem>> -> memref<1x128xi32, #tpu.memory_space<vmem>>
    %dma_start3A_126 = tpu.memref_squeeze %dma_start3A_125 : memref<1x128xi32, #tpu.memory_space<vmem>> -> memref<128xi32, #tpu.memory_space<vmem>>
    %dma_start3A_127 = arith.constant 0 : i32
    %dma_start3A_128 = tpu.memref_slice %arg4[%dma_start3A_117, %dma_start3A_127] : memref<4x1000000xf32, #tpu.memory_space<hbm>> -> memref<1x1000000xf32, #tpu.memory_space<hbm>>
    %dma_start3A_129 = tpu.memref_squeeze %dma_start3A_128 : memref<1x1000000xf32, #tpu.memory_space<hbm>> -> memref<1000000xf32, #tpu.memory_space<hbm>>
    %dma_start3A_130 = arith.constant 0 : i32
    %dma_start3A_131 = tpu.memref_slice %dma_start3A_129[%dma_start3A_130] : memref<1000000xf32, #tpu.memory_space<hbm>> -> memref<1000000xf32, #tpu.memory_space<hbm>>
    %dma_start3A_132 = tpu.memref_slice %arg14[%dma_start3A_120] : memref<4x!tpu.dma_semaphore, #tpu.memory_space<semaphore_mem>> -> memref<1x!tpu.dma_semaphore, #tpu.memory_space<semaphore_mem>>
    %dma_start3A_133 = tpu.memref_squeeze %dma_start3A_132 : memref<1x!tpu.dma_semaphore, #tpu.memory_space<semaphore_mem>> -> memref<!tpu.dma_semaphore, #tpu.memory_space<semaphore_mem>>
    tpu.enqueue_indirect_dma source(%dma_start3A_131 : memref<1000000xf32, #tpu.memory_space<hbm>>) target(%dma_start3A_123 : memref<128xf32, #tpu.memory_space<vmem>>) offsets(%dma_start3A_126 : memref<128xi32, #tpu.memory_space<vmem>>) semaphore(%dma_start3A_133 : memref<!tpu.dma_semaphore, #tpu.memory_space<semaphore_mem>>)
    %dma_start3A_134 = arith.constant 1 : i32
    %dma_start3A_135 = arith.constant 1 : i32
    %dma_start3A_136 = arith.constant 1 : i32
    %dma_start3A_137 = arith.constant 0 : i32
    %dma_start3A_138 = arith.constant 0 : i32
    %dma_start3A_139 = tpu.memref_slice %arg9[%dma_start3A_136, %dma_start3A_138] : memref<16x128xi32, #tpu.memory_space<vmem>> -> memref<1x128xi32, #tpu.memory_space<vmem>>
    %dma_start3A_140 = tpu.memref_squeeze %dma_start3A_139 : memref<1x128xi32, #tpu.memory_space<vmem>> -> memref<128xi32, #tpu.memory_space<vmem>>
    %dma_start3A_141 = arith.constant 0 : i32
    %dma_start3A_142 = tpu.memref_slice %arg8[%dma_start3A_135, %dma_start3A_141] : memref<16x128xi32, #tpu.memory_space<vmem>> -> memref<1x128xi32, #tpu.memory_space<vmem>>
    %dma_start3A_143 = tpu.memref_squeeze %dma_start3A_142 : memref<1x128xi32, #tpu.memory_space<vmem>> -> memref<128xi32, #tpu.memory_space<vmem>>
    %dma_start3A_144 = arith.constant 0 : i32
    %dma_start3A_145 = tpu.memref_slice %arg5[%dma_start3A_134, %dma_start3A_144] : memref<4x1000000xi32, #tpu.memory_space<hbm>> -> memref<1x1000000xi32, #tpu.memory_space<hbm>>
    %dma_start3A_146 = tpu.memref_squeeze %dma_start3A_145 : memref<1x1000000xi32, #tpu.memory_space<hbm>> -> memref<1000000xi32, #tpu.memory_space<hbm>>
    %dma_start3A_147 = arith.constant 0 : i32
    %dma_start3A_148 = tpu.memref_slice %dma_start3A_146[%dma_start3A_147] : memref<1000000xi32, #tpu.memory_space<hbm>> -> memref<1000000xi32, #tpu.memory_space<hbm>>
    %dma_start3A_149 = tpu.memref_slice %arg14[%dma_start3A_137] : memref<4x!tpu.dma_semaphore, #tpu.memory_space<semaphore_mem>> -> memref<1x!tpu.dma_semaphore, #tpu.memory_space<semaphore_mem>>
    %dma_start3A_150 = tpu.memref_squeeze %dma_start3A_149 : memref<1x!tpu.dma_semaphore, #tpu.memory_space<semaphore_mem>> -> memref<!tpu.dma_semaphore, #tpu.memory_space<semaphore_mem>>
    tpu.enqueue_indirect_dma source(%dma_start3A_148 : memref<1000000xi32, #tpu.memory_space<hbm>>) target(%dma_start3A_140 : memref<128xi32, #tpu.memory_space<vmem>>) offsets(%dma_start3A_143 : memref<128xi32, #tpu.memory_space<vmem>>) semaphore(%dma_start3A_150 : memref<!tpu.dma_semaphore, #tpu.memory_space<semaphore_mem>>)
    %dma_start3A_151 = arith.constant 1 : i32
    %dma_start3A_152 = arith.constant 1 : i32
    %dma_start3A_153 = arith.constant 1 : i32
    %dma_start3A_154 = arith.constant 0 : i32
    %dma_start3A_155 = arith.constant 0 : i32
    %dma_start3A_156 = tpu.memref_slice %arg10[%dma_start3A_153, %dma_start3A_155] : memref<16x128xf32, #tpu.memory_space<vmem>> -> memref<1x128xf32, #tpu.memory_space<vmem>>
    %dma_start3A_157 = tpu.memref_squeeze %dma_start3A_156 : memref<1x128xf32, #tpu.memory_space<vmem>> -> memref<128xf32, #tpu.memory_space<vmem>>
    %dma_start3A_158 = arith.constant 0 : i32
    %dma_start3A_159 = tpu.memref_slice %arg8[%dma_start3A_152, %dma_start3A_158] : memref<16x128xi32, #tpu.memory_space<vmem>> -> memref<1x128xi32, #tpu.memory_space<vmem>>
    %dma_start3A_160 = tpu.memref_squeeze %dma_start3A_159 : memref<1x128xi32, #tpu.memory_space<vmem>> -> memref<128xi32, #tpu.memory_space<vmem>>
    %dma_start3A_161 = arith.constant 0 : i32
    %dma_start3A_162 = tpu.memref_slice %arg4[%dma_start3A_151, %dma_start3A_161] : memref<4x1000000xf32, #tpu.memory_space<hbm>> -> memref<1x1000000xf32, #tpu.memory_space<hbm>>
    %dma_start3A_163 = tpu.memref_squeeze %dma_start3A_162 : memref<1x1000000xf32, #tpu.memory_space<hbm>> -> memref<1000000xf32, #tpu.memory_space<hbm>>
    %dma_start3A_164 = arith.constant 0 : i32
    %dma_start3A_165 = tpu.memref_slice %dma_start3A_163[%dma_start3A_164] : memref<1000000xf32, #tpu.memory_space<hbm>> -> memref<1000000xf32, #tpu.memory_space<hbm>>
    %dma_start3A_166 = tpu.memref_slice %arg14[%dma_start3A_154] : memref<4x!tpu.dma_semaphore, #tpu.memory_space<semaphore_mem>> -> memref<1x!tpu.dma_semaphore, #tpu.memory_space<semaphore_mem>>
    %dma_start3A_167 = tpu.memref_squeeze %dma_start3A_166 : memref<1x!tpu.dma_semaphore, #tpu.memory_space<semaphore_mem>> -> memref<!tpu.dma_semaphore, #tpu.memory_space<semaphore_mem>>
    tpu.enqueue_indirect_dma source(%dma_start3A_165 : memref<1000000xf32, #tpu.memory_space<hbm>>) target(%dma_start3A_157 : memref<128xf32, #tpu.memory_space<vmem>>) offsets(%dma_start3A_160 : memref<128xi32, #tpu.memory_space<vmem>>) semaphore(%dma_start3A_167 : memref<!tpu.dma_semaphore, #tpu.memory_space<semaphore_mem>>)
    %dma_start3A_168 = arith.constant 2 : i32
    %dma_start3A_169 = arith.constant 2 : i32
    %dma_start3A_170 = arith.constant 2 : i32
    %dma_start3A_171 = arith.constant 0 : i32
    %dma_start3A_172 = arith.constant 0 : i32
    %dma_start3A_173 = tpu.memref_slice %arg9[%dma_start3A_170, %dma_start3A_172] : memref<16x128xi32, #tpu.memory_space<vmem>> -> memref<1x128xi32, #tpu.memory_space<vmem>>
    %dma_start3A_174 = tpu.memref_squeeze %dma_start3A_173 : memref<1x128xi32, #tpu.memory_space<vmem>> -> memref<128xi32, #tpu.memory_space<vmem>>
    %dma_start3A_175 = arith.constant 0 : i32
    %dma_start3A_176 = tpu.memref_slice %arg8[%dma_start3A_169, %dma_start3A_175] : memref<16x128xi32, #tpu.memory_space<vmem>> -> memref<1x128xi32, #tpu.memory_space<vmem>>
    %dma_start3A_177 = tpu.memref_squeeze %dma_start3A_176 : memref<1x128xi32, #tpu.memory_space<vmem>> -> memref<128xi32, #tpu.memory_space<vmem>>
    %dma_start3A_178 = arith.constant 0 : i32
    %dma_start3A_179 = tpu.memref_slice %arg5[%dma_start3A_168, %dma_start3A_178] : memref<4x1000000xi32, #tpu.memory_space<hbm>> -> memref<1x1000000xi32, #tpu.memory_space<hbm>>
    %dma_start3A_180 = tpu.memref_squeeze %dma_start3A_179 : memref<1x1000000xi32, #tpu.memory_space<hbm>> -> memref<1000000xi32, #tpu.memory_space<hbm>>
    %dma_start3A_181 = arith.constant 0 : i32
    %dma_start3A_182 = tpu.memref_slice %dma_start3A_180[%dma_start3A_181] : memref<1000000xi32, #tpu.memory_space<hbm>> -> memref<1000000xi32, #tpu.memory_space<hbm>>
    %dma_start3A_183 = tpu.memref_slice %arg14[%dma_start3A_171] : memref<4x!tpu.dma_semaphore, #tpu.memory_space<semaphore_mem>> -> memref<1x!tpu.dma_semaphore, #tpu.memory_space<semaphore_mem>>
    %dma_start3A_184 = tpu.memref_squeeze %dma_start3A_183 : memref<1x!tpu.dma_semaphore, #tpu.memory_space<semaphore_mem>> -> memref<!tpu.dma_semaphore, #tpu.memory_space<semaphore_mem>>
    tpu.enqueue_indirect_dma source(%dma_start3A_182 : memref<1000000xi32, #tpu.memory_space<hbm>>) target(%dma_start3A_174 : memref<128xi32, #tpu.memory_space<vmem>>) offsets(%dma_start3A_177 : memref<128xi32, #tpu.memory_space<vmem>>) semaphore(%dma_start3A_184 : memref<!tpu.dma_semaphore, #tpu.memory_space<semaphore_mem>>)
    %dma_start3A_185 = arith.constant 2 : i32
    %dma_start3A_186 = arith.constant 2 : i32
    %dma_start3A_187 = arith.constant 2 : i32
    %dma_start3A_188 = arith.constant 0 : i32
    %dma_start3A_189 = arith.constant 0 : i32
    %dma_start3A_190 = tpu.memref_slice %arg10[%dma_start3A_187, %dma_start3A_189] : memref<16x128xf32, #tpu.memory_space<vmem>> -> memref<1x128xf32, #tpu.memory_space<vmem>>
    %dma_start3A_191 = tpu.memref_squeeze %dma_start3A_190 : memref<1x128xf32, #tpu.memory_space<vmem>> -> memref<128xf32, #tpu.memory_space<vmem>>
    %dma_start3A_192 = arith.constant 0 : i32
    %dma_start3A_193 = tpu.memref_slice %arg8[%dma_start3A_186, %dma_start3A_192] : memref<16x128xi32, #tpu.memory_space<vmem>> -> memref<1x128xi32, #tpu.memory_space<vmem>>
    %dma_start3A_194 = tpu.memref_squeeze %dma_start3A_193 : memref<1x128xi32, #tpu.memory_space<vmem>> -> memref<128xi32, #tpu.memory_space<vmem>>
    %dma_start3A_195 = arith.constant 0 : i32
    %dma_start3A_196 = tpu.memref_slice %arg4[%dma_start3A_185, %dma_start3A_195] : memref<4x1000000xf32, #tpu.memory_space<hbm>> -> memref<1x1000000xf32, #tpu.memory_space<hbm>>
    %dma_start3A_197 = tpu.memref_squeeze %dma_start3A_196 : memref<1x1000000xf32, #tpu.memory_space<hbm>> -> memref<1000000xf32, #tpu.memory_space<hbm>>
    %dma_start3A_198 = arith.constant 0 : i32
    %dma_start3A_199 = tpu.memref_slice %dma_start3A_197[%dma_start3A_198] : memref<1000000xf32, #tpu.memory_space<hbm>> -> memref<1000000xf32, #tpu.memory_space<hbm>>
    %dma_start3A_200 = tpu.memref_slice %arg14[%dma_start3A_188] : memref<4x!tpu.dma_semaphore, #tpu.memory_space<semaphore_mem>> -> memref<1x!tpu.dma_semaphore, #tpu.memory_space<semaphore_mem>>
    %dma_start3A_201 = tpu.memref_squeeze %dma_start3A_200 : memref<1x!tpu.dma_semaphore, #tpu.memory_space<semaphore_mem>> -> memref<!tpu.dma_semaphore, #tpu.memory_space<semaphore_mem>>
    tpu.enqueue_indirect_dma source(%dma_start3A_199 : memref<1000000xf32, #tpu.memory_space<hbm>>) target(%dma_start3A_191 : memref<128xf32, #tpu.memory_space<vmem>>) offsets(%dma_start3A_194 : memref<128xi32, #tpu.memory_space<vmem>>) semaphore(%dma_start3A_201 : memref<!tpu.dma_semaphore, #tpu.memory_space<semaphore_mem>>)
    %dma_start3A_202 = arith.constant 3 : i32
    %dma_start3A_203 = arith.constant 3 : i32
    %dma_start3A_204 = arith.constant 3 : i32
    %dma_start3A_205 = arith.constant 0 : i32
    %dma_start3A_206 = arith.constant 0 : i32
    %dma_start3A_207 = tpu.memref_slice %arg9[%dma_start3A_204, %dma_start3A_206] : memref<16x128xi32, #tpu.memory_space<vmem>> -> memref<1x128xi32, #tpu.memory_space<vmem>>
    %dma_start3A_208 = tpu.memref_squeeze %dma_start3A_207 : memref<1x128xi32, #tpu.memory_space<vmem>> -> memref<128xi32, #tpu.memory_space<vmem>>
    %dma_start3A_209 = arith.constant 0 : i32
    %dma_start3A_210 = tpu.memref_slice %arg8[%dma_start3A_203, %dma_start3A_209] : memref<16x128xi32, #tpu.memory_space<vmem>> -> memref<1x128xi32, #tpu.memory_space<vmem>>
    %dma_start3A_211 = tpu.memref_squeeze %dma_start3A_210 : memref<1x128xi32, #tpu.memory_space<vmem>> -> memref<128xi32, #tpu.memory_space<vmem>>
    %dma_start3A_212 = arith.constant 0 : i32
    %dma_start3A_213 = tpu.memref_slice %arg5[%dma_start3A_202, %dma_start3A_212] : memref<4x1000000xi32, #tpu.memory_space<hbm>> -> memref<1x1000000xi32, #tpu.memory_space<hbm>>
    %dma_start3A_214 = tpu.memref_squeeze %dma_start3A_213 : memref<1x1000000xi32, #tpu.memory_space<hbm>> -> memref<1000000xi32, #tpu.memory_space<hbm>>
    %dma_start3A_215 = arith.constant 0 : i32
    %dma_start3A_216 = tpu.memref_slice %dma_start3A_214[%dma_start3A_215] : memref<1000000xi32, #tpu.memory_space<hbm>> -> memref<1000000xi32, #tpu.memory_space<hbm>>
    %dma_start3A_217 = tpu.memref_slice %arg14[%dma_start3A_205] : memref<4x!tpu.dma_semaphore, #tpu.memory_space<semaphore_mem>> -> memref<1x!tpu.dma_semaphore, #tpu.memory_space<semaphore_mem>>
    %dma_start3A_218 = tpu.memref_squeeze %dma_start3A_217 : memref<1x!tpu.dma_semaphore, #tpu.memory_space<semaphore_mem>> -> memref<!tpu.dma_semaphore, #tpu.memory_space<semaphore_mem>>
    tpu.enqueue_indirect_dma source(%dma_start3A_216 : memref<1000000xi32, #tpu.memory_space<hbm>>) target(%dma_start3A_208 : memref<128xi32, #tpu.memory_space<vmem>>) offsets(%dma_start3A_211 : memref<128xi32, #tpu.memory_space<vmem>>) semaphore(%dma_start3A_218 : memref<!tpu.dma_semaphore, #tpu.memory_space<semaphore_mem>>)
    %dma_start3A_219 = arith.constant 3 : i32
    %dma_start3A_220 = arith.constant 3 : i32
    %dma_start3A_221 = arith.constant 3 : i32
    %dma_start3A_222 = arith.constant 0 : i32
    %dma_start3A_223 = arith.constant 0 : i32
    %dma_start3A_224 = tpu.memref_slice %arg10[%dma_start3A_221, %dma_start3A_223] : memref<16x128xf32, #tpu.memory_space<vmem>> -> memref<1x128xf32, #tpu.memory_space<vmem>>
    %dma_start3A_225 = tpu.memref_squeeze %dma_start3A_224 : memref<1x128xf32, #tpu.memory_space<vmem>> -> memref<128xf32, #tpu.memory_space<vmem>>
    %dma_start3A_226 = arith.constant 0 : i32
    %dma_start3A_227 = tpu.memref_slice %arg8[%dma_start3A_220, %dma_start3A_226] : memref<16x128xi32, #tpu.memory_space<vmem>> -> memref<1x128xi32, #tpu.memory_space<vmem>>
    %dma_start3A_228 = tpu.memref_squeeze %dma_start3A_227 : memref<1x128xi32, #tpu.memory_space<vmem>> -> memref<128xi32, #tpu.memory_space<vmem>>
    %dma_start3A_229 = arith.constant 0 : i32
    %dma_start3A_230 = tpu.memref_slice %arg4[%dma_start3A_219, %dma_start3A_229] : memref<4x1000000xf32, #tpu.memory_space<hbm>> -> memref<1x1000000xf32, #tpu.memory_space<hbm>>
    %dma_start3A_231 = tpu.memref_squeeze %dma_start3A_230 : memref<1x1000000xf32, #tpu.memory_space<hbm>> -> memref<1000000xf32, #tpu.memory_space<hbm>>
    %dma_start3A_232 = arith.constant 0 : i32
    %dma_start3A_233 = tpu.memref_slice %dma_start3A_231[%dma_start3A_232] : memref<1000000xf32, #tpu.memory_space<hbm>> -> memref<1000000xf32, #tpu.memory_space<hbm>>
    %dma_start3A_234 = tpu.memref_slice %arg14[%dma_start3A_222] : memref<4x!tpu.dma_semaphore, #tpu.memory_space<semaphore_mem>> -> memref<1x!tpu.dma_semaphore, #tpu.memory_space<semaphore_mem>>
    %dma_start3A_235 = tpu.memref_squeeze %dma_start3A_234 : memref<1x!tpu.dma_semaphore, #tpu.memory_space<semaphore_mem>> -> memref<!tpu.dma_semaphore, #tpu.memory_space<semaphore_mem>>
    tpu.enqueue_indirect_dma source(%dma_start3A_233 : memref<1000000xf32, #tpu.memory_space<hbm>>) target(%dma_start3A_225 : memref<128xf32, #tpu.memory_space<vmem>>) offsets(%dma_start3A_228 : memref<128xi32, #tpu.memory_space<vmem>>) semaphore(%dma_start3A_235 : memref<!tpu.dma_semaphore, #tpu.memory_space<semaphore_mem>>)
    %dma_start3A_236 = arith.constant 0 : i32
    %dma_start3A_237 = arith.constant 4 : i32
    %dma_start3A_238 = arith.constant 4 : i32
    %dma_start3A_239 = arith.constant 1 : i32
    %dma_start3A_240 = arith.constant 0 : i32
    %dma_start3A_241 = tpu.memref_slice %arg9[%dma_start3A_238, %dma_start3A_240] : memref<16x128xi32, #tpu.memory_space<vmem>> -> memref<1x128xi32, #tpu.memory_space<vmem>>
    %dma_start3A_242 = tpu.memref_squeeze %dma_start3A_241 : memref<1x128xi32, #tpu.memory_space<vmem>> -> memref<128xi32, #tpu.memory_space<vmem>>
    %dma_start3A_243 = arith.constant 0 : i32
    %dma_start3A_244 = tpu.memref_slice %arg8[%dma_start3A_237, %dma_start3A_243] : memref<16x128xi32, #tpu.memory_space<vmem>> -> memref<1x128xi32, #tpu.memory_space<vmem>>
    %dma_start3A_245 = tpu.memref_squeeze %dma_start3A_244 : memref<1x128xi32, #tpu.memory_space<vmem>> -> memref<128xi32, #tpu.memory_space<vmem>>
    %dma_start3A_246 = arith.constant 0 : i32
    %dma_start3A_247 = tpu.memref_slice %arg5[%dma_start3A_236, %dma_start3A_246] : memref<4x1000000xi32, #tpu.memory_space<hbm>> -> memref<1x1000000xi32, #tpu.memory_space<hbm>>
    %dma_start3A_248 = tpu.memref_squeeze %dma_start3A_247 : memref<1x1000000xi32, #tpu.memory_space<hbm>> -> memref<1000000xi32, #tpu.memory_space<hbm>>
    %dma_start3A_249 = arith.constant 0 : i32
    %dma_start3A_250 = tpu.memref_slice %dma_start3A_248[%dma_start3A_249] : memref<1000000xi32, #tpu.memory_space<hbm>> -> memref<1000000xi32, #tpu.memory_space<hbm>>
    %dma_start3A_251 = tpu.memref_slice %arg14[%dma_start3A_239] : memref<4x!tpu.dma_semaphore, #tpu.memory_space<semaphore_mem>> -> memref<1x!tpu.dma_semaphore, #tpu.memory_space<semaphore_mem>>
    %dma_start3A_252 = tpu.memref_squeeze %dma_start3A_251 : memref<1x!tpu.dma_semaphore, #tpu.memory_space<semaphore_mem>> -> memref<!tpu.dma_semaphore, #tpu.memory_space<semaphore_mem>>
    tpu.enqueue_indirect_dma source(%dma_start3A_250 : memref<1000000xi32, #tpu.memory_space<hbm>>) target(%dma_start3A_242 : memref<128xi32, #tpu.memory_space<vmem>>) offsets(%dma_start3A_245 : memref<128xi32, #tpu.memory_space<vmem>>) semaphore(%dma_start3A_252 : memref<!tpu.dma_semaphore, #tpu.memory_space<semaphore_mem>>)
    %dma_start3A_253 = arith.constant 0 : i32
    %dma_start3A_254 = arith.constant 4 : i32
    %dma_start3A_255 = arith.constant 4 : i32
    %dma_start3A_256 = arith.constant 1 : i32
    %dma_start3A_257 = arith.constant 0 : i32
    %dma_start3A_258 = tpu.memref_slice %arg10[%dma_start3A_255, %dma_start3A_257] : memref<16x128xf32, #tpu.memory_space<vmem>> -> memref<1x128xf32, #tpu.memory_space<vmem>>
    %dma_start3A_259 = tpu.memref_squeeze %dma_start3A_258 : memref<1x128xf32, #tpu.memory_space<vmem>> -> memref<128xf32, #tpu.memory_space<vmem>>
    %dma_start3A_260 = arith.constant 0 : i32
    %dma_start3A_261 = tpu.memref_slice %arg8[%dma_start3A_254, %dma_start3A_260] : memref<16x128xi32, #tpu.memory_space<vmem>> -> memref<1x128xi32, #tpu.memory_space<vmem>>
    %dma_start3A_262 = tpu.memref_squeeze %dma_start3A_261 : memref<1x128xi32, #tpu.memory_space<vmem>> -> memref<128xi32, #tpu.memory_space<vmem>>
    %dma_start3A_263 = arith.constant 0 : i32
    %dma_start3A_264 = tpu.memref_slice %arg4[%dma_start3A_253, %dma_start3A_263] : memref<4x1000000xf32, #tpu.memory_space<hbm>> -> memref<1x1000000xf32, #tpu.memory_space<hbm>>
    %dma_start3A_265 = tpu.memref_squeeze %dma_start3A_264 : memref<1x1000000xf32, #tpu.memory_space<hbm>> -> memref<1000000xf32, #tpu.memory_space<hbm>>
    %dma_start3A_266 = arith.constant 0 : i32
    %dma_start3A_267 = tpu.memref_slice %dma_start3A_265[%dma_start3A_266] : memref<1000000xf32, #tpu.memory_space<hbm>> -> memref<1000000xf32, #tpu.memory_space<hbm>>
    %dma_start3A_268 = tpu.memref_slice %arg14[%dma_start3A_256] : memref<4x!tpu.dma_semaphore, #tpu.memory_space<semaphore_mem>> -> memref<1x!tpu.dma_semaphore, #tpu.memory_space<semaphore_mem>>
    %dma_start3A_269 = tpu.memref_squeeze %dma_start3A_268 : memref<1x!tpu.dma_semaphore, #tpu.memory_space<semaphore_mem>> -> memref<!tpu.dma_semaphore, #tpu.memory_space<semaphore_mem>>
    tpu.enqueue_indirect_dma source(%dma_start3A_267 : memref<1000000xf32, #tpu.memory_space<hbm>>) target(%dma_start3A_259 : memref<128xf32, #tpu.memory_space<vmem>>) offsets(%dma_start3A_262 : memref<128xi32, #tpu.memory_space<vmem>>) semaphore(%dma_start3A_269 : memref<!tpu.dma_semaphore, #tpu.memory_space<semaphore_mem>>)
    %dma_start3A_270 = arith.constant 1 : i32
    %dma_start3A_271 = arith.constant 5 : i32
    %dma_start3A_272 = arith.constant 5 : i32
    %dma_start3A_273 = arith.constant 1 : i32
    %dma_start3A_274 = arith.constant 0 : i32
    %dma_start3A_275 = tpu.memref_slice %arg9[%dma_start3A_272, %dma_start3A_274] : memref<16x128xi32, #tpu.memory_space<vmem>> -> memref<1x128xi32, #tpu.memory_space<vmem>>
    %dma_start3A_276 = tpu.memref_squeeze %dma_start3A_275 : memref<1x128xi32, #tpu.memory_space<vmem>> -> memref<128xi32, #tpu.memory_space<vmem>>
    %dma_start3A_277 = arith.constant 0 : i32
    %dma_start3A_278 = tpu.memref_slice %arg8[%dma_start3A_271, %dma_start3A_277] : memref<16x128xi32, #tpu.memory_space<vmem>> -> memref<1x128xi32, #tpu.memory_space<vmem>>
    %dma_start3A_279 = tpu.memref_squeeze %dma_start3A_278 : memref<1x128xi32, #tpu.memory_space<vmem>> -> memref<128xi32, #tpu.memory_space<vmem>>
    %dma_start3A_280 = arith.constant 0 : i32
    %dma_start3A_281 = tpu.memref_slice %arg5[%dma_start3A_270, %dma_start3A_280] : memref<4x1000000xi32, #tpu.memory_space<hbm>> -> memref<1x1000000xi32, #tpu.memory_space<hbm>>
    %dma_start3A_282 = tpu.memref_squeeze %dma_start3A_281 : memref<1x1000000xi32, #tpu.memory_space<hbm>> -> memref<1000000xi32, #tpu.memory_space<hbm>>
    %dma_start3A_283 = arith.constant 0 : i32
    %dma_start3A_284 = tpu.memref_slice %dma_start3A_282[%dma_start3A_283] : memref<1000000xi32, #tpu.memory_space<hbm>> -> memref<1000000xi32, #tpu.memory_space<hbm>>
    %dma_start3A_285 = tpu.memref_slice %arg14[%dma_start3A_273] : memref<4x!tpu.dma_semaphore, #tpu.memory_space<semaphore_mem>> -> memref<1x!tpu.dma_semaphore, #tpu.memory_space<semaphore_mem>>
    %dma_start3A_286 = tpu.memref_squeeze %dma_start3A_285 : memref<1x!tpu.dma_semaphore, #tpu.memory_space<semaphore_mem>> -> memref<!tpu.dma_semaphore, #tpu.memory_space<semaphore_mem>>
    tpu.enqueue_indirect_dma source(%dma_start3A_284 : memref<1000000xi32, #tpu.memory_space<hbm>>) target(%dma_start3A_276 : memref<128xi32, #tpu.memory_space<vmem>>) offsets(%dma_start3A_279 : memref<128xi32, #tpu.memory_space<vmem>>) semaphore(%dma_start3A_286 : memref<!tpu.dma_semaphore, #tpu.memory_space<semaphore_mem>>)
    %dma_start3A_287 = arith.constant 1 : i32
    %dma_start3A_288 = arith.constant 5 : i32
    %dma_start3A_289 = arith.constant 5 : i32
    %dma_start3A_290 = arith.constant 1 : i32
    %dma_start3A_291 = arith.constant 0 : i32
    %dma_start3A_292 = tpu.memref_slice %arg10[%dma_start3A_289, %dma_start3A_291] : memref<16x128xf32, #tpu.memory_space<vmem>> -> memref<1x128xf32, #tpu.memory_space<vmem>>
    %dma_start3A_293 = tpu.memref_squeeze %dma_start3A_292 : memref<1x128xf32, #tpu.memory_space<vmem>> -> memref<128xf32, #tpu.memory_space<vmem>>
    %dma_start3A_294 = arith.constant 0 : i32
    %dma_start3A_295 = tpu.memref_slice %arg8[%dma_start3A_288, %dma_start3A_294] : memref<16x128xi32, #tpu.memory_space<vmem>> -> memref<1x128xi32, #tpu.memory_space<vmem>>
    %dma_start3A_296 = tpu.memref_squeeze %dma_start3A_295 : memref<1x128xi32, #tpu.memory_space<vmem>> -> memref<128xi32, #tpu.memory_space<vmem>>
    %dma_start3A_297 = arith.constant 0 : i32
    %dma_start3A_298 = tpu.memref_slice %arg4[%dma_start3A_287, %dma_start3A_297] : memref<4x1000000xf32, #tpu.memory_space<hbm>> -> memref<1x1000000xf32, #tpu.memory_space<hbm>>
    %dma_start3A_299 = tpu.memref_squeeze %dma_start3A_298 : memref<1x1000000xf32, #tpu.memory_space<hbm>> -> memref<1000000xf32, #tpu.memory_space<hbm>>
    %dma_start3A_300 = arith.constant 0 : i32
    %dma_start3A_301 = tpu.memref_slice %dma_start3A_299[%dma_start3A_300] : memref<1000000xf32, #tpu.memory_space<hbm>> -> memref<1000000xf32, #tpu.memory_space<hbm>>
    %dma_start3A_302 = tpu.memref_slice %arg14[%dma_start3A_290] : memref<4x!tpu.dma_semaphore, #tpu.memory_space<semaphore_mem>> -> memref<1x!tpu.dma_semaphore, #tpu.memory_space<semaphore_mem>>
    %dma_start3A_303 = tpu.memref_squeeze %dma_start3A_302 : memref<1x!tpu.dma_semaphore, #tpu.memory_space<semaphore_mem>> -> memref<!tpu.dma_semaphore, #tpu.memory_space<semaphore_mem>>
    tpu.enqueue_indirect_dma source(%dma_start3A_301 : memref<1000000xf32, #tpu.memory_space<hbm>>) target(%dma_start3A_293 : memref<128xf32, #tpu.memory_space<vmem>>) offsets(%dma_start3A_296 : memref<128xi32, #tpu.memory_space<vmem>>) semaphore(%dma_start3A_303 : memref<!tpu.dma_semaphore, #tpu.memory_space<semaphore_mem>>)
    %dma_start3A_304 = arith.constant 2 : i32
    %dma_start3A_305 = arith.constant 6 : i32
    %dma_start3A_306 = arith.constant 6 : i32
    %dma_start3A_307 = arith.constant 1 : i32
    %dma_start3A_308 = arith.constant 0 : i32
    %dma_start3A_309 = tpu.memref_slice %arg9[%dma_start3A_306, %dma_start3A_308] : memref<16x128xi32, #tpu.memory_space<vmem>> -> memref<1x128xi32, #tpu.memory_space<vmem>>
    %dma_start3A_310 = tpu.memref_squeeze %dma_start3A_309 : memref<1x128xi32, #tpu.memory_space<vmem>> -> memref<128xi32, #tpu.memory_space<vmem>>
    %dma_start3A_311 = arith.constant 0 : i32
    %dma_start3A_312 = tpu.memref_slice %arg8[%dma_start3A_305, %dma_start3A_311] : memref<16x128xi32, #tpu.memory_space<vmem>> -> memref<1x128xi32, #tpu.memory_space<vmem>>
    %dma_start3A_313 = tpu.memref_squeeze %dma_start3A_312 : memref<1x128xi32, #tpu.memory_space<vmem>> -> memref<128xi32, #tpu.memory_space<vmem>>
    %dma_start3A_314 = arith.constant 0 : i32
    %dma_start3A_315 = tpu.memref_slice %arg5[%dma_start3A_304, %dma_start3A_314] : memref<4x1000000xi32, #tpu.memory_space<hbm>> -> memref<1x1000000xi32, #tpu.memory_space<hbm>>
    %dma_start3A_316 = tpu.memref_squeeze %dma_start3A_315 : memref<1x1000000xi32, #tpu.memory_space<hbm>> -> memref<1000000xi32, #tpu.memory_space<hbm>>
    %dma_start3A_317 = arith.constant 0 : i32
    %dma_start3A_318 = tpu.memref_slice %dma_start3A_316[%dma_start3A_317] : memref<1000000xi32, #tpu.memory_space<hbm>> -> memref<1000000xi32, #tpu.memory_space<hbm>>
    %dma_start3A_319 = tpu.memref_slice %arg14[%dma_start3A_307] : memref<4x!tpu.dma_semaphore, #tpu.memory_space<semaphore_mem>> -> memref<1x!tpu.dma_semaphore, #tpu.memory_space<semaphore_mem>>
    %dma_start3A_320 = tpu.memref_squeeze %dma_start3A_319 : memref<1x!tpu.dma_semaphore, #tpu.memory_space<semaphore_mem>> -> memref<!tpu.dma_semaphore, #tpu.memory_space<semaphore_mem>>
    tpu.enqueue_indirect_dma source(%dma_start3A_318 : memref<1000000xi32, #tpu.memory_space<hbm>>) target(%dma_start3A_310 : memref<128xi32, #tpu.memory_space<vmem>>) offsets(%dma_start3A_313 : memref<128xi32, #tpu.memory_space<vmem>>) semaphore(%dma_start3A_320 : memref<!tpu.dma_semaphore, #tpu.memory_space<semaphore_mem>>)
    %dma_start3A_321 = arith.constant 2 : i32
    %dma_start3A_322 = arith.constant 6 : i32
    %dma_start3A_323 = arith.constant 6 : i32
    %dma_start3A_324 = arith.constant 1 : i32
    %dma_start3A_325 = arith.constant 0 : i32
    %dma_start3A_326 = tpu.memref_slice %arg10[%dma_start3A_323, %dma_start3A_325] : memref<16x128xf32, #tpu.memory_space<vmem>> -> memref<1x128xf32, #tpu.memory_space<vmem>>
    %dma_start3A_327 = tpu.memref_squeeze %dma_start3A_326 : memref<1x128xf32, #tpu.memory_space<vmem>> -> memref<128xf32, #tpu.memory_space<vmem>>
    %dma_start3A_328 = arith.constant 0 : i32
    %dma_start3A_329 = tpu.memref_slice %arg8[%dma_start3A_322, %dma_start3A_328] : memref<16x128xi32, #tpu.memory_space<vmem>> -> memref<1x128xi32, #tpu.memory_space<vmem>>
    %dma_start3A_330 = tpu.memref_squeeze %dma_start3A_329 : memref<1x128xi32, #tpu.memory_space<vmem>> -> memref<128xi32, #tpu.memory_space<vmem>>
    %dma_start3A_331 = arith.constant 0 : i32
    %dma_start3A_332 = tpu.memref_slice %arg4[%dma_start3A_321, %dma_start3A_331] : memref<4x1000000xf32, #tpu.memory_space<hbm>> -> memref<1x1000000xf32, #tpu.memory_space<hbm>>
    %dma_start3A_333 = tpu.memref_squeeze %dma_start3A_332 : memref<1x1000000xf32, #tpu.memory_space<hbm>> -> memref<1000000xf32, #tpu.memory_space<hbm>>
    %dma_start3A_334 = arith.constant 0 : i32
    %dma_start3A_335 = tpu.memref_slice %dma_start3A_333[%dma_start3A_334] : memref<1000000xf32, #tpu.memory_space<hbm>> -> memref<1000000xf32, #tpu.memory_space<hbm>>
    %dma_start3A_336 = tpu.memref_slice %arg14[%dma_start3A_324] : memref<4x!tpu.dma_semaphore, #tpu.memory_space<semaphore_mem>> -> memref<1x!tpu.dma_semaphore, #tpu.memory_space<semaphore_mem>>
    %dma_start3A_337 = tpu.memref_squeeze %dma_start3A_336 : memref<1x!tpu.dma_semaphore, #tpu.memory_space<semaphore_mem>> -> memref<!tpu.dma_semaphore, #tpu.memory_space<semaphore_mem>>
    tpu.enqueue_indirect_dma source(%dma_start3A_335 : memref<1000000xf32, #tpu.memory_space<hbm>>) target(%dma_start3A_327 : memref<128xf32, #tpu.memory_space<vmem>>) offsets(%dma_start3A_330 : memref<128xi32, #tpu.memory_space<vmem>>) semaphore(%dma_start3A_337 : memref<!tpu.dma_semaphore, #tpu.memory_space<semaphore_mem>>)
    %dma_start3A_338 = arith.constant 3 : i32
    %dma_start3A_339 = arith.constant 7 : i32
    %dma_start3A_340 = arith.constant 7 : i32
    %dma_start3A_341 = arith.constant 1 : i32
    %dma_start3A_342 = arith.constant 0 : i32
    %dma_start3A_343 = tpu.memref_slice %arg9[%dma_start3A_340, %dma_start3A_342] : memref<16x128xi32, #tpu.memory_space<vmem>> -> memref<1x128xi32, #tpu.memory_space<vmem>>
    %dma_start3A_344 = tpu.memref_squeeze %dma_start3A_343 : memref<1x128xi32, #tpu.memory_space<vmem>> -> memref<128xi32, #tpu.memory_space<vmem>>
    %dma_start3A_345 = arith.constant 0 : i32
    %dma_start3A_346 = tpu.memref_slice %arg8[%dma_start3A_339, %dma_start3A_345] : memref<16x128xi32, #tpu.memory_space<vmem>> -> memref<1x128xi32, #tpu.memory_space<vmem>>
    %dma_start3A_347 = tpu.memref_squeeze %dma_start3A_346 : memref<1x128xi32, #tpu.memory_space<vmem>> -> memref<128xi32, #tpu.memory_space<vmem>>
    %dma_start3A_348 = arith.constant 0 : i32
    %dma_start3A_349 = tpu.memref_slice %arg5[%dma_start3A_338, %dma_start3A_348] : memref<4x1000000xi32, #tpu.memory_space<hbm>> -> memref<1x1000000xi32, #tpu.memory_space<hbm>>
    %dma_start3A_350 = tpu.memref_squeeze %dma_start3A_349 : memref<1x1000000xi32, #tpu.memory_space<hbm>> -> memref<1000000xi32, #tpu.memory_space<hbm>>
    %dma_start3A_351 = arith.constant 0 : i32
    %dma_start3A_352 = tpu.memref_slice %dma_start3A_350[%dma_start3A_351] : memref<1000000xi32, #tpu.memory_space<hbm>> -> memref<1000000xi32, #tpu.memory_space<hbm>>
    %dma_start3A_353 = tpu.memref_slice %arg14[%dma_start3A_341] : memref<4x!tpu.dma_semaphore, #tpu.memory_space<semaphore_mem>> -> memref<1x!tpu.dma_semaphore, #tpu.memory_space<semaphore_mem>>
    %dma_start3A_354 = tpu.memref_squeeze %dma_start3A_353 : memref<1x!tpu.dma_semaphore, #tpu.memory_space<semaphore_mem>> -> memref<!tpu.dma_semaphore, #tpu.memory_space<semaphore_mem>>
    tpu.enqueue_indirect_dma source(%dma_start3A_352 : memref<1000000xi32, #tpu.memory_space<hbm>>) target(%dma_start3A_344 : memref<128xi32, #tpu.memory_space<vmem>>) offsets(%dma_start3A_347 : memref<128xi32, #tpu.memory_space<vmem>>) semaphore(%dma_start3A_354 : memref<!tpu.dma_semaphore, #tpu.memory_space<semaphore_mem>>)
    %dma_start3A_355 = arith.constant 3 : i32
    %dma_start3A_356 = arith.constant 7 : i32
    %dma_start3A_357 = arith.constant 7 : i32
    %dma_start3A_358 = arith.constant 1 : i32
    %dma_start3A_359 = arith.constant 0 : i32
    %dma_start3A_360 = tpu.memref_slice %arg10[%dma_start3A_357, %dma_start3A_359] : memref<16x128xf32, #tpu.memory_space<vmem>> -> memref<1x128xf32, #tpu.memory_space<vmem>>
    %dma_start3A_361 = tpu.memref_squeeze %dma_start3A_360 : memref<1x128xf32, #tpu.memory_space<vmem>> -> memref<128xf32, #tpu.memory_space<vmem>>
    %dma_start3A_362 = arith.constant 0 : i32
    %dma_start3A_363 = tpu.memref_slice %arg8[%dma_start3A_356, %dma_start3A_362] : memref<16x128xi32, #tpu.memory_space<vmem>> -> memref<1x128xi32, #tpu.memory_space<vmem>>
    %dma_start3A_364 = tpu.memref_squeeze %dma_start3A_363 : memref<1x128xi32, #tpu.memory_space<vmem>> -> memref<128xi32, #tpu.memory_space<vmem>>
    %dma_start3A_365 = arith.constant 0 : i32
    %dma_start3A_366 = tpu.memref_slice %arg4[%dma_start3A_355, %dma_start3A_365] : memref<4x1000000xf32, #tpu.memory_space<hbm>> -> memref<1x1000000xf32, #tpu.memory_space<hbm>>
    %dma_start3A_367 = tpu.memref_squeeze %dma_start3A_366 : memref<1x1000000xf32, #tpu.memory_space<hbm>> -> memref<1000000xf32, #tpu.memory_space<hbm>>
    %dma_start3A_368 = arith.constant 0 : i32
    %dma_start3A_369 = tpu.memref_slice %dma_start3A_367[%dma_start3A_368] : memref<1000000xf32, #tpu.memory_space<hbm>> -> memref<1000000xf32, #tpu.memory_space<hbm>>
    %dma_start3A_370 = tpu.memref_slice %arg14[%dma_start3A_358] : memref<4x!tpu.dma_semaphore, #tpu.memory_space<semaphore_mem>> -> memref<1x!tpu.dma_semaphore, #tpu.memory_space<semaphore_mem>>
    %dma_start3A_371 = tpu.memref_squeeze %dma_start3A_370 : memref<1x!tpu.dma_semaphore, #tpu.memory_space<semaphore_mem>> -> memref<!tpu.dma_semaphore, #tpu.memory_space<semaphore_mem>>
    tpu.enqueue_indirect_dma source(%dma_start3A_369 : memref<1000000xf32, #tpu.memory_space<hbm>>) target(%dma_start3A_361 : memref<128xf32, #tpu.memory_space<vmem>>) offsets(%dma_start3A_364 : memref<128xi32, #tpu.memory_space<vmem>>) semaphore(%dma_start3A_371 : memref<!tpu.dma_semaphore, #tpu.memory_space<semaphore_mem>>)
    %dma_wait3A_372 = arith.constant 0 : i32
    %dma_wait3A_373 = arith.constant 0 : i32
    %dma_wait3A_374 = arith.constant 0 : i32
    %dma_wait3A_375 = arith.constant 0 : i32
    %dma_wait3A_376 = arith.constant 0 : i32
    %dma_wait3A_377 = tpu.memref_slice %arg9[%dma_wait3A_374, %dma_wait3A_376] : memref<16x128xi32, #tpu.memory_space<vmem>> -> memref<1x128xi32, #tpu.memory_space<vmem>>
    %dma_wait3A_378 = tpu.memref_squeeze %dma_wait3A_377 : memref<1x128xi32, #tpu.memory_space<vmem>> -> memref<128xi32, #tpu.memory_space<vmem>>
    %dma_wait3A_379 = arith.constant 0 : i32
    %dma_wait3A_380 = tpu.memref_slice %arg8[%dma_wait3A_373, %dma_wait3A_379] : memref<16x128xi32, #tpu.memory_space<vmem>> -> memref<1x128xi32, #tpu.memory_space<vmem>>
    %dma_wait3A_381 = tpu.memref_squeeze %dma_wait3A_380 : memref<1x128xi32, #tpu.memory_space<vmem>> -> memref<128xi32, #tpu.memory_space<vmem>>
    %dma_wait3A_382 = arith.constant 0 : i32
    %dma_wait3A_383 = tpu.memref_slice %arg5[%dma_wait3A_372, %dma_wait3A_382] : memref<4x1000000xi32, #tpu.memory_space<hbm>> -> memref<1x1000000xi32, #tpu.memory_space<hbm>>
    %dma_wait3A_384 = tpu.memref_squeeze %dma_wait3A_383 : memref<1x1000000xi32, #tpu.memory_space<hbm>> -> memref<1000000xi32, #tpu.memory_space<hbm>>
    %dma_wait3A_385 = arith.constant 0 : i32
    %dma_wait3A_386 = tpu.memref_slice %dma_wait3A_384[%dma_wait3A_385] : memref<1000000xi32, #tpu.memory_space<hbm>> -> memref<1000000xi32, #tpu.memory_space<hbm>>
    %dma_wait3A_387 = tpu.memref_slice %arg14[%dma_wait3A_375] : memref<4x!tpu.dma_semaphore, #tpu.memory_space<semaphore_mem>> -> memref<1x!tpu.dma_semaphore, #tpu.memory_space<semaphore_mem>>
    %dma_wait3A_388 = tpu.memref_squeeze %dma_wait3A_387 : memref<1x!tpu.dma_semaphore, #tpu.memory_space<semaphore_mem>> -> memref<!tpu.dma_semaphore, #tpu.memory_space<semaphore_mem>>
    tpu.wait_indirect_dma semaphore(%dma_wait3A_388 : memref<!tpu.dma_semaphore, #tpu.memory_space<semaphore_mem>>) src(%dma_wait3A_386 : memref<1000000xi32, #tpu.memory_space<hbm>>) dst(%dma_wait3A_378 : memref<128xi32, #tpu.memory_space<vmem>>)
    %dma_wait3A_389 = arith.constant 0 : i32
    %dma_wait3A_390 = arith.constant 0 : i32
    %dma_wait3A_391 = arith.constant 0 : i32
    %dma_wait3A_392 = arith.constant 0 : i32
    %dma_wait3A_393 = arith.constant 0 : i32
    %dma_wait3A_394 = tpu.memref_slice %arg10[%dma_wait3A_391, %dma_wait3A_393] : memref<16x128xf32, #tpu.memory_space<vmem>> -> memref<1x128xf32, #tpu.memory_space<vmem>>
    %dma_wait3A_395 = tpu.memref_squeeze %dma_wait3A_394 : memref<1x128xf32, #tpu.memory_space<vmem>> -> memref<128xf32, #tpu.memory_space<vmem>>
    %dma_wait3A_396 = arith.constant 0 : i32
    %dma_wait3A_397 = tpu.memref_slice %arg8[%dma_wait3A_390, %dma_wait3A_396] : memref<16x128xi32, #tpu.memory_space<vmem>> -> memref<1x128xi32, #tpu.memory_space<vmem>>
    %dma_wait3A_398 = tpu.memref_squeeze %dma_wait3A_397 : memref<1x128xi32, #tpu.memory_space<vmem>> -> memref<128xi32, #tpu.memory_space<vmem>>
    %dma_wait3A_399 = arith.constant 0 : i32
    %dma_wait3A_400 = tpu.memref_slice %arg4[%dma_wait3A_389, %dma_wait3A_399] : memref<4x1000000xf32, #tpu.memory_space<hbm>> -> memref<1x1000000xf32, #tpu.memory_space<hbm>>
    %dma_wait3A_401 = tpu.memref_squeeze %dma_wait3A_400 : memref<1x1000000xf32, #tpu.memory_space<hbm>> -> memref<1000000xf32, #tpu.memory_space<hbm>>
    %dma_wait3A_402 = arith.constant 0 : i32
    %dma_wait3A_403 = tpu.memref_slice %dma_wait3A_401[%dma_wait3A_402] : memref<1000000xf32, #tpu.memory_space<hbm>> -> memref<1000000xf32, #tpu.memory_space<hbm>>
    %dma_wait3A_404 = tpu.memref_slice %arg14[%dma_wait3A_392] : memref<4x!tpu.dma_semaphore, #tpu.memory_space<semaphore_mem>> -> memref<1x!tpu.dma_semaphore, #tpu.memory_space<semaphore_mem>>
    %dma_wait3A_405 = tpu.memref_squeeze %dma_wait3A_404 : memref<1x!tpu.dma_semaphore, #tpu.memory_space<semaphore_mem>> -> memref<!tpu.dma_semaphore, #tpu.memory_space<semaphore_mem>>
    tpu.wait_indirect_dma semaphore(%dma_wait3A_405 : memref<!tpu.dma_semaphore, #tpu.memory_space<semaphore_mem>>) src(%dma_wait3A_403 : memref<1000000xf32, #tpu.memory_space<hbm>>) dst(%dma_wait3A_395 : memref<128xf32, #tpu.memory_space<vmem>>)
    %dma_wait3A_406 = arith.constant 1 : i32
    %dma_wait3A_407 = arith.constant 1 : i32
    %dma_wait3A_408 = arith.constant 1 : i32
    %dma_wait3A_409 = arith.constant 0 : i32
    %dma_wait3A_410 = arith.constant 0 : i32
    %dma_wait3A_411 = tpu.memref_slice %arg9[%dma_wait3A_408, %dma_wait3A_410] : memref<16x128xi32, #tpu.memory_space<vmem>> -> memref<1x128xi32, #tpu.memory_space<vmem>>
    %dma_wait3A_412 = tpu.memref_squeeze %dma_wait3A_411 : memref<1x128xi32, #tpu.memory_space<vmem>> -> memref<128xi32, #tpu.memory_space<vmem>>
    %dma_wait3A_413 = arith.constant 0 : i32
    %dma_wait3A_414 = tpu.memref_slice %arg8[%dma_wait3A_407, %dma_wait3A_413] : memref<16x128xi32, #tpu.memory_space<vmem>> -> memref<1x128xi32, #tpu.memory_space<vmem>>
    %dma_wait3A_415 = tpu.memref_squeeze %dma_wait3A_414 : memref<1x128xi32, #tpu.memory_space<vmem>> -> memref<128xi32, #tpu.memory_space<vmem>>
    %dma_wait3A_416 = arith.constant 0 : i32
    %dma_wait3A_417 = tpu.memref_slice %arg5[%dma_wait3A_406, %dma_wait3A_416] : memref<4x1000000xi32, #tpu.memory_space<hbm>> -> memref<1x1000000xi32, #tpu.memory_space<hbm>>
    %dma_wait3A_418 = tpu.memref_squeeze %dma_wait3A_417 : memref<1x1000000xi32, #tpu.memory_space<hbm>> -> memref<1000000xi32, #tpu.memory_space<hbm>>
    %dma_wait3A_419 = arith.constant 0 : i32
    %dma_wait3A_420 = tpu.memref_slice %dma_wait3A_418[%dma_wait3A_419] : memref<1000000xi32, #tpu.memory_space<hbm>> -> memref<1000000xi32, #tpu.memory_space<hbm>>
    %dma_wait3A_421 = tpu.memref_slice %arg14[%dma_wait3A_409] : memref<4x!tpu.dma_semaphore, #tpu.memory_space<semaphore_mem>> -> memref<1x!tpu.dma_semaphore, #tpu.memory_space<semaphore_mem>>
    %dma_wait3A_422 = tpu.memref_squeeze %dma_wait3A_421 : memref<1x!tpu.dma_semaphore, #tpu.memory_space<semaphore_mem>> -> memref<!tpu.dma_semaphore, #tpu.memory_space<semaphore_mem>>
    tpu.wait_indirect_dma semaphore(%dma_wait3A_422 : memref<!tpu.dma_semaphore, #tpu.memory_space<semaphore_mem>>) src(%dma_wait3A_420 : memref<1000000xi32, #tpu.memory_space<hbm>>) dst(%dma_wait3A_412 : memref<128xi32, #tpu.memory_space<vmem>>)
    %dma_wait3A_423 = arith.constant 1 : i32
    %dma_wait3A_424 = arith.constant 1 : i32
    %dma_wait3A_425 = arith.constant 1 : i32
    %dma_wait3A_426 = arith.constant 0 : i32
    %dma_wait3A_427 = arith.constant 0 : i32
    %dma_wait3A_428 = tpu.memref_slice %arg10[%dma_wait3A_425, %dma_wait3A_427] : memref<16x128xf32, #tpu.memory_space<vmem>> -> memref<1x128xf32, #tpu.memory_space<vmem>>
    %dma_wait3A_429 = tpu.memref_squeeze %dma_wait3A_428 : memref<1x128xf32, #tpu.memory_space<vmem>> -> memref<128xf32, #tpu.memory_space<vmem>>
    %dma_wait3A_430 = arith.constant 0 : i32
    %dma_wait3A_431 = tpu.memref_slice %arg8[%dma_wait3A_424, %dma_wait3A_430] : memref<16x128xi32, #tpu.memory_space<vmem>> -> memref<1x128xi32, #tpu.memory_space<vmem>>
    %dma_wait3A_432 = tpu.memref_squeeze %dma_wait3A_431 : memref<1x128xi32, #tpu.memory_space<vmem>> -> memref<128xi32, #tpu.memory_space<vmem>>
    %dma_wait3A_433 = arith.constant 0 : i32
    %dma_wait3A_434 = tpu.memref_slice %arg4[%dma_wait3A_423, %dma_wait3A_433] : memref<4x1000000xf32, #tpu.memory_space<hbm>> -> memref<1x1000000xf32, #tpu.memory_space<hbm>>
    %dma_wait3A_435 = tpu.memref_squeeze %dma_wait3A_434 : memref<1x1000000xf32, #tpu.memory_space<hbm>> -> memref<1000000xf32, #tpu.memory_space<hbm>>
    %dma_wait3A_436 = arith.constant 0 : i32
    %dma_wait3A_437 = tpu.memref_slice %dma_wait3A_435[%dma_wait3A_436] : memref<1000000xf32, #tpu.memory_space<hbm>> -> memref<1000000xf32, #tpu.memory_space<hbm>>
    %dma_wait3A_438 = tpu.memref_slice %arg14[%dma_wait3A_426] : memref<4x!tpu.dma_semaphore, #tpu.memory_space<semaphore_mem>> -> memref<1x!tpu.dma_semaphore, #tpu.memory_space<semaphore_mem>>
    %dma_wait3A_439 = tpu.memref_squeeze %dma_wait3A_438 : memref<1x!tpu.dma_semaphore, #tpu.memory_space<semaphore_mem>> -> memref<!tpu.dma_semaphore, #tpu.memory_space<semaphore_mem>>
    tpu.wait_indirect_dma semaphore(%dma_wait3A_439 : memref<!tpu.dma_semaphore, #tpu.memory_space<semaphore_mem>>) src(%dma_wait3A_437 : memref<1000000xf32, #tpu.memory_space<hbm>>) dst(%dma_wait3A_429 : memref<128xf32, #tpu.memory_space<vmem>>)
    %dma_wait3A_440 = arith.constant 2 : i32
    %dma_wait3A_441 = arith.constant 2 : i32
    %dma_wait3A_442 = arith.constant 2 : i32
    %dma_wait3A_443 = arith.constant 0 : i32
    %dma_wait3A_444 = arith.constant 0 : i32
    %dma_wait3A_445 = tpu.memref_slice %arg9[%dma_wait3A_442, %dma_wait3A_444] : memref<16x128xi32, #tpu.memory_space<vmem>> -> memref<1x128xi32, #tpu.memory_space<vmem>>
    %dma_wait3A_446 = tpu.memref_squeeze %dma_wait3A_445 : memref<1x128xi32, #tpu.memory_space<vmem>> -> memref<128xi32, #tpu.memory_space<vmem>>
    %dma_wait3A_447 = arith.constant 0 : i32
    %dma_wait3A_448 = tpu.memref_slice %arg8[%dma_wait3A_441, %dma_wait3A_447] : memref<16x128xi32, #tpu.memory_space<vmem>> -> memref<1x128xi32, #tpu.memory_space<vmem>>
    %dma_wait3A_449 = tpu.memref_squeeze %dma_wait3A_448 : memref<1x128xi32, #tpu.memory_space<vmem>> -> memref<128xi32, #tpu.memory_space<vmem>>
    %dma_wait3A_450 = arith.constant 0 : i32
    %dma_wait3A_451 = tpu.memref_slice %arg5[%dma_wait3A_440, %dma_wait3A_450] : memref<4x1000000xi32, #tpu.memory_space<hbm>> -> memref<1x1000000xi32, #tpu.memory_space<hbm>>
    %dma_wait3A_452 = tpu.memref_squeeze %dma_wait3A_451 : memref<1x1000000xi32, #tpu.memory_space<hbm>> -> memref<1000000xi32, #tpu.memory_space<hbm>>
    %dma_wait3A_453 = arith.constant 0 : i32
    %dma_wait3A_454 = tpu.memref_slice %dma_wait3A_452[%dma_wait3A_453] : memref<1000000xi32, #tpu.memory_space<hbm>> -> memref<1000000xi32, #tpu.memory_space<hbm>>
    %dma_wait3A_455 = tpu.memref_slice %arg14[%dma_wait3A_443] : memref<4x!tpu.dma_semaphore, #tpu.memory_space<semaphore_mem>> -> memref<1x!tpu.dma_semaphore, #tpu.memory_space<semaphore_mem>>
    %dma_wait3A_456 = tpu.memref_squeeze %dma_wait3A_455 : memref<1x!tpu.dma_semaphore, #tpu.memory_space<semaphore_mem>> -> memref<!tpu.dma_semaphore, #tpu.memory_space<semaphore_mem>>
    tpu.wait_indirect_dma semaphore(%dma_wait3A_456 : memref<!tpu.dma_semaphore, #tpu.memory_space<semaphore_mem>>) src(%dma_wait3A_454 : memref<1000000xi32, #tpu.memory_space<hbm>>) dst(%dma_wait3A_446 : memref<128xi32, #tpu.memory_space<vmem>>)
    %dma_wait3A_457 = arith.constant 2 : i32
    %dma_wait3A_458 = arith.constant 2 : i32
    %dma_wait3A_459 = arith.constant 2 : i32
    %dma_wait3A_460 = arith.constant 0 : i32
    %dma_wait3A_461 = arith.constant 0 : i32
    %dma_wait3A_462 = tpu.memref_slice %arg10[%dma_wait3A_459, %dma_wait3A_461] : memref<16x128xf32, #tpu.memory_space<vmem>> -> memref<1x128xf32, #tpu.memory_space<vmem>>
    %dma_wait3A_463 = tpu.memref_squeeze %dma_wait3A_462 : memref<1x128xf32, #tpu.memory_space<vmem>> -> memref<128xf32, #tpu.memory_space<vmem>>
    %dma_wait3A_464 = arith.constant 0 : i32
    %dma_wait3A_465 = tpu.memref_slice %arg8[%dma_wait3A_458, %dma_wait3A_464] : memref<16x128xi32, #tpu.memory_space<vmem>> -> memref<1x128xi32, #tpu.memory_space<vmem>>
    %dma_wait3A_466 = tpu.memref_squeeze %dma_wait3A_465 : memref<1x128xi32, #tpu.memory_space<vmem>> -> memref<128xi32, #tpu.memory_space<vmem>>
    %dma_wait3A_467 = arith.constant 0 : i32
    %dma_wait3A_468 = tpu.memref_slice %arg4[%dma_wait3A_457, %dma_wait3A_467] : memref<4x1000000xf32, #tpu.memory_space<hbm>> -> memref<1x1000000xf32, #tpu.memory_space<hbm>>
    %dma_wait3A_469 = tpu.memref_squeeze %dma_wait3A_468 : memref<1x1000000xf32, #tpu.memory_space<hbm>> -> memref<1000000xf32, #tpu.memory_space<hbm>>
    %dma_wait3A_470 = arith.constant 0 : i32
    %dma_wait3A_471 = tpu.memref_slice %dma_wait3A_469[%dma_wait3A_470] : memref<1000000xf32, #tpu.memory_space<hbm>> -> memref<1000000xf32, #tpu.memory_space<hbm>>
    %dma_wait3A_472 = tpu.memref_slice %arg14[%dma_wait3A_460] : memref<4x!tpu.dma_semaphore, #tpu.memory_space<semaphore_mem>> -> memref<1x!tpu.dma_semaphore, #tpu.memory_space<semaphore_mem>>
    %dma_wait3A_473 = tpu.memref_squeeze %dma_wait3A_472 : memref<1x!tpu.dma_semaphore, #tpu.memory_space<semaphore_mem>> -> memref<!tpu.dma_semaphore, #tpu.memory_space<semaphore_mem>>
    tpu.wait_indirect_dma semaphore(%dma_wait3A_473 : memref<!tpu.dma_semaphore, #tpu.memory_space<semaphore_mem>>) src(%dma_wait3A_471 : memref<1000000xf32, #tpu.memory_space<hbm>>) dst(%dma_wait3A_463 : memref<128xf32, #tpu.memory_space<vmem>>)
    %dma_wait3A_474 = arith.constant 3 : i32
    %dma_wait3A_475 = arith.constant 3 : i32
    %dma_wait3A_476 = arith.constant 3 : i32
    %dma_wait3A_477 = arith.constant 0 : i32
    %dma_wait3A_478 = arith.constant 0 : i32
    %dma_wait3A_479 = tpu.memref_slice %arg9[%dma_wait3A_476, %dma_wait3A_478] : memref<16x128xi32, #tpu.memory_space<vmem>> -> memref<1x128xi32, #tpu.memory_space<vmem>>
    %dma_wait3A_480 = tpu.memref_squeeze %dma_wait3A_479 : memref<1x128xi32, #tpu.memory_space<vmem>> -> memref<128xi32, #tpu.memory_space<vmem>>
    %dma_wait3A_481 = arith.constant 0 : i32
    %dma_wait3A_482 = tpu.memref_slice %arg8[%dma_wait3A_475, %dma_wait3A_481] : memref<16x128xi32, #tpu.memory_space<vmem>> -> memref<1x128xi32, #tpu.memory_space<vmem>>
    %dma_wait3A_483 = tpu.memref_squeeze %dma_wait3A_482 : memref<1x128xi32, #tpu.memory_space<vmem>> -> memref<128xi32, #tpu.memory_space<vmem>>
    %dma_wait3A_484 = arith.constant 0 : i32
    %dma_wait3A_485 = tpu.memref_slice %arg5[%dma_wait3A_474, %dma_wait3A_484] : memref<4x1000000xi32, #tpu.memory_space<hbm>> -> memref<1x1000000xi32, #tpu.memory_space<hbm>>
    %dma_wait3A_486 = tpu.memref_squeeze %dma_wait3A_485 : memref<1x1000000xi32, #tpu.memory_space<hbm>> -> memref<1000000xi32, #tpu.memory_space<hbm>>
    %dma_wait3A_487 = arith.constant 0 : i32
    %dma_wait3A_488 = tpu.memref_slice %dma_wait3A_486[%dma_wait3A_487] : memref<1000000xi32, #tpu.memory_space<hbm>> -> memref<1000000xi32, #tpu.memory_space<hbm>>
    %dma_wait3A_489 = tpu.memref_slice %arg14[%dma_wait3A_477] : memref<4x!tpu.dma_semaphore, #tpu.memory_space<semaphore_mem>> -> memref<1x!tpu.dma_semaphore, #tpu.memory_space<semaphore_mem>>
    %dma_wait3A_490 = tpu.memref_squeeze %dma_wait3A_489 : memref<1x!tpu.dma_semaphore, #tpu.memory_space<semaphore_mem>> -> memref<!tpu.dma_semaphore, #tpu.memory_space<semaphore_mem>>
    tpu.wait_indirect_dma semaphore(%dma_wait3A_490 : memref<!tpu.dma_semaphore, #tpu.memory_space<semaphore_mem>>) src(%dma_wait3A_488 : memref<1000000xi32, #tpu.memory_space<hbm>>) dst(%dma_wait3A_480 : memref<128xi32, #tpu.memory_space<vmem>>)
    %dma_wait3A_491 = arith.constant 3 : i32
    %dma_wait3A_492 = arith.constant 3 : i32
    %dma_wait3A_493 = arith.constant 3 : i32
    %dma_wait3A_494 = arith.constant 0 : i32
    %dma_wait3A_495 = arith.constant 0 : i32
    %dma_wait3A_496 = tpu.memref_slice %arg10[%dma_wait3A_493, %dma_wait3A_495] : memref<16x128xf32, #tpu.memory_space<vmem>> -> memref<1x128xf32, #tpu.memory_space<vmem>>
    %dma_wait3A_497 = tpu.memref_squeeze %dma_wait3A_496 : memref<1x128xf32, #tpu.memory_space<vmem>> -> memref<128xf32, #tpu.memory_space<vmem>>
    %dma_wait3A_498 = arith.constant 0 : i32
    %dma_wait3A_499 = tpu.memref_slice %arg8[%dma_wait3A_492, %dma_wait3A_498] : memref<16x128xi32, #tpu.memory_space<vmem>> -> memref<1x128xi32, #tpu.memory_space<vmem>>
    %dma_wait3A_500 = tpu.memref_squeeze %dma_wait3A_499 : memref<1x128xi32, #tpu.memory_space<vmem>> -> memref<128xi32, #tpu.memory_space<vmem>>
    %dma_wait3A_501 = arith.constant 0 : i32
    %dma_wait3A_502 = tpu.memref_slice %arg4[%dma_wait3A_491, %dma_wait3A_501] : memref<4x1000000xf32, #tpu.memory_space<hbm>> -> memref<1x1000000xf32, #tpu.memory_space<hbm>>
    %dma_wait3A_503 = tpu.memref_squeeze %dma_wait3A_502 : memref<1x1000000xf32, #tpu.memory_space<hbm>> -> memref<1000000xf32, #tpu.memory_space<hbm>>
    %dma_wait3A_504 = arith.constant 0 : i32
    %dma_wait3A_505 = tpu.memref_slice %dma_wait3A_503[%dma_wait3A_504] : memref<1000000xf32, #tpu.memory_space<hbm>> -> memref<1000000xf32, #tpu.memory_space<hbm>>
    %dma_wait3A_506 = tpu.memref_slice %arg14[%dma_wait3A_494] : memref<4x!tpu.dma_semaphore, #tpu.memory_space<semaphore_mem>> -> memref<1x!tpu.dma_semaphore, #tpu.memory_space<semaphore_mem>>
    %dma_wait3A_507 = tpu.memref_squeeze %dma_wait3A_506 : memref<1x!tpu.dma_semaphore, #tpu.memory_space<semaphore_mem>> -> memref<!tpu.dma_semaphore, #tpu.memory_space<semaphore_mem>>
    tpu.wait_indirect_dma semaphore(%dma_wait3A_507 : memref<!tpu.dma_semaphore, #tpu.memory_space<semaphore_mem>>) src(%dma_wait3A_505 : memref<1000000xf32, #tpu.memory_space<hbm>>) dst(%dma_wait3A_497 : memref<128xf32, #tpu.memory_space<vmem>>)
    %dma_start3A_508 = arith.constant 0 : i32
    %dma_start3A_509 = arith.constant 0 : i32
    %dma_start3A_510 = arith.constant 0 : i32
    %dma_start3A_511 = arith.constant 0 : i32
    %dma_start3A_512 = tpu.memref_slice %arg11[%dma_start3A_510, %dma_start3A_511] : memref<1024x32xf32, #tpu.memory_space<vmem>> -> memref<128x32xf32, #tpu.memory_space<vmem>>
    %dma_start3A_513 = arith.constant 0 : i32
    %dma_start3A_514 = tpu.memref_slice %arg9[%dma_start3A_508, %dma_start3A_513] : memref<16x128xi32, #tpu.memory_space<vmem>> -> memref<1x128xi32, #tpu.memory_space<vmem>>
    %dma_start3A_515 = tpu.memref_squeeze %dma_start3A_514 : memref<1x128xi32, #tpu.memory_space<vmem>> -> memref<128xi32, #tpu.memory_space<vmem>>
    %dma_start3A_516 = arith.constant 0 : i32
    %dma_start3A_517 = arith.constant 0 : i32
    %dma_start3A_518 = tpu.memref_slice %arg3[%dma_start3A_516, %dma_start3A_517] : memref<65536x32xf32, #tpu.memory_space<hbm>> -> memref<65536x32xf32, #tpu.memory_space<hbm>>
    %dma_start3A_519 = tpu.memref_slice %arg15[%dma_start3A_509] : memref<2x!tpu.dma_semaphore, #tpu.memory_space<semaphore_mem>> -> memref<1x!tpu.dma_semaphore, #tpu.memory_space<semaphore_mem>>
    %dma_start3A_520 = tpu.memref_squeeze %dma_start3A_519 : memref<1x!tpu.dma_semaphore, #tpu.memory_space<semaphore_mem>> -> memref<!tpu.dma_semaphore, #tpu.memory_space<semaphore_mem>>
    tpu.enqueue_indirect_dma source(%dma_start3A_518 : memref<65536x32xf32, #tpu.memory_space<hbm>>) target(%dma_start3A_512 : memref<128x32xf32, #tpu.memory_space<vmem>>) offsets(%dma_start3A_515 : memref<128xi32, #tpu.memory_space<vmem>>) semaphore(%dma_start3A_520 : memref<!tpu.dma_semaphore, #tpu.memory_space<semaphore_mem>>)
    %dma_start3A_521 = arith.constant 1 : i32
    %dma_start3A_522 = arith.constant 0 : i32
    %dma_start3A_523 = arith.constant 128 : i32
    %dma_start3A_524 = arith.constant 0 : i32
    %dma_start3A_525 = tpu.memref_slice %arg11[%dma_start3A_523, %dma_start3A_524] : memref<1024x32xf32, #tpu.memory_space<vmem>> -> memref<128x32xf32, #tpu.memory_space<vmem>>
    %dma_start3A_526 = arith.constant 0 : i32
    %dma_start3A_527 = tpu.memref_slice %arg9[%dma_start3A_521, %dma_start3A_526] : memref<16x128xi32, #tpu.memory_space<vmem>> -> memref<1x128xi32, #tpu.memory_space<vmem>>
    %dma_start3A_528 = tpu.memref_squeeze %dma_start3A_527 : memref<1x128xi32, #tpu.memory_space<vmem>> -> memref<128xi32, #tpu.memory_space<vmem>>
    %dma_start3A_529 = arith.constant 0 : i32
    %dma_start3A_530 = arith.constant 0 : i32
    %dma_start3A_531 = tpu.memref_slice %arg3[%dma_start3A_529, %dma_start3A_530] : memref<65536x32xf32, #tpu.memory_space<hbm>> -> memref<65536x32xf32, #tpu.memory_space<hbm>>
    %dma_start3A_532 = tpu.memref_slice %arg15[%dma_start3A_522] : memref<2x!tpu.dma_semaphore, #tpu.memory_space<semaphore_mem>> -> memref<1x!tpu.dma_semaphore, #tpu.memory_space<semaphore_mem>>
    %dma_start3A_533 = tpu.memref_squeeze %dma_start3A_532 : memref<1x!tpu.dma_semaphore, #tpu.memory_space<semaphore_mem>> -> memref<!tpu.dma_semaphore, #tpu.memory_space<semaphore_mem>>
    tpu.enqueue_indirect_dma source(%dma_start3A_531 : memref<65536x32xf32, #tpu.memory_space<hbm>>) target(%dma_start3A_525 : memref<128x32xf32, #tpu.memory_space<vmem>>) offsets(%dma_start3A_528 : memref<128xi32, #tpu.memory_space<vmem>>) semaphore(%dma_start3A_533 : memref<!tpu.dma_semaphore, #tpu.memory_space<semaphore_mem>>)
    %dma_start3A_534 = arith.constant 2 : i32
    %dma_start3A_535 = arith.constant 0 : i32
    %dma_start3A_536 = arith.constant 256 : i32
    %dma_start3A_537 = arith.constant 0 : i32
    %dma_start3A_538 = tpu.memref_slice %arg11[%dma_start3A_536, %dma_start3A_537] : memref<1024x32xf32, #tpu.memory_space<vmem>> -> memref<128x32xf32, #tpu.memory_space<vmem>>
    %dma_start3A_539 = arith.constant 0 : i32
    %dma_start3A_540 = tpu.memref_slice %arg9[%dma_start3A_534, %dma_start3A_539] : memref<16x128xi32, #tpu.memory_space<vmem>> -> memref<1x128xi32, #tpu.memory_space<vmem>>
    %dma_start3A_541 = tpu.memref_squeeze %dma_start3A_540 : memref<1x128xi32, #tpu.memory_space<vmem>> -> memref<128xi32, #tpu.memory_space<vmem>>
    %dma_start3A_542 = arith.constant 0 : i32
    %dma_start3A_543 = arith.constant 0 : i32
    %dma_start3A_544 = tpu.memref_slice %arg3[%dma_start3A_542, %dma_start3A_543] : memref<65536x32xf32, #tpu.memory_space<hbm>> -> memref<65536x32xf32, #tpu.memory_space<hbm>>
    %dma_start3A_545 = tpu.memref_slice %arg15[%dma_start3A_535] : memref<2x!tpu.dma_semaphore, #tpu.memory_space<semaphore_mem>> -> memref<1x!tpu.dma_semaphore, #tpu.memory_space<semaphore_mem>>
    %dma_start3A_546 = tpu.memref_squeeze %dma_start3A_545 : memref<1x!tpu.dma_semaphore, #tpu.memory_space<semaphore_mem>> -> memref<!tpu.dma_semaphore, #tpu.memory_space<semaphore_mem>>
    tpu.enqueue_indirect_dma source(%dma_start3A_544 : memref<65536x32xf32, #tpu.memory_space<hbm>>) target(%dma_start3A_538 : memref<128x32xf32, #tpu.memory_space<vmem>>) offsets(%dma_start3A_541 : memref<128xi32, #tpu.memory_space<vmem>>) semaphore(%dma_start3A_546 : memref<!tpu.dma_semaphore, #tpu.memory_space<semaphore_mem>>)
    %dma_start3A_547 = arith.constant 3 : i32
    %dma_start3A_548 = arith.constant 0 : i32
    %dma_start3A_549 = arith.constant 384 : i32
    %dma_start3A_550 = arith.constant 0 : i32
    %dma_start3A_551 = tpu.memref_slice %arg11[%dma_start3A_549, %dma_start3A_550] : memref<1024x32xf32, #tpu.memory_space<vmem>> -> memref<128x32xf32, #tpu.memory_space<vmem>>
    %dma_start3A_552 = arith.constant 0 : i32
    %dma_start3A_553 = tpu.memref_slice %arg9[%dma_start3A_547, %dma_start3A_552] : memref<16x128xi32, #tpu.memory_space<vmem>> -> memref<1x128xi32, #tpu.memory_space<vmem>>
    %dma_start3A_554 = tpu.memref_squeeze %dma_start3A_553 : memref<1x128xi32, #tpu.memory_space<vmem>> -> memref<128xi32, #tpu.memory_space<vmem>>
    %dma_start3A_555 = arith.constant 0 : i32
    %dma_start3A_556 = arith.constant 0 : i32
    %dma_start3A_557 = tpu.memref_slice %arg3[%dma_start3A_555, %dma_start3A_556] : memref<65536x32xf32, #tpu.memory_space<hbm>> -> memref<65536x32xf32, #tpu.memory_space<hbm>>
    %dma_start3A_558 = tpu.memref_slice %arg15[%dma_start3A_548] : memref<2x!tpu.dma_semaphore, #tpu.memory_space<semaphore_mem>> -> memref<1x!tpu.dma_semaphore, #tpu.memory_space<semaphore_mem>>
    %dma_start3A_559 = tpu.memref_squeeze %dma_start3A_558 : memref<1x!tpu.dma_semaphore, #tpu.memory_space<semaphore_mem>> -> memref<!tpu.dma_semaphore, #tpu.memory_space<semaphore_mem>>
    tpu.enqueue_indirect_dma source(%dma_start3A_557 : memref<65536x32xf32, #tpu.memory_space<hbm>>) target(%dma_start3A_551 : memref<128x32xf32, #tpu.memory_space<vmem>>) offsets(%dma_start3A_554 : memref<128xi32, #tpu.memory_space<vmem>>) semaphore(%dma_start3A_559 : memref<!tpu.dma_semaphore, #tpu.memory_space<semaphore_mem>>)
    %dma_start3A_560 = arith.constant 0 : i32
    %dma_start3A_561 = arith.constant 8 : i32
    %dma_start3A_562 = arith.constant 8 : i32
    %dma_start3A_563 = arith.constant 2 : i32
    %dma_start3A_564 = arith.constant 0 : i32
    %dma_start3A_565 = tpu.memref_slice %arg9[%dma_start3A_562, %dma_start3A_564] : memref<16x128xi32, #tpu.memory_space<vmem>> -> memref<1x128xi32, #tpu.memory_space<vmem>>
    %dma_start3A_566 = tpu.memref_squeeze %dma_start3A_565 : memref<1x128xi32, #tpu.memory_space<vmem>> -> memref<128xi32, #tpu.memory_space<vmem>>
    %dma_start3A_567 = arith.constant 0 : i32
    %dma_start3A_568 = tpu.memref_slice %arg8[%dma_start3A_561, %dma_start3A_567] : memref<16x128xi32, #tpu.memory_space<vmem>> -> memref<1x128xi32, #tpu.memory_space<vmem>>
    %dma_start3A_569 = tpu.memref_squeeze %dma_start3A_568 : memref<1x128xi32, #tpu.memory_space<vmem>> -> memref<128xi32, #tpu.memory_space<vmem>>
    %dma_start3A_570 = arith.constant 0 : i32
    %dma_start3A_571 = tpu.memref_slice %arg5[%dma_start3A_560, %dma_start3A_570] : memref<4x1000000xi32, #tpu.memory_space<hbm>> -> memref<1x1000000xi32, #tpu.memory_space<hbm>>
    %dma_start3A_572 = tpu.memref_squeeze %dma_start3A_571 : memref<1x1000000xi32, #tpu.memory_space<hbm>> -> memref<1000000xi32, #tpu.memory_space<hbm>>
    %dma_start3A_573 = arith.constant 0 : i32
    %dma_start3A_574 = tpu.memref_slice %dma_start3A_572[%dma_start3A_573] : memref<1000000xi32, #tpu.memory_space<hbm>> -> memref<1000000xi32, #tpu.memory_space<hbm>>
    %dma_start3A_575 = tpu.memref_slice %arg14[%dma_start3A_563] : memref<4x!tpu.dma_semaphore, #tpu.memory_space<semaphore_mem>> -> memref<1x!tpu.dma_semaphore, #tpu.memory_space<semaphore_mem>>
    %dma_start3A_576 = tpu.memref_squeeze %dma_start3A_575 : memref<1x!tpu.dma_semaphore, #tpu.memory_space<semaphore_mem>> -> memref<!tpu.dma_semaphore, #tpu.memory_space<semaphore_mem>>
    tpu.enqueue_indirect_dma source(%dma_start3A_574 : memref<1000000xi32, #tpu.memory_space<hbm>>) target(%dma_start3A_566 : memref<128xi32, #tpu.memory_space<vmem>>) offsets(%dma_start3A_569 : memref<128xi32, #tpu.memory_space<vmem>>) semaphore(%dma_start3A_576 : memref<!tpu.dma_semaphore, #tpu.memory_space<semaphore_mem>>)
    %dma_start3A_577 = arith.constant 0 : i32
    %dma_start3A_578 = arith.constant 8 : i32
    %dma_start3A_579 = arith.constant 8 : i32
    %dma_start3A_580 = arith.constant 2 : i32
    %dma_start3A_581 = arith.constant 0 : i32
    %dma_start3A_582 = tpu.memref_slice %arg10[%dma_start3A_579, %dma_start3A_581] : memref<16x128xf32, #tpu.memory_space<vmem>> -> memref<1x128xf32, #tpu.memory_space<vmem>>
    %dma_start3A_583 = tpu.memref_squeeze %dma_start3A_582 : memref<1x128xf32, #tpu.memory_space<vmem>> -> memref<128xf32, #tpu.memory_space<vmem>>
    %dma_start3A_584 = arith.constant 0 : i32
    %dma_start3A_585 = tpu.memref_slice %arg8[%dma_start3A_578, %dma_start3A_584] : memref<16x128xi32, #tpu.memory_space<vmem>> -> memref<1x128xi32, #tpu.memory_space<vmem>>
    %dma_start3A_586 = tpu.memref_squeeze %dma_start3A_585 : memref<1x128xi32, #tpu.memory_space<vmem>> -> memref<128xi32, #tpu.memory_space<vmem>>
    %dma_start3A_587 = arith.constant 0 : i32
    %dma_start3A_588 = tpu.memref_slice %arg4[%dma_start3A_577, %dma_start3A_587] : memref<4x1000000xf32, #tpu.memory_space<hbm>> -> memref<1x1000000xf32, #tpu.memory_space<hbm>>
    %dma_start3A_589 = tpu.memref_squeeze %dma_start3A_588 : memref<1x1000000xf32, #tpu.memory_space<hbm>> -> memref<1000000xf32, #tpu.memory_space<hbm>>
    %dma_start3A_590 = arith.constant 0 : i32
    %dma_start3A_591 = tpu.memref_slice %dma_start3A_589[%dma_start3A_590] : memref<1000000xf32, #tpu.memory_space<hbm>> -> memref<1000000xf32, #tpu.memory_space<hbm>>
    %dma_start3A_592 = tpu.memref_slice %arg14[%dma_start3A_580] : memref<4x!tpu.dma_semaphore, #tpu.memory_space<semaphore_mem>> -> memref<1x!tpu.dma_semaphore, #tpu.memory_space<semaphore_mem>>
    %dma_start3A_593 = tpu.memref_squeeze %dma_start3A_592 : memref<1x!tpu.dma_semaphore, #tpu.memory_space<semaphore_mem>> -> memref<!tpu.dma_semaphore, #tpu.memory_space<semaphore_mem>>
    tpu.enqueue_indirect_dma source(%dma_start3A_591 : memref<1000000xf32, #tpu.memory_space<hbm>>) target(%dma_start3A_583 : memref<128xf32, #tpu.memory_space<vmem>>) offsets(%dma_start3A_586 : memref<128xi32, #tpu.memory_space<vmem>>) semaphore(%dma_start3A_593 : memref<!tpu.dma_semaphore, #tpu.memory_space<semaphore_mem>>)
    %dma_start3A_594 = arith.constant 1 : i32
    %dma_start3A_595 = arith.constant 9 : i32
    %dma_start3A_596 = arith.constant 9 : i32
    %dma_start3A_597 = arith.constant 2 : i32
    %dma_start3A_598 = arith.constant 0 : i32
    %dma_start3A_599 = tpu.memref_slice %arg9[%dma_start3A_596, %dma_start3A_598] : memref<16x128xi32, #tpu.memory_space<vmem>> -> memref<1x128xi32, #tpu.memory_space<vmem>>
    %dma_start3A_600 = tpu.memref_squeeze %dma_start3A_599 : memref<1x128xi32, #tpu.memory_space<vmem>> -> memref<128xi32, #tpu.memory_space<vmem>>
    %dma_start3A_601 = arith.constant 0 : i32
    %dma_start3A_602 = tpu.memref_slice %arg8[%dma_start3A_595, %dma_start3A_601] : memref<16x128xi32, #tpu.memory_space<vmem>> -> memref<1x128xi32, #tpu.memory_space<vmem>>
    %dma_start3A_603 = tpu.memref_squeeze %dma_start3A_602 : memref<1x128xi32, #tpu.memory_space<vmem>> -> memref<128xi32, #tpu.memory_space<vmem>>
    %dma_start3A_604 = arith.constant 0 : i32
    %dma_start3A_605 = tpu.memref_slice %arg5[%dma_start3A_594, %dma_start3A_604] : memref<4x1000000xi32, #tpu.memory_space<hbm>> -> memref<1x1000000xi32, #tpu.memory_space<hbm>>
    %dma_start3A_606 = tpu.memref_squeeze %dma_start3A_605 : memref<1x1000000xi32, #tpu.memory_space<hbm>> -> memref<1000000xi32, #tpu.memory_space<hbm>>
    %dma_start3A_607 = arith.constant 0 : i32
    %dma_start3A_608 = tpu.memref_slice %dma_start3A_606[%dma_start3A_607] : memref<1000000xi32, #tpu.memory_space<hbm>> -> memref<1000000xi32, #tpu.memory_space<hbm>>
    %dma_start3A_609 = tpu.memref_slice %arg14[%dma_start3A_597] : memref<4x!tpu.dma_semaphore, #tpu.memory_space<semaphore_mem>> -> memref<1x!tpu.dma_semaphore, #tpu.memory_space<semaphore_mem>>
    %dma_start3A_610 = tpu.memref_squeeze %dma_start3A_609 : memref<1x!tpu.dma_semaphore, #tpu.memory_space<semaphore_mem>> -> memref<!tpu.dma_semaphore, #tpu.memory_space<semaphore_mem>>
    tpu.enqueue_indirect_dma source(%dma_start3A_608 : memref<1000000xi32, #tpu.memory_space<hbm>>) target(%dma_start3A_600 : memref<128xi32, #tpu.memory_space<vmem>>) offsets(%dma_start3A_603 : memref<128xi32, #tpu.memory_space<vmem>>) semaphore(%dma_start3A_610 : memref<!tpu.dma_semaphore, #tpu.memory_space<semaphore_mem>>)
    %dma_start3A_611 = arith.constant 1 : i32
    %dma_start3A_612 = arith.constant 9 : i32
    %dma_start3A_613 = arith.constant 9 : i32
    %dma_start3A_614 = arith.constant 2 : i32
    %dma_start3A_615 = arith.constant 0 : i32
    %dma_start3A_616 = tpu.memref_slice %arg10[%dma_start3A_613, %dma_start3A_615] : memref<16x128xf32, #tpu.memory_space<vmem>> -> memref<1x128xf32, #tpu.memory_space<vmem>>
    %dma_start3A_617 = tpu.memref_squeeze %dma_start3A_616 : memref<1x128xf32, #tpu.memory_space<vmem>> -> memref<128xf32, #tpu.memory_space<vmem>>
    %dma_start3A_618 = arith.constant 0 : i32
    %dma_start3A_619 = tpu.memref_slice %arg8[%dma_start3A_612, %dma_start3A_618] : memref<16x128xi32, #tpu.memory_space<vmem>> -> memref<1x128xi32, #tpu.memory_space<vmem>>
    %dma_start3A_620 = tpu.memref_squeeze %dma_start3A_619 : memref<1x128xi32, #tpu.memory_space<vmem>> -> memref<128xi32, #tpu.memory_space<vmem>>
    %dma_start3A_621 = arith.constant 0 : i32
    %dma_start3A_622 = tpu.memref_slice %arg4[%dma_start3A_611, %dma_start3A_621] : memref<4x1000000xf32, #tpu.memory_space<hbm>> -> memref<1x1000000xf32, #tpu.memory_space<hbm>>
    %dma_start3A_623 = tpu.memref_squeeze %dma_start3A_622 : memref<1x1000000xf32, #tpu.memory_space<hbm>> -> memref<1000000xf32, #tpu.memory_space<hbm>>
    %dma_start3A_624 = arith.constant 0 : i32
    %dma_start3A_625 = tpu.memref_slice %dma_start3A_623[%dma_start3A_624] : memref<1000000xf32, #tpu.memory_space<hbm>> -> memref<1000000xf32, #tpu.memory_space<hbm>>
    %dma_start3A_626 = tpu.memref_slice %arg14[%dma_start3A_614] : memref<4x!tpu.dma_semaphore, #tpu.memory_space<semaphore_mem>> -> memref<1x!tpu.dma_semaphore, #tpu.memory_space<semaphore_mem>>
    %dma_start3A_627 = tpu.memref_squeeze %dma_start3A_626 : memref<1x!tpu.dma_semaphore, #tpu.memory_space<semaphore_mem>> -> memref<!tpu.dma_semaphore, #tpu.memory_space<semaphore_mem>>
    tpu.enqueue_indirect_dma source(%dma_start3A_625 : memref<1000000xf32, #tpu.memory_space<hbm>>) target(%dma_start3A_617 : memref<128xf32, #tpu.memory_space<vmem>>) offsets(%dma_start3A_620 : memref<128xi32, #tpu.memory_space<vmem>>) semaphore(%dma_start3A_627 : memref<!tpu.dma_semaphore, #tpu.memory_space<semaphore_mem>>)
    %dma_start3A_628 = arith.constant 2 : i32
    %dma_start3A_629 = arith.constant 10 : i32
    %dma_start3A_630 = arith.constant 10 : i32
    %dma_start3A_631 = arith.constant 2 : i32
    %dma_start3A_632 = arith.constant 0 : i32
    %dma_start3A_633 = tpu.memref_slice %arg9[%dma_start3A_630, %dma_start3A_632] : memref<16x128xi32, #tpu.memory_space<vmem>> -> memref<1x128xi32, #tpu.memory_space<vmem>>
    %dma_start3A_634 = tpu.memref_squeeze %dma_start3A_633 : memref<1x128xi32, #tpu.memory_space<vmem>> -> memref<128xi32, #tpu.memory_space<vmem>>
    %dma_start3A_635 = arith.constant 0 : i32
    %dma_start3A_636 = tpu.memref_slice %arg8[%dma_start3A_629, %dma_start3A_635] : memref<16x128xi32, #tpu.memory_space<vmem>> -> memref<1x128xi32, #tpu.memory_space<vmem>>
    %dma_start3A_637 = tpu.memref_squeeze %dma_start3A_636 : memref<1x128xi32, #tpu.memory_space<vmem>> -> memref<128xi32, #tpu.memory_space<vmem>>
    %dma_start3A_638 = arith.constant 0 : i32
    %dma_start3A_639 = tpu.memref_slice %arg5[%dma_start3A_628, %dma_start3A_638] : memref<4x1000000xi32, #tpu.memory_space<hbm>> -> memref<1x1000000xi32, #tpu.memory_space<hbm>>
    %dma_start3A_640 = tpu.memref_squeeze %dma_start3A_639 : memref<1x1000000xi32, #tpu.memory_space<hbm>> -> memref<1000000xi32, #tpu.memory_space<hbm>>
    %dma_start3A_641 = arith.constant 0 : i32
    %dma_start3A_642 = tpu.memref_slice %dma_start3A_640[%dma_start3A_641] : memref<1000000xi32, #tpu.memory_space<hbm>> -> memref<1000000xi32, #tpu.memory_space<hbm>>
    %dma_start3A_643 = tpu.memref_slice %arg14[%dma_start3A_631] : memref<4x!tpu.dma_semaphore, #tpu.memory_space<semaphore_mem>> -> memref<1x!tpu.dma_semaphore, #tpu.memory_space<semaphore_mem>>
    %dma_start3A_644 = tpu.memref_squeeze %dma_start3A_643 : memref<1x!tpu.dma_semaphore, #tpu.memory_space<semaphore_mem>> -> memref<!tpu.dma_semaphore, #tpu.memory_space<semaphore_mem>>
    tpu.enqueue_indirect_dma source(%dma_start3A_642 : memref<1000000xi32, #tpu.memory_space<hbm>>) target(%dma_start3A_634 : memref<128xi32, #tpu.memory_space<vmem>>) offsets(%dma_start3A_637 : memref<128xi32, #tpu.memory_space<vmem>>) semaphore(%dma_start3A_644 : memref<!tpu.dma_semaphore, #tpu.memory_space<semaphore_mem>>)
    %dma_start3A_645 = arith.constant 2 : i32
    %dma_start3A_646 = arith.constant 10 : i32
    %dma_start3A_647 = arith.constant 10 : i32
    %dma_start3A_648 = arith.constant 2 : i32
    %dma_start3A_649 = arith.constant 0 : i32
    %dma_start3A_650 = tpu.memref_slice %arg10[%dma_start3A_647, %dma_start3A_649] : memref<16x128xf32, #tpu.memory_space<vmem>> -> memref<1x128xf32, #tpu.memory_space<vmem>>
    %dma_start3A_651 = tpu.memref_squeeze %dma_start3A_650 : memref<1x128xf32, #tpu.memory_space<vmem>> -> memref<128xf32, #tpu.memory_space<vmem>>
    %dma_start3A_652 = arith.constant 0 : i32
    %dma_start3A_653 = tpu.memref_slice %arg8[%dma_start3A_646, %dma_start3A_652] : memref<16x128xi32, #tpu.memory_space<vmem>> -> memref<1x128xi32, #tpu.memory_space<vmem>>
    %dma_start3A_654 = tpu.memref_squeeze %dma_start3A_653 : memref<1x128xi32, #tpu.memory_space<vmem>> -> memref<128xi32, #tpu.memory_space<vmem>>
    %dma_start3A_655 = arith.constant 0 : i32
    %dma_start3A_656 = tpu.memref_slice %arg4[%dma_start3A_645, %dma_start3A_655] : memref<4x1000000xf32, #tpu.memory_space<hbm>> -> memref<1x1000000xf32, #tpu.memory_space<hbm>>
    %dma_start3A_657 = tpu.memref_squeeze %dma_start3A_656 : memref<1x1000000xf32, #tpu.memory_space<hbm>> -> memref<1000000xf32, #tpu.memory_space<hbm>>
    %dma_start3A_658 = arith.constant 0 : i32
    %dma_start3A_659 = tpu.memref_slice %dma_start3A_657[%dma_start3A_658] : memref<1000000xf32, #tpu.memory_space<hbm>> -> memref<1000000xf32, #tpu.memory_space<hbm>>
    %dma_start3A_660 = tpu.memref_slice %arg14[%dma_start3A_648] : memref<4x!tpu.dma_semaphore, #tpu.memory_space<semaphore_mem>> -> memref<1x!tpu.dma_semaphore, #tpu.memory_space<semaphore_mem>>
    %dma_start3A_661 = tpu.memref_squeeze %dma_start3A_660 : memref<1x!tpu.dma_semaphore, #tpu.memory_space<semaphore_mem>> -> memref<!tpu.dma_semaphore, #tpu.memory_space<semaphore_mem>>
    tpu.enqueue_indirect_dma source(%dma_start3A_659 : memref<1000000xf32, #tpu.memory_space<hbm>>) target(%dma_start3A_651 : memref<128xf32, #tpu.memory_space<vmem>>) offsets(%dma_start3A_654 : memref<128xi32, #tpu.memory_space<vmem>>) semaphore(%dma_start3A_661 : memref<!tpu.dma_semaphore, #tpu.memory_space<semaphore_mem>>)
    %dma_start3A_662 = arith.constant 3 : i32
    %dma_start3A_663 = arith.constant 11 : i32
    %dma_start3A_664 = arith.constant 11 : i32
    %dma_start3A_665 = arith.constant 2 : i32
    %dma_start3A_666 = arith.constant 0 : i32
    %dma_start3A_667 = tpu.memref_slice %arg9[%dma_start3A_664, %dma_start3A_666] : memref<16x128xi32, #tpu.memory_space<vmem>> -> memref<1x128xi32, #tpu.memory_space<vmem>>
    %dma_start3A_668 = tpu.memref_squeeze %dma_start3A_667 : memref<1x128xi32, #tpu.memory_space<vmem>> -> memref<128xi32, #tpu.memory_space<vmem>>
    %dma_start3A_669 = arith.constant 0 : i32
    %dma_start3A_670 = tpu.memref_slice %arg8[%dma_start3A_663, %dma_start3A_669] : memref<16x128xi32, #tpu.memory_space<vmem>> -> memref<1x128xi32, #tpu.memory_space<vmem>>
    %dma_start3A_671 = tpu.memref_squeeze %dma_start3A_670 : memref<1x128xi32, #tpu.memory_space<vmem>> -> memref<128xi32, #tpu.memory_space<vmem>>
    %dma_start3A_672 = arith.constant 0 : i32
    %dma_start3A_673 = tpu.memref_slice %arg5[%dma_start3A_662, %dma_start3A_672] : memref<4x1000000xi32, #tpu.memory_space<hbm>> -> memref<1x1000000xi32, #tpu.memory_space<hbm>>
    %dma_start3A_674 = tpu.memref_squeeze %dma_start3A_673 : memref<1x1000000xi32, #tpu.memory_space<hbm>> -> memref<1000000xi32, #tpu.memory_space<hbm>>
    %dma_start3A_675 = arith.constant 0 : i32
    %dma_start3A_676 = tpu.memref_slice %dma_start3A_674[%dma_start3A_675] : memref<1000000xi32, #tpu.memory_space<hbm>> -> memref<1000000xi32, #tpu.memory_space<hbm>>
    %dma_start3A_677 = tpu.memref_slice %arg14[%dma_start3A_665] : memref<4x!tpu.dma_semaphore, #tpu.memory_space<semaphore_mem>> -> memref<1x!tpu.dma_semaphore, #tpu.memory_space<semaphore_mem>>
    %dma_start3A_678 = tpu.memref_squeeze %dma_start3A_677 : memref<1x!tpu.dma_semaphore, #tpu.memory_space<semaphore_mem>> -> memref<!tpu.dma_semaphore, #tpu.memory_space<semaphore_mem>>
    tpu.enqueue_indirect_dma source(%dma_start3A_676 : memref<1000000xi32, #tpu.memory_space<hbm>>) target(%dma_start3A_668 : memref<128xi32, #tpu.memory_space<vmem>>) offsets(%dma_start3A_671 : memref<128xi32, #tpu.memory_space<vmem>>) semaphore(%dma_start3A_678 : memref<!tpu.dma_semaphore, #tpu.memory_space<semaphore_mem>>)
    %dma_start3A_679 = arith.constant 3 : i32
    %dma_start3A_680 = arith.constant 11 : i32
    %dma_start3A_681 = arith.constant 11 : i32
    %dma_start3A_682 = arith.constant 2 : i32
    %dma_start3A_683 = arith.constant 0 : i32
    %dma_start3A_684 = tpu.memref_slice %arg10[%dma_start3A_681, %dma_start3A_683] : memref<16x128xf32, #tpu.memory_space<vmem>> -> memref<1x128xf32, #tpu.memory_space<vmem>>
    %dma_start3A_685 = tpu.memref_squeeze %dma_start3A_684 : memref<1x128xf32, #tpu.memory_space<vmem>> -> memref<128xf32, #tpu.memory_space<vmem>>
    %dma_start3A_686 = arith.constant 0 : i32
    %dma_start3A_687 = tpu.memref_slice %arg8[%dma_start3A_680, %dma_start3A_686] : memref<16x128xi32, #tpu.memory_space<vmem>> -> memref<1x128xi32, #tpu.memory_space<vmem>>
    %dma_start3A_688 = tpu.memref_squeeze %dma_start3A_687 : memref<1x128xi32, #tpu.memory_space<vmem>> -> memref<128xi32, #tpu.memory_space<vmem>>
    %dma_start3A_689 = arith.constant 0 : i32
    %dma_start3A_690 = tpu.memref_slice %arg4[%dma_start3A_679, %dma_start3A_689] : memref<4x1000000xf32, #tpu.memory_space<hbm>> -> memref<1x1000000xf32, #tpu.memory_space<hbm>>
    %dma_start3A_691 = tpu.memref_squeeze %dma_start3A_690 : memref<1x1000000xf32, #tpu.memory_space<hbm>> -> memref<1000000xf32, #tpu.memory_space<hbm>>
    %dma_start3A_692 = arith.constant 0 : i32
    %dma_start3A_693 = tpu.memref_slice %dma_start3A_691[%dma_start3A_692] : memref<1000000xf32, #tpu.memory_space<hbm>> -> memref<1000000xf32, #tpu.memory_space<hbm>>
    %dma_start3A_694 = tpu.memref_slice %arg14[%dma_start3A_682] : memref<4x!tpu.dma_semaphore, #tpu.memory_space<semaphore_mem>> -> memref<1x!tpu.dma_semaphore, #tpu.memory_space<semaphore_mem>>
    %dma_start3A_695 = tpu.memref_squeeze %dma_start3A_694 : memref<1x!tpu.dma_semaphore, #tpu.memory_space<semaphore_mem>> -> memref<!tpu.dma_semaphore, #tpu.memory_space<semaphore_mem>>
    tpu.enqueue_indirect_dma source(%dma_start3A_693 : memref<1000000xf32, #tpu.memory_space<hbm>>) target(%dma_start3A_685 : memref<128xf32, #tpu.memory_space<vmem>>) offsets(%dma_start3A_688 : memref<128xi32, #tpu.memory_space<vmem>>) semaphore(%dma_start3A_695 : memref<!tpu.dma_semaphore, #tpu.memory_space<semaphore_mem>>)
    %dma_wait3A_696 = arith.constant 0 : i32
    %dma_wait3A_697 = arith.constant 0 : i32
    %dma_wait3A_698 = arith.constant 0 : i32
    %dma_wait3A_699 = arith.constant 0 : i32
    %dma_wait3A_700 = tpu.memref_slice %arg11[%dma_wait3A_698, %dma_wait3A_699] : memref<1024x32xf32, #tpu.memory_space<vmem>> -> memref<128x32xf32, #tpu.memory_space<vmem>>
    %dma_wait3A_701 = arith.constant 0 : i32
    %dma_wait3A_702 = tpu.memref_slice %arg9[%dma_wait3A_696, %dma_wait3A_701] : memref<16x128xi32, #tpu.memory_space<vmem>> -> memref<1x128xi32, #tpu.memory_space<vmem>>
    %dma_wait3A_703 = tpu.memref_squeeze %dma_wait3A_702 : memref<1x128xi32, #tpu.memory_space<vmem>> -> memref<128xi32, #tpu.memory_space<vmem>>
    %dma_wait3A_704 = arith.constant 0 : i32
    %dma_wait3A_705 = arith.constant 0 : i32
    %dma_wait3A_706 = tpu.memref_slice %arg3[%dma_wait3A_704, %dma_wait3A_705] : memref<65536x32xf32, #tpu.memory_space<hbm>> -> memref<65536x32xf32, #tpu.memory_space<hbm>>
    %dma_wait3A_707 = tpu.memref_slice %arg15[%dma_wait3A_697] : memref<2x!tpu.dma_semaphore, #tpu.memory_space<semaphore_mem>> -> memref<1x!tpu.dma_semaphore, #tpu.memory_space<semaphore_mem>>
    %dma_wait3A_708 = tpu.memref_squeeze %dma_wait3A_707 : memref<1x!tpu.dma_semaphore, #tpu.memory_space<semaphore_mem>> -> memref<!tpu.dma_semaphore, #tpu.memory_space<semaphore_mem>>
    tpu.wait_indirect_dma semaphore(%dma_wait3A_708 : memref<!tpu.dma_semaphore, #tpu.memory_space<semaphore_mem>>) src(%dma_wait3A_706 : memref<65536x32xf32, #tpu.memory_space<hbm>>) dst(%dma_wait3A_700 : memref<128x32xf32, #tpu.memory_space<vmem>>)
    %dma_wait3A_709 = arith.constant 1 : i32
    %dma_wait3A_710 = arith.constant 0 : i32
    %dma_wait3A_711 = arith.constant 128 : i32
    %dma_wait3A_712 = arith.constant 0 : i32
    %dma_wait3A_713 = tpu.memref_slice %arg11[%dma_wait3A_711, %dma_wait3A_712] : memref<1024x32xf32, #tpu.memory_space<vmem>> -> memref<128x32xf32, #tpu.memory_space<vmem>>
    %dma_wait3A_714 = arith.constant 0 : i32
    %dma_wait3A_715 = tpu.memref_slice %arg9[%dma_wait3A_709, %dma_wait3A_714] : memref<16x128xi32, #tpu.memory_space<vmem>> -> memref<1x128xi32, #tpu.memory_space<vmem>>
    %dma_wait3A_716 = tpu.memref_squeeze %dma_wait3A_715 : memref<1x128xi32, #tpu.memory_space<vmem>> -> memref<128xi32, #tpu.memory_space<vmem>>
    %dma_wait3A_717 = arith.constant 0 : i32
    %dma_wait3A_718 = arith.constant 0 : i32
    %dma_wait3A_719 = tpu.memref_slice %arg3[%dma_wait3A_717, %dma_wait3A_718] : memref<65536x32xf32, #tpu.memory_space<hbm>> -> memref<65536x32xf32, #tpu.memory_space<hbm>>
    %dma_wait3A_720 = tpu.memref_slice %arg15[%dma_wait3A_710] : memref<2x!tpu.dma_semaphore, #tpu.memory_space<semaphore_mem>> -> memref<1x!tpu.dma_semaphore, #tpu.memory_space<semaphore_mem>>
    %dma_wait3A_721 = tpu.memref_squeeze %dma_wait3A_720 : memref<1x!tpu.dma_semaphore, #tpu.memory_space<semaphore_mem>> -> memref<!tpu.dma_semaphore, #tpu.memory_space<semaphore_mem>>
    tpu.wait_indirect_dma semaphore(%dma_wait3A_721 : memref<!tpu.dma_semaphore, #tpu.memory_space<semaphore_mem>>) src(%dma_wait3A_719 : memref<65536x32xf32, #tpu.memory_space<hbm>>) dst(%dma_wait3A_713 : memref<128x32xf32, #tpu.memory_space<vmem>>)
    %dma_wait3A_722 = arith.constant 2 : i32
    %dma_wait3A_723 = arith.constant 0 : i32
    %dma_wait3A_724 = arith.constant 256 : i32
    %dma_wait3A_725 = arith.constant 0 : i32
    %dma_wait3A_726 = tpu.memref_slice %arg11[%dma_wait3A_724, %dma_wait3A_725] : memref<1024x32xf32, #tpu.memory_space<vmem>> -> memref<128x32xf32, #tpu.memory_space<vmem>>
    %dma_wait3A_727 = arith.constant 0 : i32
    %dma_wait3A_728 = tpu.memref_slice %arg9[%dma_wait3A_722, %dma_wait3A_727] : memref<16x128xi32, #tpu.memory_space<vmem>> -> memref<1x128xi32, #tpu.memory_space<vmem>>
    %dma_wait3A_729 = tpu.memref_squeeze %dma_wait3A_728 : memref<1x128xi32, #tpu.memory_space<vmem>> -> memref<128xi32, #tpu.memory_space<vmem>>
    %dma_wait3A_730 = arith.constant 0 : i32
    %dma_wait3A_731 = arith.constant 0 : i32
    %dma_wait3A_732 = tpu.memref_slice %arg3[%dma_wait3A_730, %dma_wait3A_731] : memref<65536x32xf32, #tpu.memory_space<hbm>> -> memref<65536x32xf32, #tpu.memory_space<hbm>>
    %dma_wait3A_733 = tpu.memref_slice %arg15[%dma_wait3A_723] : memref<2x!tpu.dma_semaphore, #tpu.memory_space<semaphore_mem>> -> memref<1x!tpu.dma_semaphore, #tpu.memory_space<semaphore_mem>>
    %dma_wait3A_734 = tpu.memref_squeeze %dma_wait3A_733 : memref<1x!tpu.dma_semaphore, #tpu.memory_space<semaphore_mem>> -> memref<!tpu.dma_semaphore, #tpu.memory_space<semaphore_mem>>
    tpu.wait_indirect_dma semaphore(%dma_wait3A_734 : memref<!tpu.dma_semaphore, #tpu.memory_space<semaphore_mem>>) src(%dma_wait3A_732 : memref<65536x32xf32, #tpu.memory_space<hbm>>) dst(%dma_wait3A_726 : memref<128x32xf32, #tpu.memory_space<vmem>>)
    %dma_wait3A_735 = arith.constant 3 : i32
    %dma_wait3A_736 = arith.constant 0 : i32
    %dma_wait3A_737 = arith.constant 384 : i32
    %dma_wait3A_738 = arith.constant 0 : i32
    %dma_wait3A_739 = tpu.memref_slice %arg11[%dma_wait3A_737, %dma_wait3A_738] : memref<1024x32xf32, #tpu.memory_space<vmem>> -> memref<128x32xf32, #tpu.memory_space<vmem>>
    %dma_wait3A_740 = arith.constant 0 : i32
    %dma_wait3A_741 = tpu.memref_slice %arg9[%dma_wait3A_735, %dma_wait3A_740] : memref<16x128xi32, #tpu.memory_space<vmem>> -> memref<1x128xi32, #tpu.memory_space<vmem>>
    %dma_wait3A_742 = tpu.memref_squeeze %dma_wait3A_741 : memref<1x128xi32, #tpu.memory_space<vmem>> -> memref<128xi32, #tpu.memory_space<vmem>>
    %dma_wait3A_743 = arith.constant 0 : i32
    %dma_wait3A_744 = arith.constant 0 : i32
    %dma_wait3A_745 = tpu.memref_slice %arg3[%dma_wait3A_743, %dma_wait3A_744] : memref<65536x32xf32, #tpu.memory_space<hbm>> -> memref<65536x32xf32, #tpu.memory_space<hbm>>
    %dma_wait3A_746 = tpu.memref_slice %arg15[%dma_wait3A_736] : memref<2x!tpu.dma_semaphore, #tpu.memory_space<semaphore_mem>> -> memref<1x!tpu.dma_semaphore, #tpu.memory_space<semaphore_mem>>
    %dma_wait3A_747 = tpu.memref_squeeze %dma_wait3A_746 : memref<1x!tpu.dma_semaphore, #tpu.memory_space<semaphore_mem>> -> memref<!tpu.dma_semaphore, #tpu.memory_space<semaphore_mem>>
    tpu.wait_indirect_dma semaphore(%dma_wait3A_747 : memref<!tpu.dma_semaphore, #tpu.memory_space<semaphore_mem>>) src(%dma_wait3A_745 : memref<65536x32xf32, #tpu.memory_space<hbm>>) dst(%dma_wait3A_739 : memref<128x32xf32, #tpu.memory_space<vmem>>)
    %dma_wait3A_748 = arith.constant 0 : i32
    %dma_wait3A_749 = arith.constant 4 : i32
    %dma_wait3A_750 = arith.constant 4 : i32
    %dma_wait3A_751 = arith.constant 1 : i32
    %dma_wait3A_752 = arith.constant 0 : i32
    %dma_wait3A_753 = tpu.memref_slice %arg9[%dma_wait3A_750, %dma_wait3A_752] : memref<16x128xi32, #tpu.memory_space<vmem>> -> memref<1x128xi32, #tpu.memory_space<vmem>>
    %dma_wait3A_754 = tpu.memref_squeeze %dma_wait3A_753 : memref<1x128xi32, #tpu.memory_space<vmem>> -> memref<128xi32, #tpu.memory_space<vmem>>
    %dma_wait3A_755 = arith.constant 0 : i32
    %dma_wait3A_756 = tpu.memref_slice %arg8[%dma_wait3A_749, %dma_wait3A_755] : memref<16x128xi32, #tpu.memory_space<vmem>> -> memref<1x128xi32, #tpu.memory_space<vmem>>
    %dma_wait3A_757 = tpu.memref_squeeze %dma_wait3A_756 : memref<1x128xi32, #tpu.memory_space<vmem>> -> memref<128xi32, #tpu.memory_space<vmem>>
    %dma_wait3A_758 = arith.constant 0 : i32
    %dma_wait3A_759 = tpu.memref_slice %arg5[%dma_wait3A_748, %dma_wait3A_758] : memref<4x1000000xi32, #tpu.memory_space<hbm>> -> memref<1x1000000xi32, #tpu.memory_space<hbm>>
    %dma_wait3A_760 = tpu.memref_squeeze %dma_wait3A_759 : memref<1x1000000xi32, #tpu.memory_space<hbm>> -> memref<1000000xi32, #tpu.memory_space<hbm>>
    %dma_wait3A_761 = arith.constant 0 : i32
    %dma_wait3A_762 = tpu.memref_slice %dma_wait3A_760[%dma_wait3A_761] : memref<1000000xi32, #tpu.memory_space<hbm>> -> memref<1000000xi32, #tpu.memory_space<hbm>>
    %dma_wait3A_763 = tpu.memref_slice %arg14[%dma_wait3A_751] : memref<4x!tpu.dma_semaphore, #tpu.memory_space<semaphore_mem>> -> memref<1x!tpu.dma_semaphore, #tpu.memory_space<semaphore_mem>>
    %dma_wait3A_764 = tpu.memref_squeeze %dma_wait3A_763 : memref<1x!tpu.dma_semaphore, #tpu.memory_space<semaphore_mem>> -> memref<!tpu.dma_semaphore, #tpu.memory_space<semaphore_mem>>
    tpu.wait_indirect_dma semaphore(%dma_wait3A_764 : memref<!tpu.dma_semaphore, #tpu.memory_space<semaphore_mem>>) src(%dma_wait3A_762 : memref<1000000xi32, #tpu.memory_space<hbm>>) dst(%dma_wait3A_754 : memref<128xi32, #tpu.memory_space<vmem>>)
    %dma_wait3A_765 = arith.constant 0 : i32
    %dma_wait3A_766 = arith.constant 4 : i32
    %dma_wait3A_767 = arith.constant 4 : i32
    %dma_wait3A_768 = arith.constant 1 : i32
    %dma_wait3A_769 = arith.constant 0 : i32
    %dma_wait3A_770 = tpu.memref_slice %arg10[%dma_wait3A_767, %dma_wait3A_769] : memref<16x128xf32, #tpu.memory_space<vmem>> -> memref<1x128xf32, #tpu.memory_space<vmem>>
    %dma_wait3A_771 = tpu.memref_squeeze %dma_wait3A_770 : memref<1x128xf32, #tpu.memory_space<vmem>> -> memref<128xf32, #tpu.memory_space<vmem>>
    %dma_wait3A_772 = arith.constant 0 : i32
    %dma_wait3A_773 = tpu.memref_slice %arg8[%dma_wait3A_766, %dma_wait3A_772] : memref<16x128xi32, #tpu.memory_space<vmem>> -> memref<1x128xi32, #tpu.memory_space<vmem>>
    %dma_wait3A_774 = tpu.memref_squeeze %dma_wait3A_773 : memref<1x128xi32, #tpu.memory_space<vmem>> -> memref<128xi32, #tpu.memory_space<vmem>>
    %dma_wait3A_775 = arith.constant 0 : i32
    %dma_wait3A_776 = tpu.memref_slice %arg4[%dma_wait3A_765, %dma_wait3A_775] : memref<4x1000000xf32, #tpu.memory_space<hbm>> -> memref<1x1000000xf32, #tpu.memory_space<hbm>>
    %dma_wait3A_777 = tpu.memref_squeeze %dma_wait3A_776 : memref<1x1000000xf32, #tpu.memory_space<hbm>> -> memref<1000000xf32, #tpu.memory_space<hbm>>
    %dma_wait3A_778 = arith.constant 0 : i32
    %dma_wait3A_779 = tpu.memref_slice %dma_wait3A_777[%dma_wait3A_778] : memref<1000000xf32, #tpu.memory_space<hbm>> -> memref<1000000xf32, #tpu.memory_space<hbm>>
    %dma_wait3A_780 = tpu.memref_slice %arg14[%dma_wait3A_768] : memref<4x!tpu.dma_semaphore, #tpu.memory_space<semaphore_mem>> -> memref<1x!tpu.dma_semaphore, #tpu.memory_space<semaphore_mem>>
    %dma_wait3A_781 = tpu.memref_squeeze %dma_wait3A_780 : memref<1x!tpu.dma_semaphore, #tpu.memory_space<semaphore_mem>> -> memref<!tpu.dma_semaphore, #tpu.memory_space<semaphore_mem>>
    tpu.wait_indirect_dma semaphore(%dma_wait3A_781 : memref<!tpu.dma_semaphore, #tpu.memory_space<semaphore_mem>>) src(%dma_wait3A_779 : memref<1000000xf32, #tpu.memory_space<hbm>>) dst(%dma_wait3A_771 : memref<128xf32, #tpu.memory_space<vmem>>)
    %dma_wait3A_782 = arith.constant 1 : i32
    %dma_wait3A_783 = arith.constant 5 : i32
    %dma_wait3A_784 = arith.constant 5 : i32
    %dma_wait3A_785 = arith.constant 1 : i32
    %dma_wait3A_786 = arith.constant 0 : i32
    %dma_wait3A_787 = tpu.memref_slice %arg9[%dma_wait3A_784, %dma_wait3A_786] : memref<16x128xi32, #tpu.memory_space<vmem>> -> memref<1x128xi32, #tpu.memory_space<vmem>>
    %dma_wait3A_788 = tpu.memref_squeeze %dma_wait3A_787 : memref<1x128xi32, #tpu.memory_space<vmem>> -> memref<128xi32, #tpu.memory_space<vmem>>
    %dma_wait3A_789 = arith.constant 0 : i32
    %dma_wait3A_790 = tpu.memref_slice %arg8[%dma_wait3A_783, %dma_wait3A_789] : memref<16x128xi32, #tpu.memory_space<vmem>> -> memref<1x128xi32, #tpu.memory_space<vmem>>
    %dma_wait3A_791 = tpu.memref_squeeze %dma_wait3A_790 : memref<1x128xi32, #tpu.memory_space<vmem>> -> memref<128xi32, #tpu.memory_space<vmem>>
    %dma_wait3A_792 = arith.constant 0 : i32
    %dma_wait3A_793 = tpu.memref_slice %arg5[%dma_wait3A_782, %dma_wait3A_792] : memref<4x1000000xi32, #tpu.memory_space<hbm>> -> memref<1x1000000xi32, #tpu.memory_space<hbm>>
    %dma_wait3A_794 = tpu.memref_squeeze %dma_wait3A_793 : memref<1x1000000xi32, #tpu.memory_space<hbm>> -> memref<1000000xi32, #tpu.memory_space<hbm>>
    %dma_wait3A_795 = arith.constant 0 : i32
    %dma_wait3A_796 = tpu.memref_slice %dma_wait3A_794[%dma_wait3A_795] : memref<1000000xi32, #tpu.memory_space<hbm>> -> memref<1000000xi32, #tpu.memory_space<hbm>>
    %dma_wait3A_797 = tpu.memref_slice %arg14[%dma_wait3A_785] : memref<4x!tpu.dma_semaphore, #tpu.memory_space<semaphore_mem>> -> memref<1x!tpu.dma_semaphore, #tpu.memory_space<semaphore_mem>>
    %dma_wait3A_798 = tpu.memref_squeeze %dma_wait3A_797 : memref<1x!tpu.dma_semaphore, #tpu.memory_space<semaphore_mem>> -> memref<!tpu.dma_semaphore, #tpu.memory_space<semaphore_mem>>
    tpu.wait_indirect_dma semaphore(%dma_wait3A_798 : memref<!tpu.dma_semaphore, #tpu.memory_space<semaphore_mem>>) src(%dma_wait3A_796 : memref<1000000xi32, #tpu.memory_space<hbm>>) dst(%dma_wait3A_788 : memref<128xi32, #tpu.memory_space<vmem>>)
    %dma_wait3A_799 = arith.constant 1 : i32
    %dma_wait3A_800 = arith.constant 5 : i32
    %dma_wait3A_801 = arith.constant 5 : i32
    %dma_wait3A_802 = arith.constant 1 : i32
    %dma_wait3A_803 = arith.constant 0 : i32
    %dma_wait3A_804 = tpu.memref_slice %arg10[%dma_wait3A_801, %dma_wait3A_803] : memref<16x128xf32, #tpu.memory_space<vmem>> -> memref<1x128xf32, #tpu.memory_space<vmem>>
    %dma_wait3A_805 = tpu.memref_squeeze %dma_wait3A_804 : memref<1x128xf32, #tpu.memory_space<vmem>> -> memref<128xf32, #tpu.memory_space<vmem>>
    %dma_wait3A_806 = arith.constant 0 : i32
    %dma_wait3A_807 = tpu.memref_slice %arg8[%dma_wait3A_800, %dma_wait3A_806] : memref<16x128xi32, #tpu.memory_space<vmem>> -> memref<1x128xi32, #tpu.memory_space<vmem>>
    %dma_wait3A_808 = tpu.memref_squeeze %dma_wait3A_807 : memref<1x128xi32, #tpu.memory_space<vmem>> -> memref<128xi32, #tpu.memory_space<vmem>>
    %dma_wait3A_809 = arith.constant 0 : i32
    %dma_wait3A_810 = tpu.memref_slice %arg4[%dma_wait3A_799, %dma_wait3A_809] : memref<4x1000000xf32, #tpu.memory_space<hbm>> -> memref<1x1000000xf32, #tpu.memory_space<hbm>>
    %dma_wait3A_811 = tpu.memref_squeeze %dma_wait3A_810 : memref<1x1000000xf32, #tpu.memory_space<hbm>> -> memref<1000000xf32, #tpu.memory_space<hbm>>
    %dma_wait3A_812 = arith.constant 0 : i32
    %dma_wait3A_813 = tpu.memref_slice %dma_wait3A_811[%dma_wait3A_812] : memref<1000000xf32, #tpu.memory_space<hbm>> -> memref<1000000xf32, #tpu.memory_space<hbm>>
    %dma_wait3A_814 = tpu.memref_slice %arg14[%dma_wait3A_802] : memref<4x!tpu.dma_semaphore, #tpu.memory_space<semaphore_mem>> -> memref<1x!tpu.dma_semaphore, #tpu.memory_space<semaphore_mem>>
    %dma_wait3A_815 = tpu.memref_squeeze %dma_wait3A_814 : memref<1x!tpu.dma_semaphore, #tpu.memory_space<semaphore_mem>> -> memref<!tpu.dma_semaphore, #tpu.memory_space<semaphore_mem>>
    tpu.wait_indirect_dma semaphore(%dma_wait3A_815 : memref<!tpu.dma_semaphore, #tpu.memory_space<semaphore_mem>>) src(%dma_wait3A_813 : memref<1000000xf32, #tpu.memory_space<hbm>>) dst(%dma_wait3A_805 : memref<128xf32, #tpu.memory_space<vmem>>)
    %dma_wait3A_816 = arith.constant 2 : i32
    %dma_wait3A_817 = arith.constant 6 : i32
    %dma_wait3A_818 = arith.constant 6 : i32
    %dma_wait3A_819 = arith.constant 1 : i32
    %dma_wait3A_820 = arith.constant 0 : i32
    %dma_wait3A_821 = tpu.memref_slice %arg9[%dma_wait3A_818, %dma_wait3A_820] : memref<16x128xi32, #tpu.memory_space<vmem>> -> memref<1x128xi32, #tpu.memory_space<vmem>>
    %dma_wait3A_822 = tpu.memref_squeeze %dma_wait3A_821 : memref<1x128xi32, #tpu.memory_space<vmem>> -> memref<128xi32, #tpu.memory_space<vmem>>
    %dma_wait3A_823 = arith.constant 0 : i32
    %dma_wait3A_824 = tpu.memref_slice %arg8[%dma_wait3A_817, %dma_wait3A_823] : memref<16x128xi32, #tpu.memory_space<vmem>> -> memref<1x128xi32, #tpu.memory_space<vmem>>
    %dma_wait3A_825 = tpu.memref_squeeze %dma_wait3A_824 : memref<1x128xi32, #tpu.memory_space<vmem>> -> memref<128xi32, #tpu.memory_space<vmem>>
    %dma_wait3A_826 = arith.constant 0 : i32
    %dma_wait3A_827 = tpu.memref_slice %arg5[%dma_wait3A_816, %dma_wait3A_826] : memref<4x1000000xi32, #tpu.memory_space<hbm>> -> memref<1x1000000xi32, #tpu.memory_space<hbm>>
    %dma_wait3A_828 = tpu.memref_squeeze %dma_wait3A_827 : memref<1x1000000xi32, #tpu.memory_space<hbm>> -> memref<1000000xi32, #tpu.memory_space<hbm>>
    %dma_wait3A_829 = arith.constant 0 : i32
    %dma_wait3A_830 = tpu.memref_slice %dma_wait3A_828[%dma_wait3A_829] : memref<1000000xi32, #tpu.memory_space<hbm>> -> memref<1000000xi32, #tpu.memory_space<hbm>>
    %dma_wait3A_831 = tpu.memref_slice %arg14[%dma_wait3A_819] : memref<4x!tpu.dma_semaphore, #tpu.memory_space<semaphore_mem>> -> memref<1x!tpu.dma_semaphore, #tpu.memory_space<semaphore_mem>>
    %dma_wait3A_832 = tpu.memref_squeeze %dma_wait3A_831 : memref<1x!tpu.dma_semaphore, #tpu.memory_space<semaphore_mem>> -> memref<!tpu.dma_semaphore, #tpu.memory_space<semaphore_mem>>
    tpu.wait_indirect_dma semaphore(%dma_wait3A_832 : memref<!tpu.dma_semaphore, #tpu.memory_space<semaphore_mem>>) src(%dma_wait3A_830 : memref<1000000xi32, #tpu.memory_space<hbm>>) dst(%dma_wait3A_822 : memref<128xi32, #tpu.memory_space<vmem>>)
    %dma_wait3A_833 = arith.constant 2 : i32
    %dma_wait3A_834 = arith.constant 6 : i32
    %dma_wait3A_835 = arith.constant 6 : i32
    %dma_wait3A_836 = arith.constant 1 : i32
    %dma_wait3A_837 = arith.constant 0 : i32
    %dma_wait3A_838 = tpu.memref_slice %arg10[%dma_wait3A_835, %dma_wait3A_837] : memref<16x128xf32, #tpu.memory_space<vmem>> -> memref<1x128xf32, #tpu.memory_space<vmem>>
    %dma_wait3A_839 = tpu.memref_squeeze %dma_wait3A_838 : memref<1x128xf32, #tpu.memory_space<vmem>> -> memref<128xf32, #tpu.memory_space<vmem>>
    %dma_wait3A_840 = arith.constant 0 : i32
    %dma_wait3A_841 = tpu.memref_slice %arg8[%dma_wait3A_834, %dma_wait3A_840] : memref<16x128xi32, #tpu.memory_space<vmem>> -> memref<1x128xi32, #tpu.memory_space<vmem>>
    %dma_wait3A_842 = tpu.memref_squeeze %dma_wait3A_841 : memref<1x128xi32, #tpu.memory_space<vmem>> -> memref<128xi32, #tpu.memory_space<vmem>>
    %dma_wait3A_843 = arith.constant 0 : i32
    %dma_wait3A_844 = tpu.memref_slice %arg4[%dma_wait3A_833, %dma_wait3A_843] : memref<4x1000000xf32, #tpu.memory_space<hbm>> -> memref<1x1000000xf32, #tpu.memory_space<hbm>>
    %dma_wait3A_845 = tpu.memref_squeeze %dma_wait3A_844 : memref<1x1000000xf32, #tpu.memory_space<hbm>> -> memref<1000000xf32, #tpu.memory_space<hbm>>
    %dma_wait3A_846 = arith.constant 0 : i32
    %dma_wait3A_847 = tpu.memref_slice %dma_wait3A_845[%dma_wait3A_846] : memref<1000000xf32, #tpu.memory_space<hbm>> -> memref<1000000xf32, #tpu.memory_space<hbm>>
    %dma_wait3A_848 = tpu.memref_slice %arg14[%dma_wait3A_836] : memref<4x!tpu.dma_semaphore, #tpu.memory_space<semaphore_mem>> -> memref<1x!tpu.dma_semaphore, #tpu.memory_space<semaphore_mem>>
    %dma_wait3A_849 = tpu.memref_squeeze %dma_wait3A_848 : memref<1x!tpu.dma_semaphore, #tpu.memory_space<semaphore_mem>> -> memref<!tpu.dma_semaphore, #tpu.memory_space<semaphore_mem>>
    tpu.wait_indirect_dma semaphore(%dma_wait3A_849 : memref<!tpu.dma_semaphore, #tpu.memory_space<semaphore_mem>>) src(%dma_wait3A_847 : memref<1000000xf32, #tpu.memory_space<hbm>>) dst(%dma_wait3A_839 : memref<128xf32, #tpu.memory_space<vmem>>)
    %dma_wait3A_850 = arith.constant 3 : i32
    %dma_wait3A_851 = arith.constant 7 : i32
    %dma_wait3A_852 = arith.constant 7 : i32
    %dma_wait3A_853 = arith.constant 1 : i32
    %dma_wait3A_854 = arith.constant 0 : i32
    %dma_wait3A_855 = tpu.memref_slice %arg9[%dma_wait3A_852, %dma_wait3A_854] : memref<16x128xi32, #tpu.memory_space<vmem>> -> memref<1x128xi32, #tpu.memory_space<vmem>>
    %dma_wait3A_856 = tpu.memref_squeeze %dma_wait3A_855 : memref<1x128xi32, #tpu.memory_space<vmem>> -> memref<128xi32, #tpu.memory_space<vmem>>
    %dma_wait3A_857 = arith.constant 0 : i32
    %dma_wait3A_858 = tpu.memref_slice %arg8[%dma_wait3A_851, %dma_wait3A_857] : memref<16x128xi32, #tpu.memory_space<vmem>> -> memref<1x128xi32, #tpu.memory_space<vmem>>
    %dma_wait3A_859 = tpu.memref_squeeze %dma_wait3A_858 : memref<1x128xi32, #tpu.memory_space<vmem>> -> memref<128xi32, #tpu.memory_space<vmem>>
    %dma_wait3A_860 = arith.constant 0 : i32
    %dma_wait3A_861 = tpu.memref_slice %arg5[%dma_wait3A_850, %dma_wait3A_860] : memref<4x1000000xi32, #tpu.memory_space<hbm>> -> memref<1x1000000xi32, #tpu.memory_space<hbm>>
    %dma_wait3A_862 = tpu.memref_squeeze %dma_wait3A_861 : memref<1x1000000xi32, #tpu.memory_space<hbm>> -> memref<1000000xi32, #tpu.memory_space<hbm>>
    %dma_wait3A_863 = arith.constant 0 : i32
    %dma_wait3A_864 = tpu.memref_slice %dma_wait3A_862[%dma_wait3A_863] : memref<1000000xi32, #tpu.memory_space<hbm>> -> memref<1000000xi32, #tpu.memory_space<hbm>>
    %dma_wait3A_865 = tpu.memref_slice %arg14[%dma_wait3A_853] : memref<4x!tpu.dma_semaphore, #tpu.memory_space<semaphore_mem>> -> memref<1x!tpu.dma_semaphore, #tpu.memory_space<semaphore_mem>>
    %dma_wait3A_866 = tpu.memref_squeeze %dma_wait3A_865 : memref<1x!tpu.dma_semaphore, #tpu.memory_space<semaphore_mem>> -> memref<!tpu.dma_semaphore, #tpu.memory_space<semaphore_mem>>
    tpu.wait_indirect_dma semaphore(%dma_wait3A_866 : memref<!tpu.dma_semaphore, #tpu.memory_space<semaphore_mem>>) src(%dma_wait3A_864 : memref<1000000xi32, #tpu.memory_space<hbm>>) dst(%dma_wait3A_856 : memref<128xi32, #tpu.memory_space<vmem>>)
    %dma_wait3A_867 = arith.constant 3 : i32
    %dma_wait3A_868 = arith.constant 7 : i32
    %dma_wait3A_869 = arith.constant 7 : i32
    %dma_wait3A_870 = arith.constant 1 : i32
    %dma_wait3A_871 = arith.constant 0 : i32
    %dma_wait3A_872 = tpu.memref_slice %arg10[%dma_wait3A_869, %dma_wait3A_871] : memref<16x128xf32, #tpu.memory_space<vmem>> -> memref<1x128xf32, #tpu.memory_space<vmem>>
    %dma_wait3A_873 = tpu.memref_squeeze %dma_wait3A_872 : memref<1x128xf32, #tpu.memory_space<vmem>> -> memref<128xf32, #tpu.memory_space<vmem>>
    %dma_wait3A_874 = arith.constant 0 : i32
    %dma_wait3A_875 = tpu.memref_slice %arg8[%dma_wait3A_868, %dma_wait3A_874] : memref<16x128xi32, #tpu.memory_space<vmem>> -> memref<1x128xi32, #tpu.memory_space<vmem>>
    %dma_wait3A_876 = tpu.memref_squeeze %dma_wait3A_875 : memref<1x128xi32, #tpu.memory_space<vmem>> -> memref<128xi32, #tpu.memory_space<vmem>>
    %dma_wait3A_877 = arith.constant 0 : i32
    %dma_wait3A_878 = tpu.memref_slice %arg4[%dma_wait3A_867, %dma_wait3A_877] : memref<4x1000000xf32, #tpu.memory_space<hbm>> -> memref<1x1000000xf32, #tpu.memory_space<hbm>>
    %dma_wait3A_879 = tpu.memref_squeeze %dma_wait3A_878 : memref<1x1000000xf32, #tpu.memory_space<hbm>> -> memref<1000000xf32, #tpu.memory_space<hbm>>
    %dma_wait3A_880 = arith.constant 0 : i32
    %dma_wait3A_881 = tpu.memref_slice %dma_wait3A_879[%dma_wait3A_880] : memref<1000000xf32, #tpu.memory_space<hbm>> -> memref<1000000xf32, #tpu.memory_space<hbm>>
    %dma_wait3A_882 = tpu.memref_slice %arg14[%dma_wait3A_870] : memref<4x!tpu.dma_semaphore, #tpu.memory_space<semaphore_mem>> -> memref<1x!tpu.dma_semaphore, #tpu.memory_space<semaphore_mem>>
    %dma_wait3A_883 = tpu.memref_squeeze %dma_wait3A_882 : memref<1x!tpu.dma_semaphore, #tpu.memory_space<semaphore_mem>> -> memref<!tpu.dma_semaphore, #tpu.memory_space<semaphore_mem>>
    tpu.wait_indirect_dma semaphore(%dma_wait3A_883 : memref<!tpu.dma_semaphore, #tpu.memory_space<semaphore_mem>>) src(%dma_wait3A_881 : memref<1000000xf32, #tpu.memory_space<hbm>>) dst(%dma_wait3A_873 : memref<128xf32, #tpu.memory_space<vmem>>)
    %dma_start3A_884 = arith.constant 4 : i32
    %dma_start3A_885 = arith.constant 1 : i32
    %dma_start3A_886 = arith.constant 512 : i32
    %dma_start3A_887 = arith.constant 0 : i32
    %dma_start3A_888 = tpu.memref_slice %arg11[%dma_start3A_886, %dma_start3A_887] : memref<1024x32xf32, #tpu.memory_space<vmem>> -> memref<128x32xf32, #tpu.memory_space<vmem>>
    %dma_start3A_889 = arith.constant 0 : i32
    %dma_start3A_890 = tpu.memref_slice %arg9[%dma_start3A_884, %dma_start3A_889] : memref<16x128xi32, #tpu.memory_space<vmem>> -> memref<1x128xi32, #tpu.memory_space<vmem>>
    %dma_start3A_891 = tpu.memref_squeeze %dma_start3A_890 : memref<1x128xi32, #tpu.memory_space<vmem>> -> memref<128xi32, #tpu.memory_space<vmem>>
    %dma_start3A_892 = arith.constant 0 : i32
    %dma_start3A_893 = arith.constant 0 : i32
    %dma_start3A_894 = tpu.memref_slice %arg3[%dma_start3A_892, %dma_start3A_893] : memref<65536x32xf32, #tpu.memory_space<hbm>> -> memref<65536x32xf32, #tpu.memory_space<hbm>>
    %dma_start3A_895 = tpu.memref_slice %arg15[%dma_start3A_885] : memref<2x!tpu.dma_semaphore, #tpu.memory_space<semaphore_mem>> -> memref<1x!tpu.dma_semaphore, #tpu.memory_space<semaphore_mem>>
    %dma_start3A_896 = tpu.memref_squeeze %dma_start3A_895 : memref<1x!tpu.dma_semaphore, #tpu.memory_space<semaphore_mem>> -> memref<!tpu.dma_semaphore, #tpu.memory_space<semaphore_mem>>
    tpu.enqueue_indirect_dma source(%dma_start3A_894 : memref<65536x32xf32, #tpu.memory_space<hbm>>) target(%dma_start3A_888 : memref<128x32xf32, #tpu.memory_space<vmem>>) offsets(%dma_start3A_891 : memref<128xi32, #tpu.memory_space<vmem>>) semaphore(%dma_start3A_896 : memref<!tpu.dma_semaphore, #tpu.memory_space<semaphore_mem>>)
    %dma_start3A_897 = arith.constant 5 : i32
    %dma_start3A_898 = arith.constant 1 : i32
    %dma_start3A_899 = arith.constant 640 : i32
    %dma_start3A_900 = arith.constant 0 : i32
    %dma_start3A_901 = tpu.memref_slice %arg11[%dma_start3A_899, %dma_start3A_900] : memref<1024x32xf32, #tpu.memory_space<vmem>> -> memref<128x32xf32, #tpu.memory_space<vmem>>
    %dma_start3A_902 = arith.constant 0 : i32
    %dma_start3A_903 = tpu.memref_slice %arg9[%dma_start3A_897, %dma_start3A_902] : memref<16x128xi32, #tpu.memory_space<vmem>> -> memref<1x128xi32, #tpu.memory_space<vmem>>
    %dma_start3A_904 = tpu.memref_squeeze %dma_start3A_903 : memref<1x128xi32, #tpu.memory_space<vmem>> -> memref<128xi32, #tpu.memory_space<vmem>>
    %dma_start3A_905 = arith.constant 0 : i32
    %dma_start3A_906 = arith.constant 0 : i32
    %dma_start3A_907 = tpu.memref_slice %arg3[%dma_start3A_905, %dma_start3A_906] : memref<65536x32xf32, #tpu.memory_space<hbm>> -> memref<65536x32xf32, #tpu.memory_space<hbm>>
    %dma_start3A_908 = tpu.memref_slice %arg15[%dma_start3A_898] : memref<2x!tpu.dma_semaphore, #tpu.memory_space<semaphore_mem>> -> memref<1x!tpu.dma_semaphore, #tpu.memory_space<semaphore_mem>>
    %dma_start3A_909 = tpu.memref_squeeze %dma_start3A_908 : memref<1x!tpu.dma_semaphore, #tpu.memory_space<semaphore_mem>> -> memref<!tpu.dma_semaphore, #tpu.memory_space<semaphore_mem>>
    tpu.enqueue_indirect_dma source(%dma_start3A_907 : memref<65536x32xf32, #tpu.memory_space<hbm>>) target(%dma_start3A_901 : memref<128x32xf32, #tpu.memory_space<vmem>>) offsets(%dma_start3A_904 : memref<128xi32, #tpu.memory_space<vmem>>) semaphore(%dma_start3A_909 : memref<!tpu.dma_semaphore, #tpu.memory_space<semaphore_mem>>)
    %dma_start3A_910 = arith.constant 6 : i32
    %dma_start3A_911 = arith.constant 1 : i32
    %dma_start3A_912 = arith.constant 768 : i32
    %dma_start3A_913 = arith.constant 0 : i32
    %dma_start3A_914 = tpu.memref_slice %arg11[%dma_start3A_912, %dma_start3A_913] : memref<1024x32xf32, #tpu.memory_space<vmem>> -> memref<128x32xf32, #tpu.memory_space<vmem>>
    %dma_start3A_915 = arith.constant 0 : i32
    %dma_start3A_916 = tpu.memref_slice %arg9[%dma_start3A_910, %dma_start3A_915] : memref<16x128xi32, #tpu.memory_space<vmem>> -> memref<1x128xi32, #tpu.memory_space<vmem>>
    %dma_start3A_917 = tpu.memref_squeeze %dma_start3A_916 : memref<1x128xi32, #tpu.memory_space<vmem>> -> memref<128xi32, #tpu.memory_space<vmem>>
    %dma_start3A_918 = arith.constant 0 : i32
    %dma_start3A_919 = arith.constant 0 : i32
    %dma_start3A_920 = tpu.memref_slice %arg3[%dma_start3A_918, %dma_start3A_919] : memref<65536x32xf32, #tpu.memory_space<hbm>> -> memref<65536x32xf32, #tpu.memory_space<hbm>>
    %dma_start3A_921 = tpu.memref_slice %arg15[%dma_start3A_911] : memref<2x!tpu.dma_semaphore, #tpu.memory_space<semaphore_mem>> -> memref<1x!tpu.dma_semaphore, #tpu.memory_space<semaphore_mem>>
    %dma_start3A_922 = tpu.memref_squeeze %dma_start3A_921 : memref<1x!tpu.dma_semaphore, #tpu.memory_space<semaphore_mem>> -> memref<!tpu.dma_semaphore, #tpu.memory_space<semaphore_mem>>
    tpu.enqueue_indirect_dma source(%dma_start3A_920 : memref<65536x32xf32, #tpu.memory_space<hbm>>) target(%dma_start3A_914 : memref<128x32xf32, #tpu.memory_space<vmem>>) offsets(%dma_start3A_917 : memref<128xi32, #tpu.memory_space<vmem>>) semaphore(%dma_start3A_922 : memref<!tpu.dma_semaphore, #tpu.memory_space<semaphore_mem>>)
    %dma_start3A_923 = arith.constant 7 : i32
    %dma_start3A_924 = arith.constant 1 : i32
    %dma_start3A_925 = arith.constant 896 : i32
    %dma_start3A_926 = arith.constant 0 : i32
    %dma_start3A_927 = tpu.memref_slice %arg11[%dma_start3A_925, %dma_start3A_926] : memref<1024x32xf32, #tpu.memory_space<vmem>> -> memref<128x32xf32, #tpu.memory_space<vmem>>
    %dma_start3A_928 = arith.constant 0 : i32
    %dma_start3A_929 = tpu.memref_slice %arg9[%dma_start3A_923, %dma_start3A_928] : memref<16x128xi32, #tpu.memory_space<vmem>> -> memref<1x128xi32, #tpu.memory_space<vmem>>
    %dma_start3A_930 = tpu.memref_squeeze %dma_start3A_929 : memref<1x128xi32, #tpu.memory_space<vmem>> -> memref<128xi32, #tpu.memory_space<vmem>>
    %dma_start3A_931 = arith.constant 0 : i32
    %dma_start3A_932 = arith.constant 0 : i32
    %dma_start3A_933 = tpu.memref_slice %arg3[%dma_start3A_931, %dma_start3A_932] : memref<65536x32xf32, #tpu.memory_space<hbm>> -> memref<65536x32xf32, #tpu.memory_space<hbm>>
    %dma_start3A_934 = tpu.memref_slice %arg15[%dma_start3A_924] : memref<2x!tpu.dma_semaphore, #tpu.memory_space<semaphore_mem>> -> memref<1x!tpu.dma_semaphore, #tpu.memory_space<semaphore_mem>>
    %dma_start3A_935 = tpu.memref_squeeze %dma_start3A_934 : memref<1x!tpu.dma_semaphore, #tpu.memory_space<semaphore_mem>> -> memref<!tpu.dma_semaphore, #tpu.memory_space<semaphore_mem>>
    tpu.enqueue_indirect_dma source(%dma_start3A_933 : memref<65536x32xf32, #tpu.memory_space<hbm>>) target(%dma_start3A_927 : memref<128x32xf32, #tpu.memory_space<vmem>>) offsets(%dma_start3A_930 : memref<128xi32, #tpu.memory_space<vmem>>) semaphore(%dma_start3A_935 : memref<!tpu.dma_semaphore, #tpu.memory_space<semaphore_mem>>)
    %scan3A_936 = arith.constant 0 : i32
    %scan3A_937 = arith.constant 128 : i32
    %scan3A_938 = arith.addi %scan3A_936, %scan3A_937 : i32
    %scan3A_939 = arith.constant 1 : i32
    scf.for %scan3A_1736 = %scan3A_936 to %scan3A_938 step %scan3A_939  : i32 {
      %mul3A_1737 = arith.constant 1 : i32
      %mul3A_1738 = arith.muli %scan3A_1736, %mul3A_1737 : i32
      %add3A_1739 = arith.constant 0 : i32
      %add3A_1740 = arith.addi %add3A_1739, %mul3A_1738 : i32
      %broadcast_in_dim3A = vector.broadcast %add3A_1740 : i32 to vector<16xi32>
      %broadcast_in_dim3A_1741 = arith.constant 0 : i32
      %broadcast_in_dim3A_1742 = vector.broadcast %broadcast_in_dim3A_1741 : i32 to vector<16xi32>
      %gather3A = tpu.vector_load_idx %arg10[%broadcast_in_dim3A_1742, %broadcast_in_dim3A] : memref<16x128xf32, #tpu.memory_space<vmem>>[vector<16xi32>, vector<16xi32>], vector<16xf32>,
      %add3A_1743 = arith.constant 0 : i32
      %add3A_1744 = arith.addi %add3A_1743, %add3A_1740 : i32
      %get3A = arith.index_cast %add3A_1744 : i32 to index
      %get3A_1745 = arith.constant 0 : index
      %get3A_1746 = tpu.vector_load %arg11[%get3A, %get3A_1745] {strides = array<i32>} : memref<1024x32xf32, #tpu.memory_space<vmem>>, vector<16xf32>,
      %mul3A_1747 = arith.mulf %gather3A, %get3A_1746 : vector<16xf32>
      %add3A_1748 = arith.constant 0 : i32
      %add3A_1749 = arith.addi %add3A_1748, %add3A_1740 : i32
      %get3A_1750 = arith.index_cast %add3A_1749 : i32 to index
      %get3A_1751 = arith.constant 16 : index
      %get3A_1752 = tpu.vector_load %arg11[%get3A_1750, %get3A_1751] {strides = array<i32>} : memref<1024x32xf32, #tpu.memory_space<vmem>>, vector<16xf32>,
      %mul3A_1753 = arith.mulf %gather3A, %get3A_1752 : vector<16xf32>
      %broadcast_in_dim3A_1754 = arith.constant 1 : i32
      %broadcast_in_dim3A_1755 = vector.broadcast %broadcast_in_dim3A_1754 : i32 to vector<16xi32>
      %gather3A_1756 = tpu.vector_load_idx %arg10[%broadcast_in_dim3A_1755, %broadcast_in_dim3A] : memref<16x128xf32, #tpu.memory_space<vmem>>[vector<16xi32>, vector<16xi32>], vector<16xf32>,
      %add3A_1757 = arith.constant 128 : i32
      %add3A_1758 = arith.addi %add3A_1757, %add3A_1740 : i32
      %get3A_1759 = arith.index_cast %add3A_1758 : i32 to index
      %get3A_1760 = arith.constant 0 : index
      %get3A_1761 = tpu.vector_load %arg11[%get3A_1759, %get3A_1760] {strides = array<i32>} : memref<1024x32xf32, #tpu.memory_space<vmem>>, vector<16xf32>,
      %mul3A_1762 = arith.mulf %gather3A_1756, %get3A_1761 : vector<16xf32>
      %add3A_1763 = arith.addf %mul3A_1747, %mul3A_1762 : vector<16xf32>
      %get3A_1764 = arith.index_cast %add3A_1758 : i32 to index
      %get3A_1765 = arith.constant 16 : index
      %get3A_1766 = tpu.vector_load %arg11[%get3A_1764, %get3A_1765] {strides = array<i32>} : memref<1024x32xf32, #tpu.memory_space<vmem>>, vector<16xf32>,
      %mul3A_1767 = arith.mulf %gather3A_1756, %get3A_1766 : vector<16xf32>
      %add3A_1768 = arith.addf %mul3A_1753, %mul3A_1767 : vector<16xf32>
      %broadcast_in_dim3A_1769 = arith.constant 2 : i32
      %broadcast_in_dim3A_1770 = vector.broadcast %broadcast_in_dim3A_1769 : i32 to vector<16xi32>
      %gather3A_1771 = tpu.vector_load_idx %arg10[%broadcast_in_dim3A_1770, %broadcast_in_dim3A] : memref<16x128xf32, #tpu.memory_space<vmem>>[vector<16xi32>, vector<16xi32>], vector<16xf32>,
      %add3A_1772 = arith.constant 256 : i32
      %add3A_1773 = arith.addi %add3A_1772, %add3A_1740 : i32
      %get3A_1774 = arith.index_cast %add3A_1773 : i32 to index
      %get3A_1775 = arith.constant 0 : index
      %get3A_1776 = tpu.vector_load %arg11[%get3A_1774, %get3A_1775] {strides = array<i32>} : memref<1024x32xf32, #tpu.memory_space<vmem>>, vector<16xf32>,
      %mul3A_1777 = arith.mulf %gather3A_1771, %get3A_1776 : vector<16xf32>
      %add3A_1778 = arith.addf %add3A_1763, %mul3A_1777 : vector<16xf32>
      %get3A_1779 = arith.index_cast %add3A_1773 : i32 to index
      %get3A_1780 = arith.constant 16 : index
      %get3A_1781 = tpu.vector_load %arg11[%get3A_1779, %get3A_1780] {strides = array<i32>} : memref<1024x32xf32, #tpu.memory_space<vmem>>, vector<16xf32>,
      %mul3A_1782 = arith.mulf %gather3A_1771, %get3A_1781 : vector<16xf32>
      %add3A_1783 = arith.addf %add3A_1768, %mul3A_1782 : vector<16xf32>
      %broadcast_in_dim3A_1784 = arith.constant 3 : i32
      %broadcast_in_dim3A_1785 = vector.broadcast %broadcast_in_dim3A_1784 : i32 to vector<16xi32>
      %gather3A_1786 = tpu.vector_load_idx %arg10[%broadcast_in_dim3A_1785, %broadcast_in_dim3A] : memref<16x128xf32, #tpu.memory_space<vmem>>[vector<16xi32>, vector<16xi32>], vector<16xf32>,
      %add3A_1787 = arith.constant 384 : i32
      %add3A_1788 = arith.addi %add3A_1787, %add3A_1740 : i32
      %get3A_1789 = arith.index_cast %add3A_1788 : i32 to index
      %get3A_1790 = arith.constant 0 : index
      %get3A_1791 = tpu.vector_load %arg11[%get3A_1789, %get3A_1790] {strides = array<i32>} : memref<1024x32xf32, #tpu.memory_space<vmem>>, vector<16xf32>,
      %mul3A_1792 = arith.mulf %gather3A_1786, %get3A_1791 : vector<16xf32>
      %add3A_1793 = arith.addf %add3A_1778, %mul3A_1792 : vector<16xf32>
      %get3A_1794 = arith.index_cast %add3A_1788 : i32 to index
      %get3A_1795 = arith.constant 16 : index
      %get3A_1796 = tpu.vector_load %arg11[%get3A_1794, %get3A_1795] {strides = array<i32>} : memref<1024x32xf32, #tpu.memory_space<vmem>>, vector<16xf32>,
      %mul3A_1797 = arith.mulf %gather3A_1786, %get3A_1796 : vector<16xf32>
      %add3A_1798 = arith.addf %add3A_1783, %mul3A_1797 : vector<16xf32>
      %add3A_1799 = arith.constant 0 : i32
      %add3A_1800 = arith.addi %add3A_1799, %add3A_1740 : i32
      %swap3A = arith.index_cast %add3A_1800 : i32 to index
      %swap3A_1801 = arith.constant 0 : index
      %swap3A_1802 = tpu.vector_load %arg12[%swap3A, %swap3A_1801] {strides = array<i32>} : memref<256x32xf32, #tpu.memory_space<vmem>>, vector<16xf32>,
      tpu.vector_store %arg12[%swap3A, %swap3A_1801], %add3A_1793 {strides = array<i32>} : memref<256x32xf32, #tpu.memory_space<vmem>>, vector<16xf32>,
      %add3A_1803 = arith.constant 0 : i32
      %add3A_1804 = arith.addi %add3A_1803, %add3A_1740 : i32
      %swap3A_1805 = arith.index_cast %add3A_1804 : i32 to index
      %swap3A_1806 = arith.constant 16 : index
      %swap3A_1807 = tpu.vector_load %arg12[%swap3A_1805, %swap3A_1806] {strides = array<i32>} : memref<256x32xf32, #tpu.memory_space<vmem>>, vector<16xf32>,
      tpu.vector_store %arg12[%swap3A_1805, %swap3A_1806], %add3A_1798 {strides = array<i32>} : memref<256x32xf32, #tpu.memory_space<vmem>>, vector<16xf32>,
    }
    %scan3A_940 = arith.constant 128 : i32
    %add3A_941 = arith.constant 0 : i32
    %add3A_942 = arith.addi %mul3A_2, %add3A_941 : i32
    %dma_start3A_943 = arith.constant 0 : i32
    %dma_start3A_944 = arith.constant 0 : i32
    %dma_start3A_945 = arith.constant 0 : i32
    %dma_start3A_946 = tpu.memref_slice %arg12[%dma_start3A_944, %dma_start3A_945] : memref<256x32xf32, #tpu.memory_space<vmem>> -> memref<128x32xf32, #tpu.memory_space<vmem>>
    %dma_start3A_947 = arith.constant 0 : i32
    %dma_start3A_948 = tpu.memref_slice %arg6[%add3A_942, %dma_start3A_947] : memref<16384x32xf32, #tpu.memory_space<hbm>> -> memref<128x32xf32, #tpu.memory_space<hbm>>
    %dma_start3A_949 = tpu.memref_slice %arg16[%dma_start3A_943] : memref<2x!tpu.dma_semaphore, #tpu.memory_space<semaphore_mem>> -> memref<1x!tpu.dma_semaphore, #tpu.memory_space<semaphore_mem>>
    %dma_start3A_950 = tpu.memref_squeeze %dma_start3A_949 : memref<1x!tpu.dma_semaphore, #tpu.memory_space<semaphore_mem>> -> memref<!tpu.dma_semaphore, #tpu.memory_space<semaphore_mem>>
    %dma_start3A_951 = arith.constant 0 : i32
    %dma_start3A_952 = tpu.memref_slice %arg6[%add3A_942, %dma_start3A_951] : memref<16384x32xf32, #tpu.memory_space<hbm>> -> memref<128x32xf32, #tpu.memory_space<hbm>>
    %dma_start3A_953 = arith.constant 0 : i32
    %dma_start3A_954 = arith.constant 0 : i32
    %dma_start3A_955 = tpu.memref_slice %arg12[%dma_start3A_953, %dma_start3A_954] : memref<256x32xf32, #tpu.memory_space<vmem>> -> memref<128x32xf32, #tpu.memory_space<vmem>>
    tpu.enqueue_dma source(%dma_start3A_955 : memref<128x32xf32, #tpu.memory_space<vmem>>) target(%dma_start3A_952 : memref<128x32xf32, #tpu.memory_space<hbm>>) target_semaphore(%dma_start3A_950 : memref<!tpu.dma_semaphore, #tpu.memory_space<semaphore_mem>>)
    %dma_start3A_956 = arith.constant 0 : i32
    %dma_start3A_957 = arith.constant 12 : i32
    %dma_start3A_958 = arith.constant 12 : i32
    %dma_start3A_959 = arith.constant 3 : i32
    %dma_start3A_960 = arith.constant 0 : i32
    %dma_start3A_961 = tpu.memref_slice %arg9[%dma_start3A_958, %dma_start3A_960] : memref<16x128xi32, #tpu.memory_space<vmem>> -> memref<1x128xi32, #tpu.memory_space<vmem>>
    %dma_start3A_962 = tpu.memref_squeeze %dma_start3A_961 : memref<1x128xi32, #tpu.memory_space<vmem>> -> memref<128xi32, #tpu.memory_space<vmem>>
    %dma_start3A_963 = arith.constant 0 : i32
    %dma_start3A_964 = tpu.memref_slice %arg8[%dma_start3A_957, %dma_start3A_963] : memref<16x128xi32, #tpu.memory_space<vmem>> -> memref<1x128xi32, #tpu.memory_space<vmem>>
    %dma_start3A_965 = tpu.memref_squeeze %dma_start3A_964 : memref<1x128xi32, #tpu.memory_space<vmem>> -> memref<128xi32, #tpu.memory_space<vmem>>
    %dma_start3A_966 = arith.constant 0 : i32
    %dma_start3A_967 = tpu.memref_slice %arg5[%dma_start3A_956, %dma_start3A_966] : memref<4x1000000xi32, #tpu.memory_space<hbm>> -> memref<1x1000000xi32, #tpu.memory_space<hbm>>
    %dma_start3A_968 = tpu.memref_squeeze %dma_start3A_967 : memref<1x1000000xi32, #tpu.memory_space<hbm>> -> memref<1000000xi32, #tpu.memory_space<hbm>>
    %dma_start3A_969 = arith.constant 0 : i32
    %dma_start3A_970 = tpu.memref_slice %dma_start3A_968[%dma_start3A_969] : memref<1000000xi32, #tpu.memory_space<hbm>> -> memref<1000000xi32, #tpu.memory_space<hbm>>
    %dma_start3A_971 = tpu.memref_slice %arg14[%dma_start3A_959] : memref<4x!tpu.dma_semaphore, #tpu.memory_space<semaphore_mem>> -> memref<1x!tpu.dma_semaphore, #tpu.memory_space<semaphore_mem>>
    %dma_start3A_972 = tpu.memref_squeeze %dma_start3A_971 : memref<1x!tpu.dma_semaphore, #tpu.memory_space<semaphore_mem>> -> memref<!tpu.dma_semaphore, #tpu.memory_space<semaphore_mem>>
    tpu.enqueue_indirect_dma source(%dma_start3A_970 : memref<1000000xi32, #tpu.memory_space<hbm>>) target(%dma_start3A_962 : memref<128xi32, #tpu.memory_space<vmem>>) offsets(%dma_start3A_965 : memref<128xi32, #tpu.memory_space<vmem>>) semaphore(%dma_start3A_972 : memref<!tpu.dma_semaphore, #tpu.memory_space<semaphore_mem>>)
    %dma_start3A_973 = arith.constant 0 : i32
    %dma_start3A_974 = arith.constant 12 : i32
    %dma_start3A_975 = arith.constant 12 : i32
    %dma_start3A_976 = arith.constant 3 : i32
    %dma_start3A_977 = arith.constant 0 : i32
    %dma_start3A_978 = tpu.memref_slice %arg10[%dma_start3A_975, %dma_start3A_977] : memref<16x128xf32, #tpu.memory_space<vmem>> -> memref<1x128xf32, #tpu.memory_space<vmem>>
    %dma_start3A_979 = tpu.memref_squeeze %dma_start3A_978 : memref<1x128xf32, #tpu.memory_space<vmem>> -> memref<128xf32, #tpu.memory_space<vmem>>
    %dma_start3A_980 = arith.constant 0 : i32
    %dma_start3A_981 = tpu.memref_slice %arg8[%dma_start3A_974, %dma_start3A_980] : memref<16x128xi32, #tpu.memory_space<vmem>> -> memref<1x128xi32, #tpu.memory_space<vmem>>
    %dma_start3A_982 = tpu.memref_squeeze %dma_start3A_981 : memref<1x128xi32, #tpu.memory_space<vmem>> -> memref<128xi32, #tpu.memory_space<vmem>>
    %dma_start3A_983 = arith.constant 0 : i32
    %dma_start3A_984 = tpu.memref_slice %arg4[%dma_start3A_973, %dma_start3A_983] : memref<4x1000000xf32, #tpu.memory_space<hbm>> -> memref<1x1000000xf32, #tpu.memory_space<hbm>>
    %dma_start3A_985 = tpu.memref_squeeze %dma_start3A_984 : memref<1x1000000xf32, #tpu.memory_space<hbm>> -> memref<1000000xf32, #tpu.memory_space<hbm>>
    %dma_start3A_986 = arith.constant 0 : i32
    %dma_start3A_987 = tpu.memref_slice %dma_start3A_985[%dma_start3A_986] : memref<1000000xf32, #tpu.memory_space<hbm>> -> memref<1000000xf32, #tpu.memory_space<hbm>>
    %dma_start3A_988 = tpu.memref_slice %arg14[%dma_start3A_976] : memref<4x!tpu.dma_semaphore, #tpu.memory_space<semaphore_mem>> -> memref<1x!tpu.dma_semaphore, #tpu.memory_space<semaphore_mem>>
    %dma_start3A_989 = tpu.memref_squeeze %dma_start3A_988 : memref<1x!tpu.dma_semaphore, #tpu.memory_space<semaphore_mem>> -> memref<!tpu.dma_semaphore, #tpu.memory_space<semaphore_mem>>
    tpu.enqueue_indirect_dma source(%dma_start3A_987 : memref<1000000xf32, #tpu.memory_space<hbm>>) target(%dma_start3A_979 : memref<128xf32, #tpu.memory_space<vmem>>) offsets(%dma_start3A_982 : memref<128xi32, #tpu.memory_space<vmem>>) semaphore(%dma_start3A_989 : memref<!tpu.dma_semaphore, #tpu.memory_space<semaphore_mem>>)
    %dma_start3A_990 = arith.constant 1 : i32
    %dma_start3A_991 = arith.constant 13 : i32
    %dma_start3A_992 = arith.constant 13 : i32
    %dma_start3A_993 = arith.constant 3 : i32
    %dma_start3A_994 = arith.constant 0 : i32
    %dma_start3A_995 = tpu.memref_slice %arg9[%dma_start3A_992, %dma_start3A_994] : memref<16x128xi32, #tpu.memory_space<vmem>> -> memref<1x128xi32, #tpu.memory_space<vmem>>
    %dma_start3A_996 = tpu.memref_squeeze %dma_start3A_995 : memref<1x128xi32, #tpu.memory_space<vmem>> -> memref<128xi32, #tpu.memory_space<vmem>>
    %dma_start3A_997 = arith.constant 0 : i32
    %dma_start3A_998 = tpu.memref_slice %arg8[%dma_start3A_991, %dma_start3A_997] : memref<16x128xi32, #tpu.memory_space<vmem>> -> memref<1x128xi32, #tpu.memory_space<vmem>>
    %dma_start3A_999 = tpu.memref_squeeze %dma_start3A_998 : memref<1x128xi32, #tpu.memory_space<vmem>> -> memref<128xi32, #tpu.memory_space<vmem>>
    %dma_start3A_1000 = arith.constant 0 : i32
    %dma_start3A_1001 = tpu.memref_slice %arg5[%dma_start3A_990, %dma_start3A_1000] : memref<4x1000000xi32, #tpu.memory_space<hbm>> -> memref<1x1000000xi32, #tpu.memory_space<hbm>>
    %dma_start3A_1002 = tpu.memref_squeeze %dma_start3A_1001 : memref<1x1000000xi32, #tpu.memory_space<hbm>> -> memref<1000000xi32, #tpu.memory_space<hbm>>
    %dma_start3A_1003 = arith.constant 0 : i32
    %dma_start3A_1004 = tpu.memref_slice %dma_start3A_1002[%dma_start3A_1003] : memref<1000000xi32, #tpu.memory_space<hbm>> -> memref<1000000xi32, #tpu.memory_space<hbm>>
    %dma_start3A_1005 = tpu.memref_slice %arg14[%dma_start3A_993] : memref<4x!tpu.dma_semaphore, #tpu.memory_space<semaphore_mem>> -> memref<1x!tpu.dma_semaphore, #tpu.memory_space<semaphore_mem>>
    %dma_start3A_1006 = tpu.memref_squeeze %dma_start3A_1005 : memref<1x!tpu.dma_semaphore, #tpu.memory_space<semaphore_mem>> -> memref<!tpu.dma_semaphore, #tpu.memory_space<semaphore_mem>>
    tpu.enqueue_indirect_dma source(%dma_start3A_1004 : memref<1000000xi32, #tpu.memory_space<hbm>>) target(%dma_start3A_996 : memref<128xi32, #tpu.memory_space<vmem>>) offsets(%dma_start3A_999 : memref<128xi32, #tpu.memory_space<vmem>>) semaphore(%dma_start3A_1006 : memref<!tpu.dma_semaphore, #tpu.memory_space<semaphore_mem>>)
    %dma_start3A_1007 = arith.constant 1 : i32
    %dma_start3A_1008 = arith.constant 13 : i32
    %dma_start3A_1009 = arith.constant 13 : i32
    %dma_start3A_1010 = arith.constant 3 : i32
    %dma_start3A_1011 = arith.constant 0 : i32
    %dma_start3A_1012 = tpu.memref_slice %arg10[%dma_start3A_1009, %dma_start3A_1011] : memref<16x128xf32, #tpu.memory_space<vmem>> -> memref<1x128xf32, #tpu.memory_space<vmem>>
    %dma_start3A_1013 = tpu.memref_squeeze %dma_start3A_1012 : memref<1x128xf32, #tpu.memory_space<vmem>> -> memref<128xf32, #tpu.memory_space<vmem>>
    %dma_start3A_1014 = arith.constant 0 : i32
    %dma_start3A_1015 = tpu.memref_slice %arg8[%dma_start3A_1008, %dma_start3A_1014] : memref<16x128xi32, #tpu.memory_space<vmem>> -> memref<1x128xi32, #tpu.memory_space<vmem>>
    %dma_start3A_1016 = tpu.memref_squeeze %dma_start3A_1015 : memref<1x128xi32, #tpu.memory_space<vmem>> -> memref<128xi32, #tpu.memory_space<vmem>>
    %dma_start3A_1017 = arith.constant 0 : i32
    %dma_start3A_1018 = tpu.memref_slice %arg4[%dma_start3A_1007, %dma_start3A_1017] : memref<4x1000000xf32, #tpu.memory_space<hbm>> -> memref<1x1000000xf32, #tpu.memory_space<hbm>>
    %dma_start3A_1019 = tpu.memref_squeeze %dma_start3A_1018 : memref<1x1000000xf32, #tpu.memory_space<hbm>> -> memref<1000000xf32, #tpu.memory_space<hbm>>
    %dma_start3A_1020 = arith.constant 0 : i32
    %dma_start3A_1021 = tpu.memref_slice %dma_start3A_1019[%dma_start3A_1020] : memref<1000000xf32, #tpu.memory_space<hbm>> -> memref<1000000xf32, #tpu.memory_space<hbm>>
    %dma_start3A_1022 = tpu.memref_slice %arg14[%dma_start3A_1010] : memref<4x!tpu.dma_semaphore, #tpu.memory_space<semaphore_mem>> -> memref<1x!tpu.dma_semaphore, #tpu.memory_space<semaphore_mem>>
    %dma_start3A_1023 = tpu.memref_squeeze %dma_start3A_1022 : memref<1x!tpu.dma_semaphore, #tpu.memory_space<semaphore_mem>> -> memref<!tpu.dma_semaphore, #tpu.memory_space<semaphore_mem>>
    tpu.enqueue_indirect_dma source(%dma_start3A_1021 : memref<1000000xf32, #tpu.memory_space<hbm>>) target(%dma_start3A_1013 : memref<128xf32, #tpu.memory_space<vmem>>) offsets(%dma_start3A_1016 : memref<128xi32, #tpu.memory_space<vmem>>) semaphore(%dma_start3A_1023 : memref<!tpu.dma_semaphore, #tpu.memory_space<semaphore_mem>>)
    %dma_start3A_1024 = arith.constant 2 : i32
    %dma_start3A_1025 = arith.constant 14 : i32
    %dma_start3A_1026 = arith.constant 14 : i32
    %dma_start3A_1027 = arith.constant 3 : i32
    %dma_start3A_1028 = arith.constant 0 : i32
    %dma_start3A_1029 = tpu.memref_slice %arg9[%dma_start3A_1026, %dma_start3A_1028] : memref<16x128xi32, #tpu.memory_space<vmem>> -> memref<1x128xi32, #tpu.memory_space<vmem>>
    %dma_start3A_1030 = tpu.memref_squeeze %dma_start3A_1029 : memref<1x128xi32, #tpu.memory_space<vmem>> -> memref<128xi32, #tpu.memory_space<vmem>>
    %dma_start3A_1031 = arith.constant 0 : i32
    %dma_start3A_1032 = tpu.memref_slice %arg8[%dma_start3A_1025, %dma_start3A_1031] : memref<16x128xi32, #tpu.memory_space<vmem>> -> memref<1x128xi32, #tpu.memory_space<vmem>>
    %dma_start3A_1033 = tpu.memref_squeeze %dma_start3A_1032 : memref<1x128xi32, #tpu.memory_space<vmem>> -> memref<128xi32, #tpu.memory_space<vmem>>
    %dma_start3A_1034 = arith.constant 0 : i32
    %dma_start3A_1035 = tpu.memref_slice %arg5[%dma_start3A_1024, %dma_start3A_1034] : memref<4x1000000xi32, #tpu.memory_space<hbm>> -> memref<1x1000000xi32, #tpu.memory_space<hbm>>
    %dma_start3A_1036 = tpu.memref_squeeze %dma_start3A_1035 : memref<1x1000000xi32, #tpu.memory_space<hbm>> -> memref<1000000xi32, #tpu.memory_space<hbm>>
    %dma_start3A_1037 = arith.constant 0 : i32
    %dma_start3A_1038 = tpu.memref_slice %dma_start3A_1036[%dma_start3A_1037] : memref<1000000xi32, #tpu.memory_space<hbm>> -> memref<1000000xi32, #tpu.memory_space<hbm>>
    %dma_start3A_1039 = tpu.memref_slice %arg14[%dma_start3A_1027] : memref<4x!tpu.dma_semaphore, #tpu.memory_space<semaphore_mem>> -> memref<1x!tpu.dma_semaphore, #tpu.memory_space<semaphore_mem>>
    %dma_start3A_1040 = tpu.memref_squeeze %dma_start3A_1039 : memref<1x!tpu.dma_semaphore, #tpu.memory_space<semaphore_mem>> -> memref<!tpu.dma_semaphore, #tpu.memory_space<semaphore_mem>>
    tpu.enqueue_indirect_dma source(%dma_start3A_1038 : memref<1000000xi32, #tpu.memory_space<hbm>>) target(%dma_start3A_1030 : memref<128xi32, #tpu.memory_space<vmem>>) offsets(%dma_start3A_1033 : memref<128xi32, #tpu.memory_space<vmem>>) semaphore(%dma_start3A_1040 : memref<!tpu.dma_semaphore, #tpu.memory_space<semaphore_mem>>)
    %dma_start3A_1041 = arith.constant 2 : i32
    %dma_start3A_1042 = arith.constant 14 : i32
    %dma_start3A_1043 = arith.constant 14 : i32
    %dma_start3A_1044 = arith.constant 3 : i32
    %dma_start3A_1045 = arith.constant 0 : i32
    %dma_start3A_1046 = tpu.memref_slice %arg10[%dma_start3A_1043, %dma_start3A_1045] : memref<16x128xf32, #tpu.memory_space<vmem>> -> memref<1x128xf32, #tpu.memory_space<vmem>>
    %dma_start3A_1047 = tpu.memref_squeeze %dma_start3A_1046 : memref<1x128xf32, #tpu.memory_space<vmem>> -> memref<128xf32, #tpu.memory_space<vmem>>
    %dma_start3A_1048 = arith.constant 0 : i32
    %dma_start3A_1049 = tpu.memref_slice %arg8[%dma_start3A_1042, %dma_start3A_1048] : memref<16x128xi32, #tpu.memory_space<vmem>> -> memref<1x128xi32, #tpu.memory_space<vmem>>
    %dma_start3A_1050 = tpu.memref_squeeze %dma_start3A_1049 : memref<1x128xi32, #tpu.memory_space<vmem>> -> memref<128xi32, #tpu.memory_space<vmem>>
    %dma_start3A_1051 = arith.constant 0 : i32
    %dma_start3A_1052 = tpu.memref_slice %arg4[%dma_start3A_1041, %dma_start3A_1051] : memref<4x1000000xf32, #tpu.memory_space<hbm>> -> memref<1x1000000xf32, #tpu.memory_space<hbm>>
    %dma_start3A_1053 = tpu.memref_squeeze %dma_start3A_1052 : memref<1x1000000xf32, #tpu.memory_space<hbm>> -> memref<1000000xf32, #tpu.memory_space<hbm>>
    %dma_start3A_1054 = arith.constant 0 : i32
    %dma_start3A_1055 = tpu.memref_slice %dma_start3A_1053[%dma_start3A_1054] : memref<1000000xf32, #tpu.memory_space<hbm>> -> memref<1000000xf32, #tpu.memory_space<hbm>>
    %dma_start3A_1056 = tpu.memref_slice %arg14[%dma_start3A_1044] : memref<4x!tpu.dma_semaphore, #tpu.memory_space<semaphore_mem>> -> memref<1x!tpu.dma_semaphore, #tpu.memory_space<semaphore_mem>>
    %dma_start3A_1057 = tpu.memref_squeeze %dma_start3A_1056 : memref<1x!tpu.dma_semaphore, #tpu.memory_space<semaphore_mem>> -> memref<!tpu.dma_semaphore, #tpu.memory_space<semaphore_mem>>
    tpu.enqueue_indirect_dma source(%dma_start3A_1055 : memref<1000000xf32, #tpu.memory_space<hbm>>) target(%dma_start3A_1047 : memref<128xf32, #tpu.memory_space<vmem>>) offsets(%dma_start3A_1050 : memref<128xi32, #tpu.memory_space<vmem>>) semaphore(%dma_start3A_1057 : memref<!tpu.dma_semaphore, #tpu.memory_space<semaphore_mem>>)
    %dma_start3A_1058 = arith.constant 3 : i32
    %dma_start3A_1059 = arith.constant 15 : i32
    %dma_start3A_1060 = arith.constant 15 : i32
    %dma_start3A_1061 = arith.constant 3 : i32
    %dma_start3A_1062 = arith.constant 0 : i32
    %dma_start3A_1063 = tpu.memref_slice %arg9[%dma_start3A_1060, %dma_start3A_1062] : memref<16x128xi32, #tpu.memory_space<vmem>> -> memref<1x128xi32, #tpu.memory_space<vmem>>
    %dma_start3A_1064 = tpu.memref_squeeze %dma_start3A_1063 : memref<1x128xi32, #tpu.memory_space<vmem>> -> memref<128xi32, #tpu.memory_space<vmem>>
    %dma_start3A_1065 = arith.constant 0 : i32
    %dma_start3A_1066 = tpu.memref_slice %arg8[%dma_start3A_1059, %dma_start3A_1065] : memref<16x128xi32, #tpu.memory_space<vmem>> -> memref<1x128xi32, #tpu.memory_space<vmem>>
    %dma_start3A_1067 = tpu.memref_squeeze %dma_start3A_1066 : memref<1x128xi32, #tpu.memory_space<vmem>> -> memref<128xi32, #tpu.memory_space<vmem>>
    %dma_start3A_1068 = arith.constant 0 : i32
    %dma_start3A_1069 = tpu.memref_slice %arg5[%dma_start3A_1058, %dma_start3A_1068] : memref<4x1000000xi32, #tpu.memory_space<hbm>> -> memref<1x1000000xi32, #tpu.memory_space<hbm>>
    %dma_start3A_1070 = tpu.memref_squeeze %dma_start3A_1069 : memref<1x1000000xi32, #tpu.memory_space<hbm>> -> memref<1000000xi32, #tpu.memory_space<hbm>>
    %dma_start3A_1071 = arith.constant 0 : i32
    %dma_start3A_1072 = tpu.memref_slice %dma_start3A_1070[%dma_start3A_1071] : memref<1000000xi32, #tpu.memory_space<hbm>> -> memref<1000000xi32, #tpu.memory_space<hbm>>
    %dma_start3A_1073 = tpu.memref_slice %arg14[%dma_start3A_1061] : memref<4x!tpu.dma_semaphore, #tpu.memory_space<semaphore_mem>> -> memref<1x!tpu.dma_semaphore, #tpu.memory_space<semaphore_mem>>
    %dma_start3A_1074 = tpu.memref_squeeze %dma_start3A_1073 : memref<1x!tpu.dma_semaphore, #tpu.memory_space<semaphore_mem>> -> memref<!tpu.dma_semaphore, #tpu.memory_space<semaphore_mem>>
    tpu.enqueue_indirect_dma source(%dma_start3A_1072 : memref<1000000xi32, #tpu.memory_space<hbm>>) target(%dma_start3A_1064 : memref<128xi32, #tpu.memory_space<vmem>>) offsets(%dma_start3A_1067 : memref<128xi32, #tpu.memory_space<vmem>>) semaphore(%dma_start3A_1074 : memref<!tpu.dma_semaphore, #tpu.memory_space<semaphore_mem>>)
    %dma_start3A_1075 = arith.constant 3 : i32
    %dma_start3A_1076 = arith.constant 15 : i32
    %dma_start3A_1077 = arith.constant 15 : i32
    %dma_start3A_1078 = arith.constant 3 : i32
    %dma_start3A_1079 = arith.constant 0 : i32
    %dma_start3A_1080 = tpu.memref_slice %arg10[%dma_start3A_1077, %dma_start3A_1079] : memref<16x128xf32, #tpu.memory_space<vmem>> -> memref<1x128xf32, #tpu.memory_space<vmem>>
    %dma_start3A_1081 = tpu.memref_squeeze %dma_start3A_1080 : memref<1x128xf32, #tpu.memory_space<vmem>> -> memref<128xf32, #tpu.memory_space<vmem>>
    %dma_start3A_1082 = arith.constant 0 : i32
    %dma_start3A_1083 = tpu.memref_slice %arg8[%dma_start3A_1076, %dma_start3A_1082] : memref<16x128xi32, #tpu.memory_space<vmem>> -> memref<1x128xi32, #tpu.memory_space<vmem>>
    %dma_start3A_1084 = tpu.memref_squeeze %dma_start3A_1083 : memref<1x128xi32, #tpu.memory_space<vmem>> -> memref<128xi32, #tpu.memory_space<vmem>>
    %dma_start3A_1085 = arith.constant 0 : i32
    %dma_start3A_1086 = tpu.memref_slice %arg4[%dma_start3A_1075, %dma_start3A_1085] : memref<4x1000000xf32, #tpu.memory_space<hbm>> -> memref<1x1000000xf32, #tpu.memory_space<hbm>>
    %dma_start3A_1087 = tpu.memref_squeeze %dma_start3A_1086 : memref<1x1000000xf32, #tpu.memory_space<hbm>> -> memref<1000000xf32, #tpu.memory_space<hbm>>
    %dma_start3A_1088 = arith.constant 0 : i32
    %dma_start3A_1089 = tpu.memref_slice %dma_start3A_1087[%dma_start3A_1088] : memref<1000000xf32, #tpu.memory_space<hbm>> -> memref<1000000xf32, #tpu.memory_space<hbm>>
    %dma_start3A_1090 = tpu.memref_slice %arg14[%dma_start3A_1078] : memref<4x!tpu.dma_semaphore, #tpu.memory_space<semaphore_mem>> -> memref<1x!tpu.dma_semaphore, #tpu.memory_space<semaphore_mem>>
    %dma_start3A_1091 = tpu.memref_squeeze %dma_start3A_1090 : memref<1x!tpu.dma_semaphore, #tpu.memory_space<semaphore_mem>> -> memref<!tpu.dma_semaphore, #tpu.memory_space<semaphore_mem>>
    tpu.enqueue_indirect_dma source(%dma_start3A_1089 : memref<1000000xf32, #tpu.memory_space<hbm>>) target(%dma_start3A_1081 : memref<128xf32, #tpu.memory_space<vmem>>) offsets(%dma_start3A_1084 : memref<128xi32, #tpu.memory_space<vmem>>) semaphore(%dma_start3A_1091 : memref<!tpu.dma_semaphore, #tpu.memory_space<semaphore_mem>>)
    %dma_wait3A_1092 = arith.constant 4 : i32
    %dma_wait3A_1093 = arith.constant 1 : i32
    %dma_wait3A_1094 = arith.constant 512 : i32
    %dma_wait3A_1095 = arith.constant 0 : i32
    %dma_wait3A_1096 = tpu.memref_slice %arg11[%dma_wait3A_1094, %dma_wait3A_1095] : memref<1024x32xf32, #tpu.memory_space<vmem>> -> memref<128x32xf32, #tpu.memory_space<vmem>>
    %dma_wait3A_1097 = arith.constant 0 : i32
    %dma_wait3A_1098 = tpu.memref_slice %arg9[%dma_wait3A_1092, %dma_wait3A_1097] : memref<16x128xi32, #tpu.memory_space<vmem>> -> memref<1x128xi32, #tpu.memory_space<vmem>>
    %dma_wait3A_1099 = tpu.memref_squeeze %dma_wait3A_1098 : memref<1x128xi32, #tpu.memory_space<vmem>> -> memref<128xi32, #tpu.memory_space<vmem>>
    %dma_wait3A_1100 = arith.constant 0 : i32
    %dma_wait3A_1101 = arith.constant 0 : i32
    %dma_wait3A_1102 = tpu.memref_slice %arg3[%dma_wait3A_1100, %dma_wait3A_1101] : memref<65536x32xf32, #tpu.memory_space<hbm>> -> memref<65536x32xf32, #tpu.memory_space<hbm>>
    %dma_wait3A_1103 = tpu.memref_slice %arg15[%dma_wait3A_1093] : memref<2x!tpu.dma_semaphore, #tpu.memory_space<semaphore_mem>> -> memref<1x!tpu.dma_semaphore, #tpu.memory_space<semaphore_mem>>
    %dma_wait3A_1104 = tpu.memref_squeeze %dma_wait3A_1103 : memref<1x!tpu.dma_semaphore, #tpu.memory_space<semaphore_mem>> -> memref<!tpu.dma_semaphore, #tpu.memory_space<semaphore_mem>>
    tpu.wait_indirect_dma semaphore(%dma_wait3A_1104 : memref<!tpu.dma_semaphore, #tpu.memory_space<semaphore_mem>>) src(%dma_wait3A_1102 : memref<65536x32xf32, #tpu.memory_space<hbm>>) dst(%dma_wait3A_1096 : memref<128x32xf32, #tpu.memory_space<vmem>>)
    %dma_wait3A_1105 = arith.constant 5 : i32
    %dma_wait3A_1106 = arith.constant 1 : i32
    %dma_wait3A_1107 = arith.constant 640 : i32
    %dma_wait3A_1108 = arith.constant 0 : i32
    %dma_wait3A_1109 = tpu.memref_slice %arg11[%dma_wait3A_1107, %dma_wait3A_1108] : memref<1024x32xf32, #tpu.memory_space<vmem>> -> memref<128x32xf32, #tpu.memory_space<vmem>>
    %dma_wait3A_1110 = arith.constant 0 : i32
    %dma_wait3A_1111 = tpu.memref_slice %arg9[%dma_wait3A_1105, %dma_wait3A_1110] : memref<16x128xi32, #tpu.memory_space<vmem>> -> memref<1x128xi32, #tpu.memory_space<vmem>>
    %dma_wait3A_1112 = tpu.memref_squeeze %dma_wait3A_1111 : memref<1x128xi32, #tpu.memory_space<vmem>> -> memref<128xi32, #tpu.memory_space<vmem>>
    %dma_wait3A_1113 = arith.constant 0 : i32
    %dma_wait3A_1114 = arith.constant 0 : i32
    %dma_wait3A_1115 = tpu.memref_slice %arg3[%dma_wait3A_1113, %dma_wait3A_1114] : memref<65536x32xf32, #tpu.memory_space<hbm>> -> memref<65536x32xf32, #tpu.memory_space<hbm>>
    %dma_wait3A_1116 = tpu.memref_slice %arg15[%dma_wait3A_1106] : memref<2x!tpu.dma_semaphore, #tpu.memory_space<semaphore_mem>> -> memref<1x!tpu.dma_semaphore, #tpu.memory_space<semaphore_mem>>
    %dma_wait3A_1117 = tpu.memref_squeeze %dma_wait3A_1116 : memref<1x!tpu.dma_semaphore, #tpu.memory_space<semaphore_mem>> -> memref<!tpu.dma_semaphore, #tpu.memory_space<semaphore_mem>>
    tpu.wait_indirect_dma semaphore(%dma_wait3A_1117 : memref<!tpu.dma_semaphore, #tpu.memory_space<semaphore_mem>>) src(%dma_wait3A_1115 : memref<65536x32xf32, #tpu.memory_space<hbm>>) dst(%dma_wait3A_1109 : memref<128x32xf32, #tpu.memory_space<vmem>>)
    %dma_wait3A_1118 = arith.constant 6 : i32
    %dma_wait3A_1119 = arith.constant 1 : i32
    %dma_wait3A_1120 = arith.constant 768 : i32
    %dma_wait3A_1121 = arith.constant 0 : i32
    %dma_wait3A_1122 = tpu.memref_slice %arg11[%dma_wait3A_1120, %dma_wait3A_1121] : memref<1024x32xf32, #tpu.memory_space<vmem>> -> memref<128x32xf32, #tpu.memory_space<vmem>>
    %dma_wait3A_1123 = arith.constant 0 : i32
    %dma_wait3A_1124 = tpu.memref_slice %arg9[%dma_wait3A_1118, %dma_wait3A_1123] : memref<16x128xi32, #tpu.memory_space<vmem>> -> memref<1x128xi32, #tpu.memory_space<vmem>>
    %dma_wait3A_1125 = tpu.memref_squeeze %dma_wait3A_1124 : memref<1x128xi32, #tpu.memory_space<vmem>> -> memref<128xi32, #tpu.memory_space<vmem>>
    %dma_wait3A_1126 = arith.constant 0 : i32
    %dma_wait3A_1127 = arith.constant 0 : i32
    %dma_wait3A_1128 = tpu.memref_slice %arg3[%dma_wait3A_1126, %dma_wait3A_1127] : memref<65536x32xf32, #tpu.memory_space<hbm>> -> memref<65536x32xf32, #tpu.memory_space<hbm>>
    %dma_wait3A_1129 = tpu.memref_slice %arg15[%dma_wait3A_1119] : memref<2x!tpu.dma_semaphore, #tpu.memory_space<semaphore_mem>> -> memref<1x!tpu.dma_semaphore, #tpu.memory_space<semaphore_mem>>
    %dma_wait3A_1130 = tpu.memref_squeeze %dma_wait3A_1129 : memref<1x!tpu.dma_semaphore, #tpu.memory_space<semaphore_mem>> -> memref<!tpu.dma_semaphore, #tpu.memory_space<semaphore_mem>>
    tpu.wait_indirect_dma semaphore(%dma_wait3A_1130 : memref<!tpu.dma_semaphore, #tpu.memory_space<semaphore_mem>>) src(%dma_wait3A_1128 : memref<65536x32xf32, #tpu.memory_space<hbm>>) dst(%dma_wait3A_1122 : memref<128x32xf32, #tpu.memory_space<vmem>>)
    %dma_wait3A_1131 = arith.constant 7 : i32
    %dma_wait3A_1132 = arith.constant 1 : i32
    %dma_wait3A_1133 = arith.constant 896 : i32
    %dma_wait3A_1134 = arith.constant 0 : i32
    %dma_wait3A_1135 = tpu.memref_slice %arg11[%dma_wait3A_1133, %dma_wait3A_1134] : memref<1024x32xf32, #tpu.memory_space<vmem>> -> memref<128x32xf32, #tpu.memory_space<vmem>>
    %dma_wait3A_1136 = arith.constant 0 : i32
    %dma_wait3A_1137 = tpu.memref_slice %arg9[%dma_wait3A_1131, %dma_wait3A_1136] : memref<16x128xi32, #tpu.memory_space<vmem>> -> memref<1x128xi32, #tpu.memory_space<vmem>>
    %dma_wait3A_1138 = tpu.memref_squeeze %dma_wait3A_1137 : memref<1x128xi32, #tpu.memory_space<vmem>> -> memref<128xi32, #tpu.memory_space<vmem>>
    %dma_wait3A_1139 = arith.constant 0 : i32
    %dma_wait3A_1140 = arith.constant 0 : i32
    %dma_wait3A_1141 = tpu.memref_slice %arg3[%dma_wait3A_1139, %dma_wait3A_1140] : memref<65536x32xf32, #tpu.memory_space<hbm>> -> memref<65536x32xf32, #tpu.memory_space<hbm>>
    %dma_wait3A_1142 = tpu.memref_slice %arg15[%dma_wait3A_1132] : memref<2x!tpu.dma_semaphore, #tpu.memory_space<semaphore_mem>> -> memref<1x!tpu.dma_semaphore, #tpu.memory_space<semaphore_mem>>
    %dma_wait3A_1143 = tpu.memref_squeeze %dma_wait3A_1142 : memref<1x!tpu.dma_semaphore, #tpu.memory_space<semaphore_mem>> -> memref<!tpu.dma_semaphore, #tpu.memory_space<semaphore_mem>>
    tpu.wait_indirect_dma semaphore(%dma_wait3A_1143 : memref<!tpu.dma_semaphore, #tpu.memory_space<semaphore_mem>>) src(%dma_wait3A_1141 : memref<65536x32xf32, #tpu.memory_space<hbm>>) dst(%dma_wait3A_1135 : memref<128x32xf32, #tpu.memory_space<vmem>>)
    %dma_wait3A_1144 = arith.constant 0 : i32
    %dma_wait3A_1145 = arith.constant 8 : i32
    %dma_wait3A_1146 = arith.constant 8 : i32
    %dma_wait3A_1147 = arith.constant 2 : i32
    %dma_wait3A_1148 = arith.constant 0 : i32
    %dma_wait3A_1149 = tpu.memref_slice %arg9[%dma_wait3A_1146, %dma_wait3A_1148] : memref<16x128xi32, #tpu.memory_space<vmem>> -> memref<1x128xi32, #tpu.memory_space<vmem>>
    %dma_wait3A_1150 = tpu.memref_squeeze %dma_wait3A_1149 : memref<1x128xi32, #tpu.memory_space<vmem>> -> memref<128xi32, #tpu.memory_space<vmem>>
    %dma_wait3A_1151 = arith.constant 0 : i32
    %dma_wait3A_1152 = tpu.memref_slice %arg8[%dma_wait3A_1145, %dma_wait3A_1151] : memref<16x128xi32, #tpu.memory_space<vmem>> -> memref<1x128xi32, #tpu.memory_space<vmem>>
    %dma_wait3A_1153 = tpu.memref_squeeze %dma_wait3A_1152 : memref<1x128xi32, #tpu.memory_space<vmem>> -> memref<128xi32, #tpu.memory_space<vmem>>
    %dma_wait3A_1154 = arith.constant 0 : i32
    %dma_wait3A_1155 = tpu.memref_slice %arg5[%dma_wait3A_1144, %dma_wait3A_1154] : memref<4x1000000xi32, #tpu.memory_space<hbm>> -> memref<1x1000000xi32, #tpu.memory_space<hbm>>
    %dma_wait3A_1156 = tpu.memref_squeeze %dma_wait3A_1155 : memref<1x1000000xi32, #tpu.memory_space<hbm>> -> memref<1000000xi32, #tpu.memory_space<hbm>>
    %dma_wait3A_1157 = arith.constant 0 : i32
    %dma_wait3A_1158 = tpu.memref_slice %dma_wait3A_1156[%dma_wait3A_1157] : memref<1000000xi32, #tpu.memory_space<hbm>> -> memref<1000000xi32, #tpu.memory_space<hbm>>
    %dma_wait3A_1159 = tpu.memref_slice %arg14[%dma_wait3A_1147] : memref<4x!tpu.dma_semaphore, #tpu.memory_space<semaphore_mem>> -> memref<1x!tpu.dma_semaphore, #tpu.memory_space<semaphore_mem>>
    %dma_wait3A_1160 = tpu.memref_squeeze %dma_wait3A_1159 : memref<1x!tpu.dma_semaphore, #tpu.memory_space<semaphore_mem>> -> memref<!tpu.dma_semaphore, #tpu.memory_space<semaphore_mem>>
    tpu.wait_indirect_dma semaphore(%dma_wait3A_1160 : memref<!tpu.dma_semaphore, #tpu.memory_space<semaphore_mem>>) src(%dma_wait3A_1158 : memref<1000000xi32, #tpu.memory_space<hbm>>) dst(%dma_wait3A_1150 : memref<128xi32, #tpu.memory_space<vmem>>)
    %dma_wait3A_1161 = arith.constant 0 : i32
    %dma_wait3A_1162 = arith.constant 8 : i32
    %dma_wait3A_1163 = arith.constant 8 : i32
    %dma_wait3A_1164 = arith.constant 2 : i32
    %dma_wait3A_1165 = arith.constant 0 : i32
    %dma_wait3A_1166 = tpu.memref_slice %arg10[%dma_wait3A_1163, %dma_wait3A_1165] : memref<16x128xf32, #tpu.memory_space<vmem>> -> memref<1x128xf32, #tpu.memory_space<vmem>>
    %dma_wait3A_1167 = tpu.memref_squeeze %dma_wait3A_1166 : memref<1x128xf32, #tpu.memory_space<vmem>> -> memref<128xf32, #tpu.memory_space<vmem>>
    %dma_wait3A_1168 = arith.constant 0 : i32
    %dma_wait3A_1169 = tpu.memref_slice %arg8[%dma_wait3A_1162, %dma_wait3A_1168] : memref<16x128xi32, #tpu.memory_space<vmem>> -> memref<1x128xi32, #tpu.memory_space<vmem>>
    %dma_wait3A_1170 = tpu.memref_squeeze %dma_wait3A_1169 : memref<1x128xi32, #tpu.memory_space<vmem>> -> memref<128xi32, #tpu.memory_space<vmem>>
    %dma_wait3A_1171 = arith.constant 0 : i32
    %dma_wait3A_1172 = tpu.memref_slice %arg4[%dma_wait3A_1161, %dma_wait3A_1171] : memref<4x1000000xf32, #tpu.memory_space<hbm>> -> memref<1x1000000xf32, #tpu.memory_space<hbm>>
    %dma_wait3A_1173 = tpu.memref_squeeze %dma_wait3A_1172 : memref<1x1000000xf32, #tpu.memory_space<hbm>> -> memref<1000000xf32, #tpu.memory_space<hbm>>
    %dma_wait3A_1174 = arith.constant 0 : i32
    %dma_wait3A_1175 = tpu.memref_slice %dma_wait3A_1173[%dma_wait3A_1174] : memref<1000000xf32, #tpu.memory_space<hbm>> -> memref<1000000xf32, #tpu.memory_space<hbm>>
    %dma_wait3A_1176 = tpu.memref_slice %arg14[%dma_wait3A_1164] : memref<4x!tpu.dma_semaphore, #tpu.memory_space<semaphore_mem>> -> memref<1x!tpu.dma_semaphore, #tpu.memory_space<semaphore_mem>>
    %dma_wait3A_1177 = tpu.memref_squeeze %dma_wait3A_1176 : memref<1x!tpu.dma_semaphore, #tpu.memory_space<semaphore_mem>> -> memref<!tpu.dma_semaphore, #tpu.memory_space<semaphore_mem>>
    tpu.wait_indirect_dma semaphore(%dma_wait3A_1177 : memref<!tpu.dma_semaphore, #tpu.memory_space<semaphore_mem>>) src(%dma_wait3A_1175 : memref<1000000xf32, #tpu.memory_space<hbm>>) dst(%dma_wait3A_1167 : memref<128xf32, #tpu.memory_space<vmem>>)
    %dma_wait3A_1178 = arith.constant 1 : i32
    %dma_wait3A_1179 = arith.constant 9 : i32
    %dma_wait3A_1180 = arith.constant 9 : i32
    %dma_wait3A_1181 = arith.constant 2 : i32
    %dma_wait3A_1182 = arith.constant 0 : i32
    %dma_wait3A_1183 = tpu.memref_slice %arg9[%dma_wait3A_1180, %dma_wait3A_1182] : memref<16x128xi32, #tpu.memory_space<vmem>> -> memref<1x128xi32, #tpu.memory_space<vmem>>
    %dma_wait3A_1184 = tpu.memref_squeeze %dma_wait3A_1183 : memref<1x128xi32, #tpu.memory_space<vmem>> -> memref<128xi32, #tpu.memory_space<vmem>>
    %dma_wait3A_1185 = arith.constant 0 : i32
    %dma_wait3A_1186 = tpu.memref_slice %arg8[%dma_wait3A_1179, %dma_wait3A_1185] : memref<16x128xi32, #tpu.memory_space<vmem>> -> memref<1x128xi32, #tpu.memory_space<vmem>>
    %dma_wait3A_1187 = tpu.memref_squeeze %dma_wait3A_1186 : memref<1x128xi32, #tpu.memory_space<vmem>> -> memref<128xi32, #tpu.memory_space<vmem>>
    %dma_wait3A_1188 = arith.constant 0 : i32
    %dma_wait3A_1189 = tpu.memref_slice %arg5[%dma_wait3A_1178, %dma_wait3A_1188] : memref<4x1000000xi32, #tpu.memory_space<hbm>> -> memref<1x1000000xi32, #tpu.memory_space<hbm>>
    %dma_wait3A_1190 = tpu.memref_squeeze %dma_wait3A_1189 : memref<1x1000000xi32, #tpu.memory_space<hbm>> -> memref<1000000xi32, #tpu.memory_space<hbm>>
    %dma_wait3A_1191 = arith.constant 0 : i32
    %dma_wait3A_1192 = tpu.memref_slice %dma_wait3A_1190[%dma_wait3A_1191] : memref<1000000xi32, #tpu.memory_space<hbm>> -> memref<1000000xi32, #tpu.memory_space<hbm>>
    %dma_wait3A_1193 = tpu.memref_slice %arg14[%dma_wait3A_1181] : memref<4x!tpu.dma_semaphore, #tpu.memory_space<semaphore_mem>> -> memref<1x!tpu.dma_semaphore, #tpu.memory_space<semaphore_mem>>
    %dma_wait3A_1194 = tpu.memref_squeeze %dma_wait3A_1193 : memref<1x!tpu.dma_semaphore, #tpu.memory_space<semaphore_mem>> -> memref<!tpu.dma_semaphore, #tpu.memory_space<semaphore_mem>>
    tpu.wait_indirect_dma semaphore(%dma_wait3A_1194 : memref<!tpu.dma_semaphore, #tpu.memory_space<semaphore_mem>>) src(%dma_wait3A_1192 : memref<1000000xi32, #tpu.memory_space<hbm>>) dst(%dma_wait3A_1184 : memref<128xi32, #tpu.memory_space<vmem>>)
    %dma_wait3A_1195 = arith.constant 1 : i32
    %dma_wait3A_1196 = arith.constant 9 : i32
    %dma_wait3A_1197 = arith.constant 9 : i32
    %dma_wait3A_1198 = arith.constant 2 : i32
    %dma_wait3A_1199 = arith.constant 0 : i32
    %dma_wait3A_1200 = tpu.memref_slice %arg10[%dma_wait3A_1197, %dma_wait3A_1199] : memref<16x128xf32, #tpu.memory_space<vmem>> -> memref<1x128xf32, #tpu.memory_space<vmem>>
    %dma_wait3A_1201 = tpu.memref_squeeze %dma_wait3A_1200 : memref<1x128xf32, #tpu.memory_space<vmem>> -> memref<128xf32, #tpu.memory_space<vmem>>
    %dma_wait3A_1202 = arith.constant 0 : i32
    %dma_wait3A_1203 = tpu.memref_slice %arg8[%dma_wait3A_1196, %dma_wait3A_1202] : memref<16x128xi32, #tpu.memory_space<vmem>> -> memref<1x128xi32, #tpu.memory_space<vmem>>
    %dma_wait3A_1204 = tpu.memref_squeeze %dma_wait3A_1203 : memref<1x128xi32, #tpu.memory_space<vmem>> -> memref<128xi32, #tpu.memory_space<vmem>>
    %dma_wait3A_1205 = arith.constant 0 : i32
    %dma_wait3A_1206 = tpu.memref_slice %arg4[%dma_wait3A_1195, %dma_wait3A_1205] : memref<4x1000000xf32, #tpu.memory_space<hbm>> -> memref<1x1000000xf32, #tpu.memory_space<hbm>>
    %dma_wait3A_1207 = tpu.memref_squeeze %dma_wait3A_1206 : memref<1x1000000xf32, #tpu.memory_space<hbm>> -> memref<1000000xf32, #tpu.memory_space<hbm>>
    %dma_wait3A_1208 = arith.constant 0 : i32
    %dma_wait3A_1209 = tpu.memref_slice %dma_wait3A_1207[%dma_wait3A_1208] : memref<1000000xf32, #tpu.memory_space<hbm>> -> memref<1000000xf32, #tpu.memory_space<hbm>>
    %dma_wait3A_1210 = tpu.memref_slice %arg14[%dma_wait3A_1198] : memref<4x!tpu.dma_semaphore, #tpu.memory_space<semaphore_mem>> -> memref<1x!tpu.dma_semaphore, #tpu.memory_space<semaphore_mem>>
    %dma_wait3A_1211 = tpu.memref_squeeze %dma_wait3A_1210 : memref<1x!tpu.dma_semaphore, #tpu.memory_space<semaphore_mem>> -> memref<!tpu.dma_semaphore, #tpu.memory_space<semaphore_mem>>
    tpu.wait_indirect_dma semaphore(%dma_wait3A_1211 : memref<!tpu.dma_semaphore, #tpu.memory_space<semaphore_mem>>) src(%dma_wait3A_1209 : memref<1000000xf32, #tpu.memory_space<hbm>>) dst(%dma_wait3A_1201 : memref<128xf32, #tpu.memory_space<vmem>>)
    %dma_wait3A_1212 = arith.constant 2 : i32
    %dma_wait3A_1213 = arith.constant 10 : i32
    %dma_wait3A_1214 = arith.constant 10 : i32
    %dma_wait3A_1215 = arith.constant 2 : i32
    %dma_wait3A_1216 = arith.constant 0 : i32
    %dma_wait3A_1217 = tpu.memref_slice %arg9[%dma_wait3A_1214, %dma_wait3A_1216] : memref<16x128xi32, #tpu.memory_space<vmem>> -> memref<1x128xi32, #tpu.memory_space<vmem>>
    %dma_wait3A_1218 = tpu.memref_squeeze %dma_wait3A_1217 : memref<1x128xi32, #tpu.memory_space<vmem>> -> memref<128xi32, #tpu.memory_space<vmem>>
    %dma_wait3A_1219 = arith.constant 0 : i32
    %dma_wait3A_1220 = tpu.memref_slice %arg8[%dma_wait3A_1213, %dma_wait3A_1219] : memref<16x128xi32, #tpu.memory_space<vmem>> -> memref<1x128xi32, #tpu.memory_space<vmem>>
    %dma_wait3A_1221 = tpu.memref_squeeze %dma_wait3A_1220 : memref<1x128xi32, #tpu.memory_space<vmem>> -> memref<128xi32, #tpu.memory_space<vmem>>
    %dma_wait3A_1222 = arith.constant 0 : i32
    %dma_wait3A_1223 = tpu.memref_slice %arg5[%dma_wait3A_1212, %dma_wait3A_1222] : memref<4x1000000xi32, #tpu.memory_space<hbm>> -> memref<1x1000000xi32, #tpu.memory_space<hbm>>
    %dma_wait3A_1224 = tpu.memref_squeeze %dma_wait3A_1223 : memref<1x1000000xi32, #tpu.memory_space<hbm>> -> memref<1000000xi32, #tpu.memory_space<hbm>>
    %dma_wait3A_1225 = arith.constant 0 : i32
    %dma_wait3A_1226 = tpu.memref_slice %dma_wait3A_1224[%dma_wait3A_1225] : memref<1000000xi32, #tpu.memory_space<hbm>> -> memref<1000000xi32, #tpu.memory_space<hbm>>
    %dma_wait3A_1227 = tpu.memref_slice %arg14[%dma_wait3A_1215] : memref<4x!tpu.dma_semaphore, #tpu.memory_space<semaphore_mem>> -> memref<1x!tpu.dma_semaphore, #tpu.memory_space<semaphore_mem>>
    %dma_wait3A_1228 = tpu.memref_squeeze %dma_wait3A_1227 : memref<1x!tpu.dma_semaphore, #tpu.memory_space<semaphore_mem>> -> memref<!tpu.dma_semaphore, #tpu.memory_space<semaphore_mem>>
    tpu.wait_indirect_dma semaphore(%dma_wait3A_1228 : memref<!tpu.dma_semaphore, #tpu.memory_space<semaphore_mem>>) src(%dma_wait3A_1226 : memref<1000000xi32, #tpu.memory_space<hbm>>) dst(%dma_wait3A_1218 : memref<128xi32, #tpu.memory_space<vmem>>)
    %dma_wait3A_1229 = arith.constant 2 : i32
    %dma_wait3A_1230 = arith.constant 10 : i32
    %dma_wait3A_1231 = arith.constant 10 : i32
    %dma_wait3A_1232 = arith.constant 2 : i32
    %dma_wait3A_1233 = arith.constant 0 : i32
    %dma_wait3A_1234 = tpu.memref_slice %arg10[%dma_wait3A_1231, %dma_wait3A_1233] : memref<16x128xf32, #tpu.memory_space<vmem>> -> memref<1x128xf32, #tpu.memory_space<vmem>>
    %dma_wait3A_1235 = tpu.memref_squeeze %dma_wait3A_1234 : memref<1x128xf32, #tpu.memory_space<vmem>> -> memref<128xf32, #tpu.memory_space<vmem>>
    %dma_wait3A_1236 = arith.constant 0 : i32
    %dma_wait3A_1237 = tpu.memref_slice %arg8[%dma_wait3A_1230, %dma_wait3A_1236] : memref<16x128xi32, #tpu.memory_space<vmem>> -> memref<1x128xi32, #tpu.memory_space<vmem>>
    %dma_wait3A_1238 = tpu.memref_squeeze %dma_wait3A_1237 : memref<1x128xi32, #tpu.memory_space<vmem>> -> memref<128xi32, #tpu.memory_space<vmem>>
    %dma_wait3A_1239 = arith.constant 0 : i32
    %dma_wait3A_1240 = tpu.memref_slice %arg4[%dma_wait3A_1229, %dma_wait3A_1239] : memref<4x1000000xf32, #tpu.memory_space<hbm>> -> memref<1x1000000xf32, #tpu.memory_space<hbm>>
    %dma_wait3A_1241 = tpu.memref_squeeze %dma_wait3A_1240 : memref<1x1000000xf32, #tpu.memory_space<hbm>> -> memref<1000000xf32, #tpu.memory_space<hbm>>
    %dma_wait3A_1242 = arith.constant 0 : i32
    %dma_wait3A_1243 = tpu.memref_slice %dma_wait3A_1241[%dma_wait3A_1242] : memref<1000000xf32, #tpu.memory_space<hbm>> -> memref<1000000xf32, #tpu.memory_space<hbm>>
    %dma_wait3A_1244 = tpu.memref_slice %arg14[%dma_wait3A_1232] : memref<4x!tpu.dma_semaphore, #tpu.memory_space<semaphore_mem>> -> memref<1x!tpu.dma_semaphore, #tpu.memory_space<semaphore_mem>>
    %dma_wait3A_1245 = tpu.memref_squeeze %dma_wait3A_1244 : memref<1x!tpu.dma_semaphore, #tpu.memory_space<semaphore_mem>> -> memref<!tpu.dma_semaphore, #tpu.memory_space<semaphore_mem>>
    tpu.wait_indirect_dma semaphore(%dma_wait3A_1245 : memref<!tpu.dma_semaphore, #tpu.memory_space<semaphore_mem>>) src(%dma_wait3A_1243 : memref<1000000xf32, #tpu.memory_space<hbm>>) dst(%dma_wait3A_1235 : memref<128xf32, #tpu.memory_space<vmem>>)
    %dma_wait3A_1246 = arith.constant 3 : i32
    %dma_wait3A_1247 = arith.constant 11 : i32
    %dma_wait3A_1248 = arith.constant 11 : i32
    %dma_wait3A_1249 = arith.constant 2 : i32
    %dma_wait3A_1250 = arith.constant 0 : i32
    %dma_wait3A_1251 = tpu.memref_slice %arg9[%dma_wait3A_1248, %dma_wait3A_1250] : memref<16x128xi32, #tpu.memory_space<vmem>> -> memref<1x128xi32, #tpu.memory_space<vmem>>
    %dma_wait3A_1252 = tpu.memref_squeeze %dma_wait3A_1251 : memref<1x128xi32, #tpu.memory_space<vmem>> -> memref<128xi32, #tpu.memory_space<vmem>>
    %dma_wait3A_1253 = arith.constant 0 : i32
    %dma_wait3A_1254 = tpu.memref_slice %arg8[%dma_wait3A_1247, %dma_wait3A_1253] : memref<16x128xi32, #tpu.memory_space<vmem>> -> memref<1x128xi32, #tpu.memory_space<vmem>>
    %dma_wait3A_1255 = tpu.memref_squeeze %dma_wait3A_1254 : memref<1x128xi32, #tpu.memory_space<vmem>> -> memref<128xi32, #tpu.memory_space<vmem>>
    %dma_wait3A_1256 = arith.constant 0 : i32
    %dma_wait3A_1257 = tpu.memref_slice %arg5[%dma_wait3A_1246, %dma_wait3A_1256] : memref<4x1000000xi32, #tpu.memory_space<hbm>> -> memref<1x1000000xi32, #tpu.memory_space<hbm>>
    %dma_wait3A_1258 = tpu.memref_squeeze %dma_wait3A_1257 : memref<1x1000000xi32, #tpu.memory_space<hbm>> -> memref<1000000xi32, #tpu.memory_space<hbm>>
    %dma_wait3A_1259 = arith.constant 0 : i32
    %dma_wait3A_1260 = tpu.memref_slice %dma_wait3A_1258[%dma_wait3A_1259] : memref<1000000xi32, #tpu.memory_space<hbm>> -> memref<1000000xi32, #tpu.memory_space<hbm>>
    %dma_wait3A_1261 = tpu.memref_slice %arg14[%dma_wait3A_1249] : memref<4x!tpu.dma_semaphore, #tpu.memory_space<semaphore_mem>> -> memref<1x!tpu.dma_semaphore, #tpu.memory_space<semaphore_mem>>
    %dma_wait3A_1262 = tpu.memref_squeeze %dma_wait3A_1261 : memref<1x!tpu.dma_semaphore, #tpu.memory_space<semaphore_mem>> -> memref<!tpu.dma_semaphore, #tpu.memory_space<semaphore_mem>>
    tpu.wait_indirect_dma semaphore(%dma_wait3A_1262 : memref<!tpu.dma_semaphore, #tpu.memory_space<semaphore_mem>>) src(%dma_wait3A_1260 : memref<1000000xi32, #tpu.memory_space<hbm>>) dst(%dma_wait3A_1252 : memref<128xi32, #tpu.memory_space<vmem>>)
    %dma_wait3A_1263 = arith.constant 3 : i32
    %dma_wait3A_1264 = arith.constant 11 : i32
    %dma_wait3A_1265 = arith.constant 11 : i32
    %dma_wait3A_1266 = arith.constant 2 : i32
    %dma_wait3A_1267 = arith.constant 0 : i32
    %dma_wait3A_1268 = tpu.memref_slice %arg10[%dma_wait3A_1265, %dma_wait3A_1267] : memref<16x128xf32, #tpu.memory_space<vmem>> -> memref<1x128xf32, #tpu.memory_space<vmem>>
    %dma_wait3A_1269 = tpu.memref_squeeze %dma_wait3A_1268 : memref<1x128xf32, #tpu.memory_space<vmem>> -> memref<128xf32, #tpu.memory_space<vmem>>
    %dma_wait3A_1270 = arith.constant 0 : i32
    %dma_wait3A_1271 = tpu.memref_slice %arg8[%dma_wait3A_1264, %dma_wait3A_1270] : memref<16x128xi32, #tpu.memory_space<vmem>> -> memref<1x128xi32, #tpu.memory_space<vmem>>
    %dma_wait3A_1272 = tpu.memref_squeeze %dma_wait3A_1271 : memref<1x128xi32, #tpu.memory_space<vmem>> -> memref<128xi32, #tpu.memory_space<vmem>>
    %dma_wait3A_1273 = arith.constant 0 : i32
    %dma_wait3A_1274 = tpu.memref_slice %arg4[%dma_wait3A_1263, %dma_wait3A_1273] : memref<4x1000000xf32, #tpu.memory_space<hbm>> -> memref<1x1000000xf32, #tpu.memory_space<hbm>>
    %dma_wait3A_1275 = tpu.memref_squeeze %dma_wait3A_1274 : memref<1x1000000xf32, #tpu.memory_space<hbm>> -> memref<1000000xf32, #tpu.memory_space<hbm>>
    %dma_wait3A_1276 = arith.constant 0 : i32
    %dma_wait3A_1277 = tpu.memref_slice %dma_wait3A_1275[%dma_wait3A_1276] : memref<1000000xf32, #tpu.memory_space<hbm>> -> memref<1000000xf32, #tpu.memory_space<hbm>>
    %dma_wait3A_1278 = tpu.memref_slice %arg14[%dma_wait3A_1266] : memref<4x!tpu.dma_semaphore, #tpu.memory_space<semaphore_mem>> -> memref<1x!tpu.dma_semaphore, #tpu.memory_space<semaphore_mem>>
    %dma_wait3A_1279 = tpu.memref_squeeze %dma_wait3A_1278 : memref<1x!tpu.dma_semaphore, #tpu.memory_space<semaphore_mem>> -> memref<!tpu.dma_semaphore, #tpu.memory_space<semaphore_mem>>
    tpu.wait_indirect_dma semaphore(%dma_wait3A_1279 : memref<!tpu.dma_semaphore, #tpu.memory_space<semaphore_mem>>) src(%dma_wait3A_1277 : memref<1000000xf32, #tpu.memory_space<hbm>>) dst(%dma_wait3A_1269 : memref<128xf32, #tpu.memory_space<vmem>>)
    %dma_start3A_1280 = arith.constant 8 : i32
    %dma_start3A_1281 = arith.constant 0 : i32
    %dma_start3A_1282 = arith.constant 0 : i32
    %dma_start3A_1283 = arith.constant 0 : i32
    %dma_start3A_1284 = tpu.memref_slice %arg11[%dma_start3A_1282, %dma_start3A_1283] : memref<1024x32xf32, #tpu.memory_space<vmem>> -> memref<128x32xf32, #tpu.memory_space<vmem>>
    %dma_start3A_1285 = arith.constant 0 : i32
    %dma_start3A_1286 = tpu.memref_slice %arg9[%dma_start3A_1280, %dma_start3A_1285] : memref<16x128xi32, #tpu.memory_space<vmem>> -> memref<1x128xi32, #tpu.memory_space<vmem>>
    %dma_start3A_1287 = tpu.memref_squeeze %dma_start3A_1286 : memref<1x128xi32, #tpu.memory_space<vmem>> -> memref<128xi32, #tpu.memory_space<vmem>>
    %dma_start3A_1288 = arith.constant 0 : i32
    %dma_start3A_1289 = arith.constant 0 : i32
    %dma_start3A_1290 = tpu.memref_slice %arg3[%dma_start3A_1288, %dma_start3A_1289] : memref<65536x32xf32, #tpu.memory_space<hbm>> -> memref<65536x32xf32, #tpu.memory_space<hbm>>
    %dma_start3A_1291 = tpu.memref_slice %arg15[%dma_start3A_1281] : memref<2x!tpu.dma_semaphore, #tpu.memory_space<semaphore_mem>> -> memref<1x!tpu.dma_semaphore, #tpu.memory_space<semaphore_mem>>
    %dma_start3A_1292 = tpu.memref_squeeze %dma_start3A_1291 : memref<1x!tpu.dma_semaphore, #tpu.memory_space<semaphore_mem>> -> memref<!tpu.dma_semaphore, #tpu.memory_space<semaphore_mem>>
    tpu.enqueue_indirect_dma source(%dma_start3A_1290 : memref<65536x32xf32, #tpu.memory_space<hbm>>) target(%dma_start3A_1284 : memref<128x32xf32, #tpu.memory_space<vmem>>) offsets(%dma_start3A_1287 : memref<128xi32, #tpu.memory_space<vmem>>) semaphore(%dma_start3A_1292 : memref<!tpu.dma_semaphore, #tpu.memory_space<semaphore_mem>>)
    %dma_start3A_1293 = arith.constant 9 : i32
    %dma_start3A_1294 = arith.constant 0 : i32
    %dma_start3A_1295 = arith.constant 128 : i32
    %dma_start3A_1296 = arith.constant 0 : i32
    %dma_start3A_1297 = tpu.memref_slice %arg11[%dma_start3A_1295, %dma_start3A_1296] : memref<1024x32xf32, #tpu.memory_space<vmem>> -> memref<128x32xf32, #tpu.memory_space<vmem>>
    %dma_start3A_1298 = arith.constant 0 : i32
    %dma_start3A_1299 = tpu.memref_slice %arg9[%dma_start3A_1293, %dma_start3A_1298] : memref<16x128xi32, #tpu.memory_space<vmem>> -> memref<1x128xi32, #tpu.memory_space<vmem>>
    %dma_start3A_1300 = tpu.memref_squeeze %dma_start3A_1299 : memref<1x128xi32, #tpu.memory_space<vmem>> -> memref<128xi32, #tpu.memory_space<vmem>>
    %dma_start3A_1301 = arith.constant 0 : i32
    %dma_start3A_1302 = arith.constant 0 : i32
    %dma_start3A_1303 = tpu.memref_slice %arg3[%dma_start3A_1301, %dma_start3A_1302] : memref<65536x32xf32, #tpu.memory_space<hbm>> -> memref<65536x32xf32, #tpu.memory_space<hbm>>
    %dma_start3A_1304 = tpu.memref_slice %arg15[%dma_start3A_1294] : memref<2x!tpu.dma_semaphore, #tpu.memory_space<semaphore_mem>> -> memref<1x!tpu.dma_semaphore, #tpu.memory_space<semaphore_mem>>
    %dma_start3A_1305 = tpu.memref_squeeze %dma_start3A_1304 : memref<1x!tpu.dma_semaphore, #tpu.memory_space<semaphore_mem>> -> memref<!tpu.dma_semaphore, #tpu.memory_space<semaphore_mem>>
    tpu.enqueue_indirect_dma source(%dma_start3A_1303 : memref<65536x32xf32, #tpu.memory_space<hbm>>) target(%dma_start3A_1297 : memref<128x32xf32, #tpu.memory_space<vmem>>) offsets(%dma_start3A_1300 : memref<128xi32, #tpu.memory_space<vmem>>) semaphore(%dma_start3A_1305 : memref<!tpu.dma_semaphore, #tpu.memory_space<semaphore_mem>>)
    %dma_start3A_1306 = arith.constant 10 : i32
    %dma_start3A_1307 = arith.constant 0 : i32
    %dma_start3A_1308 = arith.constant 256 : i32
    %dma_start3A_1309 = arith.constant 0 : i32
    %dma_start3A_1310 = tpu.memref_slice %arg11[%dma_start3A_1308, %dma_start3A_1309] : memref<1024x32xf32, #tpu.memory_space<vmem>> -> memref<128x32xf32, #tpu.memory_space<vmem>>
    %dma_start3A_1311 = arith.constant 0 : i32
    %dma_start3A_1312 = tpu.memref_slice %arg9[%dma_start3A_1306, %dma_start3A_1311] : memref<16x128xi32, #tpu.memory_space<vmem>> -> memref<1x128xi32, #tpu.memory_space<vmem>>
    %dma_start3A_1313 = tpu.memref_squeeze %dma_start3A_1312 : memref<1x128xi32, #tpu.memory_space<vmem>> -> memref<128xi32, #tpu.memory_space<vmem>>
    %dma_start3A_1314 = arith.constant 0 : i32
    %dma_start3A_1315 = arith.constant 0 : i32
    %dma_start3A_1316 = tpu.memref_slice %arg3[%dma_start3A_1314, %dma_start3A_1315] : memref<65536x32xf32, #tpu.memory_space<hbm>> -> memref<65536x32xf32, #tpu.memory_space<hbm>>
    %dma_start3A_1317 = tpu.memref_slice %arg15[%dma_start3A_1307] : memref<2x!tpu.dma_semaphore, #tpu.memory_space<semaphore_mem>> -> memref<1x!tpu.dma_semaphore, #tpu.memory_space<semaphore_mem>>
    %dma_start3A_1318 = tpu.memref_squeeze %dma_start3A_1317 : memref<1x!tpu.dma_semaphore, #tpu.memory_space<semaphore_mem>> -> memref<!tpu.dma_semaphore, #tpu.memory_space<semaphore_mem>>
    tpu.enqueue_indirect_dma source(%dma_start3A_1316 : memref<65536x32xf32, #tpu.memory_space<hbm>>) target(%dma_start3A_1310 : memref<128x32xf32, #tpu.memory_space<vmem>>) offsets(%dma_start3A_1313 : memref<128xi32, #tpu.memory_space<vmem>>) semaphore(%dma_start3A_1318 : memref<!tpu.dma_semaphore, #tpu.memory_space<semaphore_mem>>)
    %dma_start3A_1319 = arith.constant 11 : i32
    %dma_start3A_1320 = arith.constant 0 : i32
    %dma_start3A_1321 = arith.constant 384 : i32
    %dma_start3A_1322 = arith.constant 0 : i32
    %dma_start3A_1323 = tpu.memref_slice %arg11[%dma_start3A_1321, %dma_start3A_1322] : memref<1024x32xf32, #tpu.memory_space<vmem>> -> memref<128x32xf32, #tpu.memory_space<vmem>>
    %dma_start3A_1324 = arith.constant 0 : i32
    %dma_start3A_1325 = tpu.memref_slice %arg9[%dma_start3A_1319, %dma_start3A_1324] : memref<16x128xi32, #tpu.memory_space<vmem>> -> memref<1x128xi32, #tpu.memory_space<vmem>>
    %dma_start3A_1326 = tpu.memref_squeeze %dma_start3A_1325 : memref<1x128xi32, #tpu.memory_space<vmem>> -> memref<128xi32, #tpu.memory_space<vmem>>
    %dma_start3A_1327 = arith.constant 0 : i32
    %dma_start3A_1328 = arith.constant 0 : i32
    %dma_start3A_1329 = tpu.memref_slice %arg3[%dma_start3A_1327, %dma_start3A_1328] : memref<65536x32xf32, #tpu.memory_space<hbm>> -> memref<65536x32xf32, #tpu.memory_space<hbm>>
    %dma_start3A_1330 = tpu.memref_slice %arg15[%dma_start3A_1320] : memref<2x!tpu.dma_semaphore, #tpu.memory_space<semaphore_mem>> -> memref<1x!tpu.dma_semaphore, #tpu.memory_space<semaphore_mem>>
    %dma_start3A_1331 = tpu.memref_squeeze %dma_start3A_1330 : memref<1x!tpu.dma_semaphore, #tpu.memory_space<semaphore_mem>> -> memref<!tpu.dma_semaphore, #tpu.memory_space<semaphore_mem>>
    tpu.enqueue_indirect_dma source(%dma_start3A_1329 : memref<65536x32xf32, #tpu.memory_space<hbm>>) target(%dma_start3A_1323 : memref<128x32xf32, #tpu.memory_space<vmem>>) offsets(%dma_start3A_1326 : memref<128xi32, #tpu.memory_space<vmem>>) semaphore(%dma_start3A_1331 : memref<!tpu.dma_semaphore, #tpu.memory_space<semaphore_mem>>)
    %scan3A_1332 = arith.constant 0 : i32
    %scan3A_1333 = arith.constant 128 : i32
    %scan3A_1334 = arith.addi %scan3A_1332, %scan3A_1333 : i32
    %scan3A_1335 = arith.constant 1 : i32
    scf.for %scan3A_1736 = %scan3A_1332 to %scan3A_1334 step %scan3A_1335  : i32 {
      %mul3A_1737 = arith.constant 1 : i32
      %mul3A_1738 = arith.muli %scan3A_1736, %mul3A_1737 : i32
      %add3A_1739 = arith.constant 0 : i32
      %add3A_1740 = arith.addi %add3A_1739, %mul3A_1738 : i32
      %broadcast_in_dim3A = vector.broadcast %add3A_1740 : i32 to vector<16xi32>
      %broadcast_in_dim3A_1741 = arith.constant 4 : i32
      %broadcast_in_dim3A_1742 = vector.broadcast %broadcast_in_dim3A_1741 : i32 to vector<16xi32>
      %gather3A = tpu.vector_load_idx %arg10[%broadcast_in_dim3A_1742, %broadcast_in_dim3A] : memref<16x128xf32, #tpu.memory_space<vmem>>[vector<16xi32>, vector<16xi32>], vector<16xf32>,
      %add3A_1743 = arith.constant 512 : i32
      %add3A_1744 = arith.addi %add3A_1743, %add3A_1740 : i32
      %get3A = arith.index_cast %add3A_1744 : i32 to index
      %get3A_1745 = arith.constant 0 : index
      %get3A_1746 = tpu.vector_load %arg11[%get3A, %get3A_1745] {strides = array<i32>} : memref<1024x32xf32, #tpu.memory_space<vmem>>, vector<16xf32>,
      %mul3A_1747 = arith.mulf %gather3A, %get3A_1746 : vector<16xf32>
      %add3A_1748 = arith.constant 512 : i32
      %add3A_1749 = arith.addi %add3A_1748, %add3A_1740 : i32
      %get3A_1750 = arith.index_cast %add3A_1749 : i32 to index
      %get3A_1751 = arith.constant 16 : index
      %get3A_1752 = tpu.vector_load %arg11[%get3A_1750, %get3A_1751] {strides = array<i32>} : memref<1024x32xf32, #tpu.memory_space<vmem>>, vector<16xf32>,
      %mul3A_1753 = arith.mulf %gather3A, %get3A_1752 : vector<16xf32>
      %broadcast_in_dim3A_1754 = arith.constant 5 : i32
      %broadcast_in_dim3A_1755 = vector.broadcast %broadcast_in_dim3A_1754 : i32 to vector<16xi32>
      %gather3A_1756 = tpu.vector_load_idx %arg10[%broadcast_in_dim3A_1755, %broadcast_in_dim3A] : memref<16x128xf32, #tpu.memory_space<vmem>>[vector<16xi32>, vector<16xi32>], vector<16xf32>,
      %add3A_1757 = arith.constant 640 : i32
      %add3A_1758 = arith.addi %add3A_1757, %add3A_1740 : i32
      %get3A_1759 = arith.index_cast %add3A_1758 : i32 to index
      %get3A_1760 = arith.constant 0 : index
      %get3A_1761 = tpu.vector_load %arg11[%get3A_1759, %get3A_1760] {strides = array<i32>} : memref<1024x32xf32, #tpu.memory_space<vmem>>, vector<16xf32>,
      %mul3A_1762 = arith.mulf %gather3A_1756, %get3A_1761 : vector<16xf32>
      %add3A_1763 = arith.addf %mul3A_1747, %mul3A_1762 : vector<16xf32>
      %get3A_1764 = arith.index_cast %add3A_1758 : i32 to index
      %get3A_1765 = arith.constant 16 : index
      %get3A_1766 = tpu.vector_load %arg11[%get3A_1764, %get3A_1765] {strides = array<i32>} : memref<1024x32xf32, #tpu.memory_space<vmem>>, vector<16xf32>,
      %mul3A_1767 = arith.mulf %gather3A_1756, %get3A_1766 : vector<16xf32>
      %add3A_1768 = arith.addf %mul3A_1753, %mul3A_1767 : vector<16xf32>
      %broadcast_in_dim3A_1769 = arith.constant 6 : i32
      %broadcast_in_dim3A_1770 = vector.broadcast %broadcast_in_dim3A_1769 : i32 to vector<16xi32>
      %gather3A_1771 = tpu.vector_load_idx %arg10[%broadcast_in_dim3A_1770, %broadcast_in_dim3A] : memref<16x128xf32, #tpu.memory_space<vmem>>[vector<16xi32>, vector<16xi32>], vector<16xf32>,
      %add3A_1772 = arith.constant 768 : i32
      %add3A_1773 = arith.addi %add3A_1772, %add3A_1740 : i32
      %get3A_1774 = arith.index_cast %add3A_1773 : i32 to index
      %get3A_1775 = arith.constant 0 : index
      %get3A_1776 = tpu.vector_load %arg11[%get3A_1774, %get3A_1775] {strides = array<i32>} : memref<1024x32xf32, #tpu.memory_space<vmem>>, vector<16xf32>,
      %mul3A_1777 = arith.mulf %gather3A_1771, %get3A_1776 : vector<16xf32>
      %add3A_1778 = arith.addf %add3A_1763, %mul3A_1777 : vector<16xf32>
      %get3A_1779 = arith.index_cast %add3A_1773 : i32 to index
      %get3A_1780 = arith.constant 16 : index
      %get3A_1781 = tpu.vector_load %arg11[%get3A_1779, %get3A_1780] {strides = array<i32>} : memref<1024x32xf32, #tpu.memory_space<vmem>>, vector<16xf32>,
      %mul3A_1782 = arith.mulf %gather3A_1771, %get3A_1781 : vector<16xf32>
      %add3A_1783 = arith.addf %add3A_1768, %mul3A_1782 : vector<16xf32>
      %broadcast_in_dim3A_1784 = arith.constant 7 : i32
      %broadcast_in_dim3A_1785 = vector.broadcast %broadcast_in_dim3A_1784 : i32 to vector<16xi32>
      %gather3A_1786 = tpu.vector_load_idx %arg10[%broadcast_in_dim3A_1785, %broadcast_in_dim3A] : memref<16x128xf32, #tpu.memory_space<vmem>>[vector<16xi32>, vector<16xi32>], vector<16xf32>,
      %add3A_1787 = arith.constant 896 : i32
      %add3A_1788 = arith.addi %add3A_1787, %add3A_1740 : i32
      %get3A_1789 = arith.index_cast %add3A_1788 : i32 to index
      %get3A_1790 = arith.constant 0 : index
      %get3A_1791 = tpu.vector_load %arg11[%get3A_1789, %get3A_1790] {strides = array<i32>} : memref<1024x32xf32, #tpu.memory_space<vmem>>, vector<16xf32>,
      %mul3A_1792 = arith.mulf %gather3A_1786, %get3A_1791 : vector<16xf32>
      %add3A_1793 = arith.addf %add3A_1778, %mul3A_1792 : vector<16xf32>
      %get3A_1794 = arith.index_cast %add3A_1788 : i32 to index
      %get3A_1795 = arith.constant 16 : index
      %get3A_1796 = tpu.vector_load %arg11[%get3A_1794, %get3A_1795] {strides = array<i32>} : memref<1024x32xf32, #tpu.memory_space<vmem>>, vector<16xf32>,
      %mul3A_1797 = arith.mulf %gather3A_1786, %get3A_1796 : vector<16xf32>
      %add3A_1798 = arith.addf %add3A_1783, %mul3A_1797 : vector<16xf32>
      %add3A_1799 = arith.constant 128 : i32
      %add3A_1800 = arith.addi %add3A_1799, %add3A_1740 : i32
      %swap3A = arith.index_cast %add3A_1800 : i32 to index
      %swap3A_1801 = arith.constant 0 : index
      %swap3A_1802 = tpu.vector_load %arg12[%swap3A, %swap3A_1801] {strides = array<i32>} : memref<256x32xf32, #tpu.memory_space<vmem>>, vector<16xf32>,
      tpu.vector_store %arg12[%swap3A, %swap3A_1801], %add3A_1793 {strides = array<i32>} : memref<256x32xf32, #tpu.memory_space<vmem>>, vector<16xf32>,
      %add3A_1803 = arith.constant 128 : i32
      %add3A_1804 = arith.addi %add3A_1803, %add3A_1740 : i32
      %swap3A_1805 = arith.index_cast %add3A_1804 : i32 to index
      %swap3A_1806 = arith.constant 16 : index
      %swap3A_1807 = tpu.vector_load %arg12[%swap3A_1805, %swap3A_1806] {strides = array<i32>} : memref<256x32xf32, #tpu.memory_space<vmem>>, vector<16xf32>,
      tpu.vector_store %arg12[%swap3A_1805, %swap3A_1806], %add3A_1798 {strides = array<i32>} : memref<256x32xf32, #tpu.memory_space<vmem>>, vector<16xf32>,
    }
    %scan3A_1336 = arith.constant 128 : i32
    %add3A_1337 = arith.constant 128 : i32
    %add3A_1338 = arith.addi %mul3A_2, %add3A_1337 : i32
    %dma_start3A_1339 = arith.constant 1 : i32
    %dma_start3A_1340 = arith.constant 128 : i32
    %dma_start3A_1341 = arith.constant 0 : i32
    %dma_start3A_1342 = tpu.memref_slice %arg12[%dma_start3A_1340, %dma_start3A_1341] : memref<256x32xf32, #tpu.memory_space<vmem>> -> memref<128x32xf32, #tpu.memory_space<vmem>>
    %dma_start3A_1343 = arith.constant 0 : i32
    %dma_start3A_1344 = tpu.memref_slice %arg6[%add3A_1338, %dma_start3A_1343] : memref<16384x32xf32, #tpu.memory_space<hbm>> -> memref<128x32xf32, #tpu.memory_space<hbm>>
    %dma_start3A_1345 = tpu.memref_slice %arg16[%dma_start3A_1339] : memref<2x!tpu.dma_semaphore, #tpu.memory_space<semaphore_mem>> -> memref<1x!tpu.dma_semaphore, #tpu.memory_space<semaphore_mem>>
    %dma_start3A_1346 = tpu.memref_squeeze %dma_start3A_1345 : memref<1x!tpu.dma_semaphore, #tpu.memory_space<semaphore_mem>> -> memref<!tpu.dma_semaphore, #tpu.memory_space<semaphore_mem>>
    %dma_start3A_1347 = arith.constant 0 : i32
    %dma_start3A_1348 = tpu.memref_slice %arg6[%add3A_1338, %dma_start3A_1347] : memref<16384x32xf32, #tpu.memory_space<hbm>> -> memref<128x32xf32, #tpu.memory_space<hbm>>
    %dma_start3A_1349 = arith.constant 128 : i32
    %dma_start3A_1350 = arith.constant 0 : i32
    %dma_start3A_1351 = tpu.memref_slice %arg12[%dma_start3A_1349, %dma_start3A_1350] : memref<256x32xf32, #tpu.memory_space<vmem>> -> memref<128x32xf32, #tpu.memory_space<vmem>>
    tpu.enqueue_dma source(%dma_start3A_1351 : memref<128x32xf32, #tpu.memory_space<vmem>>) target(%dma_start3A_1348 : memref<128x32xf32, #tpu.memory_space<hbm>>) target_semaphore(%dma_start3A_1346 : memref<!tpu.dma_semaphore, #tpu.memory_space<semaphore_mem>>)
    %dma_wait3A_1352 = arith.constant 8 : i32
    %dma_wait3A_1353 = arith.constant 0 : i32
    %dma_wait3A_1354 = arith.constant 0 : i32
    %dma_wait3A_1355 = arith.constant 0 : i32
    %dma_wait3A_1356 = tpu.memref_slice %arg11[%dma_wait3A_1354, %dma_wait3A_1355] : memref<1024x32xf32, #tpu.memory_space<vmem>> -> memref<128x32xf32, #tpu.memory_space<vmem>>
    %dma_wait3A_1357 = arith.constant 0 : i32
    %dma_wait3A_1358 = tpu.memref_slice %arg9[%dma_wait3A_1352, %dma_wait3A_1357] : memref<16x128xi32, #tpu.memory_space<vmem>> -> memref<1x128xi32, #tpu.memory_space<vmem>>
    %dma_wait3A_1359 = tpu.memref_squeeze %dma_wait3A_1358 : memref<1x128xi32, #tpu.memory_space<vmem>> -> memref<128xi32, #tpu.memory_space<vmem>>
    %dma_wait3A_1360 = arith.constant 0 : i32
    %dma_wait3A_1361 = arith.constant 0 : i32
    %dma_wait3A_1362 = tpu.memref_slice %arg3[%dma_wait3A_1360, %dma_wait3A_1361] : memref<65536x32xf32, #tpu.memory_space<hbm>> -> memref<65536x32xf32, #tpu.memory_space<hbm>>
    %dma_wait3A_1363 = tpu.memref_slice %arg15[%dma_wait3A_1353] : memref<2x!tpu.dma_semaphore, #tpu.memory_space<semaphore_mem>> -> memref<1x!tpu.dma_semaphore, #tpu.memory_space<semaphore_mem>>
    %dma_wait3A_1364 = tpu.memref_squeeze %dma_wait3A_1363 : memref<1x!tpu.dma_semaphore, #tpu.memory_space<semaphore_mem>> -> memref<!tpu.dma_semaphore, #tpu.memory_space<semaphore_mem>>
    tpu.wait_indirect_dma semaphore(%dma_wait3A_1364 : memref<!tpu.dma_semaphore, #tpu.memory_space<semaphore_mem>>) src(%dma_wait3A_1362 : memref<65536x32xf32, #tpu.memory_space<hbm>>) dst(%dma_wait3A_1356 : memref<128x32xf32, #tpu.memory_space<vmem>>)
    %dma_wait3A_1365 = arith.constant 9 : i32
    %dma_wait3A_1366 = arith.constant 0 : i32
    %dma_wait3A_1367 = arith.constant 128 : i32
    %dma_wait3A_1368 = arith.constant 0 : i32
    %dma_wait3A_1369 = tpu.memref_slice %arg11[%dma_wait3A_1367, %dma_wait3A_1368] : memref<1024x32xf32, #tpu.memory_space<vmem>> -> memref<128x32xf32, #tpu.memory_space<vmem>>
    %dma_wait3A_1370 = arith.constant 0 : i32
    %dma_wait3A_1371 = tpu.memref_slice %arg9[%dma_wait3A_1365, %dma_wait3A_1370] : memref<16x128xi32, #tpu.memory_space<vmem>> -> memref<1x128xi32, #tpu.memory_space<vmem>>
    %dma_wait3A_1372 = tpu.memref_squeeze %dma_wait3A_1371 : memref<1x128xi32, #tpu.memory_space<vmem>> -> memref<128xi32, #tpu.memory_space<vmem>>
    %dma_wait3A_1373 = arith.constant 0 : i32
    %dma_wait3A_1374 = arith.constant 0 : i32
    %dma_wait3A_1375 = tpu.memref_slice %arg3[%dma_wait3A_1373, %dma_wait3A_1374] : memref<65536x32xf32, #tpu.memory_space<hbm>> -> memref<65536x32xf32, #tpu.memory_space<hbm>>
    %dma_wait3A_1376 = tpu.memref_slice %arg15[%dma_wait3A_1366] : memref<2x!tpu.dma_semaphore, #tpu.memory_space<semaphore_mem>> -> memref<1x!tpu.dma_semaphore, #tpu.memory_space<semaphore_mem>>
    %dma_wait3A_1377 = tpu.memref_squeeze %dma_wait3A_1376 : memref<1x!tpu.dma_semaphore, #tpu.memory_space<semaphore_mem>> -> memref<!tpu.dma_semaphore, #tpu.memory_space<semaphore_mem>>
    tpu.wait_indirect_dma semaphore(%dma_wait3A_1377 : memref<!tpu.dma_semaphore, #tpu.memory_space<semaphore_mem>>) src(%dma_wait3A_1375 : memref<65536x32xf32, #tpu.memory_space<hbm>>) dst(%dma_wait3A_1369 : memref<128x32xf32, #tpu.memory_space<vmem>>)
    %dma_wait3A_1378 = arith.constant 10 : i32
    %dma_wait3A_1379 = arith.constant 0 : i32
    %dma_wait3A_1380 = arith.constant 256 : i32
    %dma_wait3A_1381 = arith.constant 0 : i32
    %dma_wait3A_1382 = tpu.memref_slice %arg11[%dma_wait3A_1380, %dma_wait3A_1381] : memref<1024x32xf32, #tpu.memory_space<vmem>> -> memref<128x32xf32, #tpu.memory_space<vmem>>
    %dma_wait3A_1383 = arith.constant 0 : i32
    %dma_wait3A_1384 = tpu.memref_slice %arg9[%dma_wait3A_1378, %dma_wait3A_1383] : memref<16x128xi32, #tpu.memory_space<vmem>> -> memref<1x128xi32, #tpu.memory_space<vmem>>
    %dma_wait3A_1385 = tpu.memref_squeeze %dma_wait3A_1384 : memref<1x128xi32, #tpu.memory_space<vmem>> -> memref<128xi32, #tpu.memory_space<vmem>>
    %dma_wait3A_1386 = arith.constant 0 : i32
    %dma_wait3A_1387 = arith.constant 0 : i32
    %dma_wait3A_1388 = tpu.memref_slice %arg3[%dma_wait3A_1386, %dma_wait3A_1387] : memref<65536x32xf32, #tpu.memory_space<hbm>> -> memref<65536x32xf32, #tpu.memory_space<hbm>>
    %dma_wait3A_1389 = tpu.memref_slice %arg15[%dma_wait3A_1379] : memref<2x!tpu.dma_semaphore, #tpu.memory_space<semaphore_mem>> -> memref<1x!tpu.dma_semaphore, #tpu.memory_space<semaphore_mem>>
    %dma_wait3A_1390 = tpu.memref_squeeze %dma_wait3A_1389 : memref<1x!tpu.dma_semaphore, #tpu.memory_space<semaphore_mem>> -> memref<!tpu.dma_semaphore, #tpu.memory_space<semaphore_mem>>
    tpu.wait_indirect_dma semaphore(%dma_wait3A_1390 : memref<!tpu.dma_semaphore, #tpu.memory_space<semaphore_mem>>) src(%dma_wait3A_1388 : memref<65536x32xf32, #tpu.memory_space<hbm>>) dst(%dma_wait3A_1382 : memref<128x32xf32, #tpu.memory_space<vmem>>)
    %dma_wait3A_1391 = arith.constant 11 : i32
    %dma_wait3A_1392 = arith.constant 0 : i32
    %dma_wait3A_1393 = arith.constant 384 : i32
    %dma_wait3A_1394 = arith.constant 0 : i32
    %dma_wait3A_1395 = tpu.memref_slice %arg11[%dma_wait3A_1393, %dma_wait3A_1394] : memref<1024x32xf32, #tpu.memory_space<vmem>> -> memref<128x32xf32, #tpu.memory_space<vmem>>
    %dma_wait3A_1396 = arith.constant 0 : i32
    %dma_wait3A_1397 = tpu.memref_slice %arg9[%dma_wait3A_1391, %dma_wait3A_1396] : memref<16x128xi32, #tpu.memory_space<vmem>> -> memref<1x128xi32, #tpu.memory_space<vmem>>
    %dma_wait3A_1398 = tpu.memref_squeeze %dma_wait3A_1397 : memref<1x128xi32, #tpu.memory_space<vmem>> -> memref<128xi32, #tpu.memory_space<vmem>>
    %dma_wait3A_1399 = arith.constant 0 : i32
    %dma_wait3A_1400 = arith.constant 0 : i32
    %dma_wait3A_1401 = tpu.memref_slice %arg3[%dma_wait3A_1399, %dma_wait3A_1400] : memref<65536x32xf32, #tpu.memory_space<hbm>> -> memref<65536x32xf32, #tpu.memory_space<hbm>>
    %dma_wait3A_1402 = tpu.memref_slice %arg15[%dma_wait3A_1392] : memref<2x!tpu.dma_semaphore, #tpu.memory_space<semaphore_mem>> -> memref<1x!tpu.dma_semaphore, #tpu.memory_space<semaphore_mem>>
    %dma_wait3A_1403 = tpu.memref_squeeze %dma_wait3A_1402 : memref<1x!tpu.dma_semaphore, #tpu.memory_space<semaphore_mem>> -> memref<!tpu.dma_semaphore, #tpu.memory_space<semaphore_mem>>
    tpu.wait_indirect_dma semaphore(%dma_wait3A_1403 : memref<!tpu.dma_semaphore, #tpu.memory_space<semaphore_mem>>) src(%dma_wait3A_1401 : memref<65536x32xf32, #tpu.memory_space<hbm>>) dst(%dma_wait3A_1395 : memref<128x32xf32, #tpu.memory_space<vmem>>)
    %dma_wait3A_1404 = arith.constant 0 : i32
    %dma_wait3A_1405 = arith.constant 12 : i32
    %dma_wait3A_1406 = arith.constant 12 : i32
    %dma_wait3A_1407 = arith.constant 3 : i32
    %dma_wait3A_1408 = arith.constant 0 : i32
    %dma_wait3A_1409 = tpu.memref_slice %arg9[%dma_wait3A_1406, %dma_wait3A_1408] : memref<16x128xi32, #tpu.memory_space<vmem>> -> memref<1x128xi32, #tpu.memory_space<vmem>>
    %dma_wait3A_1410 = tpu.memref_squeeze %dma_wait3A_1409 : memref<1x128xi32, #tpu.memory_space<vmem>> -> memref<128xi32, #tpu.memory_space<vmem>>
    %dma_wait3A_1411 = arith.constant 0 : i32
    %dma_wait3A_1412 = tpu.memref_slice %arg8[%dma_wait3A_1405, %dma_wait3A_1411] : memref<16x128xi32, #tpu.memory_space<vmem>> -> memref<1x128xi32, #tpu.memory_space<vmem>>
    %dma_wait3A_1413 = tpu.memref_squeeze %dma_wait3A_1412 : memref<1x128xi32, #tpu.memory_space<vmem>> -> memref<128xi32, #tpu.memory_space<vmem>>
    %dma_wait3A_1414 = arith.constant 0 : i32
    %dma_wait3A_1415 = tpu.memref_slice %arg5[%dma_wait3A_1404, %dma_wait3A_1414] : memref<4x1000000xi32, #tpu.memory_space<hbm>> -> memref<1x1000000xi32, #tpu.memory_space<hbm>>
    %dma_wait3A_1416 = tpu.memref_squeeze %dma_wait3A_1415 : memref<1x1000000xi32, #tpu.memory_space<hbm>> -> memref<1000000xi32, #tpu.memory_space<hbm>>
    %dma_wait3A_1417 = arith.constant 0 : i32
    %dma_wait3A_1418 = tpu.memref_slice %dma_wait3A_1416[%dma_wait3A_1417] : memref<1000000xi32, #tpu.memory_space<hbm>> -> memref<1000000xi32, #tpu.memory_space<hbm>>
    %dma_wait3A_1419 = tpu.memref_slice %arg14[%dma_wait3A_1407] : memref<4x!tpu.dma_semaphore, #tpu.memory_space<semaphore_mem>> -> memref<1x!tpu.dma_semaphore, #tpu.memory_space<semaphore_mem>>
    %dma_wait3A_1420 = tpu.memref_squeeze %dma_wait3A_1419 : memref<1x!tpu.dma_semaphore, #tpu.memory_space<semaphore_mem>> -> memref<!tpu.dma_semaphore, #tpu.memory_space<semaphore_mem>>
    tpu.wait_indirect_dma semaphore(%dma_wait3A_1420 : memref<!tpu.dma_semaphore, #tpu.memory_space<semaphore_mem>>) src(%dma_wait3A_1418 : memref<1000000xi32, #tpu.memory_space<hbm>>) dst(%dma_wait3A_1410 : memref<128xi32, #tpu.memory_space<vmem>>)
    %dma_wait3A_1421 = arith.constant 0 : i32
    %dma_wait3A_1422 = arith.constant 12 : i32
    %dma_wait3A_1423 = arith.constant 12 : i32
    %dma_wait3A_1424 = arith.constant 3 : i32
    %dma_wait3A_1425 = arith.constant 0 : i32
    %dma_wait3A_1426 = tpu.memref_slice %arg10[%dma_wait3A_1423, %dma_wait3A_1425] : memref<16x128xf32, #tpu.memory_space<vmem>> -> memref<1x128xf32, #tpu.memory_space<vmem>>
    %dma_wait3A_1427 = tpu.memref_squeeze %dma_wait3A_1426 : memref<1x128xf32, #tpu.memory_space<vmem>> -> memref<128xf32, #tpu.memory_space<vmem>>
    %dma_wait3A_1428 = arith.constant 0 : i32
    %dma_wait3A_1429 = tpu.memref_slice %arg8[%dma_wait3A_1422, %dma_wait3A_1428] : memref<16x128xi32, #tpu.memory_space<vmem>> -> memref<1x128xi32, #tpu.memory_space<vmem>>
    %dma_wait3A_1430 = tpu.memref_squeeze %dma_wait3A_1429 : memref<1x128xi32, #tpu.memory_space<vmem>> -> memref<128xi32, #tpu.memory_space<vmem>>
    %dma_wait3A_1431 = arith.constant 0 : i32
    %dma_wait3A_1432 = tpu.memref_slice %arg4[%dma_wait3A_1421, %dma_wait3A_1431] : memref<4x1000000xf32, #tpu.memory_space<hbm>> -> memref<1x1000000xf32, #tpu.memory_space<hbm>>
    %dma_wait3A_1433 = tpu.memref_squeeze %dma_wait3A_1432 : memref<1x1000000xf32, #tpu.memory_space<hbm>> -> memref<1000000xf32, #tpu.memory_space<hbm>>
    %dma_wait3A_1434 = arith.constant 0 : i32
    %dma_wait3A_1435 = tpu.memref_slice %dma_wait3A_1433[%dma_wait3A_1434] : memref<1000000xf32, #tpu.memory_space<hbm>> -> memref<1000000xf32, #tpu.memory_space<hbm>>
    %dma_wait3A_1436 = tpu.memref_slice %arg14[%dma_wait3A_1424] : memref<4x!tpu.dma_semaphore, #tpu.memory_space<semaphore_mem>> -> memref<1x!tpu.dma_semaphore, #tpu.memory_space<semaphore_mem>>
    %dma_wait3A_1437 = tpu.memref_squeeze %dma_wait3A_1436 : memref<1x!tpu.dma_semaphore, #tpu.memory_space<semaphore_mem>> -> memref<!tpu.dma_semaphore, #tpu.memory_space<semaphore_mem>>
    tpu.wait_indirect_dma semaphore(%dma_wait3A_1437 : memref<!tpu.dma_semaphore, #tpu.memory_space<semaphore_mem>>) src(%dma_wait3A_1435 : memref<1000000xf32, #tpu.memory_space<hbm>>) dst(%dma_wait3A_1427 : memref<128xf32, #tpu.memory_space<vmem>>)
    %dma_wait3A_1438 = arith.constant 1 : i32
    %dma_wait3A_1439 = arith.constant 13 : i32
    %dma_wait3A_1440 = arith.constant 13 : i32
    %dma_wait3A_1441 = arith.constant 3 : i32
    %dma_wait3A_1442 = arith.constant 0 : i32
    %dma_wait3A_1443 = tpu.memref_slice %arg9[%dma_wait3A_1440, %dma_wait3A_1442] : memref<16x128xi32, #tpu.memory_space<vmem>> -> memref<1x128xi32, #tpu.memory_space<vmem>>
    %dma_wait3A_1444 = tpu.memref_squeeze %dma_wait3A_1443 : memref<1x128xi32, #tpu.memory_space<vmem>> -> memref<128xi32, #tpu.memory_space<vmem>>
    %dma_wait3A_1445 = arith.constant 0 : i32
    %dma_wait3A_1446 = tpu.memref_slice %arg8[%dma_wait3A_1439, %dma_wait3A_1445] : memref<16x128xi32, #tpu.memory_space<vmem>> -> memref<1x128xi32, #tpu.memory_space<vmem>>
    %dma_wait3A_1447 = tpu.memref_squeeze %dma_wait3A_1446 : memref<1x128xi32, #tpu.memory_space<vmem>> -> memref<128xi32, #tpu.memory_space<vmem>>
    %dma_wait3A_1448 = arith.constant 0 : i32
    %dma_wait3A_1449 = tpu.memref_slice %arg5[%dma_wait3A_1438, %dma_wait3A_1448] : memref<4x1000000xi32, #tpu.memory_space<hbm>> -> memref<1x1000000xi32, #tpu.memory_space<hbm>>
    %dma_wait3A_1450 = tpu.memref_squeeze %dma_wait3A_1449 : memref<1x1000000xi32, #tpu.memory_space<hbm>> -> memref<1000000xi32, #tpu.memory_space<hbm>>
    %dma_wait3A_1451 = arith.constant 0 : i32
    %dma_wait3A_1452 = tpu.memref_slice %dma_wait3A_1450[%dma_wait3A_1451] : memref<1000000xi32, #tpu.memory_space<hbm>> -> memref<1000000xi32, #tpu.memory_space<hbm>>
    %dma_wait3A_1453 = tpu.memref_slice %arg14[%dma_wait3A_1441] : memref<4x!tpu.dma_semaphore, #tpu.memory_space<semaphore_mem>> -> memref<1x!tpu.dma_semaphore, #tpu.memory_space<semaphore_mem>>
    %dma_wait3A_1454 = tpu.memref_squeeze %dma_wait3A_1453 : memref<1x!tpu.dma_semaphore, #tpu.memory_space<semaphore_mem>> -> memref<!tpu.dma_semaphore, #tpu.memory_space<semaphore_mem>>
    tpu.wait_indirect_dma semaphore(%dma_wait3A_1454 : memref<!tpu.dma_semaphore, #tpu.memory_space<semaphore_mem>>) src(%dma_wait3A_1452 : memref<1000000xi32, #tpu.memory_space<hbm>>) dst(%dma_wait3A_1444 : memref<128xi32, #tpu.memory_space<vmem>>)
    %dma_wait3A_1455 = arith.constant 1 : i32
    %dma_wait3A_1456 = arith.constant 13 : i32
    %dma_wait3A_1457 = arith.constant 13 : i32
    %dma_wait3A_1458 = arith.constant 3 : i32
    %dma_wait3A_1459 = arith.constant 0 : i32
    %dma_wait3A_1460 = tpu.memref_slice %arg10[%dma_wait3A_1457, %dma_wait3A_1459] : memref<16x128xf32, #tpu.memory_space<vmem>> -> memref<1x128xf32, #tpu.memory_space<vmem>>
    %dma_wait3A_1461 = tpu.memref_squeeze %dma_wait3A_1460 : memref<1x128xf32, #tpu.memory_space<vmem>> -> memref<128xf32, #tpu.memory_space<vmem>>
    %dma_wait3A_1462 = arith.constant 0 : i32
    %dma_wait3A_1463 = tpu.memref_slice %arg8[%dma_wait3A_1456, %dma_wait3A_1462] : memref<16x128xi32, #tpu.memory_space<vmem>> -> memref<1x128xi32, #tpu.memory_space<vmem>>
    %dma_wait3A_1464 = tpu.memref_squeeze %dma_wait3A_1463 : memref<1x128xi32, #tpu.memory_space<vmem>> -> memref<128xi32, #tpu.memory_space<vmem>>
    %dma_wait3A_1465 = arith.constant 0 : i32
    %dma_wait3A_1466 = tpu.memref_slice %arg4[%dma_wait3A_1455, %dma_wait3A_1465] : memref<4x1000000xf32, #tpu.memory_space<hbm>> -> memref<1x1000000xf32, #tpu.memory_space<hbm>>
    %dma_wait3A_1467 = tpu.memref_squeeze %dma_wait3A_1466 : memref<1x1000000xf32, #tpu.memory_space<hbm>> -> memref<1000000xf32, #tpu.memory_space<hbm>>
    %dma_wait3A_1468 = arith.constant 0 : i32
    %dma_wait3A_1469 = tpu.memref_slice %dma_wait3A_1467[%dma_wait3A_1468] : memref<1000000xf32, #tpu.memory_space<hbm>> -> memref<1000000xf32, #tpu.memory_space<hbm>>
    %dma_wait3A_1470 = tpu.memref_slice %arg14[%dma_wait3A_1458] : memref<4x!tpu.dma_semaphore, #tpu.memory_space<semaphore_mem>> -> memref<1x!tpu.dma_semaphore, #tpu.memory_space<semaphore_mem>>
    %dma_wait3A_1471 = tpu.memref_squeeze %dma_wait3A_1470 : memref<1x!tpu.dma_semaphore, #tpu.memory_space<semaphore_mem>> -> memref<!tpu.dma_semaphore, #tpu.memory_space<semaphore_mem>>
    tpu.wait_indirect_dma semaphore(%dma_wait3A_1471 : memref<!tpu.dma_semaphore, #tpu.memory_space<semaphore_mem>>) src(%dma_wait3A_1469 : memref<1000000xf32, #tpu.memory_space<hbm>>) dst(%dma_wait3A_1461 : memref<128xf32, #tpu.memory_space<vmem>>)
    %dma_wait3A_1472 = arith.constant 2 : i32
    %dma_wait3A_1473 = arith.constant 14 : i32
    %dma_wait3A_1474 = arith.constant 14 : i32
    %dma_wait3A_1475 = arith.constant 3 : i32
    %dma_wait3A_1476 = arith.constant 0 : i32
    %dma_wait3A_1477 = tpu.memref_slice %arg9[%dma_wait3A_1474, %dma_wait3A_1476] : memref<16x128xi32, #tpu.memory_space<vmem>> -> memref<1x128xi32, #tpu.memory_space<vmem>>
    %dma_wait3A_1478 = tpu.memref_squeeze %dma_wait3A_1477 : memref<1x128xi32, #tpu.memory_space<vmem>> -> memref<128xi32, #tpu.memory_space<vmem>>
    %dma_wait3A_1479 = arith.constant 0 : i32
    %dma_wait3A_1480 = tpu.memref_slice %arg8[%dma_wait3A_1473, %dma_wait3A_1479] : memref<16x128xi32, #tpu.memory_space<vmem>> -> memref<1x128xi32, #tpu.memory_space<vmem>>
    %dma_wait3A_1481 = tpu.memref_squeeze %dma_wait3A_1480 : memref<1x128xi32, #tpu.memory_space<vmem>> -> memref<128xi32, #tpu.memory_space<vmem>>
    %dma_wait3A_1482 = arith.constant 0 : i32
    %dma_wait3A_1483 = tpu.memref_slice %arg5[%dma_wait3A_1472, %dma_wait3A_1482] : memref<4x1000000xi32, #tpu.memory_space<hbm>> -> memref<1x1000000xi32, #tpu.memory_space<hbm>>
    %dma_wait3A_1484 = tpu.memref_squeeze %dma_wait3A_1483 : memref<1x1000000xi32, #tpu.memory_space<hbm>> -> memref<1000000xi32, #tpu.memory_space<hbm>>
    %dma_wait3A_1485 = arith.constant 0 : i32
    %dma_wait3A_1486 = tpu.memref_slice %dma_wait3A_1484[%dma_wait3A_1485] : memref<1000000xi32, #tpu.memory_space<hbm>> -> memref<1000000xi32, #tpu.memory_space<hbm>>
    %dma_wait3A_1487 = tpu.memref_slice %arg14[%dma_wait3A_1475] : memref<4x!tpu.dma_semaphore, #tpu.memory_space<semaphore_mem>> -> memref<1x!tpu.dma_semaphore, #tpu.memory_space<semaphore_mem>>
    %dma_wait3A_1488 = tpu.memref_squeeze %dma_wait3A_1487 : memref<1x!tpu.dma_semaphore, #tpu.memory_space<semaphore_mem>> -> memref<!tpu.dma_semaphore, #tpu.memory_space<semaphore_mem>>
    tpu.wait_indirect_dma semaphore(%dma_wait3A_1488 : memref<!tpu.dma_semaphore, #tpu.memory_space<semaphore_mem>>) src(%dma_wait3A_1486 : memref<1000000xi32, #tpu.memory_space<hbm>>) dst(%dma_wait3A_1478 : memref<128xi32, #tpu.memory_space<vmem>>)
    %dma_wait3A_1489 = arith.constant 2 : i32
    %dma_wait3A_1490 = arith.constant 14 : i32
    %dma_wait3A_1491 = arith.constant 14 : i32
    %dma_wait3A_1492 = arith.constant 3 : i32
    %dma_wait3A_1493 = arith.constant 0 : i32
    %dma_wait3A_1494 = tpu.memref_slice %arg10[%dma_wait3A_1491, %dma_wait3A_1493] : memref<16x128xf32, #tpu.memory_space<vmem>> -> memref<1x128xf32, #tpu.memory_space<vmem>>
    %dma_wait3A_1495 = tpu.memref_squeeze %dma_wait3A_1494 : memref<1x128xf32, #tpu.memory_space<vmem>> -> memref<128xf32, #tpu.memory_space<vmem>>
    %dma_wait3A_1496 = arith.constant 0 : i32
    %dma_wait3A_1497 = tpu.memref_slice %arg8[%dma_wait3A_1490, %dma_wait3A_1496] : memref<16x128xi32, #tpu.memory_space<vmem>> -> memref<1x128xi32, #tpu.memory_space<vmem>>
    %dma_wait3A_1498 = tpu.memref_squeeze %dma_wait3A_1497 : memref<1x128xi32, #tpu.memory_space<vmem>> -> memref<128xi32, #tpu.memory_space<vmem>>
    %dma_wait3A_1499 = arith.constant 0 : i32
    %dma_wait3A_1500 = tpu.memref_slice %arg4[%dma_wait3A_1489, %dma_wait3A_1499] : memref<4x1000000xf32, #tpu.memory_space<hbm>> -> memref<1x1000000xf32, #tpu.memory_space<hbm>>
    %dma_wait3A_1501 = tpu.memref_squeeze %dma_wait3A_1500 : memref<1x1000000xf32, #tpu.memory_space<hbm>> -> memref<1000000xf32, #tpu.memory_space<hbm>>
    %dma_wait3A_1502 = arith.constant 0 : i32
    %dma_wait3A_1503 = tpu.memref_slice %dma_wait3A_1501[%dma_wait3A_1502] : memref<1000000xf32, #tpu.memory_space<hbm>> -> memref<1000000xf32, #tpu.memory_space<hbm>>
    %dma_wait3A_1504 = tpu.memref_slice %arg14[%dma_wait3A_1492] : memref<4x!tpu.dma_semaphore, #tpu.memory_space<semaphore_mem>> -> memref<1x!tpu.dma_semaphore, #tpu.memory_space<semaphore_mem>>
    %dma_wait3A_1505 = tpu.memref_squeeze %dma_wait3A_1504 : memref<1x!tpu.dma_semaphore, #tpu.memory_space<semaphore_mem>> -> memref<!tpu.dma_semaphore, #tpu.memory_space<semaphore_mem>>
    tpu.wait_indirect_dma semaphore(%dma_wait3A_1505 : memref<!tpu.dma_semaphore, #tpu.memory_space<semaphore_mem>>) src(%dma_wait3A_1503 : memref<1000000xf32, #tpu.memory_space<hbm>>) dst(%dma_wait3A_1495 : memref<128xf32, #tpu.memory_space<vmem>>)
    %dma_wait3A_1506 = arith.constant 3 : i32
    %dma_wait3A_1507 = arith.constant 15 : i32
    %dma_wait3A_1508 = arith.constant 15 : i32
    %dma_wait3A_1509 = arith.constant 3 : i32
    %dma_wait3A_1510 = arith.constant 0 : i32
    %dma_wait3A_1511 = tpu.memref_slice %arg9[%dma_wait3A_1508, %dma_wait3A_1510] : memref<16x128xi32, #tpu.memory_space<vmem>> -> memref<1x128xi32, #tpu.memory_space<vmem>>
    %dma_wait3A_1512 = tpu.memref_squeeze %dma_wait3A_1511 : memref<1x128xi32, #tpu.memory_space<vmem>> -> memref<128xi32, #tpu.memory_space<vmem>>
    %dma_wait3A_1513 = arith.constant 0 : i32
    %dma_wait3A_1514 = tpu.memref_slice %arg8[%dma_wait3A_1507, %dma_wait3A_1513] : memref<16x128xi32, #tpu.memory_space<vmem>> -> memref<1x128xi32, #tpu.memory_space<vmem>>
    %dma_wait3A_1515 = tpu.memref_squeeze %dma_wait3A_1514 : memref<1x128xi32, #tpu.memory_space<vmem>> -> memref<128xi32, #tpu.memory_space<vmem>>
    %dma_wait3A_1516 = arith.constant 0 : i32
    %dma_wait3A_1517 = tpu.memref_slice %arg5[%dma_wait3A_1506, %dma_wait3A_1516] : memref<4x1000000xi32, #tpu.memory_space<hbm>> -> memref<1x1000000xi32, #tpu.memory_space<hbm>>
    %dma_wait3A_1518 = tpu.memref_squeeze %dma_wait3A_1517 : memref<1x1000000xi32, #tpu.memory_space<hbm>> -> memref<1000000xi32, #tpu.memory_space<hbm>>
    %dma_wait3A_1519 = arith.constant 0 : i32
    %dma_wait3A_1520 = tpu.memref_slice %dma_wait3A_1518[%dma_wait3A_1519] : memref<1000000xi32, #tpu.memory_space<hbm>> -> memref<1000000xi32, #tpu.memory_space<hbm>>
    %dma_wait3A_1521 = tpu.memref_slice %arg14[%dma_wait3A_1509] : memref<4x!tpu.dma_semaphore, #tpu.memory_space<semaphore_mem>> -> memref<1x!tpu.dma_semaphore, #tpu.memory_space<semaphore_mem>>
    %dma_wait3A_1522 = tpu.memref_squeeze %dma_wait3A_1521 : memref<1x!tpu.dma_semaphore, #tpu.memory_space<semaphore_mem>> -> memref<!tpu.dma_semaphore, #tpu.memory_space<semaphore_mem>>
    tpu.wait_indirect_dma semaphore(%dma_wait3A_1522 : memref<!tpu.dma_semaphore, #tpu.memory_space<semaphore_mem>>) src(%dma_wait3A_1520 : memref<1000000xi32, #tpu.memory_space<hbm>>) dst(%dma_wait3A_1512 : memref<128xi32, #tpu.memory_space<vmem>>)
    %dma_wait3A_1523 = arith.constant 3 : i32
    %dma_wait3A_1524 = arith.constant 15 : i32
    %dma_wait3A_1525 = arith.constant 15 : i32
    %dma_wait3A_1526 = arith.constant 3 : i32
    %dma_wait3A_1527 = arith.constant 0 : i32
    %dma_wait3A_1528 = tpu.memref_slice %arg10[%dma_wait3A_1525, %dma_wait3A_1527] : memref<16x128xf32, #tpu.memory_space<vmem>> -> memref<1x128xf32, #tpu.memory_space<vmem>>
    %dma_wait3A_1529 = tpu.memref_squeeze %dma_wait3A_1528 : memref<1x128xf32, #tpu.memory_space<vmem>> -> memref<128xf32, #tpu.memory_space<vmem>>
    %dma_wait3A_1530 = arith.constant 0 : i32
    %dma_wait3A_1531 = tpu.memref_slice %arg8[%dma_wait3A_1524, %dma_wait3A_1530] : memref<16x128xi32, #tpu.memory_space<vmem>> -> memref<1x128xi32, #tpu.memory_space<vmem>>
    %dma_wait3A_1532 = tpu.memref_squeeze %dma_wait3A_1531 : memref<1x128xi32, #tpu.memory_space<vmem>> -> memref<128xi32, #tpu.memory_space<vmem>>
    %dma_wait3A_1533 = arith.constant 0 : i32
    %dma_wait3A_1534 = tpu.memref_slice %arg4[%dma_wait3A_1523, %dma_wait3A_1533] : memref<4x1000000xf32, #tpu.memory_space<hbm>> -> memref<1x1000000xf32, #tpu.memory_space<hbm>>
    %dma_wait3A_1535 = tpu.memref_squeeze %dma_wait3A_1534 : memref<1x1000000xf32, #tpu.memory_space<hbm>> -> memref<1000000xf32, #tpu.memory_space<hbm>>
    %dma_wait3A_1536 = arith.constant 0 : i32
    %dma_wait3A_1537 = tpu.memref_slice %dma_wait3A_1535[%dma_wait3A_1536] : memref<1000000xf32, #tpu.memory_space<hbm>> -> memref<1000000xf32, #tpu.memory_space<hbm>>
    %dma_wait3A_1538 = tpu.memref_slice %arg14[%dma_wait3A_1526] : memref<4x!tpu.dma_semaphore, #tpu.memory_space<semaphore_mem>> -> memref<1x!tpu.dma_semaphore, #tpu.memory_space<semaphore_mem>>
    %dma_wait3A_1539 = tpu.memref_squeeze %dma_wait3A_1538 : memref<1x!tpu.dma_semaphore, #tpu.memory_space<semaphore_mem>> -> memref<!tpu.dma_semaphore, #tpu.memory_space<semaphore_mem>>
    tpu.wait_indirect_dma semaphore(%dma_wait3A_1539 : memref<!tpu.dma_semaphore, #tpu.memory_space<semaphore_mem>>) src(%dma_wait3A_1537 : memref<1000000xf32, #tpu.memory_space<hbm>>) dst(%dma_wait3A_1529 : memref<128xf32, #tpu.memory_space<vmem>>)
    %dma_start3A_1540 = arith.constant 12 : i32
    %dma_start3A_1541 = arith.constant 1 : i32
    %dma_start3A_1542 = arith.constant 512 : i32
    %dma_start3A_1543 = arith.constant 0 : i32
    %dma_start3A_1544 = tpu.memref_slice %arg11[%dma_start3A_1542, %dma_start3A_1543] : memref<1024x32xf32, #tpu.memory_space<vmem>> -> memref<128x32xf32, #tpu.memory_space<vmem>>
    %dma_start3A_1545 = arith.constant 0 : i32
    %dma_start3A_1546 = tpu.memref_slice %arg9[%dma_start3A_1540, %dma_start3A_1545] : memref<16x128xi32, #tpu.memory_space<vmem>> -> memref<1x128xi32, #tpu.memory_space<vmem>>
    %dma_start3A_1547 = tpu.memref_squeeze %dma_start3A_1546 : memref<1x128xi32, #tpu.memory_space<vmem>> -> memref<128xi32, #tpu.memory_space<vmem>>
    %dma_start3A_1548 = arith.constant 0 : i32
    %dma_start3A_1549 = arith.constant 0 : i32
    %dma_start3A_1550 = tpu.memref_slice %arg3[%dma_start3A_1548, %dma_start3A_1549] : memref<65536x32xf32, #tpu.memory_space<hbm>> -> memref<65536x32xf32, #tpu.memory_space<hbm>>
    %dma_start3A_1551 = tpu.memref_slice %arg15[%dma_start3A_1541] : memref<2x!tpu.dma_semaphore, #tpu.memory_space<semaphore_mem>> -> memref<1x!tpu.dma_semaphore, #tpu.memory_space<semaphore_mem>>
    %dma_start3A_1552 = tpu.memref_squeeze %dma_start3A_1551 : memref<1x!tpu.dma_semaphore, #tpu.memory_space<semaphore_mem>> -> memref<!tpu.dma_semaphore, #tpu.memory_space<semaphore_mem>>
    tpu.enqueue_indirect_dma source(%dma_start3A_1550 : memref<65536x32xf32, #tpu.memory_space<hbm>>) target(%dma_start3A_1544 : memref<128x32xf32, #tpu.memory_space<vmem>>) offsets(%dma_start3A_1547 : memref<128xi32, #tpu.memory_space<vmem>>) semaphore(%dma_start3A_1552 : memref<!tpu.dma_semaphore, #tpu.memory_space<semaphore_mem>>)
    %dma_start3A_1553 = arith.constant 13 : i32
    %dma_start3A_1554 = arith.constant 1 : i32
    %dma_start3A_1555 = arith.constant 640 : i32
    %dma_start3A_1556 = arith.constant 0 : i32
    %dma_start3A_1557 = tpu.memref_slice %arg11[%dma_start3A_1555, %dma_start3A_1556] : memref<1024x32xf32, #tpu.memory_space<vmem>> -> memref<128x32xf32, #tpu.memory_space<vmem>>
    %dma_start3A_1558 = arith.constant 0 : i32
    %dma_start3A_1559 = tpu.memref_slice %arg9[%dma_start3A_1553, %dma_start3A_1558] : memref<16x128xi32, #tpu.memory_space<vmem>> -> memref<1x128xi32, #tpu.memory_space<vmem>>
    %dma_start3A_1560 = tpu.memref_squeeze %dma_start3A_1559 : memref<1x128xi32, #tpu.memory_space<vmem>> -> memref<128xi32, #tpu.memory_space<vmem>>
    %dma_start3A_1561 = arith.constant 0 : i32
    %dma_start3A_1562 = arith.constant 0 : i32
    %dma_start3A_1563 = tpu.memref_slice %arg3[%dma_start3A_1561, %dma_start3A_1562] : memref<65536x32xf32, #tpu.memory_space<hbm>> -> memref<65536x32xf32, #tpu.memory_space<hbm>>
    %dma_start3A_1564 = tpu.memref_slice %arg15[%dma_start3A_1554] : memref<2x!tpu.dma_semaphore, #tpu.memory_space<semaphore_mem>> -> memref<1x!tpu.dma_semaphore, #tpu.memory_space<semaphore_mem>>
    %dma_start3A_1565 = tpu.memref_squeeze %dma_start3A_1564 : memref<1x!tpu.dma_semaphore, #tpu.memory_space<semaphore_mem>> -> memref<!tpu.dma_semaphore, #tpu.memory_space<semaphore_mem>>
    tpu.enqueue_indirect_dma source(%dma_start3A_1563 : memref<65536x32xf32, #tpu.memory_space<hbm>>) target(%dma_start3A_1557 : memref<128x32xf32, #tpu.memory_space<vmem>>) offsets(%dma_start3A_1560 : memref<128xi32, #tpu.memory_space<vmem>>) semaphore(%dma_start3A_1565 : memref<!tpu.dma_semaphore, #tpu.memory_space<semaphore_mem>>)
    %dma_start3A_1566 = arith.constant 14 : i32
    %dma_start3A_1567 = arith.constant 1 : i32
    %dma_start3A_1568 = arith.constant 768 : i32
    %dma_start3A_1569 = arith.constant 0 : i32
    %dma_start3A_1570 = tpu.memref_slice %arg11[%dma_start3A_1568, %dma_start3A_1569] : memref<1024x32xf32, #tpu.memory_space<vmem>> -> memref<128x32xf32, #tpu.memory_space<vmem>>
    %dma_start3A_1571 = arith.constant 0 : i32
    %dma_start3A_1572 = tpu.memref_slice %arg9[%dma_start3A_1566, %dma_start3A_1571] : memref<16x128xi32, #tpu.memory_space<vmem>> -> memref<1x128xi32, #tpu.memory_space<vmem>>
    %dma_start3A_1573 = tpu.memref_squeeze %dma_start3A_1572 : memref<1x128xi32, #tpu.memory_space<vmem>> -> memref<128xi32, #tpu.memory_space<vmem>>
    %dma_start3A_1574 = arith.constant 0 : i32
    %dma_start3A_1575 = arith.constant 0 : i32
    %dma_start3A_1576 = tpu.memref_slice %arg3[%dma_start3A_1574, %dma_start3A_1575] : memref<65536x32xf32, #tpu.memory_space<hbm>> -> memref<65536x32xf32, #tpu.memory_space<hbm>>
    %dma_start3A_1577 = tpu.memref_slice %arg15[%dma_start3A_1567] : memref<2x!tpu.dma_semaphore, #tpu.memory_space<semaphore_mem>> -> memref<1x!tpu.dma_semaphore, #tpu.memory_space<semaphore_mem>>
    %dma_start3A_1578 = tpu.memref_squeeze %dma_start3A_1577 : memref<1x!tpu.dma_semaphore, #tpu.memory_space<semaphore_mem>> -> memref<!tpu.dma_semaphore, #tpu.memory_space<semaphore_mem>>
    tpu.enqueue_indirect_dma source(%dma_start3A_1576 : memref<65536x32xf32, #tpu.memory_space<hbm>>) target(%dma_start3A_1570 : memref<128x32xf32, #tpu.memory_space<vmem>>) offsets(%dma_start3A_1573 : memref<128xi32, #tpu.memory_space<vmem>>) semaphore(%dma_start3A_1578 : memref<!tpu.dma_semaphore, #tpu.memory_space<semaphore_mem>>)
    %dma_start3A_1579 = arith.constant 15 : i32
    %dma_start3A_1580 = arith.constant 1 : i32
    %dma_start3A_1581 = arith.constant 896 : i32
    %dma_start3A_1582 = arith.constant 0 : i32
    %dma_start3A_1583 = tpu.memref_slice %arg11[%dma_start3A_1581, %dma_start3A_1582] : memref<1024x32xf32, #tpu.memory_space<vmem>> -> memref<128x32xf32, #tpu.memory_space<vmem>>
    %dma_start3A_1584 = arith.constant 0 : i32
    %dma_start3A_1585 = tpu.memref_slice %arg9[%dma_start3A_1579, %dma_start3A_1584] : memref<16x128xi32, #tpu.memory_space<vmem>> -> memref<1x128xi32, #tpu.memory_space<vmem>>
    %dma_start3A_1586 = tpu.memref_squeeze %dma_start3A_1585 : memref<1x128xi32, #tpu.memory_space<vmem>> -> memref<128xi32, #tpu.memory_space<vmem>>
    %dma_start3A_1587 = arith.constant 0 : i32
    %dma_start3A_1588 = arith.constant 0 : i32
    %dma_start3A_1589 = tpu.memref_slice %arg3[%dma_start3A_1587, %dma_start3A_1588] : memref<65536x32xf32, #tpu.memory_space<hbm>> -> memref<65536x32xf32, #tpu.memory_space<hbm>>
    %dma_start3A_1590 = tpu.memref_slice %arg15[%dma_start3A_1580] : memref<2x!tpu.dma_semaphore, #tpu.memory_space<semaphore_mem>> -> memref<1x!tpu.dma_semaphore, #tpu.memory_space<semaphore_mem>>
    %dma_start3A_1591 = tpu.memref_squeeze %dma_start3A_1590 : memref<1x!tpu.dma_semaphore, #tpu.memory_space<semaphore_mem>> -> memref<!tpu.dma_semaphore, #tpu.memory_space<semaphore_mem>>
    tpu.enqueue_indirect_dma source(%dma_start3A_1589 : memref<65536x32xf32, #tpu.memory_space<hbm>>) target(%dma_start3A_1583 : memref<128x32xf32, #tpu.memory_space<vmem>>) offsets(%dma_start3A_1586 : memref<128xi32, #tpu.memory_space<vmem>>) semaphore(%dma_start3A_1591 : memref<!tpu.dma_semaphore, #tpu.memory_space<semaphore_mem>>)
    %dma_wait3A_1592 = arith.constant 0 : i32
    %dma_wait3A_1593 = arith.constant 0 : i32
    %dma_wait3A_1594 = arith.constant 0 : i32
    %dma_wait3A_1595 = tpu.memref_slice %arg12[%dma_wait3A_1593, %dma_wait3A_1594] : memref<256x32xf32, #tpu.memory_space<vmem>> -> memref<128x32xf32, #tpu.memory_space<vmem>>
    %dma_wait3A_1596 = arith.constant 0 : i32
    %dma_wait3A_1597 = tpu.memref_slice %arg6[%add3A_942, %dma_wait3A_1596] : memref<16384x32xf32, #tpu.memory_space<hbm>> -> memref<128x32xf32, #tpu.memory_space<hbm>>
    %dma_wait3A_1598 = tpu.memref_slice %arg16[%dma_wait3A_1592] : memref<2x!tpu.dma_semaphore, #tpu.memory_space<semaphore_mem>> -> memref<1x!tpu.dma_semaphore, #tpu.memory_space<semaphore_mem>>
    %dma_wait3A_1599 = tpu.memref_squeeze %dma_wait3A_1598 : memref<1x!tpu.dma_semaphore, #tpu.memory_space<semaphore_mem>> -> memref<!tpu.dma_semaphore, #tpu.memory_space<semaphore_mem>>
    %dma_wait3A_1600 = arith.constant 0 : i32
    %dma_wait3A_1601 = tpu.memref_slice %arg6[%add3A_942, %dma_wait3A_1600] : memref<16384x32xf32, #tpu.memory_space<hbm>> -> memref<128x32xf32, #tpu.memory_space<hbm>>
    %dma_wait3A_1602 = arith.constant 0 : i32
    %dma_wait3A_1603 = arith.constant 0 : i32
    %dma_wait3A_1604 = tpu.memref_slice %arg12[%dma_wait3A_1602, %dma_wait3A_1603] : memref<256x32xf32, #tpu.memory_space<vmem>> -> memref<128x32xf32, #tpu.memory_space<vmem>>
    tpu.wait_dma2 semaphore(%dma_wait3A_1599 : memref<!tpu.dma_semaphore, #tpu.memory_space<semaphore_mem>>) src(%dma_wait3A_1604 : memref<128x32xf32, #tpu.memory_space<vmem>>) dst(%dma_wait3A_1601 : memref<128x32xf32, #tpu.memory_space<hbm>>)
    %scan3A_1605 = arith.constant 0 : i32
    %scan3A_1606 = arith.constant 128 : i32
    %scan3A_1607 = arith.addi %scan3A_1605, %scan3A_1606 : i32
    %scan3A_1608 = arith.constant 1 : i32
    scf.for %scan3A_1736 = %scan3A_1605 to %scan3A_1607 step %scan3A_1608  : i32 {
      %mul3A_1737 = arith.constant 1 : i32
      %mul3A_1738 = arith.muli %scan3A_1736, %mul3A_1737 : i32
      %add3A_1739 = arith.constant 0 : i32
      %add3A_1740 = arith.addi %add3A_1739, %mul3A_1738 : i32
      %broadcast_in_dim3A = vector.broadcast %add3A_1740 : i32 to vector<16xi32>
      %broadcast_in_dim3A_1741 = arith.constant 8 : i32
      %broadcast_in_dim3A_1742 = vector.broadcast %broadcast_in_dim3A_1741 : i32 to vector<16xi32>
      %gather3A = tpu.vector_load_idx %arg10[%broadcast_in_dim3A_1742, %broadcast_in_dim3A] : memref<16x128xf32, #tpu.memory_space<vmem>>[vector<16xi32>, vector<16xi32>], vector<16xf32>,
      %add3A_1743 = arith.constant 0 : i32
      %add3A_1744 = arith.addi %add3A_1743, %add3A_1740 : i32
      %get3A = arith.index_cast %add3A_1744 : i32 to index
      %get3A_1745 = arith.constant 0 : index
      %get3A_1746 = tpu.vector_load %arg11[%get3A, %get3A_1745] {strides = array<i32>} : memref<1024x32xf32, #tpu.memory_space<vmem>>, vector<16xf32>,
      %mul3A_1747 = arith.mulf %gather3A, %get3A_1746 : vector<16xf32>
      %add3A_1748 = arith.constant 0 : i32
      %add3A_1749 = arith.addi %add3A_1748, %add3A_1740 : i32
      %get3A_1750 = arith.index_cast %add3A_1749 : i32 to index
      %get3A_1751 = arith.constant 16 : index
      %get3A_1752 = tpu.vector_load %arg11[%get3A_1750, %get3A_1751] {strides = array<i32>} : memref<1024x32xf32, #tpu.memory_space<vmem>>, vector<16xf32>,
      %mul3A_1753 = arith.mulf %gather3A, %get3A_1752 : vector<16xf32>
      %broadcast_in_dim3A_1754 = arith.constant 9 : i32
      %broadcast_in_dim3A_1755 = vector.broadcast %broadcast_in_dim3A_1754 : i32 to vector<16xi32>
      %gather3A_1756 = tpu.vector_load_idx %arg10[%broadcast_in_dim3A_1755, %broadcast_in_dim3A] : memref<16x128xf32, #tpu.memory_space<vmem>>[vector<16xi32>, vector<16xi32>], vector<16xf32>,
      %add3A_1757 = arith.constant 128 : i32
      %add3A_1758 = arith.addi %add3A_1757, %add3A_1740 : i32
      %get3A_1759 = arith.index_cast %add3A_1758 : i32 to index
      %get3A_1760 = arith.constant 0 : index
      %get3A_1761 = tpu.vector_load %arg11[%get3A_1759, %get3A_1760] {strides = array<i32>} : memref<1024x32xf32, #tpu.memory_space<vmem>>, vector<16xf32>,
      %mul3A_1762 = arith.mulf %gather3A_1756, %get3A_1761 : vector<16xf32>
      %add3A_1763 = arith.addf %mul3A_1747, %mul3A_1762 : vector<16xf32>
      %get3A_1764 = arith.index_cast %add3A_1758 : i32 to index
      %get3A_1765 = arith.constant 16 : index
      %get3A_1766 = tpu.vector_load %arg11[%get3A_1764, %get3A_1765] {strides = array<i32>} : memref<1024x32xf32, #tpu.memory_space<vmem>>, vector<16xf32>,
      %mul3A_1767 = arith.mulf %gather3A_1756, %get3A_1766 : vector<16xf32>
      %add3A_1768 = arith.addf %mul3A_1753, %mul3A_1767 : vector<16xf32>
      %broadcast_in_dim3A_1769 = arith.constant 10 : i32
      %broadcast_in_dim3A_1770 = vector.broadcast %broadcast_in_dim3A_1769 : i32 to vector<16xi32>
      %gather3A_1771 = tpu.vector_load_idx %arg10[%broadcast_in_dim3A_1770, %broadcast_in_dim3A] : memref<16x128xf32, #tpu.memory_space<vmem>>[vector<16xi32>, vector<16xi32>], vector<16xf32>,
      %add3A_1772 = arith.constant 256 : i32
      %add3A_1773 = arith.addi %add3A_1772, %add3A_1740 : i32
      %get3A_1774 = arith.index_cast %add3A_1773 : i32 to index
      %get3A_1775 = arith.constant 0 : index
      %get3A_1776 = tpu.vector_load %arg11[%get3A_1774, %get3A_1775] {strides = array<i32>} : memref<1024x32xf32, #tpu.memory_space<vmem>>, vector<16xf32>,
      %mul3A_1777 = arith.mulf %gather3A_1771, %get3A_1776 : vector<16xf32>
      %add3A_1778 = arith.addf %add3A_1763, %mul3A_1777 : vector<16xf32>
      %get3A_1779 = arith.index_cast %add3A_1773 : i32 to index
      %get3A_1780 = arith.constant 16 : index
      %get3A_1781 = tpu.vector_load %arg11[%get3A_1779, %get3A_1780] {strides = array<i32>} : memref<1024x32xf32, #tpu.memory_space<vmem>>, vector<16xf32>,
      %mul3A_1782 = arith.mulf %gather3A_1771, %get3A_1781 : vector<16xf32>
      %add3A_1783 = arith.addf %add3A_1768, %mul3A_1782 : vector<16xf32>
      %broadcast_in_dim3A_1784 = arith.constant 11 : i32
      %broadcast_in_dim3A_1785 = vector.broadcast %broadcast_in_dim3A_1784 : i32 to vector<16xi32>
      %gather3A_1786 = tpu.vector_load_idx %arg10[%broadcast_in_dim3A_1785, %broadcast_in_dim3A] : memref<16x128xf32, #tpu.memory_space<vmem>>[vector<16xi32>, vector<16xi32>], vector<16xf32>,
      %add3A_1787 = arith.constant 384 : i32
      %add3A_1788 = arith.addi %add3A_1787, %add3A_1740 : i32
      %get3A_1789 = arith.index_cast %add3A_1788 : i32 to index
      %get3A_1790 = arith.constant 0 : index
      %get3A_1791 = tpu.vector_load %arg11[%get3A_1789, %get3A_1790] {strides = array<i32>} : memref<1024x32xf32, #tpu.memory_space<vmem>>, vector<16xf32>,
      %mul3A_1792 = arith.mulf %gather3A_1786, %get3A_1791 : vector<16xf32>
      %add3A_1793 = arith.addf %add3A_1778, %mul3A_1792 : vector<16xf32>
      %get3A_1794 = arith.index_cast %add3A_1788 : i32 to index
      %get3A_1795 = arith.constant 16 : index
      %get3A_1796 = tpu.vector_load %arg11[%get3A_1794, %get3A_1795] {strides = array<i32>} : memref<1024x32xf32, #tpu.memory_space<vmem>>, vector<16xf32>,
      %mul3A_1797 = arith.mulf %gather3A_1786, %get3A_1796 : vector<16xf32>
      %add3A_1798 = arith.addf %add3A_1783, %mul3A_1797 : vector<16xf32>
      %add3A_1799 = arith.constant 0 : i32
      %add3A_1800 = arith.addi %add3A_1799, %add3A_1740 : i32
      %swap3A = arith.index_cast %add3A_1800 : i32 to index
      %swap3A_1801 = arith.constant 0 : index
      %swap3A_1802 = tpu.vector_load %arg12[%swap3A, %swap3A_1801] {strides = array<i32>} : memref<256x32xf32, #tpu.memory_space<vmem>>, vector<16xf32>,
      tpu.vector_store %arg12[%swap3A, %swap3A_1801], %add3A_1793 {strides = array<i32>} : memref<256x32xf32, #tpu.memory_space<vmem>>, vector<16xf32>,
      %add3A_1803 = arith.constant 0 : i32
      %add3A_1804 = arith.addi %add3A_1803, %add3A_1740 : i32
      %swap3A_1805 = arith.index_cast %add3A_1804 : i32 to index
      %swap3A_1806 = arith.constant 16 : index
      %swap3A_1807 = tpu.vector_load %arg12[%swap3A_1805, %swap3A_1806] {strides = array<i32>} : memref<256x32xf32, #tpu.memory_space<vmem>>, vector<16xf32>,
      tpu.vector_store %arg12[%swap3A_1805, %swap3A_1806], %add3A_1798 {strides = array<i32>} : memref<256x32xf32, #tpu.memory_space<vmem>>, vector<16xf32>,
    }
    %scan3A_1609 = arith.constant 128 : i32
    %add3A_1610 = arith.constant 256 : i32
    %add3A_1611 = arith.addi %mul3A_2, %add3A_1610 : i32
    %dma_start3A_1612 = arith.constant 0 : i32
    %dma_start3A_1613 = arith.constant 0 : i32
    %dma_start3A_1614 = arith.constant 0 : i32
    %dma_start3A_1615 = tpu.memref_slice %arg12[%dma_start3A_1613, %dma_start3A_1614] : memref<256x32xf32, #tpu.memory_space<vmem>> -> memref<128x32xf32, #tpu.memory_space<vmem>>
    %dma_start3A_1616 = arith.constant 0 : i32
    %dma_start3A_1617 = tpu.memref_slice %arg6[%add3A_1611, %dma_start3A_1616] : memref<16384x32xf32, #tpu.memory_space<hbm>> -> memref<128x32xf32, #tpu.memory_space<hbm>>
    %dma_start3A_1618 = tpu.memref_slice %arg16[%dma_start3A_1612] : memref<2x!tpu.dma_semaphore, #tpu.memory_space<semaphore_mem>> -> memref<1x!tpu.dma_semaphore, #tpu.memory_space<semaphore_mem>>
    %dma_start3A_1619 = tpu.memref_squeeze %dma_start3A_1618 : memref<1x!tpu.dma_semaphore, #tpu.memory_space<semaphore_mem>> -> memref<!tpu.dma_semaphore, #tpu.memory_space<semaphore_mem>>
    %dma_start3A_1620 = arith.constant 0 : i32
    %dma_start3A_1621 = tpu.memref_slice %arg6[%add3A_1611, %dma_start3A_1620] : memref<16384x32xf32, #tpu.memory_space<hbm>> -> memref<128x32xf32, #tpu.memory_space<hbm>>
    %dma_start3A_1622 = arith.constant 0 : i32
    %dma_start3A_1623 = arith.constant 0 : i32
    %dma_start3A_1624 = tpu.memref_slice %arg12[%dma_start3A_1622, %dma_start3A_1623] : memref<256x32xf32, #tpu.memory_space<vmem>> -> memref<128x32xf32, #tpu.memory_space<vmem>>
    tpu.enqueue_dma source(%dma_start3A_1624 : memref<128x32xf32, #tpu.memory_space<vmem>>) target(%dma_start3A_1621 : memref<128x32xf32, #tpu.memory_space<hbm>>) target_semaphore(%dma_start3A_1619 : memref<!tpu.dma_semaphore, #tpu.memory_space<semaphore_mem>>)
    %dma_wait3A_1625 = arith.constant 12 : i32
    %dma_wait3A_1626 = arith.constant 1 : i32
    %dma_wait3A_1627 = arith.constant 512 : i32
    %dma_wait3A_1628 = arith.constant 0 : i32
    %dma_wait3A_1629 = tpu.memref_slice %arg11[%dma_wait3A_1627, %dma_wait3A_1628] : memref<1024x32xf32, #tpu.memory_space<vmem>> -> memref<128x32xf32, #tpu.memory_space<vmem>>
    %dma_wait3A_1630 = arith.constant 0 : i32
    %dma_wait3A_1631 = tpu.memref_slice %arg9[%dma_wait3A_1625, %dma_wait3A_1630] : memref<16x128xi32, #tpu.memory_space<vmem>> -> memref<1x128xi32, #tpu.memory_space<vmem>>
    %dma_wait3A_1632 = tpu.memref_squeeze %dma_wait3A_1631 : memref<1x128xi32, #tpu.memory_space<vmem>> -> memref<128xi32, #tpu.memory_space<vmem>>
    %dma_wait3A_1633 = arith.constant 0 : i32
    %dma_wait3A_1634 = arith.constant 0 : i32
    %dma_wait3A_1635 = tpu.memref_slice %arg3[%dma_wait3A_1633, %dma_wait3A_1634] : memref<65536x32xf32, #tpu.memory_space<hbm>> -> memref<65536x32xf32, #tpu.memory_space<hbm>>
    %dma_wait3A_1636 = tpu.memref_slice %arg15[%dma_wait3A_1626] : memref<2x!tpu.dma_semaphore, #tpu.memory_space<semaphore_mem>> -> memref<1x!tpu.dma_semaphore, #tpu.memory_space<semaphore_mem>>
    %dma_wait3A_1637 = tpu.memref_squeeze %dma_wait3A_1636 : memref<1x!tpu.dma_semaphore, #tpu.memory_space<semaphore_mem>> -> memref<!tpu.dma_semaphore, #tpu.memory_space<semaphore_mem>>
    tpu.wait_indirect_dma semaphore(%dma_wait3A_1637 : memref<!tpu.dma_semaphore, #tpu.memory_space<semaphore_mem>>) src(%dma_wait3A_1635 : memref<65536x32xf32, #tpu.memory_space<hbm>>) dst(%dma_wait3A_1629 : memref<128x32xf32, #tpu.memory_space<vmem>>)
    %dma_wait3A_1638 = arith.constant 13 : i32
    %dma_wait3A_1639 = arith.constant 1 : i32
    %dma_wait3A_1640 = arith.constant 640 : i32
    %dma_wait3A_1641 = arith.constant 0 : i32
    %dma_wait3A_1642 = tpu.memref_slice %arg11[%dma_wait3A_1640, %dma_wait3A_1641] : memref<1024x32xf32, #tpu.memory_space<vmem>> -> memref<128x32xf32, #tpu.memory_space<vmem>>
    %dma_wait3A_1643 = arith.constant 0 : i32
    %dma_wait3A_1644 = tpu.memref_slice %arg9[%dma_wait3A_1638, %dma_wait3A_1643] : memref<16x128xi32, #tpu.memory_space<vmem>> -> memref<1x128xi32, #tpu.memory_space<vmem>>
    %dma_wait3A_1645 = tpu.memref_squeeze %dma_wait3A_1644 : memref<1x128xi32, #tpu.memory_space<vmem>> -> memref<128xi32, #tpu.memory_space<vmem>>
    %dma_wait3A_1646 = arith.constant 0 : i32
    %dma_wait3A_1647 = arith.constant 0 : i32
    %dma_wait3A_1648 = tpu.memref_slice %arg3[%dma_wait3A_1646, %dma_wait3A_1647] : memref<65536x32xf32, #tpu.memory_space<hbm>> -> memref<65536x32xf32, #tpu.memory_space<hbm>>
    %dma_wait3A_1649 = tpu.memref_slice %arg15[%dma_wait3A_1639] : memref<2x!tpu.dma_semaphore, #tpu.memory_space<semaphore_mem>> -> memref<1x!tpu.dma_semaphore, #tpu.memory_space<semaphore_mem>>
    %dma_wait3A_1650 = tpu.memref_squeeze %dma_wait3A_1649 : memref<1x!tpu.dma_semaphore, #tpu.memory_space<semaphore_mem>> -> memref<!tpu.dma_semaphore, #tpu.memory_space<semaphore_mem>>
    tpu.wait_indirect_dma semaphore(%dma_wait3A_1650 : memref<!tpu.dma_semaphore, #tpu.memory_space<semaphore_mem>>) src(%dma_wait3A_1648 : memref<65536x32xf32, #tpu.memory_space<hbm>>) dst(%dma_wait3A_1642 : memref<128x32xf32, #tpu.memory_space<vmem>>)
    %dma_wait3A_1651 = arith.constant 14 : i32
    %dma_wait3A_1652 = arith.constant 1 : i32
    %dma_wait3A_1653 = arith.constant 768 : i32
    %dma_wait3A_1654 = arith.constant 0 : i32
    %dma_wait3A_1655 = tpu.memref_slice %arg11[%dma_wait3A_1653, %dma_wait3A_1654] : memref<1024x32xf32, #tpu.memory_space<vmem>> -> memref<128x32xf32, #tpu.memory_space<vmem>>
    %dma_wait3A_1656 = arith.constant 0 : i32
    %dma_wait3A_1657 = tpu.memref_slice %arg9[%dma_wait3A_1651, %dma_wait3A_1656] : memref<16x128xi32, #tpu.memory_space<vmem>> -> memref<1x128xi32, #tpu.memory_space<vmem>>
    %dma_wait3A_1658 = tpu.memref_squeeze %dma_wait3A_1657 : memref<1x128xi32, #tpu.memory_space<vmem>> -> memref<128xi32, #tpu.memory_space<vmem>>
    %dma_wait3A_1659 = arith.constant 0 : i32
    %dma_wait3A_1660 = arith.constant 0 : i32
    %dma_wait3A_1661 = tpu.memref_slice %arg3[%dma_wait3A_1659, %dma_wait3A_1660] : memref<65536x32xf32, #tpu.memory_space<hbm>> -> memref<65536x32xf32, #tpu.memory_space<hbm>>
    %dma_wait3A_1662 = tpu.memref_slice %arg15[%dma_wait3A_1652] : memref<2x!tpu.dma_semaphore, #tpu.memory_space<semaphore_mem>> -> memref<1x!tpu.dma_semaphore, #tpu.memory_space<semaphore_mem>>
    %dma_wait3A_1663 = tpu.memref_squeeze %dma_wait3A_1662 : memref<1x!tpu.dma_semaphore, #tpu.memory_space<semaphore_mem>> -> memref<!tpu.dma_semaphore, #tpu.memory_space<semaphore_mem>>
    tpu.wait_indirect_dma semaphore(%dma_wait3A_1663 : memref<!tpu.dma_semaphore, #tpu.memory_space<semaphore_mem>>) src(%dma_wait3A_1661 : memref<65536x32xf32, #tpu.memory_space<hbm>>) dst(%dma_wait3A_1655 : memref<128x32xf32, #tpu.memory_space<vmem>>)
    %dma_wait3A_1664 = arith.constant 15 : i32
    %dma_wait3A_1665 = arith.constant 1 : i32
    %dma_wait3A_1666 = arith.constant 896 : i32
    %dma_wait3A_1667 = arith.constant 0 : i32
    %dma_wait3A_1668 = tpu.memref_slice %arg11[%dma_wait3A_1666, %dma_wait3A_1667] : memref<1024x32xf32, #tpu.memory_space<vmem>> -> memref<128x32xf32, #tpu.memory_space<vmem>>
    %dma_wait3A_1669 = arith.constant 0 : i32
    %dma_wait3A_1670 = tpu.memref_slice %arg9[%dma_wait3A_1664, %dma_wait3A_1669] : memref<16x128xi32, #tpu.memory_space<vmem>> -> memref<1x128xi32, #tpu.memory_space<vmem>>
    %dma_wait3A_1671 = tpu.memref_squeeze %dma_wait3A_1670 : memref<1x128xi32, #tpu.memory_space<vmem>> -> memref<128xi32, #tpu.memory_space<vmem>>
    %dma_wait3A_1672 = arith.constant 0 : i32
    %dma_wait3A_1673 = arith.constant 0 : i32
    %dma_wait3A_1674 = tpu.memref_slice %arg3[%dma_wait3A_1672, %dma_wait3A_1673] : memref<65536x32xf32, #tpu.memory_space<hbm>> -> memref<65536x32xf32, #tpu.memory_space<hbm>>
    %dma_wait3A_1675 = tpu.memref_slice %arg15[%dma_wait3A_1665] : memref<2x!tpu.dma_semaphore, #tpu.memory_space<semaphore_mem>> -> memref<1x!tpu.dma_semaphore, #tpu.memory_space<semaphore_mem>>
    %dma_wait3A_1676 = tpu.memref_squeeze %dma_wait3A_1675 : memref<1x!tpu.dma_semaphore, #tpu.memory_space<semaphore_mem>> -> memref<!tpu.dma_semaphore, #tpu.memory_space<semaphore_mem>>
    tpu.wait_indirect_dma semaphore(%dma_wait3A_1676 : memref<!tpu.dma_semaphore, #tpu.memory_space<semaphore_mem>>) src(%dma_wait3A_1674 : memref<65536x32xf32, #tpu.memory_space<hbm>>) dst(%dma_wait3A_1668 : memref<128x32xf32, #tpu.memory_space<vmem>>)
    %dma_wait3A_1677 = arith.constant 1 : i32
    %dma_wait3A_1678 = arith.constant 128 : i32
    %dma_wait3A_1679 = arith.constant 0 : i32
    %dma_wait3A_1680 = tpu.memref_slice %arg12[%dma_wait3A_1678, %dma_wait3A_1679] : memref<256x32xf32, #tpu.memory_space<vmem>> -> memref<128x32xf32, #tpu.memory_space<vmem>>
    %dma_wait3A_1681 = arith.constant 0 : i32
    %dma_wait3A_1682 = tpu.memref_slice %arg6[%add3A_1338, %dma_wait3A_1681] : memref<16384x32xf32, #tpu.memory_space<hbm>> -> memref<128x32xf32, #tpu.memory_space<hbm>>
    %dma_wait3A_1683 = tpu.memref_slice %arg16[%dma_wait3A_1677] : memref<2x!tpu.dma_semaphore, #tpu.memory_space<semaphore_mem>> -> memref<1x!tpu.dma_semaphore, #tpu.memory_space<semaphore_mem>>
    %dma_wait3A_1684 = tpu.memref_squeeze %dma_wait3A_1683 : memref<1x!tpu.dma_semaphore, #tpu.memory_space<semaphore_mem>> -> memref<!tpu.dma_semaphore, #tpu.memory_space<semaphore_mem>>
    %dma_wait3A_1685 = arith.constant 0 : i32
    %dma_wait3A_1686 = tpu.memref_slice %arg6[%add3A_1338, %dma_wait3A_1685] : memref<16384x32xf32, #tpu.memory_space<hbm>> -> memref<128x32xf32, #tpu.memory_space<hbm>>
    %dma_wait3A_1687 = arith.constant 128 : i32
    %dma_wait3A_1688 = arith.constant 0 : i32
    %dma_wait3A_1689 = tpu.memref_slice %arg12[%dma_wait3A_1687, %dma_wait3A_1688] : memref<256x32xf32, #tpu.memory_space<vmem>> -> memref<128x32xf32, #tpu.memory_space<vmem>>
    tpu.wait_dma2 semaphore(%dma_wait3A_1684 : memref<!tpu.dma_semaphore, #tpu.memory_space<semaphore_mem>>) src(%dma_wait3A_1689 : memref<128x32xf32, #tpu.memory_space<vmem>>) dst(%dma_wait3A_1686 : memref<128x32xf32, #tpu.memory_space<hbm>>)
    %scan3A_1690 = arith.constant 0 : i32
    %scan3A_1691 = arith.constant 128 : i32
    %scan3A_1692 = arith.addi %scan3A_1690, %scan3A_1691 : i32
    %scan3A_1693 = arith.constant 1 : i32
    scf.for %scan3A_1736 = %scan3A_1690 to %scan3A_1692 step %scan3A_1693  : i32 {
      %mul3A_1737 = arith.constant 1 : i32
      %mul3A_1738 = arith.muli %scan3A_1736, %mul3A_1737 : i32
      %add3A_1739 = arith.constant 0 : i32
      %add3A_1740 = arith.addi %add3A_1739, %mul3A_1738 : i32
      %broadcast_in_dim3A = vector.broadcast %add3A_1740 : i32 to vector<16xi32>
      %broadcast_in_dim3A_1741 = arith.constant 12 : i32
      %broadcast_in_dim3A_1742 = vector.broadcast %broadcast_in_dim3A_1741 : i32 to vector<16xi32>
      %gather3A = tpu.vector_load_idx %arg10[%broadcast_in_dim3A_1742, %broadcast_in_dim3A] : memref<16x128xf32, #tpu.memory_space<vmem>>[vector<16xi32>, vector<16xi32>], vector<16xf32>,
      %add3A_1743 = arith.constant 512 : i32
      %add3A_1744 = arith.addi %add3A_1743, %add3A_1740 : i32
      %get3A = arith.index_cast %add3A_1744 : i32 to index
      %get3A_1745 = arith.constant 0 : index
      %get3A_1746 = tpu.vector_load %arg11[%get3A, %get3A_1745] {strides = array<i32>} : memref<1024x32xf32, #tpu.memory_space<vmem>>, vector<16xf32>,
      %mul3A_1747 = arith.mulf %gather3A, %get3A_1746 : vector<16xf32>
      %add3A_1748 = arith.constant 512 : i32
      %add3A_1749 = arith.addi %add3A_1748, %add3A_1740 : i32
      %get3A_1750 = arith.index_cast %add3A_1749 : i32 to index
      %get3A_1751 = arith.constant 16 : index
      %get3A_1752 = tpu.vector_load %arg11[%get3A_1750, %get3A_1751] {strides = array<i32>} : memref<1024x32xf32, #tpu.memory_space<vmem>>, vector<16xf32>,
      %mul3A_1753 = arith.mulf %gather3A, %get3A_1752 : vector<16xf32>
      %broadcast_in_dim3A_1754 = arith.constant 13 : i32
      %broadcast_in_dim3A_1755 = vector.broadcast %broadcast_in_dim3A_1754 : i32 to vector<16xi32>
      %gather3A_1756 = tpu.vector_load_idx %arg10[%broadcast_in_dim3A_1755, %broadcast_in_dim3A] : memref<16x128xf32, #tpu.memory_space<vmem>>[vector<16xi32>, vector<16xi32>], vector<16xf32>,
      %add3A_1757 = arith.constant 640 : i32
      %add3A_1758 = arith.addi %add3A_1757, %add3A_1740 : i32
      %get3A_1759 = arith.index_cast %add3A_1758 : i32 to index
      %get3A_1760 = arith.constant 0 : index
      %get3A_1761 = tpu.vector_load %arg11[%get3A_1759, %get3A_1760] {strides = array<i32>} : memref<1024x32xf32, #tpu.memory_space<vmem>>, vector<16xf32>,
      %mul3A_1762 = arith.mulf %gather3A_1756, %get3A_1761 : vector<16xf32>
      %add3A_1763 = arith.addf %mul3A_1747, %mul3A_1762 : vector<16xf32>
      %get3A_1764 = arith.index_cast %add3A_1758 : i32 to index
      %get3A_1765 = arith.constant 16 : index
      %get3A_1766 = tpu.vector_load %arg11[%get3A_1764, %get3A_1765] {strides = array<i32>} : memref<1024x32xf32, #tpu.memory_space<vmem>>, vector<16xf32>,
      %mul3A_1767 = arith.mulf %gather3A_1756, %get3A_1766 : vector<16xf32>
      %add3A_1768 = arith.addf %mul3A_1753, %mul3A_1767 : vector<16xf32>
      %broadcast_in_dim3A_1769 = arith.constant 14 : i32
      %broadcast_in_dim3A_1770 = vector.broadcast %broadcast_in_dim3A_1769 : i32 to vector<16xi32>
      %gather3A_1771 = tpu.vector_load_idx %arg10[%broadcast_in_dim3A_1770, %broadcast_in_dim3A] : memref<16x128xf32, #tpu.memory_space<vmem>>[vector<16xi32>, vector<16xi32>], vector<16xf32>,
      %add3A_1772 = arith.constant 768 : i32
      %add3A_1773 = arith.addi %add3A_1772, %add3A_1740 : i32
      %get3A_1774 = arith.index_cast %add3A_1773 : i32 to index
      %get3A_1775 = arith.constant 0 : index
      %get3A_1776 = tpu.vector_load %arg11[%get3A_1774, %get3A_1775] {strides = array<i32>} : memref<1024x32xf32, #tpu.memory_space<vmem>>, vector<16xf32>,
      %mul3A_1777 = arith.mulf %gather3A_1771, %get3A_1776 : vector<16xf32>
      %add3A_1778 = arith.addf %add3A_1763, %mul3A_1777 : vector<16xf32>
      %get3A_1779 = arith.index_cast %add3A_1773 : i32 to index
      %get3A_1780 = arith.constant 16 : index
      %get3A_1781 = tpu.vector_load %arg11[%get3A_1779, %get3A_1780] {strides = array<i32>} : memref<1024x32xf32, #tpu.memory_space<vmem>>, vector<16xf32>,
      %mul3A_1782 = arith.mulf %gather3A_1771, %get3A_1781 : vector<16xf32>
      %add3A_1783 = arith.addf %add3A_1768, %mul3A_1782 : vector<16xf32>
      %broadcast_in_dim3A_1784 = arith.constant 15 : i32
      %broadcast_in_dim3A_1785 = vector.broadcast %broadcast_in_dim3A_1784 : i32 to vector<16xi32>
      %gather3A_1786 = tpu.vector_load_idx %arg10[%broadcast_in_dim3A_1785, %broadcast_in_dim3A] : memref<16x128xf32, #tpu.memory_space<vmem>>[vector<16xi32>, vector<16xi32>], vector<16xf32>,
      %add3A_1787 = arith.constant 896 : i32
      %add3A_1788 = arith.addi %add3A_1787, %add3A_1740 : i32
      %get3A_1789 = arith.index_cast %add3A_1788 : i32 to index
      %get3A_1790 = arith.constant 0 : index
      %get3A_1791 = tpu.vector_load %arg11[%get3A_1789, %get3A_1790] {strides = array<i32>} : memref<1024x32xf32, #tpu.memory_space<vmem>>, vector<16xf32>,
      %mul3A_1792 = arith.mulf %gather3A_1786, %get3A_1791 : vector<16xf32>
      %add3A_1793 = arith.addf %add3A_1778, %mul3A_1792 : vector<16xf32>
      %get3A_1794 = arith.index_cast %add3A_1788 : i32 to index
      %get3A_1795 = arith.constant 16 : index
      %get3A_1796 = tpu.vector_load %arg11[%get3A_1794, %get3A_1795] {strides = array<i32>} : memref<1024x32xf32, #tpu.memory_space<vmem>>, vector<16xf32>,
      %mul3A_1797 = arith.mulf %gather3A_1786, %get3A_1796 : vector<16xf32>
      %add3A_1798 = arith.addf %add3A_1783, %mul3A_1797 : vector<16xf32>
      %add3A_1799 = arith.constant 128 : i32
      %add3A_1800 = arith.addi %add3A_1799, %add3A_1740 : i32
      %swap3A = arith.index_cast %add3A_1800 : i32 to index
      %swap3A_1801 = arith.constant 0 : index
      %swap3A_1802 = tpu.vector_load %arg12[%swap3A, %swap3A_1801] {strides = array<i32>} : memref<256x32xf32, #tpu.memory_space<vmem>>, vector<16xf32>,
      tpu.vector_store %arg12[%swap3A, %swap3A_1801], %add3A_1793 {strides = array<i32>} : memref<256x32xf32, #tpu.memory_space<vmem>>, vector<16xf32>,
      %add3A_1803 = arith.constant 128 : i32
      %add3A_1804 = arith.addi %add3A_1803, %add3A_1740 : i32
      %swap3A_1805 = arith.index_cast %add3A_1804 : i32 to index
      %swap3A_1806 = arith.constant 16 : index
      %swap3A_1807 = tpu.vector_load %arg12[%swap3A_1805, %swap3A_1806] {strides = array<i32>} : memref<256x32xf32, #tpu.memory_space<vmem>>, vector<16xf32>,
      tpu.vector_store %arg12[%swap3A_1805, %swap3A_1806], %add3A_1798 {strides = array<i32>} : memref<256x32xf32, #tpu.memory_space<vmem>>, vector<16xf32>,
    }
    %scan3A_1694 = arith.constant 128 : i32
    %add3A_1695 = arith.constant 384 : i32
    %add3A_1696 = arith.addi %mul3A_2, %add3A_1695 : i32
    %dma_start3A_1697 = arith.constant 1 : i32
    %dma_start3A_1698 = arith.constant 128 : i32
    %dma_start3A_1699 = arith.constant 0 : i32
    %dma_start3A_1700 = tpu.memref_slice %arg12[%dma_start3A_1698, %dma_start3A_1699] : memref<256x32xf32, #tpu.memory_space<vmem>> -> memref<128x32xf32, #tpu.memory_space<vmem>>
    %dma_start3A_1701 = arith.constant 0 : i32
    %dma_start3A_1702 = tpu.memref_slice %arg6[%add3A_1696, %dma_start3A_1701] : memref<16384x32xf32, #tpu.memory_space<hbm>> -> memref<128x32xf32, #tpu.memory_space<hbm>>
    %dma_start3A_1703 = tpu.memref_slice %arg16[%dma_start3A_1697] : memref<2x!tpu.dma_semaphore, #tpu.memory_space<semaphore_mem>> -> memref<1x!tpu.dma_semaphore, #tpu.memory_space<semaphore_mem>>
    %dma_start3A_1704 = tpu.memref_squeeze %dma_start3A_1703 : memref<1x!tpu.dma_semaphore, #tpu.memory_space<semaphore_mem>> -> memref<!tpu.dma_semaphore, #tpu.memory_space<semaphore_mem>>
    %dma_start3A_1705 = arith.constant 0 : i32
    %dma_start3A_1706 = tpu.memref_slice %arg6[%add3A_1696, %dma_start3A_1705] : memref<16384x32xf32, #tpu.memory_space<hbm>> -> memref<128x32xf32, #tpu.memory_space<hbm>>
    %dma_start3A_1707 = arith.constant 128 : i32
    %dma_start3A_1708 = arith.constant 0 : i32
    %dma_start3A_1709 = tpu.memref_slice %arg12[%dma_start3A_1707, %dma_start3A_1708] : memref<256x32xf32, #tpu.memory_space<vmem>> -> memref<128x32xf32, #tpu.memory_space<vmem>>
    tpu.enqueue_dma source(%dma_start3A_1709 : memref<128x32xf32, #tpu.memory_space<vmem>>) target(%dma_start3A_1706 : memref<128x32xf32, #tpu.memory_space<hbm>>) target_semaphore(%dma_start3A_1704 : memref<!tpu.dma_semaphore, #tpu.memory_space<semaphore_mem>>)
    %dma_wait3A_1710 = arith.constant 0 : i32
    %dma_wait3A_1711 = arith.constant 0 : i32
    %dma_wait3A_1712 = arith.constant 0 : i32
    %dma_wait3A_1713 = tpu.memref_slice %arg12[%dma_wait3A_1711, %dma_wait3A_1712] : memref<256x32xf32, #tpu.memory_space<vmem>> -> memref<128x32xf32, #tpu.memory_space<vmem>>
    %dma_wait3A_1714 = arith.constant 0 : i32
    %dma_wait3A_1715 = tpu.memref_slice %arg6[%add3A_1611, %dma_wait3A_1714] : memref<16384x32xf32, #tpu.memory_space<hbm>> -> memref<128x32xf32, #tpu.memory_space<hbm>>
    %dma_wait3A_1716 = tpu.memref_slice %arg16[%dma_wait3A_1710] : memref<2x!tpu.dma_semaphore, #tpu.memory_space<semaphore_mem>> -> memref<1x!tpu.dma_semaphore, #tpu.memory_space<semaphore_mem>>
    %dma_wait3A_1717 = tpu.memref_squeeze %dma_wait3A_1716 : memref<1x!tpu.dma_semaphore, #tpu.memory_space<semaphore_mem>> -> memref<!tpu.dma_semaphore, #tpu.memory_space<semaphore_mem>>
    %dma_wait3A_1718 = arith.constant 0 : i32
    %dma_wait3A_1719 = tpu.memref_slice %arg6[%add3A_1611, %dma_wait3A_1718] : memref<16384x32xf32, #tpu.memory_space<hbm>> -> memref<128x32xf32, #tpu.memory_space<hbm>>
    %dma_wait3A_1720 = arith.constant 0 : i32
    %dma_wait3A_1721 = arith.constant 0 : i32
    %dma_wait3A_1722 = tpu.memref_slice %arg12[%dma_wait3A_1720, %dma_wait3A_1721] : memref<256x32xf32, #tpu.memory_space<vmem>> -> memref<128x32xf32, #tpu.memory_space<vmem>>
    tpu.wait_dma2 semaphore(%dma_wait3A_1717 : memref<!tpu.dma_semaphore, #tpu.memory_space<semaphore_mem>>) src(%dma_wait3A_1722 : memref<128x32xf32, #tpu.memory_space<vmem>>) dst(%dma_wait3A_1719 : memref<128x32xf32, #tpu.memory_space<hbm>>)
    %dma_wait3A_1723 = arith.constant 1 : i32
    %dma_wait3A_1724 = arith.constant 128 : i32
    %dma_wait3A_1725 = arith.constant 0 : i32
    %dma_wait3A_1726 = tpu.memref_slice %arg12[%dma_wait3A_1724, %dma_wait3A_1725] : memref<256x32xf32, #tpu.memory_space<vmem>> -> memref<128x32xf32, #tpu.memory_space<vmem>>
    %dma_wait3A_1727 = arith.constant 0 : i32
    %dma_wait3A_1728 = tpu.memref_slice %arg6[%add3A_1696, %dma_wait3A_1727] : memref<16384x32xf32, #tpu.memory_space<hbm>> -> memref<128x32xf32, #tpu.memory_space<hbm>>
    %dma_wait3A_1729 = tpu.memref_slice %arg16[%dma_wait3A_1723] : memref<2x!tpu.dma_semaphore, #tpu.memory_space<semaphore_mem>> -> memref<1x!tpu.dma_semaphore, #tpu.memory_space<semaphore_mem>>
    %dma_wait3A_1730 = tpu.memref_squeeze %dma_wait3A_1729 : memref<1x!tpu.dma_semaphore, #tpu.memory_space<semaphore_mem>> -> memref<!tpu.dma_semaphore, #tpu.memory_space<semaphore_mem>>
    %dma_wait3A_1731 = arith.constant 0 : i32
    %dma_wait3A_1732 = tpu.memref_slice %arg6[%add3A_1696, %dma_wait3A_1731] : memref<16384x32xf32, #tpu.memory_space<hbm>> -> memref<128x32xf32, #tpu.memory_space<hbm>>
    %dma_wait3A_1733 = arith.constant 128 : i32
    %dma_wait3A_1734 = arith.constant 0 : i32
    %dma_wait3A_1735 = tpu.memref_slice %arg12[%dma_wait3A_1733, %dma_wait3A_1734] : memref<256x32xf32, #tpu.memory_space<vmem>> -> memref<128x32xf32, #tpu.memory_space<vmem>>
    tpu.wait_dma2 semaphore(%dma_wait3A_1730 : memref<!tpu.dma_semaphore, #tpu.memory_space<semaphore_mem>>) src(%dma_wait3A_1735 : memref<128x32xf32, #tpu.memory_space<vmem>>) dst(%dma_wait3A_1732 : memref<128x32xf32, #tpu.memory_space<hbm>>)
    return
  }
}

</mosaic_0001>

<sc_bundles>
// kernel: kernel.3.cloned.1.call-start
scs
__scs_entry_jumppad:
0x0: {  	(pc) =	sbr.rel $0x88, $3  }
0x1: {  	(tag) =	ssettag $0x0;
	lr =	simm.s32 $0x1  }
0x2: {  	[smem:$0x3F9D] =	sst lr;
	_ =	strace $0xD0000000  }
0x3: {  	_ = 	snop  }
0x4: {  	_ = 	snop  }
0x5: {  	_ = 	snop  }
0x6: {  	_ = 	snop  }
0x7: {  	_ = 	snop  }
__scs_overlays_trampoline_lowered:
0x8: {  	[smem:$0x3FAC] =	sst s0  }
0x9: {  	[smem:$0x3FAD] =	sst s1  }
0xa: {  	[smem:$0x3FAE] =	sst s2  }
0xb: {  	[smem:$0x3FAF] =	sst s3  }
0xc: {  	[smem:$0x3FB0] =	sst s4  }
0xd: {  	[smem:$0x3FB1] =	sst s5  }
0xe: {  	[smem:$0x3FB2] =	sst s6  }
0xf: {  	[smem:$0x3FB3] =	sst s7  }
0x10: {  	[smem:$0x3FB4] =	sst s8  }
0x11: {  	[smem:$0x3FB5] =	sst s9;
	s0 =	simm.s32 @!p0 $0x0  }
0x12: {  	s1 =	sld [smem:$0x3F9B];
	s0 =	simm.s32 @p0 $0x1  }
0x13: {  	[smem:$0x3FB6] =	sst s0;
	s0 =	simm.s32 @!p1 $0x0  }
0x14: {  	s2 =	sld [smem:$0x3F9A];
	s0 =	simm.s32 @p1 $0x1  }
0x15: {  	[smem:$0x3FB7] =	sst s0;
	s0 =	simm.s32 @!p2 $0x0  }
0x16: {  	s3 =	sld [smem:$0x3FDB];
	s0 =	simm.s32 @p2 $0x1  }
0x17: {  	s4 =	simm.s32 $0x1BF5;
	[smem:$0x3FB9] =	sst s0  }
0x18: {  	s0 =	sld [smem:$0x3F9C];
	_ =	swait.ge [sflag:s4], $0x0  }
0x19: {  	s7 =	sld [smem:$0x3F9D]  }
0x1a: {  	s8 =	sadd.s32 $0xFFFFE003, lr  }
0x1b: {  	s9 =	sadd.s32 $0xFFFFFEF7, lr;
	s5 =	simm.s32 $0xFFFFFFFF;
	p2 =	slt.u32 s8, $0xFFFFF086  }
0x1c: {  	p1 =	slt.u32 s9, $0xF7A;
	s5 =	simm.s32 @!p2 $0x0  }
0x1d: {  	s5 =	simm.s32 @p1 $0x1;
	p0 =	seq.s32 s7, s2  }
0x1e: {  	s7 =	smul.u32 @!p0 $0xF7A, s2;
	p2 =	seq.s32 @!p0 s5, $0x0  }
0x1f: {  	s9 =	smul.u32 $0xF7A, s1;
	s8 =	simm.s32 @!p0 $0x1BF5;
	p2 =	por !p2, p0  }
0x20: {  	[sflag:s8] =	ssyncset.s32 @!p0 $0xFFFFF086;
	s6 =	sadd.s32 @!p0 s3, s7;
	s7 =	simm.s32 @!p0 $0x108  }
0x21: {  	s3 =	sadd.s32 s3, s9;
	s6 =	sadd.s32 @!p0 $0x88, s6;
	s7 =	simm.s32 @p2 $0x1082  }
0x22: {  	[simem:s7], [sflag:s8] =	dma.local @!p0 [hbm:s6], $0xF7A  }
0x23: {  	s9 =	sor.u32 $0xD0000000, s2;
	s6 =	simm.s32 $0x108;
	_ =	swait.ge @!p0 [sflag:s8], $0x0  }
0x24: {  	s3 =	sadd.s32 $0x88, s3;
	s6 =	simm.s32 @!p1 $0x1082;
	[sflag:s4] =	ssyncset.s32 $0xFFFFF086  }
0x25: {  	[simem:s6], [sflag:s4] =	dma.local [hbm:s3], $0xF7A  }
0x26: {  	[smem:$0x3F9D] =	sst s1;
	(tag) =	ssettag s2;
	_ =	strace s9  }
0x27: {  	s1 =	sld [smem:$0x3FAD]  }
0x28: {  	s2 =	sld [smem:$0x3FAE]  }
0x29: {  	s4 =	sld [smem:$0x3FB0]  }
0x2a: {  	p0 =	seq.s32 s5, $0x0;
	s5 =	sld [smem:$0x3FB1]  }
0x2b: {  	s6 =	sld [smem:$0x3FB2]  }
0x2c: {  	s7 =	sld [smem:$0x3FB3]  }
0x2d: {  	s3 =	simm.s32 $0x108;
	s8 =	sld [smem:$0x3FB4]  }
0x2e: {  	s3 =	simm.s32 @!p0 $0x1082;
	s9 =	sld [smem:$0x3FB5]  }
0x2f: {  	lr =	sadd.s32 s0, s3;
	s0 =	sld [smem:$0x3FAC]  }
0x30: {  	s3 =	sld [smem:$0x3FAF]  }
0x31: {  	[smem:$0x3FB8] =	sst s10  }
0x32: {  	s10 =	sld [smem:$0x3FB6];
	_ =	sdelay $0x3  }
0x33: {  	p0 =	seq.s32 s10, $0x1;
	s10 =	sld [smem:$0x3FB8];
	_ =	sdelay $0x3  }
0x34: {  	[smem:$0x3FB8] =	sst s10  }
0x35: {  	s10 =	sld [smem:$0x3FB7];
	_ =	sdelay $0x3  }
0x36: {  	p1 =	seq.s32 s10, $0x1;
	s10 =	sld [smem:$0x3FB8];
	_ =	sdelay $0x3  }
0x37: {  	[smem:$0x3FB8] =	sst s10  }
0x38: {  	s10 =	sld [smem:$0x3FB9]  }
0x39: {  	_ = 	snop;
	(pc) =	sbr.ind lr, $3  }
0x3a: {  	_ = 	snop  }
0x3b: {  	_ = 	snop  }
0x3c: {  	p2 =	seq.s32 s10, $0x1;
	s10 =	sld [smem:$0x3FB8]  }
0x3d: {  	_ =	shalt  }
0x3e: {  	_ =	shalt  }
0x3f: {  	_ =	shalt  }
0x40: {  	_ =	shalt  }
0x41: {  	_ =	shalt  }
0x42: {  	_ =	shalt  }
0x43: {  	_ =	shalt  }
0x44: {  	_ =	shalt  }
0x45: {  	_ =	shalt  }
0x46: {  	_ =	shalt  }
0x47: {  	_ =	shalt  }
0x48: {  	_ =	shalt  }
0x49: {  	_ =	shalt  }
0x4a: {  	_ =	shalt  }
0x4b: {  	_ =	shalt  }
0x4c: {  	_ =	shalt  }
0x4d: {  	_ =	shalt  }
0x4e: {  	_ =	shalt  }
0x4f: {  	_ =	shalt  }
0x50: {  	_ =	shalt  }
0x51: {  	_ =	shalt  }
0x52: {  	_ =	shalt  }
0x53: {  	_ =	shalt  }
0x54: {  	_ =	shalt  }
0x55: {  	_ =	shalt  }
0x56: {  	_ =	shalt  }
0x57: {  	_ =	shalt  }
0x58: {  	_ =	shalt  }
0x59: {  	_ =	shalt  }
0x5a: {  	_ =	shalt  }
0x5b: {  	_ =	shalt  }
0x5c: {  	_ =	shalt  }
0x5d: {  	_ =	shalt  }
0x5e: {  	_ =	shalt  }
0x5f: {  	_ =	shalt  }
0x60: {  	_ =	shalt  }
0x61: {  	_ =	shalt  }
0x62: {  	_ =	shalt  }
0x63: {  	_ =	shalt  }
0x64: {  	_ =	shalt  }
0x65: {  	_ =	shalt  }
0x66: {  	_ =	shalt  }
0x67: {  	_ =	shalt  }
0x68: {  	_ =	shalt  }
0x69: {  	_ =	shalt  }
0x6a: {  	_ =	shalt  }
0x6b: {  	_ =	shalt  }
0x6c: {  	_ =	shalt  }
0x6d: {  	_ =	shalt  }
0x6e: {  	_ =	shalt  }
0x6f: {  	_ =	shalt  }
0x70: {  	_ =	shalt  }
0x71: {  	_ =	shalt  }
0x72: {  	_ =	shalt  }
0x73: {  	_ =	shalt  }
0x74: {  	_ =	shalt  }
0x75: {  	_ =	shalt  }
0x76: {  	_ =	shalt  }
0x77: {  	_ =	shalt  }
0x78: {  	_ =	shalt  }
0x79: {  	_ =	shalt  }
0x7a: {  	_ =	shalt  }
0x7b: {  	_ =	shalt  }
0x7c: {  	_ =	shalt  }
0x7d: {  	_ =	shalt  }
0x7e: {  	_ =	shalt  }
0x7f: {  	_ =	shalt  }
0x80: {  	_ =	shalt  }
0x81: {  	_ =	shalt  }
0x82: {  	_ =	shalt  }
0x83: {  	_ =	shalt  }
0x84: {  	_ =	shalt  }
0x85: {  	_ =	shalt  }
0x86: {  	_ =	shalt  }
0x87: {  	_ =	shalt  }
.Lfunc_end0:
.L_simem_size_0:
called_computation_lowered:
.L_overlay_start_0:
0x88: {  	s2 =	sld [smem:$0x3FD9]  }
0x89: {  	s3 =	sld [smem:$0x3FFE];
	_ =	sdelay $0x1  }
0x8a: {  	s1 =	srdreg.scid  }
0x8b: {  	s0 =	sand.u32 $0x1, s1  }
0x8c: {  	s17 =	sshll.u32 s0, $0xA;
	s2 =	sadd.s32 s3, s2  }
0x8d: {  	s2 =	sadd.s32 s2, s17  }
0x8e: {  	[smem:$0x3FC4] =	sst s2  }
0x8f: {  	_ = 	snop  }
0x90: {  	s2 =	sld [smem:$0x3FC9]  }
0x91: {  	s18 =	sld [smem:$0x3FD0];
	(tm) =	ssettm $0x1  }
0x92: {  	s4 =	sld [smem:$0x3FFB];
	_ =	sdelay $0x3  }
0x93: {  	_ =	strace s4  }
0x94: {  	s4 =	sld [smem:$0x3FFC];
	_ =	sdelay $0x3  }
0x95: {  	_ =	strace s4  }
0x96: {  	s4 =	sld [smem:$0x3FFD];
	_ =	sdelay $0x3  }
0x97: {  	_ =	strace s4  }
0x98: {  	_ =	strace $0x8FFFFFFF  }
0x99: {  	s19 =	sld [smem:$0x3FDB];
	_ =	sdelay $0x1  }
0x9a: {  	s5 =	simm.s32 $_scs_section_size  }
0x9b: {  	s6 =	simm.s32 $_size__tile_overlayer_lowered;
	s7 =	simm.s32 $_tile_overlayer_lowered  }
0x9c: {  	s22 =	simm.s32 $0x1BFF;
	s21 =	sshll.u32 s7, $0x1;
	s4 =	sadd.s32 s5, s19  }
0x9d: {  	s8 =	simm.s32 $0x0;
	s20 =	sshll.u32 s6, $0x1;
	s6 =	sadd.s32 s21, s4  }
0x9e: {  	[timem:s8], [sflag:s22] =	dma.local [hbm:s6], s20  }
0x9f: {  	_ =	swait.ge [sflag:s22], s20  }
0xa0: {  	s5 =	ssub.s32 $0x0, s20;
	[sflag:s22] =	ssyncset.done $0x0  }
0xa1: {  	[sflag:s22] =	ssyncadd.s32 s5;
	_ =	sdelay $0x1  }
0xa2: {  	s23 =	simm.s32 $0x1B8B  }
0xa3: {  	_ =	swait.ge [sflag:s23], $0x1  }
0xa4: {  	[sflag:s23] =	ssyncset.done $0x0  }
0xa5: {  	s25 =	simm.s32 $0x1B8E;
	s24 =	sld [smem:$0x3FFE];
	[sflag:s23] =	ssyncadd.s32 $0xFFFFFFFF  }
0xa6: {  	s26 =	simm.s32 $execute0_lowered;
	[smem:$0x3FD2] =	sst s25  }
0xa7: {  	s6 =	sshll.u32 s26, $0x1;
	_ =	strace $0x80000046;
	[dreg:$0x1] =	wrdreg $0xFFFFFFFF  }
0xa8: {  	s28 =	simm.s32 $_size_execute0_lowered;
	s4 =	sadd.s32 s4, s6;
	[dreg:$0x0] =	wrdreg $0x0  }
0xa9: {  	s6 =	sshll.u32 s28, $0x1;
	[dreg:$0x2] =	wrdreg s4  }
0xaa: {  	[dreg:$0x3] =	wrdreg s6  }
0xab: {  	[dreg:$0x4] =	wrdreg $0xC0  }
0xac: {  	_ =	task [dreg:s8], $0x5FFFF  }
0xad: {  	[dreg:$0x1] =	wrdreg $0xFFFFFFFF  }
0xae: {  	[dreg:$0x0] =	wrdreg $0x60  }
0xaf: {  	[dreg:$0x2] =	wrdreg s2  }
0xb0: {  	[dreg:$0x3] =	wrdreg s24  }
0xb1: {  	[dreg:$0x4] =	wrdreg s18  }
0xb2: {  	[dreg:$0x5] =	wrdreg $0x9  }
0xb3: {  	_ =	task.clear_ibuf [dreg:s8], $0x6FFFF;
	_ =	strace $0x90000046  }
0xb4: {  	s29 =	simm.s32 $0x9;
	_ =	strace $0x80000048  }
0xb5: {  	_ =	swait.ge [sflag:s29], $0x1  }
0xb6: {  	[sflag:s29] =	ssyncadd.s32 $0xFFFFFFFF  }
0xb7: {  	_ =	strace $0x90000048  }
0xb8: {  	_ =	sfence  }
0xb9: {  	s30 =	sld [smem:$0x0];
	_ =	sdelay $0x2  }
0xba: {  	s31 =	sshll.u32 s1, $0xD;
	s1 =	sshrl.u32 s1, $0x2  }
0xbb: {  	s3 =	sand.u32 $0x4000, s31;
	s1 =	sadd.s32 s1, s30  }
0xbc: {  	s0 =	sor.u32 s3, s0;
	s1 =	sshll.u32 s1, $0x11  }
0xbd: {  	s0 =	sor.u32 s1, s0  }
0xbe: {  	s0 =	sadd.s32 $0x8F2B, s0  }
0xbf: {  	[sflag:s0] =	ssyncadd.remote.s32 $0x1  }
0xc0: {  	_ =	sfence.sel $0xFFFF  }
0xc1: {  	[dreg:$0x0] =	wrdreg $0xFFFFFFFF;
	(pc) =	sbr.abs _section_cstart, $3  }
0xc2: {  	[dreg:$0x1] =	wrdreg $0xFFFFFFFF  }
0xc3: {  	_ =	task.clear_ibuf [dreg:s8], $0x2FFFF;
	_ =	strace $0x9FFFFFFF  }
0xc4: {  	(tm) =	ssettm $0x7FFFFFFF  }
0xc5: {  	_ =	shalt  }
tec
execute0_lowered:
.L_overlay_start_1:
0x0: {  	(tag) =	ssettag $0x1  }
0x1: {  	s0 =	rddreg [dreg:$0x0]  }
0x2: {  	s2 =	rddreg [dreg:$0x1]  }
0x3: {  	s6 =	rddreg [dreg:$0x2]  }
0x4: {  	s1 =	simm.s32 $0x0;
	s4 =	srdreg.scid;
	s5 =	stileid.u32  }
0x5: {  	s28 =	simm.s32 $0x1200;
	[smem:$0x7FF] =	sst s1;
	s9 =	sadd.s32 $0x7C600, s2  }
0x6: {  	s10 =	sadd.s32 $0x2400, s2;
	_ =	strace $0x80000047;
	[dreg:$0xd] =	wrdreg s9  }
0x7: {  	s29 =	simm.s32 $0xD80;
	s15 =	sadd.s32 $0x20C48, s2;
	[dreg:$0xe] =	wrdreg s10  }
0x8: {  	s3 =	sadd.s32 $0x102400, s2;
	s18 =	sadd.s32 $0x9AE48, s2;
	[dreg:$0xf] =	wrdreg s15  }
0x9: {  	s4 =	sand.u32 $0x1, s4;
	s19 =	sadd.s32 $0x3F490, s2;
	[dreg:$0x10] =	wrdreg s18  }
0xa: {  	s5 =	sshll.u32 s5, $0xA;
	s20 =	sadd.s32 $0xB9690, s2;
	[dreg:$0x11] =	wrdreg s19  }
0xb: {  	s22 =	sadd.s32 $0x5DCD8, s2;
	s2 =	sadd.s32 $0xD7ED8, s2;
	[dreg:$0x12] =	wrdreg s20  }
0xc: {  	s7 =	ssub.s32 $0x2, s4;
	s8 =	sshll.u32 s4, $0x9;
	[dreg:$0x13] =	wrdreg s22  }
0xd: {  	[dreg:$0x14] =	wrdreg s2;
	s9 =	sshrl.u32 s7, $0x1;
	s8 =	sor.u32 s8, s5  }
0xe: {  	s22 =	simm.s32 $0x7;
	s7 =	ssub.s32 s7, s9;
	s11 =	sshrl.u32 s8, $0x3  }
0xf: {  	s12 =	sor.u32 $0x80, s8;
	s16 =	sor.u32 $0x100, s8;
	s17 =	sor.u32 $0x180, s8  }
0x10: {  	s21 =	sshll.u32 s8, $0x2;
	s8 =	simm.s32 $0x3;
	s9 =	sadd.s32 s0, s11  }
0x11: {  	s10 =	sshrl.u32 s12, $0x3;
	s11 =	sshrl.u32 s16, $0x3;
	s14 =	sshrl.u32 s17, $0x3  }
0x12: {  	s23 =	sshll.u32 s12, $0x2;
	s31 =	smax.u32 s7, $0x1;
	[dreg:$0x4] =	wrdreg s9  }
0x13: {  	s24 =	sshll.u32 s16, $0x2;
	s10 =	sadd.s32 s0, s10;
	[dreg:$0xc] =	wrdreg s31  }
0x14: {  	s25 =	sshll.u32 s17, $0x2;
	s13 =	sadd.s32 s0, s11;
	[dreg:$0x5] =	wrdreg s10  }
0x15: {  	s16 =	simm.s32 $0x2;
	s0 =	sadd.s32 s0, s14;
	[dreg:$0x6] =	wrdreg s13  }
0x16: {  	s7 =	simm.s32 $0x6;
	s26 =	sadd.s32 s6, s24;
	[dreg:$0x7] =	wrdreg s0  }
0x17: {  	s30 =	sadd.s32 s6, s25;
	s24 =	simm.s32 $0x1;
	[dreg:$0xa] =	wrdreg s26  }
0x18: {  	s0 =	sadd.s32 s6, s21;
	[dreg:$0xb] =	wrdreg s30;
	s21 =	simm.s32 $0x80  }
0x19: {  	s26 =	simm.s32 $0x5;
	[dreg:$0x8] =	wrdreg s0;
	s0 =	sadd.s32 s6, s23  }
0x1a: {  	s6 =	simm.s32 $0x4;
	[dreg:$0x9] =	wrdreg s0;
	s0 =	simm.s32 $0x0  }
.LBB2_1:
0x1b: {  	s2 =	rddreg [dreg:$0x4]  }
0x1c: {  	[tilespmem:s1], [sflag:$0x1] =	stream.linear.gather [hbm4b:s2+s1], $0x80, $0x38;
	[tilespmem:$0xBA00] =	vst v63  }
0x1d: {  	s9 =	rddreg [dreg:$0x5]  }
0x1e: {  	[tilespmem:s21], [sflag:$0x1] =	stream.linear.gather [hbm4b:s9+s1], $0x80, $0x38;
	[tilespmem:$0xBA00] =	vst v63  }
0x1f: {  	s10 =	rddreg [dreg:$0x6];
	s17 =	simm.s32 $0x100  }
0x20: {  	[tilespmem:s17], [sflag:$0x1] =	stream.linear.gather [hbm4b:s10+s1], $0x80, $0x38;
	[tilespmem:$0xBA00] =	vst v63  }
0x21: {  	s11 =	rddreg [dreg:$0x7];
	s12 =	simm.s32 $0x180  }
0x22: {  	[tilespmem:s12], [sflag:$0x1] =	stream.linear.gather [hbm4b:s11+s1], $0x80, $0x38;
	[tilespmem:$0xBA00] =	vst v63  }
0x23: {  	_ =	swait.ge [sflag:s24], $0x80  }
0x24: {  	[sflag:s24] =	ssyncset.done $0x0  }
0x25: {  	[sflag:s24] =	ssyncadd.s32 $0xFFFFFF80  }
0x26: {  	_ =	swait.ge [sflag:s24], $0x80  }
0x27: {  	[sflag:s24] =	ssyncset.done $0x0  }
0x28: {  	[sflag:s24] =	ssyncadd.s32 $0xFFFFFF80  }
0x29: {  	_ =	swait.ge [sflag:s24], $0x80  }
0x2a: {  	[sflag:s24] =	ssyncset.done $0x0  }
0x2b: {  	[sflag:s24] =	ssyncadd.s32 $0xFFFFFF80  }
0x2c: {  	_ =	swait.ge [sflag:s24], $0x80  }
0x2d: {  	[sflag:s24] =	ssyncset.done $0x0  }
0x2e: {  	[sflag:s24] =	ssyncadd.s32 $0xFFFFFF80  }
0x2f: {  	v0 =	vld [tilespmem:$0x0];
	_ =	sdelay $0x3  }
0x30: {  	v1 =	vld [tilespmem:$0x10]  }
0x31: {  	[tilespmem:$0x200] =	vst v0  }
0x32: {  	[tilespmem:$0x280] =	vst v0  }
0x33: {  	[tilespmem:$0x300] =	vst v0  }
0x34: {  	[tilespmem:$0x380] =	vst v0;
	v0 =	vld [tilespmem:$0x20]  }
0x35: {  	[tilespmem:$0x210] =	vst v1  }
0x36: {  	[tilespmem:$0x290] =	vst v1  }
0x37: {  	[tilespmem:$0x310] =	vst v1  }
0x38: {  	[tilespmem:$0x390] =	vst v1;
	v1 =	vld [tilespmem:$0x30]  }
0x39: {  	[tilespmem:$0x220] =	vst v0  }
0x3a: {  	[tilespmem:$0x2A0] =	vst v0  }
0x3b: {  	[tilespmem:$0x320] =	vst v0  }
0x3c: {  	[tilespmem:$0x3A0] =	vst v0;
	v0 =	vld [tilespmem:$0x40]  }
0x3d: {  	[tilespmem:$0x230] =	vst v1  }
0x3e: {  	[tilespmem:$0x2B0] =	vst v1  }
0x3f: {  	[tilespmem:$0x330] =	vst v1  }
0x40: {  	[tilespmem:$0x3B0] =	vst v1;
	v1 =	vld [tilespmem:$0x50]  }
0x41: {  	[tilespmem:$0x240] =	vst v0  }
0x42: {  	[tilespmem:$0x2C0] =	vst v0  }
0x43: {  	[tilespmem:$0x340] =	vst v0  }
0x44: {  	[tilespmem:$0x3C0] =	vst v0;
	v0 =	vld [tilespmem:$0x60]  }
0x45: {  	[tilespmem:$0x250] =	vst v1  }
0x46: {  	[tilespmem:$0x2D0] =	vst v1  }
0x47: {  	[tilespmem:$0x350] =	vst v1  }
0x48: {  	[tilespmem:$0x3D0] =	vst v1;
	v1 =	vld [tilespmem:$0x70]  }
0x49: {  	[tilespmem:$0x260] =	vst v0  }
0x4a: {  	[tilespmem:$0x2E0] =	vst v0  }
0x4b: {  	[tilespmem:$0x360] =	vst v0  }
0x4c: {  	[tilespmem:$0x3E0] =	vst v0;
	v0 =	vld [tilespmem:$0x80]  }
0x4d: {  	[tilespmem:$0x270] =	vst v1  }
0x4e: {  	[tilespmem:$0x2F0] =	vst v1  }
0x4f: {  	[tilespmem:$0x370] =	vst v1  }
0x50: {  	[tilespmem:$0x3F0] =	vst v1;
	v1 =	vld [tilespmem:$0x90]  }
0x51: {  	[tilespmem:$0x400] =	vst v0  }
0x52: {  	[tilespmem:$0x480] =	vst v0  }
0x53: {  	[tilespmem:$0x500] =	vst v0  }
0x54: {  	[tilespmem:$0x580] =	vst v0;
	v0 =	vld [tilespmem:$0xA0]  }
0x55: {  	[tilespmem:$0x410] =	vst v1  }
0x56: {  	[tilespmem:$0x490] =	vst v1  }
0x57: {  	[tilespmem:$0x510] =	vst v1  }
0x58: {  	[tilespmem:$0x590] =	vst v1;
	v1 =	vld [tilespmem:$0xB0]  }
0x59: {  	[tilespmem:$0x420] =	vst v0  }
0x5a: {  	[tilespmem:$0x4A0] =	vst v0  }
0x5b: {  	[tilespmem:$0x520] =	vst v0  }
0x5c: {  	[tilespmem:$0x5A0] =	vst v0;
	v0 =	vld [tilespmem:$0xC0]  }
0x5d: {  	[tilespmem:$0x430] =	vst v1  }
0x5e: {  	[tilespmem:$0x4B0] =	vst v1  }
0x5f: {  	[tilespmem:$0x530] =	vst v1  }
0x60: {  	[tilespmem:$0x5B0] =	vst v1;
	v1 =	vld [tilespmem:$0xD0]  }
0x61: {  	[tilespmem:$0x440] =	vst v0  }
0x62: {  	[tilespmem:$0x4C0] =	vst v0  }
0x63: {  	[tilespmem:$0x540] =	vst v0  }
0x64: {  	[tilespmem:$0x5C0] =	vst v0;
	v0 =	vld [tilespmem:$0xE0]  }
0x65: {  	[tilespmem:$0x450] =	vst v1  }
0x66: {  	[tilespmem:$0x4D0] =	vst v1  }
0x67: {  	[tilespmem:$0x550] =	vst v1  }
0x68: {  	[tilespmem:$0x5D0] =	vst v1;
	v1 =	vld [tilespmem:$0xF0]  }
0x69: {  	[tilespmem:$0x460] =	vst v0  }
0x6a: {  	[tilespmem:$0x4E0] =	vst v0  }
0x6b: {  	[tilespmem:$0x560] =	vst v0  }
0x6c: {  	[tilespmem:$0x5E0] =	vst v0;
	v0 =	vld [tilespmem:$0x100]  }
0x6d: {  	[tilespmem:$0x470] =	vst v1  }
0x6e: {  	[tilespmem:$0x4F0] =	vst v1  }
0x6f: {  	[tilespmem:$0x570] =	vst v1  }
0x70: {  	[tilespmem:$0x5F0] =	vst v1;
	v1 =	vld [tilespmem:$0x110]  }
0x71: {  	[tilespmem:$0x600] =	vst v0  }
0x72: {  	[tilespmem:$0x680] =	vst v0  }
0x73: {  	[tilespmem:$0x700] =	vst v0  }
0x74: {  	[tilespmem:$0x780] =	vst v0;
	v0 =	vld [tilespmem:$0x120]  }
0x75: {  	[tilespmem:$0x610] =	vst v1  }
0x76: {  	[tilespmem:$0x690] =	vst v1  }
0x77: {  	[tilespmem:$0x710] =	vst v1  }
0x78: {  	[tilespmem:$0x790] =	vst v1;
	v1 =	vld [tilespmem:$0x130]  }
0x79: {  	[tilespmem:$0x620] =	vst v0  }
0x7a: {  	[tilespmem:$0x6A0] =	vst v0  }
0x7b: {  	[tilespmem:$0x720] =	vst v0  }
0x7c: {  	[tilespmem:$0x7A0] =	vst v0;
	v0 =	vld [tilespmem:$0x140]  }
0x7d: {  	[tilespmem:$0x630] =	vst v1  }
0x7e: {  	[tilespmem:$0x6B0] =	vst v1  }
0x7f: {  	[tilespmem:$0x730] =	vst v1  }
0x80: {  	[tilespmem:$0x7B0] =	vst v1;
	v1 =	vld [tilespmem:$0x150]  }
0x81: {  	[tilespmem:$0x640] =	vst v0  }
0x82: {  	[tilespmem:$0x6C0] =	vst v0  }
0x83: {  	[tilespmem:$0x740] =	vst v0  }
0x84: {  	[tilespmem:$0x7C0] =	vst v0;
	v0 =	vld [tilespmem:$0x160]  }
0x85: {  	[tilespmem:$0x650] =	vst v1  }
0x86: {  	[tilespmem:$0x6D0] =	vst v1  }
0x87: {  	[tilespmem:$0x750] =	vst v1  }
0x88: {  	[tilespmem:$0x7D0] =	vst v1;
	v1 =	vld [tilespmem:$0x170]  }
0x89: {  	[tilespmem:$0x660] =	vst v0  }
0x8a: {  	[tilespmem:$0x6E0] =	vst v0  }
0x8b: {  	[tilespmem:$0x760] =	vst v0  }
0x8c: {  	[tilespmem:$0x7E0] =	vst v0;
	v0 =	vld [tilespmem:$0x180]  }
0x8d: {  	[tilespmem:$0x670] =	vst v1  }
0x8e: {  	[tilespmem:$0x6F0] =	vst v1  }
0x8f: {  	[tilespmem:$0x770] =	vst v1  }
0x90: {  	[tilespmem:$0x7F0] =	vst v1;
	v1 =	vld [tilespmem:$0x190]  }
0x91: {  	[tilespmem:$0x800] =	vst v0  }
0x92: {  	[tilespmem:$0x880] =	vst v0  }
0x93: {  	[tilespmem:$0x900] =	vst v0  }
0x94: {  	[tilespmem:$0x980] =	vst v0;
	v0 =	vld [tilespmem:$0x1A0]  }
0x95: {  	[tilespmem:$0x810] =	vst v1  }
0x96: {  	[tilespmem:$0x890] =	vst v1  }
0x97: {  	[tilespmem:$0x910] =	vst v1  }
0x98: {  	[tilespmem:$0x990] =	vst v1;
	v1 =	vld [tilespmem:$0x1B0]  }
0x99: {  	[tilespmem:$0x820] =	vst v0  }
0x9a: {  	[tilespmem:$0x8A0] =	vst v0  }
0x9b: {  	[tilespmem:$0x920] =	vst v0  }
0x9c: {  	[tilespmem:$0x9A0] =	vst v0;
	v0 =	vld [tilespmem:$0x1C0]  }
0x9d: {  	[tilespmem:$0x830] =	vst v1  }
0x9e: {  	[tilespmem:$0x8B0] =	vst v1  }
0x9f: {  	[tilespmem:$0x930] =	vst v1  }
0xa0: {  	[tilespmem:$0x9B0] =	vst v1;
	v1 =	vld [tilespmem:$0x1D0]  }
0xa1: {  	[tilespmem:$0x840] =	vst v0  }
0xa2: {  	[tilespmem:$0x8C0] =	vst v0  }
0xa3: {  	[tilespmem:$0x940] =	vst v0  }
0xa4: {  	[tilespmem:$0x9C0] =	vst v0;
	v0 =	vld [tilespmem:$0x1E0]  }
0xa5: {  	[tilespmem:$0x850] =	vst v1  }
0xa6: {  	[tilespmem:$0x8D0] =	vst v1  }
0xa7: {  	[tilespmem:$0x950] =	vst v1  }
0xa8: {  	[tilespmem:$0x9D0] =	vst v1;
	v1 =	vld [tilespmem:$0x1F0]  }
0xa9: {  	[tilespmem:$0x860] =	vst v0  }
0xaa: {  	[tilespmem:$0x8E0] =	vst v0  }
0xab: {  	[tilespmem:$0x960] =	vst v0  }
0xac: {  	[tilespmem:$0x9E0] =	vst v0  }
0xad: {  	[tilespmem:$0x870] =	vst v1  }
0xae: {  	[tilespmem:$0x8F0] =	vst v1  }
0xaf: {  	[tilespmem:$0x970] =	vst v1  }
0xb0: {  	s13 =	simm.s32 $0x200;
	s17 =	simm.s32 $0xA00;
	s10 =	rddreg [dreg:$0xe];
	[tilespmem:$0x9F0] =	vst v1  }
0xb1: {  	[tilespmem:s17], [sflag:$0x2] =	stream.indirect.gather [hbm4b:s10+s21], $0x1, s13, s21, $0xb8;
	[tilespmem:$0xBA00] =	vst v63  }
0xb2: {  	s5 =	rddreg [dreg:$0xd]  }
0xb3: {  	[tilespmem:s28], [sflag:$0x2] =	stream.indirect.gather [hbm4b:s5+s21], $0x1, s13, s21, $0xb8;
	[tilespmem:$0xBA00] =	vst v63  }
0xb4: {  	s14 =	simm.s32 $0x280;
	s18 =	simm.s32 $0xA80;
	s11 =	rddreg [dreg:$0xf]  }
0xb5: {  	[tilespmem:s18], [sflag:$0x2] =	stream.indirect.gather [hbm4b:s11+s21], $0x1, s14, s21, $0xb8;
	[tilespmem:$0xBA00] =	vst v63  }
0xb6: {  	s19 =	simm.s32 $0x1280;
	s12 =	rddreg [dreg:$0x10]  }
0xb7: {  	[tilespmem:s19], [sflag:$0x2] =	stream.indirect.gather [hbm4b:s12+s21], $0x1, s14, s21, $0xb8;
	[tilespmem:$0xBA00] =	vst v63  }
0xb8: {  	s15 =	simm.s32 $0x300;
	s13 =	rddreg [dreg:$0x11];
	s19 =	simm.s32 $0xB00  }
0xb9: {  	[tilespmem:s19], [sflag:$0x2] =	stream.indirect.gather [hbm4b:s13+s21], $0x1, s15, s21, $0xb8;
	[tilespmem:$0xBA00] =	vst v63  }
0xba: {  	s23 =	simm.s32 $0x1300;
	s14 =	rddreg [dreg:$0x12]  }
0xbb: {  	[tilespmem:s23], [sflag:$0x2] =	stream.indirect.gather [hbm4b:s14+s21], $0x1, s15, s21, $0xb8;
	[tilespmem:$0xBA00] =	vst v63  }
0xbc: {  	s20 =	simm.s32 $0x380;
	s23 =	simm.s32 $0xB80;
	s15 =	rddreg [dreg:$0x13]  }
0xbd: {  	[tilespmem:s23], [sflag:$0x2] =	stream.indirect.gather [hbm4b:s15+s21], $0x1, s20, s21, $0xb8;
	[tilespmem:$0xBA00] =	vst v63  }
0xbe: {  	s31 =	simm.s32 $0x1380;
	s9 =	rddreg [dreg:$0x14]  }
0xbf: {  	[tilespmem:s31], [sflag:$0x2] =	stream.indirect.gather [hbm4b:s9+s21], $0x1, s20, s21, $0xb8;
	[tilespmem:$0xBA00] =	vst v63  }
0xc0: {  	s25 =	simm.s32 $0x400;
	s31 =	simm.s32 $0xC00  }
0xc1: {  	[tilespmem:s31], [sflag:$0x3] =	stream.indirect.gather [hbm4b:s10+s21], $0x1, s25, s21, $0xb8;
	[tilespmem:$0xBA00] =	vst v63  }
0xc2: {  	s20 =	simm.s32 $0x1400  }
0xc3: {  	[tilespmem:s20], [sflag:$0x3] =	stream.indirect.gather [hbm4b:s5+s21], $0x1, s25, s21, $0xb8;
	[tilespmem:$0xBA00] =	vst v63  }
0xc4: {  	s1 =	simm.s32 $0x480;
	s20 =	simm.s32 $0xC80  }
0xc5: {  	[tilespmem:s20], [sflag:$0x3] =	stream.indirect.gather [hbm4b:s11+s21], $0x1, s1, s21, $0xb8;
	[tilespmem:$0xBA00] =	vst v63  }
0xc6: {  	s25 =	simm.s32 $0x1480  }
0xc7: {  	[tilespmem:s25], [sflag:$0x3] =	stream.indirect.gather [hbm4b:s12+s21], $0x1, s1, s21, $0xb8;
	[tilespmem:$0xBA00] =	vst v63  }
0xc8: {  	s2 =	simm.s32 $0x500;
	s25 =	simm.s32 $0xD00  }
0xc9: {  	[tilespmem:s25], [sflag:$0x3] =	stream.indirect.gather [hbm4b:s13+s21], $0x1, s2, s21, $0xb8;
	[tilespmem:$0xBA00] =	vst v63  }
0xca: {  	s1 =	simm.s32 $0x1500  }
0xcb: {  	[tilespmem:s1], [sflag:$0x3] =	stream.indirect.gather [hbm4b:s14+s21], $0x1, s2, s21, $0xb8;
	[tilespmem:$0xBA00] =	vst v63  }
0xcc: {  	s2 =	simm.s32 $0x580  }
0xcd: {  	[tilespmem:s29], [sflag:$0x3] =	stream.indirect.gather [hbm4b:s15+s21], $0x1, s2, s21, $0xb8;
	[tilespmem:$0xBA00] =	vst v63  }
0xce: {  	s30 =	simm.s32 $0x1580  }
0xcf: {  	[tilespmem:s30], [sflag:$0x3] =	stream.indirect.gather [hbm4b:s9+s21], $0x1, s2, s21, $0xb8;
	[tilespmem:$0xBA00] =	vst v63  }
0xd0: {  	_ =	swait.ge [sflag:s16], $0x80  }
0xd1: {  	[sflag:s16] =	ssyncset.done $0x0  }
0xd2: {  	[sflag:s16] =	ssyncadd.s32 $0xFFFFFF80  }
0xd3: {  	_ =	swait.ge [sflag:s16], $0x80  }
0xd4: {  	[sflag:s16] =	ssyncset.done $0x0  }
0xd5: {  	[sflag:s16] =	ssyncadd.s32 $0xFFFFFF80  }
0xd6: {  	_ =	swait.ge [sflag:s16], $0x80  }
0xd7: {  	[sflag:s16] =	ssyncset.done $0x0  }
0xd8: {  	[sflag:s16] =	ssyncadd.s32 $0xFFFFFF80  }
0xd9: {  	_ =	swait.ge [sflag:s16], $0x80  }
0xda: {  	[sflag:s16] =	ssyncset.done $0x0  }
0xdb: {  	[sflag:s16] =	ssyncadd.s32 $0xFFFFFF80  }
0xdc: {  	_ =	swait.ge [sflag:s16], $0x80  }
0xdd: {  	[sflag:s16] =	ssyncset.done $0x0  }
0xde: {  	[sflag:s16] =	ssyncadd.s32 $0xFFFFFF80  }
0xdf: {  	_ =	swait.ge [sflag:s16], $0x80  }
0xe0: {  	[sflag:s16] =	ssyncset.done $0x0  }
0xe1: {  	[sflag:s16] =	ssyncadd.s32 $0xFFFFFF80  }
0xe2: {  	_ =	swait.ge [sflag:s16], $0x80  }
0xe3: {  	[sflag:s16] =	ssyncset.done $0x0  }
0xe4: {  	[sflag:s16] =	ssyncadd.s32 $0xFFFFFF80  }
0xe5: {  	_ =	swait.ge [sflag:s16], $0x80  }
0xe6: {  	[sflag:s16] =	ssyncset.done $0x0  }
0xe7: {  	s30 =	simm.s32 $0x1A00;
	[sflag:s16] =	ssyncadd.s32 $0xFFFFFF80  }
0xe8: {  	[tilespmem:s30], [sflag:$0x6] =	stream.indirect.gather [hbm4b:s3+s21], $0x20, s17, s21, $0xb8;
	[tilespmem:$0xBA00] =	vst v63  }
0xe9: {  	s17 =	simm.s32 $0x2A00  }
0xea: {  	[tilespmem:s17], [sflag:$0x6] =	stream.indirect.gather [hbm4b:s3+s21], $0x20, s18, s21, $0xb8;
	[tilespmem:$0xBA00] =	vst v63  }
0xeb: {  	s18 =	simm.s32 $0x3A00  }
0xec: {  	[tilespmem:s18], [sflag:$0x6] =	stream.indirect.gather [hbm4b:s3+s21], $0x20, s19, s21, $0xb8;
	[tilespmem:$0xBA00] =	vst v63  }
0xed: {  	s17 =	simm.s32 $0x4A00  }
0xee: {  	[tilespmem:s17], [sflag:$0x6] =	stream.indirect.gather [hbm4b:s3+s21], $0x20, s23, s21, $0xb8;
	[tilespmem:$0xBA00] =	vst v63  }
0xef: {  	s2 =	simm.s32 $0x600;
	s19 =	simm.s32 $0xE00  }
0xf0: {  	[tilespmem:s19], [sflag:$0x4] =	stream.indirect.gather [hbm4b:s10+s21], $0x1, s2, s21, $0xb8;
	[tilespmem:$0xBA00] =	vst v63  }
0xf1: {  	s23 =	simm.s32 $0x1600  }
0xf2: {  	[tilespmem:s23], [sflag:$0x4] =	stream.indirect.gather [hbm4b:s5+s21], $0x1, s2, s21, $0xb8;
	[tilespmem:$0xBA00] =	vst v63  }
0xf3: {  	s10 =	simm.s32 $0x680;
	s19 =	simm.s32 $0xE80  }
0xf4: {  	[tilespmem:s19], [sflag:$0x4] =	stream.indirect.gather [hbm4b:s11+s21], $0x1, s10, s21, $0xb8;
	[tilespmem:$0xBA00] =	vst v63  }
0xf5: {  	s23 =	simm.s32 $0x1680  }
0xf6: {  	[tilespmem:s23], [sflag:$0x4] =	stream.indirect.gather [hbm4b:s12+s21], $0x1, s10, s21, $0xb8;
	[tilespmem:$0xBA00] =	vst v63  }
0xf7: {  	s11 =	simm.s32 $0xF00;
	s10 =	simm.s32 $0x700  }
0xf8: {  	[tilespmem:s11], [sflag:$0x4] =	stream.indirect.gather [hbm4b:s13+s21], $0x1, s10, s21, $0xb8;
	[tilespmem:$0xBA00] =	vst v63  }
0xf9: {  	s12 =	simm.s32 $0x1700  }
0xfa: {  	[tilespmem:s12], [sflag:$0x4] =	stream.indirect.gather [hbm4b:s14+s21], $0x1, s10, s21, $0xb8;
	[tilespmem:$0xBA00] =	vst v63  }
0xfb: {  	s13 =	simm.s32 $0x780;
	s14 =	simm.s32 $0xF80  }
0xfc: {  	[tilespmem:s14], [sflag:$0x4] =	stream.indirect.gather [hbm4b:s15+s21], $0x1, s13, s21, $0xb8;
	[tilespmem:$0xBA00] =	vst v63  }
0xfd: {  	s19 =	simm.s32 $0x1780  }
0xfe: {  	[tilespmem:s19], [sflag:$0x4] =	stream.indirect.gather [hbm4b:s9+s21], $0x1, s13, s21, $0xb8;
	[tilespmem:$0xBA00] =	vst v63  }
0xff: {  	_ =	swait.ge [sflag:s7], $0x1000  }
0x100: {  	[sflag:s7] =	ssyncset.done $0x0  }
0x101: {  	[sflag:s7] =	ssyncadd.s32 $0xFFFFF000  }
0x102: {  	_ =	swait.ge [sflag:s7], $0x1000  }
0x103: {  	[sflag:s7] =	ssyncset.done $0x0  }
0x104: {  	[sflag:s7] =	ssyncadd.s32 $0xFFFFF000  }
0x105: {  	_ =	swait.ge [sflag:s7], $0x1000  }
0x106: {  	[sflag:s7] =	ssyncset.done $0x0  }
0x107: {  	[sflag:s7] =	ssyncadd.s32 $0xFFFFF000  }
0x108: {  	_ =	swait.ge [sflag:s7], $0x1000  }
0x109: {  	[sflag:s7] =	ssyncset.done $0x0  }
0x10a: {  	[sflag:s7] =	ssyncadd.s32 $0xFFFFF000  }
0x10b: {  	_ =	swait.ge [sflag:s8], $0x80  }
0x10c: {  	[sflag:s8] =	ssyncset.done $0x0  }
0x10d: {  	[sflag:s8] =	ssyncadd.s32 $0xFFFFFF80  }
0x10e: {  	_ =	swait.ge [sflag:s8], $0x80  }
0x10f: {  	[sflag:s8] =	ssyncset.done $0x0  }
0x110: {  	[sflag:s8] =	ssyncadd.s32 $0xFFFFFF80  }
0x111: {  	_ =	swait.ge [sflag:s8], $0x80  }
0x112: {  	[sflag:s8] =	ssyncset.done $0x0  }
0x113: {  	[sflag:s8] =	ssyncadd.s32 $0xFFFFFF80  }
0x114: {  	_ =	swait.ge [sflag:s8], $0x80  }
0x115: {  	[sflag:s8] =	ssyncset.done $0x0  }
0x116: {  	[sflag:s8] =	ssyncadd.s32 $0xFFFFFF80  }
0x117: {  	_ =	swait.ge [sflag:s8], $0x80  }
0x118: {  	[sflag:s8] =	ssyncset.done $0x0  }
0x119: {  	[sflag:s8] =	ssyncadd.s32 $0xFFFFFF80  }
0x11a: {  	_ =	swait.ge [sflag:s8], $0x80  }
0x11b: {  	[sflag:s8] =	ssyncset.done $0x0  }
0x11c: {  	[sflag:s8] =	ssyncadd.s32 $0xFFFFFF80  }
0x11d: {  	_ =	swait.ge [sflag:s8], $0x80  }
0x11e: {  	[sflag:s8] =	ssyncset.done $0x0  }
0x11f: {  	[sflag:s8] =	ssyncadd.s32 $0xFFFFFF80  }
0x120: {  	_ =	swait.ge [sflag:s8], $0x80  }
0x121: {  	[sflag:s8] =	ssyncset.done $0x0  }
0x122: {  	s23 =	simm.s32 $0x5A00;
	[sflag:s8] =	ssyncadd.s32 $0xFFFFFF80  }
0x123: {  	[tilespmem:s23], [sflag:$0x7] =	stream.indirect.gather [hbm4b:s3+s21], $0x20, s31, s21, $0xb8;
	[tilespmem:$0xBA00] =	vst v63  }
0x124: {  	s4 =	simm.s32 $0x6A00  }
0x125: {  	[tilespmem:s4], [sflag:$0x7] =	stream.indirect.gather [hbm4b:s3+s21], $0x20, s20, s21, $0xb8;
	[tilespmem:$0xBA00] =	vst v63  }
0x126: {  	s1 =	simm.s32 $0x0;
	s5 =	simm.s32 $0x7A00  }
0x127: {  	[tilespmem:s5], [sflag:$0x7] =	stream.indirect.gather [hbm4b:s3+s21], $0x20, s25, s21, $0xb8;
	[tilespmem:$0xBA00] =	vst v63  }
0x128: {  	v0 =	vmov s1;
	s9 =	simm.s32 $0x8A00  }
0x129: {  	v1 =	vand.u32 $0x7F, v0;
	[tilespmem:s9], [sflag:$0x7] =	stream.indirect.gather [hbm4b:s3+s21], $0x20, s29, s21, $0xb8;
	[tilespmem:$0xBA00] =	vst v63  }
0x12a: {  	v2 =	vor.u32 $0x80, v1;
	v3 =	vld [tilespmem:s18+$0x0]  }
0x12b: {  	v4 =	vld [tilespmem:s18+$0xFFFFF010]  }
0x12c: {  	v5 =	vor.u32 $0x100, v1;
	v6 =	vld [tilespmem:s18+$0xFFFFE010]  }
0x12d: {  	v7 =	vld [tilespmem:s18+$0xFFFFE000]  }
0x12e: {  	v1 =	vor.u32 $0x180, v1;
	v0 =	vld.idx.msk [tilespmem:v0+s28+$0x0], $0xffff  }
0x12f: {  	v2 =	vld.idx.msk [tilespmem:v2+s28+$0x0], $0xffff  }
0x130: {  	v8 =	vld [tilespmem:s18+$0xFFFFF000]  }
0x131: {  	v5 =	vld.idx.msk [tilespmem:v5+s28+$0x0], $0xffff  }
0x132: {  	v9 =	vld [tilespmem:s18+$0x10]  }
0x133: {  	v1 =	vld.idx.msk [tilespmem:v1+s28+$0x0], $0xffff  }
0x134: {  	v10 =	vld [tilespmem:s18+$0x1010]  }
0x135: {  	v11 =	vld [tilespmem:s18+$0x1000];
	v6 =	vmul.f32 v6, v0;
	v4 =	vmul.f32 v4, v2  }
0x136: {  	v0 =	vmul.f32 v7, v0;
	v2 =	vmul.f32 v8, v2  }
0x137: {  	v62 =	vmul.f32 v9, v5  }
0x138: {  	v4 =	vadd.f32 v4, v6;
	v0 =	vadd.f32 v2, v0;
	v2 =	vmul.f32 v3, v5  }
0x139: {  	v63 =	vmul.f32 v10, v1  }
0x13a: {  	s17 =	simm.s32 $0x9A10;
	v3 =	vadd.f32 v62, v4;
	v0 =	vadd.f32 v2, v0;
	v2 =	vmul.f32 v11, v1  }
0x13b: {  	s2 =	simm.s32 $0x9A10;
	s19 =	simm.s32 $0x2;
	s23 =	simm.s32 $0x1  }
0x13c: {  	s20 =	simm.s32 $0x6A00;
	s25 =	simm.s32 $0x3A00;
	s18 =	simm.s32 $0x3A00;
	v1 =	vadd.f32 v63, v3;
	v0 =	vadd.f32 v2, v0  }
.LBB2_2:
0x13d: {  	s2 =	sadd.s32 $0x20, s2  }
0x13e: {  	v2 =	vmov s23;
	[tilespmem:s17+$0x0] =	vst v1;
	s18 =	sadd.s32 $0x20, s18;
	s23 =	smov.u32 s19;
	s31 =	sadd.s32 $0x1, s19  }
0x13f: {  	p0 =	sne.s32 s19, $0x7F;
	v1 =	vand.u32 $0x7F, v2;
	[tilespmem:s17+$0xFFFFFFF0] =	vst v0;
	s17 =	smov.u32 s2  }
0x140: {  	v0 =	vor.u32 $0x80, v1;
	v3 =	vor.u32 $0x100, v1;
	v4 =	vld [tilespmem:s18+$0x0];
	v1 =	vor.u32 $0x180, v1  }
0x141: {  	v5 =	vld [tilespmem:s18+$0xFFFFF010]  }
0x142: {  	v6 =	vld [tilespmem:s18+$0xFFFFE010]  }
0x143: {  	v7 =	vld [tilespmem:s18+$0xFFFFE000]  }
0x144: {  	v2 =	vld.idx.msk [tilespmem:v2+s28+$0x0], $0xffff  }
0x145: {  	v0 =	vld.idx.msk [tilespmem:v0+s28+$0x0], $0xffff  }
0x146: {  	v8 =	vld [tilespmem:s18+$0xFFFFF000]  }
0x147: {  	v3 =	vld.idx.msk [tilespmem:v3+s28+$0x0], $0xffff  }
0x148: {  	v9 =	vld [tilespmem:s18+$0x10]  }
0x149: {  	v1 =	vld.idx.msk [tilespmem:v1+s28+$0x0], $0xffff  }
0x14a: {  	v7 =	vmul.f32 v7, v2;
	v2 =	vmul.f32 v6, v2;
	v6 =	vld [tilespmem:s18+$0x1010]  }
0x14b: {  	v8 =	vmul.f32 v8, v0;
	v0 =	vmul.f32 v5, v0;
	v5 =	vld [tilespmem:s18+$0x1000];
	_ =	sdelay $0x1  }
0x14c: {  	v7 =	vadd.f32 v8, v7;
	v0 =	vadd.f32 v0, v2;
	v2 =	vmul.f32 v9, v3  }
.Ltmp0:
0x14d: {  	v3 =	vmul.f32 v4, v3;
	(pc) =	sbr.rel @p0 .LBB2_2-.Ltmp0, $4  }
0x14e: {  	v0 =	vadd.f32 v2, v0;
	v2 =	vmul.f32 v6, v1  }
0x14f: {  	v3 =	vadd.f32 v3, v7;
	v4 =	vmul.f32 v5, v1  }
0x150: {  	v1 =	vadd.f32 v2, v0  }
0x151: {  	s19 =	smov.u32 s31;
	v0 =	vadd.f32 v4, v3  }
0x152: {  	[tilespmem:s17+$0x0] =	vst v1  }
0x153: {  	v2 =	vmov s23;
	s18 =	sadd.s32 $0x20, s18;
	[tilespmem:s17+$0xFFFFFFF0] =	vst v0  }
0x154: {  	v1 =	vand.u32 $0x7F, v2;
	v3 =	vld [tilespmem:s18+$0x0]  }
0x155: {  	v0 =	vor.u32 $0x80, v1;
	v4 =	vld [tilespmem:s18+$0xFFFFF010]  }
0x156: {  	v6 =	vld [tilespmem:s18+$0xFFFFE010]  }
0x157: {  	v5 =	vor.u32 $0x100, v1;
	v7 =	vld [tilespmem:s18+$0xFFFFE000]  }
0x158: {  	v8 =	vld [tilespmem:s18+$0xFFFFF000]  }
0x159: {  	v1 =	vor.u32 $0x180, v1;
	v2 =	vld.idx.msk [tilespmem:v2+s28+$0x0], $0xffff  }
0x15a: {  	v0 =	vld.idx.msk [tilespmem:v0+s28+$0x0], $0xffff  }
0x15b: {  	v9 =	vld [tilespmem:s18+$0x10]  }
0x15c: {  	v5 =	vld.idx.msk [tilespmem:v5+s28+$0x0], $0xffff  }
0x15d: {  	v10 =	vld [tilespmem:s18+$0x1010]  }
0x15e: {  	v1 =	vld.idx.msk [tilespmem:v1+s28+$0x0], $0xffff  }
0x15f: {  	v11 =	vld [tilespmem:s18+$0x1000];
	v6 =	vmul.f32 v6, v2;
	v4 =	vmul.f32 v4, v0  }
0x160: {  	v2 =	vmul.f32 v7, v2;
	v0 =	vmul.f32 v8, v0  }
0x161: {  	v4 =	vadd.f32 v4, v6;
	v6 =	vmul.f32 v9, v5  }
0x162: {  	v0 =	vadd.f32 v0, v2;
	v2 =	vmul.f32 v3, v5  }
0x163: {  	v3 =	vadd.f32 v6, v4;
	v4 =	vmul.f32 v10, v1  }
0x164: {  	v0 =	vadd.f32 v2, v0;
	v1 =	vmul.f32 v11, v1  }
0x165: {  	v2 =	vadd.f32 v4, v3  }
0x166: {  	s2 =	sadd.s32 $0x20, s2;
	v0 =	vadd.f32 v1, v0  }
0x167: {  	[tilespmem:s2+$0x0] =	vst v2  }
0x168: {  	s14 =	rddreg [dreg:$0x8];
	s10 =	simm.s32 $0x9A00;
	[tilespmem:s2+$0xFFFFFFF0] =	vst v0;
	s2 =	simm.s32 $0x0  }
0x169: {  	[hbm4b:s14+s2] =	stream.linear.scatter [tilespmem:s10], [sflag:$0x8], $0x1000, $0x38;
	[tilespmem:$0xBA00] =	vst v63  }
0x16a: {  	s4 =	rddreg [dreg:$0xe];
	s11 =	simm.s32 $0x800;
	s12 =	simm.s32 $0x1000  }
0x16b: {  	[tilespmem:s12], [sflag:$0x5] =	stream.indirect.gather [hbm4b:s4+s21], $0x1, s11, s21, $0xb8;
	[tilespmem:$0xBA00] =	vst v63  }
0x16c: {  	s15 =	rddreg [dreg:$0xd];
	s13 =	simm.s32 $0x1800  }
0x16d: {  	[tilespmem:s13], [sflag:$0x5] =	stream.indirect.gather [hbm4b:s15+s21], $0x1, s11, s21, $0xb8;
	[tilespmem:$0xBA00] =	vst v63  }
0x16e: {  	s17 =	rddreg [dreg:$0xf];
	s18 =	simm.s32 $0x880;
	s13 =	simm.s32 $0x1080  }
0x16f: {  	[tilespmem:s13], [sflag:$0x5] =	stream.indirect.gather [hbm4b:s17+s21], $0x1, s18, s21, $0xb8;
	[tilespmem:$0xBA00] =	vst v63  }
0x170: {  	s19 =	rddreg [dreg:$0x10];
	s14 =	simm.s32 $0x1880  }
0x171: {  	[tilespmem:s14], [sflag:$0x5] =	stream.indirect.gather [hbm4b:s19+s21], $0x1, s18, s21, $0xb8;
	[tilespmem:$0xBA00] =	vst v63  }
0x172: {  	s23 =	rddreg [dreg:$0x11];
	s31 =	simm.s32 $0x900;
	s14 =	simm.s32 $0x1100  }
0x173: {  	[tilespmem:s14], [sflag:$0x5] =	stream.indirect.gather [hbm4b:s23+s21], $0x1, s31, s21, $0xb8;
	[tilespmem:$0xBA00] =	vst v63  }
0x174: {  	s15 =	simm.s32 $0x1900;
	s17 =	rddreg [dreg:$0x12]  }
0x175: {  	[tilespmem:s15], [sflag:$0x5] =	stream.indirect.gather [hbm4b:s17+s21], $0x1, s31, s21, $0xb8;
	[tilespmem:$0xBA00] =	vst v63  }
0x176: {  	s18 =	rddreg [dreg:$0x13];
	s19 =	simm.s32 $0x980;
	s15 =	simm.s32 $0x1180  }
0x177: {  	[tilespmem:s15], [sflag:$0x5] =	stream.indirect.gather [hbm4b:s18+s21], $0x1, s19, s21, $0xb8;
	[tilespmem:$0xBA00] =	vst v63  }
0x178: {  	s23 =	rddreg [dreg:$0x14];
	s31 =	simm.s32 $0x1980  }
0x179: {  	[tilespmem:s31], [sflag:$0x5] =	stream.indirect.gather [hbm4b:s23+s21], $0x1, s19, s21, $0xb8;
	[tilespmem:$0xBA00] =	vst v63  }
0x17a: {  	_ =	swait.ge [sflag:s22], $0x1000  }
0x17b: {  	[sflag:s22] =	ssyncset.done $0x0  }
0x17c: {  	[sflag:s22] =	ssyncadd.s32 $0xFFFFF000  }
0x17d: {  	_ =	swait.ge [sflag:s22], $0x1000  }
0x17e: {  	[sflag:s22] =	ssyncset.done $0x0  }
0x17f: {  	[sflag:s22] =	ssyncadd.s32 $0xFFFFF000  }
0x180: {  	_ =	swait.ge [sflag:s22], $0x1000  }
0x181: {  	[sflag:s22] =	ssyncset.done $0x0  }
0x182: {  	[sflag:s22] =	ssyncadd.s32 $0xFFFFF000  }
0x183: {  	_ =	swait.ge [sflag:s22], $0x1000  }
0x184: {  	[sflag:s22] =	ssyncset.done $0x0  }
0x185: {  	[sflag:s22] =	ssyncadd.s32 $0xFFFFF000  }
0x186: {  	_ =	swait.ge [sflag:s6], $0x80  }
0x187: {  	[sflag:s6] =	ssyncset.done $0x0  }
0x188: {  	[sflag:s6] =	ssyncadd.s32 $0xFFFFFF80  }
0x189: {  	_ =	swait.ge [sflag:s6], $0x80  }
0x18a: {  	[sflag:s6] =	ssyncset.done $0x0  }
0x18b: {  	[sflag:s6] =	ssyncadd.s32 $0xFFFFFF80  }
0x18c: {  	_ =	swait.ge [sflag:s6], $0x80  }
0x18d: {  	[sflag:s6] =	ssyncset.done $0x0  }
0x18e: {  	[sflag:s6] =	ssyncadd.s32 $0xFFFFFF80  }
0x18f: {  	_ =	swait.ge [sflag:s6], $0x80  }
0x190: {  	[sflag:s6] =	ssyncset.done $0x0  }
0x191: {  	[sflag:s6] =	ssyncadd.s32 $0xFFFFFF80  }
0x192: {  	_ =	swait.ge [sflag:s6], $0x80  }
0x193: {  	[sflag:s6] =	ssyncset.done $0x0  }
0x194: {  	[sflag:s6] =	ssyncadd.s32 $0xFFFFFF80  }
0x195: {  	_ =	swait.ge [sflag:s6], $0x80  }
0x196: {  	[sflag:s6] =	ssyncset.done $0x0  }
0x197: {  	[sflag:s6] =	ssyncadd.s32 $0xFFFFFF80  }
0x198: {  	_ =	swait.ge [sflag:s6], $0x80  }
0x199: {  	[sflag:s6] =	ssyncset.done $0x0  }
0x19a: {  	[sflag:s6] =	ssyncadd.s32 $0xFFFFFF80  }
0x19b: {  	_ =	swait.ge [sflag:s6], $0x80  }
0x19c: {  	[sflag:s6] =	ssyncset.done $0x0  }
0x19d: {  	s11 =	simm.s32 $0xE00;
	[sflag:s6] =	ssyncadd.s32 $0xFFFFFF80  }
0x19e: {  	[tilespmem:s30], [sflag:$0x6] =	stream.indirect.gather [hbm4b:s3+s21], $0x20, s11, s21, $0xb8;
	[tilespmem:$0xBA00] =	vst v63  }
0x19f: {  	s18 =	simm.s32 $0x2A00;
	s19 =	simm.s32 $0xE80  }
0x1a0: {  	[tilespmem:s18], [sflag:$0x6] =	stream.indirect.gather [hbm4b:s3+s21], $0x20, s19, s21, $0xb8;
	[tilespmem:$0xBA00] =	vst v63  }
0x1a1: {  	s23 =	simm.s32 $0xF00  }
0x1a2: {  	v0 =	vmov s2;
	[tilespmem:s25], [sflag:$0x6] =	stream.indirect.gather [hbm4b:s3+s21], $0x20, s23, s21, $0xb8;
	[tilespmem:$0xBA00] =	vst v63  }
0x1a3: {  	s2 =	simm.s32 $0x0;
	v0 =	vand.u32 $0x7F, v0;
	s31 =	simm.s32 $0xF80;
	s30 =	simm.s32 $0x4A00  }
0x1a4: {  	v1 =	vbroadcast v0, $0x0;
	[tilespmem:s30], [sflag:$0x6] =	stream.indirect.gather [hbm4b:s3+s21], $0x20, s31, s21, $0xb8;
	[tilespmem:$0xBA00] =	vst v63  }
0x1a5: {  	v0 =	vld [tilespmem:s2+$0x7A10]  }
0x1a6: {  	v2 =	vor.u32 $0x200, v1;
	v12 =	vld [tilespmem:s2+$0x5A10]  }
0x1a7: {  	v3 =	vor.u32 $0x280, v1;
	v6 =	vld [tilespmem:s2+$0x6A00]  }
0x1a8: {  	v9 =	vor.u32 $0x300, v1;
	v13 =	vld [tilespmem:s2+$0x5A00]  }
0x1a9: {  	v4 =	vor.u32 $0x380, v1;
	v1 =	vld [tilespmem:s2+$0x8A10]  }
0x1aa: {  	s17 =	simm.s32 $0x1;
	v8 =	vld [tilespmem:s2+$0x6A10]  }
0x1ab: {  	v15 =	vld.idx.msk [tilespmem:v2+s28+$0x0], $0xffff;
	v2 =	vmov s17  }
0x1ac: {  	v10 =	vld.idx.msk [tilespmem:v3+s28+$0x0], $0xffff;
	v2 =	vand.u32 $0x7F, v2  }
0x1ad: {  	v9 =	vld.idx.msk [tilespmem:v9+s28+$0x0], $0xffff;
	v7 =	vbroadcast v2, $0x0  }
0x1ae: {  	v11 =	vld [tilespmem:s2+$0x7A00]  }
0x1af: {  	v5 =	vld.idx.msk [tilespmem:v4+s28+$0x0], $0xffff;
	v4 =	vor.u32 $0x200, v7;
	v3 =	vor.u32 $0x280, v7  }
0x1b0: {  	s18 =	simm.s32 $0x80;
	s23 =	simm.s32 $0x100;
	v2 =	vor.u32 $0x380, v7;
	v14 =	vmul.f32 v13, v15;
	v13 =	vmul.f32 v12, v15;
	v12 =	vld [tilespmem:s2+$0x8A00]  }
.LBB2_4:
0x1b1: {  	p0 =	sne.s32 s23, $0x3F80;
	v6 =	vmul.f32 v6, v10;
	v8 =	vmul.f32 v8, v10;
	s19 =	smov.u32 s23;
	s23 =	sadd.s32 $0x80, s23  }
0x1b2: {  	_ = 	snop  }
0x1b3: {  	v6 =	vadd.f32 v6, v14;
	v8 =	vadd.f32 v8, v13;
	v10 =	vmul.f32 v11, v9  }
0x1b4: {  	s31 =	sshra.s32 s18, $0x2;
	s18 =	smov.u32 s19;
	v9 =	vmul.f32 v0, v9  }
0x1b5: {  	v11 =	vor.u32 $0x300, v7;
	v0 =	vld [tilespmem:s31+$0x7A10];
	v7 =	vadd.f32 v10, v6;
	v10 =	vmul.f32 v12, v5  }
0x1b6: {  	v1 =	vmul.f32 v1, v5;
	v8 =	vadd.f32 v9, v8;
	v12 =	vld [tilespmem:s31+$0x5A10]  }
0x1b7: {  	v6 =	vld [tilespmem:s31+$0x6A00];
	v5 =	vadd.f32 v10, v7  }
0x1b8: {  	v7 =	vadd.f32 v1, v8;
	v13 =	vld [tilespmem:s31+$0x5A00]  }
0x1b9: {  	v1 =	vld [tilespmem:s31+$0x8A10];
	[tilespmem:s2+$0xAA00] =	vst v5  }
0x1ba: {  	v8 =	vld [tilespmem:s31+$0x6A10];
	[tilespmem:s2+$0xAA10] =	vst v7;
	s2 =	smov.u32 s31  }
0x1bb: {  	s17 =	sadd.s32 $0x1, s17;
	v15 =	vld.idx.msk [tilespmem:v4+s28+$0x0], $0xffff  }
0x1bc: {  	v4 =	vmov s17;
	v10 =	vld.idx.msk [tilespmem:v3+s28+$0x0], $0xffff  }
.Ltmp1:
0x1bd: {  	v3 =	vand.u32 $0x7F, v4;
	v5 =	vld.idx.msk [tilespmem:v2+s28+$0x0], $0xffff;
	(pc) =	sbr.rel @p0 .LBB2_4-.Ltmp1, $4  }
0x1be: {  	v7 =	vbroadcast v3, $0x0;
	v9 =	vld.idx.msk [tilespmem:v11+s28+$0x0], $0xffff  }
0x1bf: {  	v11 =	vld [tilespmem:s2+$0x7A00]  }
0x1c0: {  	v4 =	vor.u32 $0x200, v7;
	v3 =	vor.u32 $0x280, v7  }
0x1c1: {  	v2 =	vor.u32 $0x380, v7;
	v14 =	vmul.f32 v13, v15;
	v13 =	vmul.f32 v12, v15;
	v12 =	vld [tilespmem:s2+$0x8A00]  }
0x1c2: {  	v6 =	vmul.f32 v6, v10  }
0x1c3: {  	v8 =	vmul.f32 v8, v10  }
0x1c4: {  	v6 =	vadd.f32 v6, v14;
	v10 =	vmul.f32 v11, v9  }
0x1c5: {  	s17 =	sshra.s32 s18, $0x2;
	v0 =	vmul.f32 v0, v9;
	v8 =	vadd.f32 v8, v13  }
0x1c6: {  	v63 =	vld [tilespmem:s17+$0x6A00];
	v6 =	vadd.f32 v10, v6;
	v9 =	vmul.f32 v12, v5  }
0x1c7: {  	v1 =	vmul.f32 v1, v5;
	v11 =	vld [tilespmem:s17+$0x7A10];
	v0 =	vadd.f32 v0, v8  }
0x1c8: {  	v10 =	vld [tilespmem:s17+$0x5A10];
	v5 =	vadd.f32 v9, v6  }
0x1c9: {  	v7 =	vor.u32 $0x300, v7;
	v8 =	vld [tilespmem:s17+$0x8A10];
	v0 =	vadd.f32 v1, v0  }
0x1ca: {  	v6 =	vld [tilespmem:s17+$0x5A00];
	[tilespmem:s2+$0xAA00] =	vst v5  }
0x1cb: {  	v1 =	vld [tilespmem:s17+$0x6A10];
	[tilespmem:s2+$0xAA10] =	vst v0  }
0x1cc: {  	v0 =	vld.idx.msk [tilespmem:v4+s28+$0x0], $0xffff  }
0x1cd: {  	v3 =	vld.idx.msk [tilespmem:v3+s28+$0x0], $0xffff  }
0x1ce: {  	v4 =	vld.idx.msk [tilespmem:v7+s28+$0x0], $0xffff  }
0x1cf: {  	v5 =	vld [tilespmem:s17+$0x7A00]  }
0x1d0: {  	v2 =	vld.idx.msk [tilespmem:v2+s28+$0x0], $0xffff  }
0x1d1: {  	v7 =	vld [tilespmem:s17+$0x8A00]  }
0x1d2: {  	v6 =	vmul.f32 v6, v0;
	v9 =	vmul.f32 v63, v3  }
0x1d3: {  	v0 =	vmul.f32 v10, v0;
	v1 =	vmul.f32 v1, v3  }
0x1d4: {  	v5 =	vmul.f32 v5, v4;
	v3 =	vadd.f32 v9, v6  }
0x1d5: {  	v0 =	vadd.f32 v1, v0;
	v1 =	vmul.f32 v11, v4  }
0x1d6: {  	v4 =	vmul.f32 v7, v2;
	v3 =	vadd.f32 v5, v3  }
0x1d7: {  	v0 =	vadd.f32 v1, v0;
	v1 =	vmul.f32 v8, v2  }
0x1d8: {  	v2 =	vadd.f32 v4, v3  }
0x1d9: {  	v0 =	vadd.f32 v1, v0  }
0x1da: {  	[tilespmem:s17+$0xAA00] =	vst v2  }
0x1db: {  	s23 =	simm.s32 $0x0;
	s25 =	rddreg [dreg:$0x9];
	s4 =	simm.s32 $0xAA00;
	[tilespmem:s17+$0xAA10] =	vst v0  }
0x1dc: {  	[hbm4b:s25+s23] =	stream.linear.scatter [tilespmem:s4], [sflag:$0x9], $0x1000, $0x38;
	[tilespmem:$0xBA00] =	vst v63  }
0x1dd: {  	_ =	swait.ge [sflag:s7], $0x1000  }
0x1de: {  	[sflag:s7] =	ssyncset.done $0x0  }
0x1df: {  	[sflag:s7] =	ssyncadd.s32 $0xFFFFF000  }
0x1e0: {  	_ =	swait.ge [sflag:s7], $0x1000  }
0x1e1: {  	[sflag:s7] =	ssyncset.done $0x0  }
0x1e2: {  	[sflag:s7] =	ssyncadd.s32 $0xFFFFF000  }
0x1e3: {  	_ =	swait.ge [sflag:s7], $0x1000  }
0x1e4: {  	[sflag:s7] =	ssyncset.done $0x0  }
0x1e5: {  	[sflag:s7] =	ssyncadd.s32 $0xFFFFF000  }
0x1e6: {  	_ =	swait.ge [sflag:s7], $0x1000  }
0x1e7: {  	[sflag:s7] =	ssyncset.done $0x0  }
0x1e8: {  	[sflag:s7] =	ssyncadd.s32 $0xFFFFF000  }
0x1e9: {  	_ =	swait.ge [sflag:s26], $0x80  }
0x1ea: {  	[sflag:s26] =	ssyncset.done $0x0  }
0x1eb: {  	[sflag:s26] =	ssyncadd.s32 $0xFFFFFF80  }
0x1ec: {  	_ =	swait.ge [sflag:s26], $0x80  }
0x1ed: {  	[sflag:s26] =	ssyncset.done $0x0  }
0x1ee: {  	[sflag:s26] =	ssyncadd.s32 $0xFFFFFF80  }
0x1ef: {  	_ =	swait.ge [sflag:s26], $0x80  }
0x1f0: {  	[sflag:s26] =	ssyncset.done $0x0  }
0x1f1: {  	[sflag:s26] =	ssyncadd.s32 $0xFFFFFF80  }
0x1f2: {  	_ =	swait.ge [sflag:s26], $0x80  }
0x1f3: {  	[sflag:s26] =	ssyncset.done $0x0  }
0x1f4: {  	[sflag:s26] =	ssyncadd.s32 $0xFFFFFF80  }
0x1f5: {  	_ =	swait.ge [sflag:s26], $0x80  }
0x1f6: {  	[sflag:s26] =	ssyncset.done $0x0  }
0x1f7: {  	[sflag:s26] =	ssyncadd.s32 $0xFFFFFF80  }
0x1f8: {  	_ =	swait.ge [sflag:s26], $0x80  }
0x1f9: {  	[sflag:s26] =	ssyncset.done $0x0  }
0x1fa: {  	[sflag:s26] =	ssyncadd.s32 $0xFFFFFF80  }
0x1fb: {  	_ =	swait.ge [sflag:s26], $0x80  }
0x1fc: {  	[sflag:s26] =	ssyncset.done $0x0  }
0x1fd: {  	[sflag:s26] =	ssyncadd.s32 $0xFFFFFF80  }
0x1fe: {  	_ =	swait.ge [sflag:s26], $0x80  }
0x1ff: {  	[sflag:s26] =	ssyncset.done $0x0  }
0x200: {  	s30 =	simm.s32 $0x5A00;
	[sflag:s26] =	ssyncadd.s32 $0xFFFFFF80  }
0x201: {  	[tilespmem:s30], [sflag:$0x7] =	stream.indirect.gather [hbm4b:s3+s21], $0x20, s12, s21, $0xb8;
	[tilespmem:$0xBA00] =	vst v63  }
0x202: {  	_ = 	snop  }
0x203: {  	[tilespmem:s20], [sflag:$0x7] =	stream.indirect.gather [hbm4b:s3+s21], $0x20, s13, s21, $0xb8;
	[tilespmem:$0xBA00] =	vst v63  }
0x204: {  	_ = 	snop  }
0x205: {  	[tilespmem:s5], [sflag:$0x7] =	stream.indirect.gather [hbm4b:s3+s21], $0x20, s14, s21, $0xb8;
	[tilespmem:$0xBA00] =	vst v63  }
0x206: {  	v0 =	vmov s23;
	s5 =	simm.s32 $0x8  }
0x207: {  	v0 =	vand.u32 $0x7F, v0;
	[tilespmem:s9], [sflag:$0x7] =	stream.indirect.gather [hbm4b:s3+s21], $0x20, s15, s21, $0xb8;
	[tilespmem:$0xBA00] =	vst v63  }
0x208: {  	v1 =	vbroadcast v0, $0x0;
	_ =	swait.ge [sflag:s5], $0x1000  }
0x209: {  	[sflag:s5] =	ssyncset.done $0x0  }
0x20a: {  	s17 =	simm.s32 $0x3A00;
	v2 =	vor.u32 $0x400, v1;
	[sflag:s5] =	ssyncadd.s32 $0xFFFFF000  }
0x20b: {  	v4 =	vor.u32 $0x480, v1;
	v3 =	vld [tilespmem:s17+$0xFFFFF000]  }
0x20c: {  	v6 =	vor.u32 $0x500, v1;
	v7 =	vld [tilespmem:s17+$0xFFFFE010]  }
0x20d: {  	v0 =	vld [tilespmem:s17+$0xFFFFF010]  }
0x20e: {  	v8 =	vld [tilespmem:s17+$0xFFFFE000]  }
0x20f: {  	v9 =	vor.u32 $0x580, v1;
	v11 =	vld.idx.msk [tilespmem:v2+s28+$0x0], $0xffff  }
0x210: {  	v5 =	vld.idx.msk [tilespmem:v4+s28+$0x0], $0xffff  }
0x211: {  	v1 =	vld.idx.msk [tilespmem:v6+s28+$0x0], $0xffff  }
0x212: {  	v6 =	vld [tilespmem:s17+$0x0]  }
0x213: {  	s31 =	simm.s32 $0x1;
	v4 =	vld [tilespmem:s17+$0x10]  }
0x214: {  	v10 =	vmov s31;
	v2 =	vld.idx.msk [tilespmem:v9+s28+$0x0], $0xffff  }
0x215: {  	s18 =	simm.s32 $0x9A10;
	s2 =	simm.s32 $0x9A10;
	v10 =	vand.u32 $0x7F, v10;
	s23 =	simm.s32 $0x2;
	v9 =	vmul.f32 v8, v11;
	v8 =	vmul.f32 v7, v11;
	v7 =	vld [tilespmem:s17+$0x1000]  }
.LBB2_6:
0x216: {  	s2 =	sadd.s32 $0x20, s2  }
0x217: {  	v10 =	vbroadcast v10, $0x0;
	v3 =	vmul.f32 v3, v5;
	v11 =	vld [tilespmem:s17+$0x1010];
	s17 =	sadd.s32 $0x20, s17;
	s19 =	smov.u32 s23;
	s31 =	sadd.s32 $0x1, s23  }
0x218: {  	p0 =	sne.s32 s23, $0x7F;
	v0 =	vmul.f32 v0, v5;
	v5 =	vmul.f32 v6, v1  }
0x219: {  	v6 =	vor.u32 $0x400, v10;
	v12 =	vor.u32 $0x480, v10;
	v3 =	vadd.f32 v3, v9  }
0x21a: {  	v0 =	vadd.f32 v0, v8;
	v1 =	vmul.f32 v4, v1  }
0x21b: {  	v4 =	vor.u32 $0x500, v10;
	v3 =	vadd.f32 v5, v3;
	v5 =	vmul.f32 v7, v2  }
0x21c: {  	v0 =	vadd.f32 v1, v0;
	v1 =	vmul.f32 v11, v2  }
0x21d: {  	v2 =	vor.u32 $0x580, v10;
	v3 =	vadd.f32 v5, v3  }
0x21e: {  	v0 =	vadd.f32 v1, v0  }
0x21f: {  	[tilespmem:s18+$0xFFFFFFF0] =	vst v3  }
0x220: {  	[tilespmem:s18+$0x0] =	vst v0;
	s18 =	smov.u32 s2  }
0x221: {  	v3 =	vld [tilespmem:s17+$0xFFFFF000]  }
0x222: {  	v7 =	vld [tilespmem:s17+$0xFFFFE010]  }
0x223: {  	v0 =	vld [tilespmem:s17+$0xFFFFF010]  }
0x224: {  	v8 =	vld [tilespmem:s17+$0xFFFFE000]  }
0x225: {  	v11 =	vld.idx.msk [tilespmem:v6+s28+$0x0], $0xffff  }
0x226: {  	v5 =	vld.idx.msk [tilespmem:v12+s28+$0x0], $0xffff  }
.Ltmp2:
0x227: {  	v1 =	vld.idx.msk [tilespmem:v4+s28+$0x0], $0xffff;
	(pc) =	sbr.rel @p0 .LBB2_6-.Ltmp2, $4  }
0x228: {  	v6 =	vld [tilespmem:s17+$0x0]  }
0x229: {  	v4 =	vld [tilespmem:s17+$0x10]  }
0x22a: {  	v9 =	vmov s19;
	v2 =	vld.idx.msk [tilespmem:v2+s28+$0x0], $0xffff  }
0x22b: {  	s23 =	smov.u32 s31;
	v10 =	vand.u32 $0x7F, v9;
	v9 =	vmul.f32 v8, v11;
	v8 =	vmul.f32 v7, v11;
	v7 =	vld [tilespmem:s17+$0x1000]  }
0x22c: {  	v3 =	vmul.f32 v3, v5;
	v11 =	vld [tilespmem:s17+$0x1010]  }
0x22d: {  	v0 =	vmul.f32 v0, v5  }
0x22e: {  	v5 =	vmul.f32 v6, v1;
	v3 =	vadd.f32 v3, v9  }
0x22f: {  	v0 =	vadd.f32 v0, v8;
	v1 =	vmul.f32 v4, v1  }
0x230: {  	v3 =	vadd.f32 v5, v3;
	v4 =	vmul.f32 v7, v2  }
0x231: {  	v0 =	vadd.f32 v1, v0;
	v1 =	vmul.f32 v11, v2  }
0x232: {  	v2 =	vadd.f32 v4, v3  }
0x233: {  	v0 =	vadd.f32 v1, v0  }
0x234: {  	v3 =	vbroadcast v10, $0x0;
	[tilespmem:s18+$0xFFFFFFF0] =	vst v2  }
0x235: {  	s25 =	sadd.s32 $0x20, s17;
	[tilespmem:s18+$0x0] =	vst v0  }
0x236: {  	v1 =	vor.u32 $0x400, v3;
	v2 =	vld [tilespmem:s25+$0xFFFFF000]  }
0x237: {  	v0 =	vor.u32 $0x480, v3;
	v5 =	vld [tilespmem:s25+$0xFFFFE010]  }
0x238: {  	v6 =	vld [tilespmem:s25+$0xFFFFF010]  }
0x239: {  	v4 =	vor.u32 $0x500, v3;
	v7 =	vld [tilespmem:s25+$0xFFFFE000]  }
0x23a: {  	v8 =	vld [tilespmem:s25+$0x0]  }
0x23b: {  	v3 =	vor.u32 $0x580, v3;
	v1 =	vld.idx.msk [tilespmem:v1+s28+$0x0], $0xffff  }
0x23c: {  	v0 =	vld.idx.msk [tilespmem:v0+s28+$0x0], $0xffff  }
0x23d: {  	v9 =	vld [tilespmem:s25+$0x10]  }
0x23e: {  	v4 =	vld.idx.msk [tilespmem:v4+s28+$0x0], $0xffff  }
0x23f: {  	v10 =	vld [tilespmem:s25+$0x1000]  }
0x240: {  	v3 =	vld.idx.msk [tilespmem:v3+s28+$0x0], $0xffff  }
0x241: {  	v11 =	vld [tilespmem:s25+$0x1010];
	v7 =	vmul.f32 v7, v1;
	v2 =	vmul.f32 v2, v0  }
0x242: {  	v1 =	vmul.f32 v5, v1;
	v0 =	vmul.f32 v6, v0  }
0x243: {  	v5 =	vmul.f32 v8, v4;
	v2 =	vadd.f32 v2, v7  }
0x244: {  	v0 =	vadd.f32 v0, v1;
	v1 =	vmul.f32 v9, v4  }
0x245: {  	v4 =	vmul.f32 v10, v3;
	v2 =	vadd.f32 v5, v2  }
0x246: {  	v0 =	vadd.f32 v1, v0;
	v1 =	vmul.f32 v11, v3  }
0x247: {  	v2 =	vadd.f32 v4, v2  }
0x248: {  	s2 =	sadd.s32 $0x20, s2;
	v0 =	vadd.f32 v1, v0  }
0x249: {  	[tilespmem:s2+$0xFFFFFFF0] =	vst v2  }
0x24a: {  	s30 =	simm.s32 $0x0;
	s31 =	rddreg [dreg:$0xa];
	[tilespmem:s2+$0x0] =	vst v0  }
0x24b: {  	[hbm4b:s31+s30] =	stream.linear.scatter [tilespmem:s10], [sflag:$0x8], $0x1000, $0x38;
	[tilespmem:$0xBA00] =	vst v63  }
0x24c: {  	_ =	swait.ge [sflag:s22], $0x1000  }
0x24d: {  	[sflag:s22] =	ssyncset.done $0x0  }
0x24e: {  	[sflag:s22] =	ssyncadd.s32 $0xFFFFF000  }
0x24f: {  	_ =	swait.ge [sflag:s22], $0x1000  }
0x250: {  	[sflag:s22] =	ssyncset.done $0x0  }
0x251: {  	[sflag:s22] =	ssyncadd.s32 $0xFFFFF000  }
0x252: {  	_ =	swait.ge [sflag:s22], $0x1000  }
0x253: {  	[sflag:s22] =	ssyncset.done $0x0  }
0x254: {  	[sflag:s22] =	ssyncadd.s32 $0xFFFFF000  }
0x255: {  	_ =	swait.ge [sflag:s22], $0x1000  }
0x256: {  	[sflag:s22] =	ssyncset.done $0x0  }
0x257: {  	s9 =	simm.s32 $0x9;
	[sflag:s22] =	ssyncadd.s32 $0xFFFFF000  }
0x258: {  	v0 =	vmov s30;
	_ =	swait.ge [sflag:s9], $0x1000  }
0x259: {  	v0 =	vand.u32 $0x7F, v0;
	[sflag:s9] =	ssyncset.done $0x0  }
0x25a: {  	s2 =	simm.s32 $0x0;
	v1 =	vbroadcast v0, $0x0;
	[sflag:s9] =	ssyncadd.s32 $0xFFFFF000  }
0x25b: {  	v0 =	vld [tilespmem:s2+$0x7A10]  }
0x25c: {  	v2 =	vor.u32 $0x600, v1;
	v12 =	vld [tilespmem:s2+$0x5A10]  }
0x25d: {  	v3 =	vor.u32 $0x680, v1;
	v6 =	vld [tilespmem:s2+$0x6A00]  }
0x25e: {  	v9 =	vor.u32 $0x700, v1;
	v13 =	vld [tilespmem:s2+$0x5A00]  }
0x25f: {  	v4 =	vor.u32 $0x780, v1;
	v1 =	vld [tilespmem:s2+$0x8A10]  }
0x260: {  	s17 =	simm.s32 $0x1;
	v8 =	vld [tilespmem:s2+$0x6A10]  }
0x261: {  	v15 =	vld.idx.msk [tilespmem:v2+s28+$0x0], $0xffff;
	v2 =	vmov s17  }
0x262: {  	v10 =	vld.idx.msk [tilespmem:v3+s28+$0x0], $0xffff;
	v2 =	vand.u32 $0x7F, v2  }
0x263: {  	v9 =	vld.idx.msk [tilespmem:v9+s28+$0x0], $0xffff;
	v7 =	vbroadcast v2, $0x0  }
0x264: {  	v11 =	vld [tilespmem:s2+$0x7A00]  }
0x265: {  	v5 =	vld.idx.msk [tilespmem:v4+s28+$0x0], $0xffff;
	v4 =	vor.u32 $0x600, v7;
	v3 =	vor.u32 $0x680, v7  }
0x266: {  	s23 =	simm.s32 $0x100;
	s18 =	simm.s32 $0x80;
	v2 =	vor.u32 $0x780, v7;
	v14 =	vmul.f32 v13, v15;
	v13 =	vmul.f32 v12, v15;
	v12 =	vld [tilespmem:s2+$0x8A00]  }
.LBB2_8:
0x267: {  	p0 =	sne.s32 s23, $0x3F80;
	v6 =	vmul.f32 v6, v10;
	v8 =	vmul.f32 v8, v10;
	s19 =	smov.u32 s23;
	s23 =	sadd.s32 $0x80, s23  }
0x268: {  	_ = 	snop  }
0x269: {  	v6 =	vadd.f32 v6, v14;
	v8 =	vadd.f32 v8, v13;
	v10 =	vmul.f32 v11, v9  }
0x26a: {  	s31 =	sshra.s32 s18, $0x2;
	s18 =	smov.u32 s19;
	v9 =	vmul.f32 v0, v9  }
0x26b: {  	v11 =	vor.u32 $0x700, v7;
	v0 =	vld [tilespmem:s31+$0x7A10];
	v7 =	vadd.f32 v10, v6;
	v10 =	vmul.f32 v12, v5  }
0x26c: {  	v1 =	vmul.f32 v1, v5;
	v8 =	vadd.f32 v9, v8;
	v12 =	vld [tilespmem:s31+$0x5A10]  }
0x26d: {  	v6 =	vld [tilespmem:s31+$0x6A00];
	v5 =	vadd.f32 v10, v7  }
0x26e: {  	v7 =	vadd.f32 v1, v8;
	v13 =	vld [tilespmem:s31+$0x5A00]  }
0x26f: {  	v1 =	vld [tilespmem:s31+$0x8A10];
	[tilespmem:s2+$0xAA00] =	vst v5  }
0x270: {  	v8 =	vld [tilespmem:s31+$0x6A10];
	[tilespmem:s2+$0xAA10] =	vst v7;
	s2 =	smov.u32 s31  }
0x271: {  	s17 =	sadd.s32 $0x1, s17;
	v15 =	vld.idx.msk [tilespmem:v4+s28+$0x0], $0xffff  }
0x272: {  	v4 =	vmov s17;
	v10 =	vld.idx.msk [tilespmem:v3+s28+$0x0], $0xffff  }
.Ltmp3:
0x273: {  	v3 =	vand.u32 $0x7F, v4;
	v5 =	vld.idx.msk [tilespmem:v2+s28+$0x0], $0xffff;
	(pc) =	sbr.rel @p0 .LBB2_8-.Ltmp3, $4  }
0x274: {  	v7 =	vbroadcast v3, $0x0;
	v9 =	vld.idx.msk [tilespmem:v11+s28+$0x0], $0xffff  }
0x275: {  	v11 =	vld [tilespmem:s2+$0x7A00]  }
0x276: {  	v4 =	vor.u32 $0x600, v7;
	v3 =	vor.u32 $0x680, v7  }
0x277: {  	v2 =	vor.u32 $0x780, v7;
	v14 =	vmul.f32 v13, v15;
	v13 =	vmul.f32 v12, v15;
	v12 =	vld [tilespmem:s2+$0x8A00]  }
0x278: {  	v6 =	vmul.f32 v6, v10  }
0x279: {  	v8 =	vmul.f32 v8, v10  }
0x27a: {  	v6 =	vadd.f32 v6, v14;
	v47 =	vmul.f32 v11, v9  }
0x27b: {  	s17 =	sshra.s32 s18, $0x2;
	v0 =	vmul.f32 v0, v9;
	v8 =	vadd.f32 v8, v13  }
0x27c: {  	v48 =	vld [tilespmem:s17+$0x7A10];
	v6 =	vadd.f32 v47, v6;
	v49 =	vmul.f32 v12, v5  }
0x27d: {  	v1 =	vmul.f32 v1, v5;
	v50 =	vld [tilespmem:s17+$0x5A10];
	v0 =	vadd.f32 v0, v8  }
0x27e: {  	v51 =	vld [tilespmem:s17+$0x6A00];
	v52 =	vadd.f32 v49, v6  }
0x27f: {  	v7 =	vor.u32 $0x700, v7;
	v53 =	vld [tilespmem:s17+$0x5A00];
	v0 =	vadd.f32 v1, v0  }
0x280: {  	v54 =	vld [tilespmem:s17+$0x8A10];
	[tilespmem:s2+$0xAA00] =	vst v52  }
0x281: {  	v55 =	vld [tilespmem:s17+$0x6A10];
	[tilespmem:s2+$0xAA10] =	vst v0  }
0x282: {  	v0 =	vld.idx.msk [tilespmem:v4+s28+$0x0], $0xffff  }
0x283: {  	v3 =	vld.idx.msk [tilespmem:v3+s28+$0x0], $0xffff  }
0x284: {  	v56 =	vld.idx.msk [tilespmem:v7+s28+$0x0], $0xffff  }
0x285: {  	v5 =	vld [tilespmem:s17+$0x7A00]  }
0x286: {  	v2 =	vld.idx.msk [tilespmem:v2+s28+$0x0], $0xffff  }
0x287: {  	v57 =	vld [tilespmem:s17+$0x8A00]  }
0x288: {  	v6 =	vmul.f32 v53, v0;
	v58 =	vmul.f32 v51, v3  }
0x289: {  	v0 =	vmul.f32 v50, v0;
	v1 =	vmul.f32 v55, v3  }
0x28a: {  	v5 =	vmul.f32 v5, v56;
	v59 =	vadd.f32 v58, v6  }
0x28b: {  	v60 =	vmul.f32 v48, v56;
	v0 =	vadd.f32 v1, v0  }
0x28c: {  	v61 =	vmul.f32 v57, v2;
	v3 =	vadd.f32 v5, v59  }
0x28d: {  	v62 =	vmul.f32 v54, v2;
	v0 =	vadd.f32 v60, v0  }
0x28e: {  	v63 =	vadd.f32 v61, v3  }
0x28f: {  	v0 =	vadd.f32 v62, v0  }
0x290: {  	[tilespmem:s17+$0xAA00] =	vst v63  }
0x291: {  	s30 =	rddreg [dreg:$0xb];
	[tilespmem:s17+$0xAA10] =	vst v0  }
0x292: {  	[hbm4b:s30+s1] =	stream.linear.scatter [tilespmem:s4], [sflag:$0x9], $0x1000, $0x38;
	[tilespmem:$0xBA00] =	vst v63  }
0x293: {  	_ =	swait.ge [sflag:s5], $0x1000  }
0x294: {  	[sflag:s5] =	ssyncset.done $0x0  }
0x295: {  	[sflag:s5] =	ssyncadd.s32 $0xFFFFF000  }
0x296: {  	_ =	swait.ge [sflag:s9], $0x1000  }
0x297: {  	s0 =	sadd.s32 $0x1, s0;
	s31 =	rddreg [dreg:$0xc]  }
0x298: {  	p0 =	sne.s32 s0, s31  }
.Ltmp4:
0x299: {  	_ = 	snop;
	(pc) =	sbr.rel @p0 .LBB2_1-.Ltmp4, $3  }
0x29a: {  	_ =	sdelay $0x1  }
0x29b: {  	[sflag:s9] =	ssyncset.done $0x0  }
0x29c: {  	[sflag:s9] =	ssyncadd.s32 $0xFFFFF000  }
0x29d: {  	_ =	sfence.sel $0x180000  }
0x29e: {  	[bflag:$0x0] =	sbarrier.arrive $0xFFFF  }
0x29f: {  	_ =	strace $0x90000047  }
0x2a0: {  	s0 =	stileid.u32;
	[bflag:$0x2] =	sbarrier.arrive $0xFFFF  }
0x2a1: {  	p0 =	sne.s32 s0, $0x0;
	s0 =	rddreg [dreg:$0x3]  }
0x2a2: {  	s0 =	sadd.s32 @!p0 $0x100000, s0  }
0x2a3: {  	[sflag:s0] =	ssyncadd.tile.s32 @!p0 $0x1;
	_ =	shalt  }
.Lfunc_end2:
_tile_overlayer_lowered:
.L_overlay_start_2:
0x2a4: {  	(tag) =	ssettag $0x2  }
0x2a5: {  	s0 =	rddreg [dreg:$0x0];
	s2 =	stileid.u32  }
0x2a6: {  	s1 =	rddreg [dreg:$0x1];
	p0 =	sne.s32 s2, $0x0  }
0x2a7: {  	s3 =	rddreg [dreg:$0x2];
	[bflag:$0x3] =	sbarrier.arrive $0xFFFF;
	s2 =	simm.s32 @!p0 $0x1C0A  }
0x2a8: {  	[timem:s3], [sflag:s2] =	dma.local @!p0 [hbm:s0], s1  }
0x2a9: {  	s0 =	simm.s32 @!p0 $0xA  }
0x2aa: {  	_ =	swait.ge @!p0 [sflag:s0], s1  }
0x2ab: {  	s1 =	ssub.s32 @!p0 $0x0, s1;
	[sflag:s0] =	ssyncset.done @!p0 $0x0  }
0x2ac: {  	[sflag:s0] =	ssyncadd.s32 @!p0 s1  }
0x2ad: {  	[bflag:$0x3] =	sbarrier.arrive $0xFFFF  }
0x2ae: {  	_ =	shalt  }

</sc_bundles>
